<compile_context>
chip_gen: v7x
topology: tpu7x:2x2x1
jax: 0.10.2.dev20260603
libtpu: 0.0.44.dev20260713+nightly
codegen_flags: <defaults>
</compile_context>

<pallas_src>
import functools

import jax
import jax.numpy as jnp
from jax import lax
from jax.experimental import pallas as pl
from jax.experimental.pallas import tpu as pltpu
from jax.experimental.pallas import tpu_sc as plsc

N_NODES = 10000
N_EDGES = 160000
D_FEAT = 128
D_EDGE = 16
EMB = 64
HEADS = 2
N_GRAPHS = 32
HC = HEADS * EMB

NC = 2
NS = 16
E_PAD = 163840
CH = 80
N_CHROWS = E_PAD // CH
CPT = N_CHROWS // NS
IGRP = 16
N_IGRP = CPT // IGRP
N_ACC = 10240
ROWS_PER_TILE = N_ACC // NS

NB = 1000
N_NBLK = N_NODES // NB
PB = 400
N_PBLK = N_NODES // PB

_mesh = plsc.VectorSubcoreMesh(
    core_axis_name="c", subcore_axis_name="s", num_cores=NC, num_subcores=NS)

_GDN = lax.GatherDimensionNumbers(
    offset_dims=(), collapsed_slice_dims=(0,), start_index_map=(0,))


def _lanesum(v):
  for k in (1, 2, 4, 8):
    perm = lax.iota(jnp.int32, 16) ^ k
    v = v + lax.gather(v, perm[:, None], _GDN, (1,),
                       mode=lax.GatherScatterMode.PROMISE_IN_BOUNDS)
  return v


def _edge_sc_body(t_hbm, q_hbm, e_hbm, src_hbm, dstq_hbm, dst_hbm, zrows_hbm,
                  part_hbm, acc, idx_s, idx_dq, idx_d, tbuf, qbuf, ebuf, obuf,
                  sem_t, sem_q, sem_e):
  cid = lax.axis_index("c")
  sid = lax.axis_index("s")
  pltpu.sync_copy(zrows_hbm, acc.at[pl.ds(sid * ROWS_PER_TILE, ROWS_PER_TILE)])

  def zrow(r, _):
    z16 = jnp.zeros((16,), jnp.float32)
    obuf[r, 96:112] = z16
    obuf[r, 112:128] = z16
    return 0

  lax.fori_loop(0, CH, zrow, 0)
  plsc.subcore_barrier()

  row0 = sid * CPT

  def group(g, _):
    grow = row0 + g * IGRP
    pltpu.sync_copy(src_hbm.at[cid, pl.ds(grow, IGRP)], idx_s)
    pltpu.sync_copy(dstq_hbm.at[cid, pl.ds(grow, IGRP)], idx_dq)
    pltpu.sync_copy(dst_hbm.at[pl.ds(grow, IGRP)], idx_d)

    def chunk(j2, _):
      base = (grow + j2) * CH
      ct = pltpu.make_async_copy(t_hbm.at[idx_s.at[j2]], tbuf, sem_t)
      cq = pltpu.make_async_copy(q_hbm.at[idx_dq.at[j2]], qbuf, sem_q)
      ce = pltpu.make_async_copy(e_hbm.at[pl.ds(base, CH)], ebuf, sem_e)
      ct.start()
      cq.start()
      ce.start()
      ct.wait()
      cq.wait()
      ce.wait()

      def edge(r, _):
        av = ebuf[r, 0:16]
        pv = qbuf[r, 64:80]
        qbv = qbuf[r, 80:96]
        s16 = (qbuf[r, 0:16] * tbuf[r, 0:16]
               + qbuf[r, 16:32] * tbuf[r, 16:32]
               + qbuf[r, 32:48] * tbuf[r, 32:48]
               + qbuf[r, 48:64] * tbuf[r, 48:64]
               + av * pv + qbv * (1.0 / 16.0))
        live = (base + r < N_EDGES).astype(jnp.float32)
        exv = jnp.exp(_lanesum(s16) * 0.125) * live
        obuf[r, 0:16] = tbuf[r, 64:80] * exv
        obuf[r, 16:32] = tbuf[r, 80:96] * exv
        obuf[r, 32:48] = tbuf[r, 96:112] * exv
        obuf[r, 48:64] = tbuf[r, 112:128] * exv
        obuf[r, 64:80] = exv
        obuf[r, 80:96] = av * exv
        return 0

      lax.fori_loop(0, CH, edge, 0)
      pltpu.sync_copy(obuf, acc.at[idx_d.at[j2]], add=True)
      return 0

    lax.fori_loop(0, IGRP, chunk, 0)
    return 0

  lax.fori_loop(0, N_IGRP, group, 0)
  plsc.subcore_barrier()
  pltpu.sync_copy(acc.at[pl.ds(sid * ROWS_PER_TILE, ROWS_PER_TILE)],
                  part_hbm.at[cid, pl.ds(sid * ROWS_PER_TILE, ROWS_PER_TILE)])


_edge_sc = pl.kernel(
    _edge_sc_body,
    out_type=jax.ShapeDtypeStruct((NC, N_ACC, HC), jnp.float32),
    mesh=_mesh,
    scratch_types=[pltpu.VMEM_SHARED((N_ACC, HC), jnp.float32),
                   pltpu.VMEM((IGRP, CH), jnp.int32),
                   pltpu.VMEM((IGRP, CH), jnp.int32),
                   pltpu.VMEM((IGRP, CH), jnp.int32),
                   pltpu.VMEM((CH, HC), jnp.float32),
                   pltpu.VMEM((CH, HC), jnp.float32),
                   pltpu.VMEM((CH, D_EDGE), jnp.float32),
                   pltpu.VMEM((CH, HC), jnp.float32),
                   pltpu.SemaphoreType.DMA,
                   pltpu.SemaphoreType.DMA,
                   pltpu.SemaphoreType.DMA],
)


def _mm_body(norm, x_ref, w_ref, b_ref, st_ref, g_ref, bb_ref,
             t_ref, q_ref, sk_ref):
  x = x_ref[...]
  if norm:
    inv_n = 1.0 / N_NODES
    mu = st_ref[0:1, :] * inv_n
    var = st_ref[1:2, :] * inv_n - mu * mu
    s = g_ref[...] * lax.rsqrt(var + 1e-5)
    t = bb_ref[...] - mu * s
    x = x * s + t
  y = jnp.dot(x, w_ref[...], preferred_element_type=jnp.float32) + b_ref[...]
  t_ref[...] = jnp.stack([y[:, :HC], y[:, HC:2 * HC]], axis=0)
  nb = y.shape[0]
  z32 = jnp.zeros((nb, 32), jnp.float32)
  qp0 = jnp.concatenate(
      [y[:, 256:336], jnp.broadcast_to(y[:, 336:337], (nb, 16)), z32], axis=1)
  qp1 = jnp.concatenate(
      [y[:, 352:432], jnp.broadcast_to(y[:, 432:433], (nb, 16)), z32], axis=1)
  q_ref[...] = jnp.stack([qp0, qp1], axis=0)
  sk_ref[...] = y[:, 448:576]


def _run_matmul(x, wall, ball, stats, g, b, norm):
  d = x.shape[1]
  body = functools.partial(_mm_body, norm)
  return pl.pallas_call(
      body,
      grid=(N_NBLK,),
      in_specs=[
          pl.BlockSpec((NB, d), lambda i: (i, 0)),
          pl.BlockSpec((d, 576), lambda i: (0, 0)),
          pl.BlockSpec((1, 576), lambda i: (0, 0)),
          pl.BlockSpec((2, d), lambda i: (0, 0)),
          pl.BlockSpec((1, d), lambda i: (0, 0)),
          pl.BlockSpec((1, d), lambda i: (0, 0)),
      ],
      out_specs=[
          pl.BlockSpec((NC, NB, HC), lambda i: (0, i, 0)),
          pl.BlockSpec((NC, NB, HC), lambda i: (0, i, 0)),
          pl.BlockSpec((NB, HC), lambda i: (i, 0)),
      ],
      out_shape=[
          jax.ShapeDtypeStruct((NC, N_NODES, HC), jnp.float32),
          jax.ShapeDtypeStruct((NC, N_NODES, HC), jnp.float32),
          jax.ShapeDtypeStruct((N_NODES, HC), jnp.float32),
      ],
  )(x, wall, ball, stats, g, b)


def _combine_body(part_ref, sk_ref, we_ref, be_ref, wa_ref, wb_ref,
                  wt_ref, bt_ref, h2_ref, st_ref, sacc):
  pid = pl.program_id(0)
  p = part_ref[...]
  we = we_ref[...]
  econ0 = jnp.dot(p[0][:, 80:96], we[:, :EMB],
                  preferred_element_type=jnp.float32)
  econ1 = jnp.dot(p[1][:, 80:96], we[:, EMB:],
                  preferred_element_type=jnp.float32)
  d0 = p[0][:, EMB:EMB + 16]
  d1 = p[1][:, EMB:EMB + 16]
  den = jnp.concatenate([d0, d0, d0, d0, d1, d1, d1, d1], axis=1)
  num = (jnp.concatenate([p[0][:, :EMB] + econ0, p[1][:, :EMB] + econ1],
                         axis=1) + be_ref[...] * den)
  out = num / (den + 1e-16)
  xr = sk_ref[...]
  bpre = (jnp.sum(out * wa_ref[...], axis=1, keepdims=True)
          + jnp.sum(xr * wb_ref[...], axis=1, keepdims=True))
  beta = jax.nn.sigmoid(bpre)
  h = beta * xr + (1.0 - beta) * out
  y = jnp.dot(h, wt_ref[...], preferred_element_type=jnp.float32) + bt_ref[...]
  h2 = jnp.where(y > 0, y, 0.01 * y)
  h2_ref[...] = h2

  @pl.when(pid == 0)
  def _():
    sacc[...] = jnp.zeros_like(sacc)

  sacc[0:1, :] += jnp.sum(h2, axis=0, keepdims=True)
  sacc[1:2, :] += jnp.sum(h2 * h2, axis=0, keepdims=True)

  @pl.when(pid == N_NBLK - 1)
  def _():
    st_ref[...] = sacc[...]


def _run_combine(part, sk, we, be, wa, wb, wt, bt):
  return pl.pallas_call(
      _combine_body,
      grid=(N_NBLK,),
      in_specs=[
          pl.BlockSpec((NC, NB, HC), lambda i: (0, i, 0)),
          pl.BlockSpec((NB, HC), lambda i: (i, 0)),
          pl.BlockSpec((D_EDGE, HC), lambda i: (0, 0)),
          pl.BlockSpec((1, HC), lambda i: (0, 0)),
          pl.BlockSpec((1, HC), lambda i: (0, 0)),
          pl.BlockSpec((1, HC), lambda i: (0, 0)),
          pl.BlockSpec((HC, EMB), lambda i: (0, 0)),
          pl.BlockSpec((1, EMB), lambda i: (0, 0)),
      ],
      out_specs=[
          pl.BlockSpec((NB, EMB), lambda i: (i, 0)),
          pl.BlockSpec((2, EMB), lambda i: (0, 0)),
      ],
      out_shape=[
          jax.ShapeDtypeStruct((N_NODES, EMB), jnp.float32),
          jax.ShapeDtypeStruct((2, EMB), jnp.float32),
      ],
      scratch_shapes=[pltpu.VMEM((2, EMB), jnp.float32)],
  )(part, sk, we, be, wa, wb, wt, bt)


def _pool_body(h2_ref, st_ref, g_ref, bb_ref, bi_ref, prev_ref, rep_ref,
               mxacc, smacc, ctacc):
  pid = pl.program_id(0)
  inv_n = 1.0 / N_NODES
  mu = st_ref[0:1, :] * inv_n
  var = st_ref[1:2, :] * inv_n - mu * mu
  s = g_ref[...] * lax.rsqrt(var + 1e-5)
  t = bb_ref[...] - mu * s
  xn = h2_ref[...] * s + t
  bif = bi_ref[...]
  neg = jnp.float32(-jnp.inf)

  @pl.when(pid == 0)
  def _():
    mxacc[...] = jnp.full_like(mxacc, neg)
    smacc[...] = jnp.zeros_like(smacc)
    ctacc[...] = jnp.zeros_like(ctacc)

  for g in range(N_GRAPHS):
    mk = bif == float(g)
    sel = jnp.where(mk, xn, neg)
    mxacc[g:g + 1, :] = jnp.maximum(
        mxacc[g:g + 1, :], jnp.max(sel, axis=0, keepdims=True))
    smacc[g:g + 1, :] += jnp.sum(jnp.where(mk, xn, 0.0), axis=0, keepdims=True)
    ctacc[g:g + 1, :] += jnp.sum(mk.astype(jnp.float32), axis=0, keepdims=True)

  @pl.when(pid == N_PBLK - 1)
  def _():
    mean = smacc[...] / jnp.maximum(ctacc[...], 1.0)
    mx = mxacc[...]
    mx = jnp.where(mx == neg, 0.0, mx)
    rep_ref[...] = jnp.concatenate([mx, mean], axis=1) + prev_ref[...]


def _run_pool(h2, stats, g, b, bif, prev):
  return pl.pallas_call(
      _pool_body,
      grid=(N_PBLK,),
      in_specs=[
          pl.BlockSpec((PB, EMB), lambda i: (i, 0)),
          pl.BlockSpec((2, EMB), lambda i: (0, 0)),
          pl.BlockSpec((1, EMB), lambda i: (0, 0)),
          pl.BlockSpec((1, EMB), lambda i: (0, 0)),
          pl.BlockSpec((PB, 1), lambda i: (i, 0)),
          pl.BlockSpec((N_GRAPHS, 2 * EMB), lambda i: (0, 0)),
      ],
      out_specs=pl.BlockSpec((N_GRAPHS, 2 * EMB), lambda i: (0, 0)),
      out_shape=jax.ShapeDtypeStruct((N_GRAPHS, 2 * EMB), jnp.float32),
      scratch_shapes=[pltpu.VMEM((N_GRAPHS, EMB), jnp.float32),
                      pltpu.VMEM((N_GRAPHS, EMB), jnp.float32),
                      pltpu.VMEM((N_GRAPHS, 1), jnp.float32)],
  )(h2, stats, g, b, bif, prev)


def _prep_block(p):
  cv = p['conv']
  d = cv['Wq'].shape[0]
  z15 = jnp.zeros((d, 15), jnp.float32)
  bz15 = jnp.zeros((15,), jnp.float32)
  cols, bcols = [], []
  cols += [cv['Wk'][:, :EMB], cv['Wv'][:, :EMB],
           cv['Wk'][:, EMB:], cv['Wv'][:, EMB:]]
  bcols += [cv['bk'][:EMB], cv['bv'][:EMB], cv['bk'][EMB:], cv['bv'][EMB:]]
  for h in range(HEADS):
    wq_h = cv['Wq'][:, h * EMB:(h + 1) * EMB]
    bq_h = cv['bq'][h * EMB:(h + 1) * EMB]
    we_h = cv['We'][:, h * EMB:(h + 1) * EMB]
    be_h = cv['be'][h * EMB:(h + 1) * EMB]
    cols += [wq_h, wq_h @ we_h.T, (wq_h @ be_h)[:, None], z15]
    bcols += [bq_h, bq_h @ we_h.T, (bq_h @ be_h)[None], bz15]
  cols.append(cv['Wskip'])
  bcols.append(cv['bskip'])
  wall = jnp.concatenate(cols, axis=1)
  ball = jnp.concatenate(bcols)[None, :]
  wbeta = cv['Wbeta'][:, 0]
  w1, w2, w3 = wbeta[:HC], wbeta[HC:2 * HC], wbeta[2 * HC:]
  wa = (w1 + w3)[None, :]
  wb = (w2 - w3)[None, :]
  return {
      'wall': wall, 'ball': ball,
      'we': cv['We'], 'be': cv['be'][None, :],
      'wa': wa, 'wb': wb,
      'wt': p['Wt'], 'bt': p['bt'][None, :],
      'g': p['bn_g'][None, :], 'b': p['bn_b'][None, :],
  }


def kernel(x, edge_attr, edge_index, batch_index, params):
  f32 = jnp.float32
  src2 = jnp.pad(edge_index[0], (0, E_PAD - N_EDGES)).reshape(N_CHROWS, CH)
  dst2 = jnp.pad(edge_index[1], (0, E_PAD - N_EDGES)).reshape(N_CHROWS, CH)
  src3 = jnp.stack([src2, src2 + N_NODES], axis=0)
  dst3 = jnp.stack([dst2, dst2 + N_NODES], axis=0)
  ea_pad = jnp.pad(edge_attr, ((0, E_PAD - N_EDGES), (0, 0)))
  bif = batch_index.astype(f32).reshape(N_NODES, 1)

  zrows = jnp.zeros((ROWS_PER_TILE, HC), f32)
  zstats = jnp.zeros((2, D_FEAT), f32)
  zvec = jnp.zeros((1, D_FEAT), f32)

  blocks = [_prep_block(params['block0'])] + [
      _prep_block(p) for p in params['layers']]

  rep = jnp.zeros((N_GRAPHS, 2 * EMB), f32)
  h2, stats = None, None
  for li, bp in enumerate(blocks):
    if li == 0:
      t, q, sk = _run_matmul(x, bp['wall'], bp['ball'],
                             zstats, zvec, zvec, norm=False)
    else:
      t, q, sk = _run_matmul(h2, bp['wall'], bp['ball'],
                             stats, blocks[li - 1]['g'], blocks[li - 1]['b'],
                             norm=True)
    tf = t.reshape(NC * N_NODES, HC)
    qf = q.reshape(NC * N_NODES, HC)
    part = _edge_sc(tf, qf, ea_pad, src3, dst3, dst2, zrows)
    h2, stats = _run_combine(part, sk, bp['we'], bp['be'], bp['wa'], bp['wb'],
                             bp['wt'], bp['bt'])
    if li >= 1:
      rep = _run_pool(h2, stats, bp['g'], bp['b'], bif, rep)
  return rep

# --- scband reference (transcript-rebuilt; emitter-appended) ---
"""Pipeline reference for scband-graph-transformer-91018946937017 (READ-ONLY COPY).

The authoritative reference and input builder live on the scoring server;
editing this copy changes nothing except your own understanding.
"""

import jax, jax.numpy as jnp
import numpy as np

N_NODES = 10000
N_EDGES = 160000
D_FEAT = 128
D_EDGE = 16
EMB = 64
HEADS = 2
N_LAYERS = 2
N_GRAPHS = 32
HC = HEADS * EMB


def _conv_params(key, in_dim):
    ks = jax.random.split(key, 6)
    s = lambda k, shp: jax.random.normal(k, shp, dtype=jnp.float32) * 0.05
    return {
        'Wq': s(ks[0], (in_dim, HC)), 'bq': jnp.zeros((HC,), jnp.float32),
        'Wk': s(ks[1], (in_dim, HC)), 'bk': jnp.zeros((HC,), jnp.float32),
        'Wv': s(ks[2], (in_dim, HC)), 'bv': jnp.zeros((HC,), jnp.float32),
        'We': s(ks[3], (D_EDGE, HC)), 'be': jnp.zeros((HC,), jnp.float32),
        'Wskip': s(ks[4], (in_dim, HC)), 'bskip': jnp.zeros((HC,), jnp.float32),
        'Wbeta': s(ks[5], (3 * HC, 1)),
    }


def _block_params(key, in_dim):
    k1, k2 = jax.random.split(key)
    return {
        'conv': _conv_params(k1, in_dim),
        'Wt': jax.random.normal(k2, (HC, EMB), dtype=jnp.float32) * 0.05,
        'bt': jnp.zeros((EMB,), jnp.float32),
        'bn_g': jnp.ones((EMB,), jnp.float32),
        'bn_b': jnp.zeros((EMB,), jnp.float32),
    }


def setup_inputs(seed: int = 0):
    key = jax.random.key(seed)
    kx, ke, ki, kb, kp = jax.random.split(key, 5)
    x = jax.random.normal(kx, (N_NODES, D_FEAT), dtype=jnp.float32)
    edge_attr = jax.random.normal(ke, (N_EDGES, D_EDGE), dtype=jnp.float32)
    edge_index = jax.random.randint(ki, (2, N_EDGES), 0, N_NODES, dtype=jnp.int32)
    batch_index = jnp.sort(jax.random.randint(kb, (N_NODES,), 0, N_GRAPHS, dtype=jnp.int32))
    pkeys = jax.random.split(kp, N_LAYERS + 1)
    params = {
        'block0': _block_params(pkeys[0], D_FEAT),
        'layers': [_block_params(pkeys[i + 1], EMB) for i in range(N_LAYERS)],
    }
    return {'x': x, 'edge_attr': edge_attr, 'edge_index': edge_index,
            'batch_index': batch_index, 'params': params}


def _transformer_conv(x, edge_index, edge_attr, p):
    # PyG TransformerConv (beta=True, concat=True, edge_dim=D_EDGE)
    src, dst = edge_index[0], edge_index[1]
    n = x.shape[0]
    q = (x @ p['Wq'] + p['bq']).reshape(n, HEADS, EMB)
    k = (x @ p['Wk'] + p['bk']).reshape(n, HEADS, EMB)
    v = (x @ p['Wv'] + p['bv']).reshape(n, HEADS, EMB)
    e = (edge_attr @ p['We'] + p['be']).reshape(-1, HEADS, EMB)
    k_j = k[src] + e
    alpha = jnp.sum(q[dst] * k_j, axis=-1) / jnp.sqrt(float(EMB))  # [E, H]
    m = jax.ops.segment_max(alpha, dst, num_segments=n)
    m = jnp.where(jnp.isneginf(m), 0.0, m)
    ex = jnp.exp(alpha - m[dst])
    denom = jax.ops.segment_sum(ex, dst, num_segments=n)
    a = ex / (denom[dst] + 1e-16)
    msg = (v[src] + e) * a[:, :, None]
    out = jax.ops.segment_sum(msg, dst, num_segments=n).reshape(n, HC)
    x_r = x @ p['Wskip'] + p['bskip']
    beta = jax.nn.sigmoid(jnp.concatenate([out, x_r, out - x_r], axis=1) @ p['Wbeta'])
    return beta * x_r + (1.0 - beta) * out


def _bn(h, g, b):
    mu = jnp.mean(h, axis=0)
    var = jnp.var(h, axis=0)
    return (h - mu) / jnp.sqrt(var + 1e-5) * g + b


def _block(x, edge_index, edge_attr, p):
    h = _transformer_conv(x, edge_index, edge_attr, p['conv'])
    h = jax.nn.leaky_relu(h @ p['Wt'] + p['bt'], negative_slope=0.01)
    return _bn(h, p['bn_g'], p['bn_b'])


def _pool(x, batch_index):
    counts = jax.ops.segment_sum(jnp.ones((x.shape[0],), jnp.float32), batch_index, num_segments=N_GRAPHS)
    mean = jax.ops.segment_sum(x, batch_index, num_segments=N_GRAPHS) / jnp.maximum(counts, 1.0)[:, None]
    mx = jax.ops.segment_max(x, batch_index, num_segments=N_GRAPHS)
    mx = jnp.where(jnp.isneginf(mx), 0.0, mx)
    return jnp.concatenate([mx, mean], axis=1)


def _forward(x, edge_attr, edge_index, batch_index, params):
    x = _block(x, edge_index, edge_attr, params['block0'])
    reps = []
    for p in params['layers']:
        x = _block(x, edge_index, edge_attr, p)
        reps.append(_pool(x, batch_index))
    out = reps[0]
    for r in reps[1:]:
        out = out + r
    return out


def reference(x, edge_attr, edge_index, batch_index, params):
    return _forward(x, edge_attr, edge_index, batch_index, params)

if __name__ == "__main__":
    import jax
    _d = setup_inputs()
    print(jax.jit(kernel)(*tuple(_d.values())))

</pallas_src>

<mosaic_0001>
#map = affine_map<(d0, d1) -> (0, 0)>
#map1 = affine_map<(d0, d1) -> (0, 0, 0)>
module attributes {stable_mosaic.version = 14 : i64} {
  func.func @_edge_sc_body(%arg0: i32, %arg1: i32, %arg2: memref<20000x128xf32, #tpu.memory_space<hbm>>, %arg3: memref<20000x128xf32, #tpu.memory_space<hbm>>, %arg4: memref<163840x16xf32, #tpu.memory_space<hbm>>, %arg5: memref<2x2048x80xi32, #tpu.memory_space<hbm>>, %arg6: memref<2x2048x80xi32, #tpu.memory_space<hbm>>, %arg7: memref<2048x80xi32, #tpu.memory_space<hbm>>, %arg8: memref<640x128xf32, #tpu.memory_space<hbm>>, %arg9: memref<2x10240x128xf32, #tpu.memory_space<hbm>>, %arg10: memref<10240x128xf32, #tpu.memory_space<vmem_shared>>, %arg11: memref<16x80xi32, #tpu.memory_space<vmem>>, %arg12: memref<16x80xi32, #tpu.memory_space<vmem>>, %arg13: memref<16x80xi32, #tpu.memory_space<vmem>>, %arg14: memref<80x128xf32, #tpu.memory_space<vmem>>, %arg15: memref<80x128xf32, #tpu.memory_space<vmem>>, %arg16: memref<80x16xf32, #tpu.memory_space<vmem>>, %arg17: memref<80x128xf32, #tpu.memory_space<vmem>>, %arg18: memref<!tpu.dma_semaphore, #tpu.memory_space<semaphore_mem>>, %arg19: memref<!tpu.dma_semaphore, #tpu.memory_space<semaphore_mem>>, %arg20: memref<!tpu.dma_semaphore, #tpu.memory_space<semaphore_mem>>) attributes {dimension_semantics = [#tpu.dimension_semantics<core_parallel>, #tpu.dimension_semantics<subcore_parallel>], iteration_bounds = array<i64: 2, 16>, scalar_prefetch = 0 : i64, scratch_operands = 11 : i64, tpu.core_type = #tpu.core_type<sc_vector_subcore>, window_params = [{transform_indices = #map}, {transform_indices = #map}, {transform_indices = #map}, {transform_indices = #map1}, {transform_indices = #map1}, {transform_indices = #map}, {transform_indices = #map}, {transform_indices = #map1}]} {
    %mul3A = arith.constant 640 : i32
    %mul3A_0 = arith.muli %arg1, %mul3A : i32
    "tpu.region"() ({
      %run_scoped3A = tpu.sem_alloc : memref<!tpu.dma_semaphore, #tpu.memory_space<semaphore_mem>>
      %dma_start3A = arith.constant 0 : i32
      %dma_start3A_21 = tpu.memref_slice %arg10[%mul3A_0, %dma_start3A] : memref<10240x128xf32, #tpu.memory_space<vmem_shared>> -> memref<640x128xf32, #tpu.memory_space<vmem_shared>>
      tpu.enqueue_dma source(%arg8 : memref<640x128xf32, #tpu.memory_space<hbm>>) target(%dma_start3A_21 : memref<640x128xf32, #tpu.memory_space<vmem_shared>>) target_semaphore(%run_scoped3A : memref<!tpu.dma_semaphore, #tpu.memory_space<semaphore_mem>>)
      %dma_wait3A = arith.constant 0 : i32
      %dma_wait3A_22 = tpu.memref_slice %arg10[%mul3A_0, %dma_wait3A] : memref<10240x128xf32, #tpu.memory_space<vmem_shared>> -> memref<640x128xf32, #tpu.memory_space<vmem_shared>>
      tpu.wait_dma2 semaphore(%run_scoped3A : memref<!tpu.dma_semaphore, #tpu.memory_space<semaphore_mem>>) src(%arg8 : memref<640x128xf32, #tpu.memory_space<hbm>>) dst(%dma_wait3A_22 : memref<640x128xf32, #tpu.memory_space<vmem_shared>>)
      tpu.yield
    }) : () -> ()
    %scan3A = arith.constant 0 : i32
    %scan3A_1 = arith.constant 0 : i32
    %scan3A_2 = arith.constant 80 : i32
    %scan3A_3 = arith.addi %scan3A_1, %scan3A_2 : i32
    %scan3A_4 = arith.constant 1 : i32
    %scan3A_5 = scf.for %scan3A_21 = %scan3A_1 to %scan3A_3 step %scan3A_4 iter_args(%scan3A_22 = %scan3A) -> (i32)  : i32 {
      %broadcast_in_dim3A = arith.constant 0.000000e+00 : f32
      %broadcast_in_dim3A_23 = vector.broadcast %broadcast_in_dim3A : f32 to vector<16xf32>
      %swap3A = arith.index_cast %scan3A_21 : i32 to index
      %swap3A_24 = arith.constant 96 : index
      %swap3A_25 = tpu.vector_load %arg17[%swap3A, %swap3A_24] {strides = array<i32>} : memref<80x128xf32, #tpu.memory_space<vmem>>, vector<1x16xf32>,
      %swap3A_26 = vector.shape_cast %swap3A_25 : vector<1x16xf32> to vector<16xf32>
      %swap3A_27 = vector.shape_cast %broadcast_in_dim3A_23 : vector<16xf32> to vector<1x16xf32>
      tpu.vector_store %arg17[%swap3A, %swap3A_24], %swap3A_27 {strides = array<i32>} : memref<80x128xf32, #tpu.memory_space<vmem>>, vector<1x16xf32>,
      %swap3A_28 = arith.index_cast %scan3A_21 : i32 to index
      %swap3A_29 = arith.constant 112 : index
      %swap3A_30 = tpu.vector_load %arg17[%swap3A_28, %swap3A_29] {strides = array<i32>} : memref<80x128xf32, #tpu.memory_space<vmem>>, vector<1x16xf32>,
      %swap3A_31 = vector.shape_cast %swap3A_30 : vector<1x16xf32> to vector<16xf32>
      %swap3A_32 = vector.shape_cast %broadcast_in_dim3A_23 : vector<16xf32> to vector<1x16xf32>
      tpu.vector_store %arg17[%swap3A_28, %swap3A_29], %swap3A_32 {strides = array<i32>} : memref<80x128xf32, #tpu.memory_space<vmem>>, vector<1x16xf32>,
      %scan3A_33 = arith.constant 0 : i32
      scf.yield %scan3A_33 : i32
    }
    %scan3A_6 = arith.constant 80 : i32
    %barrier3A = arith.constant 0 : index
    tpu.barrier barrier_id(%barrier3A)
    %mul3A_7 = arith.constant 128 : i32
    %mul3A_8 = arith.muli %arg1, %mul3A_7 : i32
    %scan3A_9 = arith.constant 0 : i32
    %scan3A_10 = arith.constant 0 : i32
    %scan3A_11 = arith.constant 8 : i32
    %scan3A_12 = arith.addi %scan3A_10, %scan3A_11 : i32
    %scan3A_13 = arith.constant 1 : i32
    %scan3A_14 = scf.for %scan3A_21 = %scan3A_10 to %scan3A_12 step %scan3A_13 iter_args(%scan3A_22 = %scan3A_9) -> (i32)  : i32 {
      %mul3A_23 = arith.constant 16 : i32
      %mul3A_24 = arith.muli %scan3A_21, %mul3A_23 : i32
      %add3A = arith.addi %mul3A_8, %mul3A_24 : i32
      "tpu.region"() ({
        %run_scoped3A = tpu.sem_alloc : memref<!tpu.dma_semaphore, #tpu.memory_space<semaphore_mem>>
        %dma_start3A = arith.constant 0 : i32
        %dma_start3A_33 = tpu.memref_slice %arg5[%arg0, %add3A, %dma_start3A] : memref<2x2048x80xi32, #tpu.memory_space<hbm>> -> memref<1x16x80xi32, #tpu.memory_space<hbm>>
        %dma_start3A_34 = tpu.memref_squeeze %dma_start3A_33 : memref<1x16x80xi32, #tpu.memory_space<hbm>> -> memref<16x80xi32, #tpu.memory_space<hbm>>
        %dma_start3A_35 = arith.constant 0 : i32
        %dma_start3A_36 = tpu.memref_slice %arg5[%arg0, %add3A, %dma_start3A_35] : memref<2x2048x80xi32, #tpu.memory_space<hbm>> -> memref<1x16x80xi32, #tpu.memory_space<hbm>>
        %dma_start3A_37 = tpu.memref_squeeze %dma_start3A_36 : memref<1x16x80xi32, #tpu.memory_space<hbm>> -> memref<16x80xi32, #tpu.memory_space<hbm>>
        tpu.enqueue_dma source(%dma_start3A_37 : memref<16x80xi32, #tpu.memory_space<hbm>>) target(%arg11 : memref<16x80xi32, #tpu.memory_space<vmem>>) target_semaphore(%run_scoped3A : memref<!tpu.dma_semaphore, #tpu.memory_space<semaphore_mem>>)
        %dma_wait3A = arith.constant 0 : i32
        %dma_wait3A_38 = tpu.memref_slice %arg5[%arg0, %add3A, %dma_wait3A] : memref<2x2048x80xi32, #tpu.memory_space<hbm>> -> memref<1x16x80xi32, #tpu.memory_space<hbm>>
        %dma_wait3A_39 = tpu.memref_squeeze %dma_wait3A_38 : memref<1x16x80xi32, #tpu.memory_space<hbm>> -> memref<16x80xi32, #tpu.memory_space<hbm>>
        %dma_wait3A_40 = arith.constant 0 : i32
        %dma_wait3A_41 = tpu.memref_slice %arg5[%arg0, %add3A, %dma_wait3A_40] : memref<2x2048x80xi32, #tpu.memory_space<hbm>> -> memref<1x16x80xi32, #tpu.memory_space<hbm>>
        %dma_wait3A_42 = tpu.memref_squeeze %dma_wait3A_41 : memref<1x16x80xi32, #tpu.memory_space<hbm>> -> memref<16x80xi32, #tpu.memory_space<hbm>>
        tpu.wait_dma2 semaphore(%run_scoped3A : memref<!tpu.dma_semaphore, #tpu.memory_space<semaphore_mem>>) src(%dma_wait3A_42 : memref<16x80xi32, #tpu.memory_space<hbm>>) dst(%arg11 : memref<16x80xi32, #tpu.memory_space<vmem>>)
        tpu.yield
      }) : () -> ()
      "tpu.region"() ({
        %run_scoped3A = tpu.sem_alloc : memref<!tpu.dma_semaphore, #tpu.memory_space<semaphore_mem>>
        %dma_start3A = arith.constant 0 : i32
        %dma_start3A_33 = tpu.memref_slice %arg6[%arg0, %add3A, %dma_start3A] : memref<2x2048x80xi32, #tpu.memory_space<hbm>> -> memref<1x16x80xi32, #tpu.memory_space<hbm>>
        %dma_start3A_34 = tpu.memref_squeeze %dma_start3A_33 : memref<1x16x80xi32, #tpu.memory_space<hbm>> -> memref<16x80xi32, #tpu.memory_space<hbm>>
        %dma_start3A_35 = arith.constant 0 : i32
        %dma_start3A_36 = tpu.memref_slice %arg6[%arg0, %add3A, %dma_start3A_35] : memref<2x2048x80xi32, #tpu.memory_space<hbm>> -> memref<1x16x80xi32, #tpu.memory_space<hbm>>
        %dma_start3A_37 = tpu.memref_squeeze %dma_start3A_36 : memref<1x16x80xi32, #tpu.memory_space<hbm>> -> memref<16x80xi32, #tpu.memory_space<hbm>>
        tpu.enqueue_dma source(%dma_start3A_37 : memref<16x80xi32, #tpu.memory_space<hbm>>) target(%arg12 : memref<16x80xi32, #tpu.memory_space<vmem>>) target_semaphore(%run_scoped3A : memref<!tpu.dma_semaphore, #tpu.memory_space<semaphore_mem>>)
        %dma_wait3A = arith.constant 0 : i32
        %dma_wait3A_38 = tpu.memref_slice %arg6[%arg0, %add3A, %dma_wait3A] : memref<2x2048x80xi32, #tpu.memory_space<hbm>> -> memref<1x16x80xi32, #tpu.memory_space<hbm>>
        %dma_wait3A_39 = tpu.memref_squeeze %dma_wait3A_38 : memref<1x16x80xi32, #tpu.memory_space<hbm>> -> memref<16x80xi32, #tpu.memory_space<hbm>>
        %dma_wait3A_40 = arith.constant 0 : i32
        %dma_wait3A_41 = tpu.memref_slice %arg6[%arg0, %add3A, %dma_wait3A_40] : memref<2x2048x80xi32, #tpu.memory_space<hbm>> -> memref<1x16x80xi32, #tpu.memory_space<hbm>>
        %dma_wait3A_42 = tpu.memref_squeeze %dma_wait3A_41 : memref<1x16x80xi32, #tpu.memory_space<hbm>> -> memref<16x80xi32, #tpu.memory_space<hbm>>
        tpu.wait_dma2 semaphore(%run_scoped3A : memref<!tpu.dma_semaphore, #tpu.memory_space<semaphore_mem>>) src(%dma_wait3A_42 : memref<16x80xi32, #tpu.memory_space<hbm>>) dst(%arg12 : memref<16x80xi32, #tpu.memory_space<vmem>>)
        tpu.yield
      }) : () -> ()
      "tpu.region"() ({
        %run_scoped3A = tpu.sem_alloc : memref<!tpu.dma_semaphore, #tpu.memory_space<semaphore_mem>>
        %dma_start3A = arith.constant 0 : i32
        %dma_start3A_33 = tpu.memref_slice %arg7[%add3A, %dma_start3A] : memref<2048x80xi32, #tpu.memory_space<hbm>> -> memref<16x80xi32, #tpu.memory_space<hbm>>
        %dma_start3A_34 = arith.constant 0 : i32
        %dma_start3A_35 = tpu.memref_slice %arg7[%add3A, %dma_start3A_34] : memref<2048x80xi32, #tpu.memory_space<hbm>> -> memref<16x80xi32, #tpu.memory_space<hbm>>
        tpu.enqueue_dma source(%dma_start3A_35 : memref<16x80xi32, #tpu.memory_space<hbm>>) target(%arg13 : memref<16x80xi32, #tpu.memory_space<vmem>>) target_semaphore(%run_scoped3A : memref<!tpu.dma_semaphore, #tpu.memory_space<semaphore_mem>>)
        %dma_wait3A = arith.constant 0 : i32
        %dma_wait3A_36 = tpu.memref_slice %arg7[%add3A, %dma_wait3A] : memref<2048x80xi32, #tpu.memory_space<hbm>> -> memref<16x80xi32, #tpu.memory_space<hbm>>
        %dma_wait3A_37 = arith.constant 0 : i32
        %dma_wait3A_38 = tpu.memref_slice %arg7[%add3A, %dma_wait3A_37] : memref<2048x80xi32, #tpu.memory_space<hbm>> -> memref<16x80xi32, #tpu.memory_space<hbm>>
        tpu.wait_dma2 semaphore(%run_scoped3A : memref<!tpu.dma_semaphore, #tpu.memory_space<semaphore_mem>>) src(%dma_wait3A_38 : memref<16x80xi32, #tpu.memory_space<hbm>>) dst(%arg13 : memref<16x80xi32, #tpu.memory_space<vmem>>)
        tpu.yield
      }) : () -> ()
      %scan3A_25 = arith.constant 0 : i32
      %scan3A_26 = arith.constant 0 : i32
      %scan3A_27 = arith.constant 16 : i32
      %scan3A_28 = arith.addi %scan3A_26, %scan3A_27 : i32
      %scan3A_29 = arith.constant 1 : i32
      %scan3A_30 = scf.for %scan3A_33 = %scan3A_26 to %scan3A_28 step %scan3A_29 iter_args(%scan3A_34 = %scan3A_25) -> (i32)  : i32 {
        %add3A_35 = arith.addi %add3A, %scan3A_33 : i32
        %mul3A_36 = arith.constant 80 : i32
        %mul3A_37 = arith.muli %add3A_35, %mul3A_36 : i32
        %dma_start3A = arith.constant 0 : i32
        %dma_start3A_38 = tpu.memref_slice %arg11[%scan3A_33, %dma_start3A] : memref<16x80xi32, #tpu.memory_space<vmem>> -> memref<1x80xi32, #tpu.memory_space<vmem>>
        %dma_start3A_39 = tpu.memref_squeeze %dma_start3A_38 : memref<1x80xi32, #tpu.memory_space<vmem>> -> memref<80xi32, #tpu.memory_space<vmem>>
        %dma_start3A_40 = arith.constant 0 : i32
        %dma_start3A_41 = arith.constant 0 : i32
        %dma_start3A_42 = tpu.memref_slice %arg2[%dma_start3A_40, %dma_start3A_41] : memref<20000x128xf32, #tpu.memory_space<hbm>> -> memref<20000x128xf32, #tpu.memory_space<hbm>>
        tpu.enqueue_indirect_dma source(%dma_start3A_42 : memref<20000x128xf32, #tpu.memory_space<hbm>>) target(%arg14 : memref<80x128xf32, #tpu.memory_space<vmem>>) offsets(%dma_start3A_39 : memref<80xi32, #tpu.memory_space<vmem>>) semaphore(%arg18 : memref<!tpu.dma_semaphore, #tpu.memory_space<semaphore_mem>>)
        %dma_start3A_43 = arith.constant 0 : i32
        %dma_start3A_44 = tpu.memref_slice %arg12[%scan3A_33, %dma_start3A_43] : memref<16x80xi32, #tpu.memory_space<vmem>> -> memref<1x80xi32, #tpu.memory_space<vmem>>
        %dma_start3A_45 = tpu.memref_squeeze %dma_start3A_44 : memref<1x80xi32, #tpu.memory_space<vmem>> -> memref<80xi32, #tpu.memory_space<vmem>>
        %dma_start3A_46 = arith.constant 0 : i32
        %dma_start3A_47 = arith.constant 0 : i32
        %dma_start3A_48 = tpu.memref_slice %arg3[%dma_start3A_46, %dma_start3A_47] : memref<20000x128xf32, #tpu.memory_space<hbm>> -> memref<20000x128xf32, #tpu.memory_space<hbm>>
        tpu.enqueue_indirect_dma source(%dma_start3A_48 : memref<20000x128xf32, #tpu.memory_space<hbm>>) target(%arg15 : memref<80x128xf32, #tpu.memory_space<vmem>>) offsets(%dma_start3A_45 : memref<80xi32, #tpu.memory_space<vmem>>) semaphore(%arg19 : memref<!tpu.dma_semaphore, #tpu.memory_space<semaphore_mem>>)
        %dma_start3A_49 = arith.constant 0 : i32
        %dma_start3A_50 = tpu.memref_slice %arg4[%mul3A_37, %dma_start3A_49] : memref<163840x16xf32, #tpu.memory_space<hbm>> -> memref<80x16xf32, #tpu.memory_space<hbm>>
        %dma_start3A_51 = arith.constant 0 : i32
        %dma_start3A_52 = tpu.memref_slice %arg4[%mul3A_37, %dma_start3A_51] : memref<163840x16xf32, #tpu.memory_space<hbm>> -> memref<80x16xf32, #tpu.memory_space<hbm>>
        tpu.enqueue_dma source(%dma_start3A_52 : memref<80x16xf32, #tpu.memory_space<hbm>>) target(%arg16 : memref<80x16xf32, #tpu.memory_space<vmem>>) target_semaphore(%arg20 : memref<!tpu.dma_semaphore, #tpu.memory_space<semaphore_mem>>)
        %dma_wait3A = arith.constant 0 : i32
        %dma_wait3A_53 = tpu.memref_slice %arg11[%scan3A_33, %dma_wait3A] : memref<16x80xi32, #tpu.memory_space<vmem>> -> memref<1x80xi32, #tpu.memory_space<vmem>>
        %dma_wait3A_54 = tpu.memref_squeeze %dma_wait3A_53 : memref<1x80xi32, #tpu.memory_space<vmem>> -> memref<80xi32, #tpu.memory_space<vmem>>
        %dma_wait3A_55 = arith.constant 0 : i32
        %dma_wait3A_56 = arith.constant 0 : i32
        %dma_wait3A_57 = tpu.memref_slice %arg2[%dma_wait3A_55, %dma_wait3A_56] : memref<20000x128xf32, #tpu.memory_space<hbm>> -> memref<20000x128xf32, #tpu.memory_space<hbm>>
        tpu.wait_indirect_dma semaphore(%arg18 : memref<!tpu.dma_semaphore, #tpu.memory_space<semaphore_mem>>) src(%dma_wait3A_57 : memref<20000x128xf32, #tpu.memory_space<hbm>>) dst(%arg14 : memref<80x128xf32, #tpu.memory_space<vmem>>)
        %dma_wait3A_58 = arith.constant 0 : i32
        %dma_wait3A_59 = tpu.memref_slice %arg12[%scan3A_33, %dma_wait3A_58] : memref<16x80xi32, #tpu.memory_space<vmem>> -> memref<1x80xi32, #tpu.memory_space<vmem>>
        %dma_wait3A_60 = tpu.memref_squeeze %dma_wait3A_59 : memref<1x80xi32, #tpu.memory_space<vmem>> -> memref<80xi32, #tpu.memory_space<vmem>>
        %dma_wait3A_61 = arith.constant 0 : i32
        %dma_wait3A_62 = arith.constant 0 : i32
        %dma_wait3A_63 = tpu.memref_slice %arg3[%dma_wait3A_61, %dma_wait3A_62] : memref<20000x128xf32, #tpu.memory_space<hbm>> -> memref<20000x128xf32, #tpu.memory_space<hbm>>
        tpu.wait_indirect_dma semaphore(%arg19 : memref<!tpu.dma_semaphore, #tpu.memory_space<semaphore_mem>>) src(%dma_wait3A_63 : memref<20000x128xf32, #tpu.memory_space<hbm>>) dst(%arg15 : memref<80x128xf32, #tpu.memory_space<vmem>>)
        %dma_wait3A_64 = arith.constant 0 : i32
        %dma_wait3A_65 = tpu.memref_slice %arg4[%mul3A_37, %dma_wait3A_64] : memref<163840x16xf32, #tpu.memory_space<hbm>> -> memref<80x16xf32, #tpu.memory_space<hbm>>
        %dma_wait3A_66 = arith.constant 0 : i32
        %dma_wait3A_67 = tpu.memref_slice %arg4[%mul3A_37, %dma_wait3A_66] : memref<163840x16xf32, #tpu.memory_space<hbm>> -> memref<80x16xf32, #tpu.memory_space<hbm>>
        tpu.wait_dma2 semaphore(%arg20 : memref<!tpu.dma_semaphore, #tpu.memory_space<semaphore_mem>>) src(%dma_wait3A_67 : memref<80x16xf32, #tpu.memory_space<hbm>>) dst(%arg16 : memref<80x16xf32, #tpu.memory_space<vmem>>)
        %scan3A_68 = arith.constant 0 : i32
        %scan3A_69 = arith.constant 0 : i32
        %scan3A_70 = arith.constant 80 : i32
        %scan3A_71 = arith.addi %scan3A_69, %scan3A_70 : i32
        %scan3A_72 = arith.constant 1 : i32
        %scan3A_73 = scf.for %scan3A_76 = %scan3A_69 to %scan3A_71 step %scan3A_72 iter_args(%scan3A_77 = %scan3A_68) -> (i32)  : i32 {
          %get3A = arith.index_cast %scan3A_76 : i32 to index
          %get3A_78 = arith.constant 0 : index
          %get3A_79 = tpu.vector_load %arg16[%get3A, %get3A_78] {strides = array<i32>} : memref<80x16xf32, #tpu.memory_space<vmem>>, vector<1x16xf32>,
          %get3A_80 = vector.shape_cast %get3A_79 : vector<1x16xf32> to vector<16xf32>
          %get3A_81 = arith.index_cast %scan3A_76 : i32 to index
          %get3A_82 = arith.constant 64 : index
          %get3A_83 = tpu.vector_load %arg15[%get3A_81, %get3A_82] {strides = array<i32>} : memref<80x128xf32, #tpu.memory_space<vmem>>, vector<1x16xf32>,
          %get3A_84 = vector.shape_cast %get3A_83 : vector<1x16xf32> to vector<16xf32>
          %get3A_85 = arith.index_cast %scan3A_76 : i32 to index
          %get3A_86 = arith.constant 80 : index
          %get3A_87 = tpu.vector_load %arg15[%get3A_85, %get3A_86] {strides = array<i32>} : memref<80x128xf32, #tpu.memory_space<vmem>>, vector<1x16xf32>,
          %get3A_88 = vector.shape_cast %get3A_87 : vector<1x16xf32> to vector<16xf32>
          %get3A_89 = arith.index_cast %scan3A_76 : i32 to index
          %get3A_90 = arith.constant 0 : index
          %get3A_91 = tpu.vector_load %arg15[%get3A_89, %get3A_90] {strides = array<i32>} : memref<80x128xf32, #tpu.memory_space<vmem>>, vector<1x16xf32>,
          %get3A_92 = vector.shape_cast %get3A_91 : vector<1x16xf32> to vector<16xf32>
          %get3A_93 = arith.index_cast %scan3A_76 : i32 to index
          %get3A_94 = arith.constant 0 : index
          %get3A_95 = tpu.vector_load %arg14[%get3A_93, %get3A_94] {strides = array<i32>} : memref<80x128xf32, #tpu.memory_space<vmem>>, vector<1x16xf32>,
          %get3A_96 = vector.shape_cast %get3A_95 : vector<1x16xf32> to vector<16xf32>
          %mul3A_97 = arith.mulf %get3A_92, %get3A_96 : vector<16xf32>
          %get3A_98 = arith.index_cast %scan3A_76 : i32 to index
          %get3A_99 = arith.constant 16 : index
          %get3A_100 = tpu.vector_load %arg15[%get3A_98, %get3A_99] {strides = array<i32>} : memref<80x128xf32, #tpu.memory_space<vmem>>, vector<1x16xf32>,
          %get3A_101 = vector.shape_cast %get3A_100 : vector<1x16xf32> to vector<16xf32>
          %get3A_102 = arith.index_cast %scan3A_76 : i32 to index
          %get3A_103 = arith.constant 16 : index
          %get3A_104 = tpu.vector_load %arg14[%get3A_102, %get3A_103] {strides = array<i32>} : memref<80x128xf32, #tpu.memory_space<vmem>>, vector<1x16xf32>,
          %get3A_105 = vector.shape_cast %get3A_104 : vector<1x16xf32> to vector<16xf32>
          %mul3A_106 = arith.mulf %get3A_101, %get3A_105 : vector<16xf32>
          %add3A_107 = arith.addf %mul3A_97, %mul3A_106 : vector<16xf32>
          %get3A_108 = arith.index_cast %scan3A_76 : i32 to index
          %get3A_109 = arith.constant 32 : index
          %get3A_110 = tpu.vector_load %arg15[%get3A_108, %get3A_109] {strides = array<i32>} : memref<80x128xf32, #tpu.memory_space<vmem>>, vector<1x16xf32>,
          %get3A_111 = vector.shape_cast %get3A_110 : vector<1x16xf32> to vector<16xf32>
          %get3A_112 = arith.index_cast %scan3A_76 : i32 to index
          %get3A_113 = arith.constant 32 : index
          %get3A_114 = tpu.vector_load %arg14[%get3A_112, %get3A_113] {strides = array<i32>} : memref<80x128xf32, #tpu.memory_space<vmem>>, vector<1x16xf32>,
          %get3A_115 = vector.shape_cast %get3A_114 : vector<1x16xf32> to vector<16xf32>
          %mul3A_116 = arith.mulf %get3A_111, %get3A_115 : vector<16xf32>
          %add3A_117 = arith.addf %add3A_107, %mul3A_116 : vector<16xf32>
          %get3A_118 = arith.index_cast %scan3A_76 : i32 to index
          %get3A_119 = arith.constant 48 : index
          %get3A_120 = tpu.vector_load %arg15[%get3A_118, %get3A_119] {strides = array<i32>} : memref<80x128xf32, #tpu.memory_space<vmem>>, vector<1x16xf32>,
          %get3A_121 = vector.shape_cast %get3A_120 : vector<1x16xf32> to vector<16xf32>
          %get3A_122 = arith.index_cast %scan3A_76 : i32 to index
          %get3A_123 = arith.constant 48 : index
          %get3A_124 = tpu.vector_load %arg14[%get3A_122, %get3A_123] {strides = array<i32>} : memref<80x128xf32, #tpu.memory_space<vmem>>, vector<1x16xf32>,
          %get3A_125 = vector.shape_cast %get3A_124 : vector<1x16xf32> to vector<16xf32>
          %mul3A_126 = arith.mulf %get3A_121, %get3A_125 : vector<16xf32>
          %add3A_127 = arith.addf %add3A_117, %mul3A_126 : vector<16xf32>
          %mul3A_128 = arith.mulf %get3A_80, %get3A_84 : vector<16xf32>
          %add3A_129 = arith.addf %add3A_127, %mul3A_128 : vector<16xf32>
          %mul3A_130 = arith.constant 6.250000e-02 : f32
          %mul3A_131 = vector.broadcast %mul3A_130 : f32 to vector<16xf32>
          %mul3A_132 = arith.mulf %get3A_88, %mul3A_131 : vector<16xf32>
          %add3A_133 = arith.addf %add3A_129, %mul3A_132 : vector<16xf32>
          %add3A_134 = arith.addi %mul3A_37, %scan3A_76 : i32
          %lt3A = arith.constant 160000 : i32
          %lt3A_135 = arith.cmpi slt, %add3A_134, %lt3A : i32
          %convert_element_type3A = arith.extui %lt3A_135 : i1 to i32
          %convert_element_type3A_136 = arith.sitofp %convert_element_type3A : i32 to f32
          %iota3A = tpu.iota {dimensions = array<i32: 0>} : vector<16xi32>
          %xor3A = arith.constant 1 : i32
          %xor3A_137 = vector.broadcast %xor3A : i32 to vector<16xi32>
          %xor3A_138 = arith.xori %iota3A, %xor3A_137 : vector<16xi32>
          %broadcast_in_dim3A = vector.shape_cast %xor3A_138 : vector<16xi32> to vector<16x1xi32>
          %gather3A = vector.shape_cast %broadcast_in_dim3A : vector<16x1xi32> to vector<16xi32>
          %gather3A_139 = tpu.dynamic_gather %add3A_133[%gather3A] in [0] : vector<16xf32>, vector<16xi32> -> vector<16xf32>
          %add3A_140 = arith.addf %add3A_133, %gather3A_139 : vector<16xf32>
          %iota3A_141 = tpu.iota {dimensions = array<i32: 0>} : vector<16xi32>
          %xor3A_142 = arith.constant 2 : i32
          %xor3A_143 = vector.broadcast %xor3A_142 : i32 to vector<16xi32>
          %xor3A_144 = arith.xori %iota3A_141, %xor3A_143 : vector<16xi32>
          %broadcast_in_dim3A_145 = vector.shape_cast %xor3A_144 : vector<16xi32> to vector<16x1xi32>
          %gather3A_146 = vector.shape_cast %broadcast_in_dim3A_145 : vector<16x1xi32> to vector<16xi32>
          %gather3A_147 = tpu.dynamic_gather %add3A_140[%gather3A_146] in [0] : vector<16xf32>, vector<16xi32> -> vector<16xf32>
          %add3A_148 = arith.addf %add3A_140, %gather3A_147 : vector<16xf32>
          %iota3A_149 = tpu.iota {dimensions = array<i32: 0>} : vector<16xi32>
          %xor3A_150 = arith.constant 4 : i32
          %xor3A_151 = vector.broadcast %xor3A_150 : i32 to vector<16xi32>
          %xor3A_152 = arith.xori %iota3A_149, %xor3A_151 : vector<16xi32>
          %broadcast_in_dim3A_153 = vector.shape_cast %xor3A_152 : vector<16xi32> to vector<16x1xi32>
          %gather3A_154 = vector.shape_cast %broadcast_in_dim3A_153 : vector<16x1xi32> to vector<16xi32>
          %gather3A_155 = tpu.dynamic_gather %add3A_148[%gather3A_154] in [0] : vector<16xf32>, vector<16xi32> -> vector<16xf32>
          %add3A_156 = arith.addf %add3A_148, %gather3A_155 : vector<16xf32>
          %iota3A_157 = tpu.iota {dimensions = array<i32: 0>} : vector<16xi32>
          %xor3A_158 = arith.constant 8 : i32
          %xor3A_159 = vector.broadcast %xor3A_158 : i32 to vector<16xi32>
          %xor3A_160 = arith.xori %iota3A_157, %xor3A_159 : vector<16xi32>
          %broadcast_in_dim3A_161 = vector.shape_cast %xor3A_160 : vector<16xi32> to vector<16x1xi32>
          %gather3A_162 = vector.shape_cast %broadcast_in_dim3A_161 : vector<16x1xi32> to vector<16xi32>
          %gather3A_163 = tpu.dynamic_gather %add3A_156[%gather3A_162] in [0] : vector<16xf32>, vector<16xi32> -> vector<16xf32>
          %add3A_164 = arith.addf %add3A_156, %gather3A_163 : vector<16xf32>
          %mul3A_165 = arith.constant 1.250000e-01 : f32
          %mul3A_166 = vector.broadcast %mul3A_165 : f32 to vector<16xf32>
          %mul3A_167 = arith.mulf %add3A_164, %mul3A_166 : vector<16xf32>
          %exp3A = math.exp %mul3A_167 : vector<16xf32>
          %mul3A_168 = vector.broadcast %convert_element_type3A_136 : f32 to vector<16xf32>
          %mul3A_169 = arith.mulf %exp3A, %mul3A_168 : vector<16xf32>
          %get3A_170 = arith.index_cast %scan3A_76 : i32 to index
          %get3A_171 = arith.constant 64 : index
          %get3A_172 = tpu.vector_load %arg14[%get3A_170, %get3A_171] {strides = array<i32>} : memref<80x128xf32, #tpu.memory_space<vmem>>, vector<1x16xf32>,
          %get3A_173 = vector.shape_cast %get3A_172 : vector<1x16xf32> to vector<16xf32>
          %mul3A_174 = arith.mulf %get3A_173, %mul3A_169 : vector<16xf32>
          %swap3A = arith.index_cast %scan3A_76 : i32 to index
          %swap3A_175 = arith.constant 0 : index
          %swap3A_176 = tpu.vector_load %arg17[%swap3A, %swap3A_175] {strides = array<i32>} : memref<80x128xf32, #tpu.memory_space<vmem>>, vector<1x16xf32>,
          %swap3A_177 = vector.shape_cast %swap3A_176 : vector<1x16xf32> to vector<16xf32>
          %swap3A_178 = vector.shape_cast %mul3A_174 : vector<16xf32> to vector<1x16xf32>
          tpu.vector_store %arg17[%swap3A, %swap3A_175], %swap3A_178 {strides = array<i32>} : memref<80x128xf32, #tpu.memory_space<vmem>>, vector<1x16xf32>,
          %get3A_179 = arith.index_cast %scan3A_76 : i32 to index
          %get3A_180 = arith.constant 80 : index
          %get3A_181 = tpu.vector_load %arg14[%get3A_179, %get3A_180] {strides = array<i32>} : memref<80x128xf32, #tpu.memory_space<vmem>>, vector<1x16xf32>,
          %get3A_182 = vector.shape_cast %get3A_181 : vector<1x16xf32> to vector<16xf32>
          %mul3A_183 = arith.mulf %get3A_182, %mul3A_169 : vector<16xf32>
          %swap3A_184 = arith.index_cast %scan3A_76 : i32 to index
          %swap3A_185 = arith.constant 16 : index
          %swap3A_186 = tpu.vector_load %arg17[%swap3A_184, %swap3A_185] {strides = array<i32>} : memref<80x128xf32, #tpu.memory_space<vmem>>, vector<1x16xf32>,
          %swap3A_187 = vector.shape_cast %swap3A_186 : vector<1x16xf32> to vector<16xf32>
          %swap3A_188 = vector.shape_cast %mul3A_183 : vector<16xf32> to vector<1x16xf32>
          tpu.vector_store %arg17[%swap3A_184, %swap3A_185], %swap3A_188 {strides = array<i32>} : memref<80x128xf32, #tpu.memory_space<vmem>>, vector<1x16xf32>,
          %get3A_189 = arith.index_cast %scan3A_76 : i32 to index
          %get3A_190 = arith.constant 96 : index
          %get3A_191 = tpu.vector_load %arg14[%get3A_189, %get3A_190] {strides = array<i32>} : memref<80x128xf32, #tpu.memory_space<vmem>>, vector<1x16xf32>,
          %get3A_192 = vector.shape_cast %get3A_191 : vector<1x16xf32> to vector<16xf32>
          %mul3A_193 = arith.mulf %get3A_192, %mul3A_169 : vector<16xf32>
          %swap3A_194 = arith.index_cast %scan3A_76 : i32 to index
          %swap3A_195 = arith.constant 32 : index
          %swap3A_196 = tpu.vector_load %arg17[%swap3A_194, %swap3A_195] {strides = array<i32>} : memref<80x128xf32, #tpu.memory_space<vmem>>, vector<1x16xf32>,
          %swap3A_197 = vector.shape_cast %swap3A_196 : vector<1x16xf32> to vector<16xf32>
          %swap3A_198 = vector.shape_cast %mul3A_193 : vector<16xf32> to vector<1x16xf32>
          tpu.vector_store %arg17[%swap3A_194, %swap3A_195], %swap3A_198 {strides = array<i32>} : memref<80x128xf32, #tpu.memory_space<vmem>>, vector<1x16xf32>,
          %get3A_199 = arith.index_cast %scan3A_76 : i32 to index
          %get3A_200 = arith.constant 112 : index
          %get3A_201 = tpu.vector_load %arg14[%get3A_199, %get3A_200] {strides = array<i32>} : memref<80x128xf32, #tpu.memory_space<vmem>>, vector<1x16xf32>,
          %get3A_202 = vector.shape_cast %get3A_201 : vector<1x16xf32> to vector<16xf32>
          %mul3A_203 = arith.mulf %get3A_202, %mul3A_169 : vector<16xf32>
          %swap3A_204 = arith.index_cast %scan3A_76 : i32 to index
          %swap3A_205 = arith.constant 48 : index
          %swap3A_206 = tpu.vector_load %arg17[%swap3A_204, %swap3A_205] {strides = array<i32>} : memref<80x128xf32, #tpu.memory_space<vmem>>, vector<1x16xf32>,
          %swap3A_207 = vector.shape_cast %swap3A_206 : vector<1x16xf32> to vector<16xf32>
          %swap3A_208 = vector.shape_cast %mul3A_203 : vector<16xf32> to vector<1x16xf32>
          tpu.vector_store %arg17[%swap3A_204, %swap3A_205], %swap3A_208 {strides = array<i32>} : memref<80x128xf32, #tpu.memory_space<vmem>>, vector<1x16xf32>,
          %swap3A_209 = arith.index_cast %scan3A_76 : i32 to index
          %swap3A_210 = arith.constant 64 : index
          %swap3A_211 = tpu.vector_load %arg17[%swap3A_209, %swap3A_210] {strides = array<i32>} : memref<80x128xf32, #tpu.memory_space<vmem>>, vector<1x16xf32>,
          %swap3A_212 = vector.shape_cast %swap3A_211 : vector<1x16xf32> to vector<16xf32>
          %swap3A_213 = vector.shape_cast %mul3A_169 : vector<16xf32> to vector<1x16xf32>
          tpu.vector_store %arg17[%swap3A_209, %swap3A_210], %swap3A_213 {strides = array<i32>} : memref<80x128xf32, #tpu.memory_space<vmem>>, vector<1x16xf32>,
          %mul3A_214 = arith.mulf %get3A_80, %mul3A_169 : vector<16xf32>
          %swap3A_215 = arith.index_cast %scan3A_76 : i32 to index
          %swap3A_216 = arith.constant 80 : index
          %swap3A_217 = tpu.vector_load %arg17[%swap3A_215, %swap3A_216] {strides = array<i32>} : memref<80x128xf32, #tpu.memory_space<vmem>>, vector<1x16xf32>,
          %swap3A_218 = vector.shape_cast %swap3A_217 : vector<1x16xf32> to vector<16xf32>
          %swap3A_219 = vector.shape_cast %mul3A_214 : vector<16xf32> to vector<1x16xf32>
          tpu.vector_store %arg17[%swap3A_215, %swap3A_216], %swap3A_219 {strides = array<i32>} : memref<80x128xf32, #tpu.memory_space<vmem>>, vector<1x16xf32>,
          %scan3A_220 = arith.constant 0 : i32
          scf.yield %scan3A_220 : i32
        }
        %scan3A_74 = arith.constant 80 : i32
        "tpu.region"() ({
          %run_scoped3A = tpu.sem_alloc : memref<!tpu.dma_semaphore, #tpu.memory_space<semaphore_mem>>
          %dma_start3A_76 = arith.constant 0 : i32
          %dma_start3A_77 = tpu.memref_slice %arg13[%scan3A_33, %dma_start3A_76] : memref<16x80xi32, #tpu.memory_space<vmem>> -> memref<1x80xi32, #tpu.memory_space<vmem>>
          %dma_start3A_78 = tpu.memref_squeeze %dma_start3A_77 : memref<1x80xi32, #tpu.memory_space<vmem>> -> memref<80xi32, #tpu.memory_space<vmem>>
          %dma_start3A_79 = arith.constant 0 : i32
          %dma_start3A_80 = arith.constant 0 : i32
          %dma_start3A_81 = tpu.memref_slice %arg10[%dma_start3A_79, %dma_start3A_80] : memref<10240x128xf32, #tpu.memory_space<vmem_shared>> -> memref<10240x128xf32, #tpu.memory_space<vmem_shared>>
          tpu.enqueue_indirect_dma source(%arg17 : memref<80x128xf32, #tpu.memory_space<vmem>>) target(%dma_start3A_81 : memref<10240x128xf32, #tpu.memory_space<vmem_shared>>) offsets(%dma_start3A_78 : memref<80xi32, #tpu.memory_space<vmem>>) semaphore(%run_scoped3A : memref<!tpu.dma_semaphore, #tpu.memory_space<semaphore_mem>>) {add = true}
          %dma_wait3A_82 = arith.constant 0 : i32
          %dma_wait3A_83 = tpu.memref_slice %arg13[%scan3A_33, %dma_wait3A_82] : memref<16x80xi32, #tpu.memory_space<vmem>> -> memref<1x80xi32, #tpu.memory_space<vmem>>
          %dma_wait3A_84 = tpu.memref_squeeze %dma_wait3A_83 : memref<1x80xi32, #tpu.memory_space<vmem>> -> memref<80xi32, #tpu.memory_space<vmem>>
          %dma_wait3A_85 = arith.constant 0 : i32
          %dma_wait3A_86 = arith.constant 0 : i32
          %dma_wait3A_87 = tpu.memref_slice %arg10[%dma_wait3A_85, %dma_wait3A_86] : memref<10240x128xf32, #tpu.memory_space<vmem_shared>> -> memref<10240x128xf32, #tpu.memory_space<vmem_shared>>
          tpu.wait_indirect_dma semaphore(%run_scoped3A : memref<!tpu.dma_semaphore, #tpu.memory_space<semaphore_mem>>) src(%arg17 : memref<80x128xf32, #tpu.memory_space<vmem>>) dst(%dma_wait3A_87 : memref<10240x128xf32, #tpu.memory_space<vmem_shared>>)
          tpu.yield
        }) : () -> ()
        %scan3A_75 = arith.constant 0 : i32
        scf.yield %scan3A_75 : i32
      }
      %scan3A_31 = arith.constant 16 : i32
      %scan3A_32 = arith.constant 0 : i32
      scf.yield %scan3A_32 : i32
    }
    %scan3A_15 = arith.constant 8 : i32
    %barrier3A_16 = arith.constant 0 : index
    tpu.barrier barrier_id(%barrier3A_16)
    %mul3A_17 = arith.constant 640 : i32
    %mul3A_18 = arith.muli %arg1, %mul3A_17 : i32
    %mul3A_19 = arith.constant 640 : i32
    %mul3A_20 = arith.muli %arg1, %mul3A_19 : i32
    "tpu.region"() ({
      %run_scoped3A = tpu.sem_alloc : memref<!tpu.dma_semaphore, #tpu.memory_space<semaphore_mem>>
      %dma_start3A = arith.constant 0 : i32
      %dma_start3A_21 = tpu.memref_slice %arg9[%arg0, %mul3A_20, %dma_start3A] : memref<2x10240x128xf32, #tpu.memory_space<hbm>> -> memref<1x640x128xf32, #tpu.memory_space<hbm>>
      %dma_start3A_22 = tpu.memref_squeeze %dma_start3A_21 : memref<1x640x128xf32, #tpu.memory_space<hbm>> -> memref<640x128xf32, #tpu.memory_space<hbm>>
      %dma_start3A_23 = arith.constant 0 : i32
      %dma_start3A_24 = tpu.memref_slice %arg10[%mul3A_18, %dma_start3A_23] : memref<10240x128xf32, #tpu.memory_space<vmem_shared>> -> memref<640x128xf32, #tpu.memory_space<vmem_shared>>
      tpu.enqueue_dma source(%dma_start3A_24 : memref<640x128xf32, #tpu.memory_space<vmem_shared>>) target(%dma_start3A_22 : memref<640x128xf32, #tpu.memory_space<hbm>>) target_semaphore(%run_scoped3A : memref<!tpu.dma_semaphore, #tpu.memory_space<semaphore_mem>>)
      %dma_wait3A = arith.constant 0 : i32
      %dma_wait3A_25 = tpu.memref_slice %arg9[%arg0, %mul3A_20, %dma_wait3A] : memref<2x10240x128xf32, #tpu.memory_space<hbm>> -> memref<1x640x128xf32, #tpu.memory_space<hbm>>
      %dma_wait3A_26 = tpu.memref_squeeze %dma_wait3A_25 : memref<1x640x128xf32, #tpu.memory_space<hbm>> -> memref<640x128xf32, #tpu.memory_space<hbm>>
      %dma_wait3A_27 = arith.constant 0 : i32
      %dma_wait3A_28 = tpu.memref_slice %arg10[%mul3A_18, %dma_wait3A_27] : memref<10240x128xf32, #tpu.memory_space<vmem_shared>> -> memref<640x128xf32, #tpu.memory_space<vmem_shared>>
      tpu.wait_dma2 semaphore(%run_scoped3A : memref<!tpu.dma_semaphore, #tpu.memory_space<semaphore_mem>>) src(%dma_wait3A_28 : memref<640x128xf32, #tpu.memory_space<vmem_shared>>) dst(%dma_wait3A_26 : memref<640x128xf32, #tpu.memory_space<hbm>>)
      tpu.yield
    }) : () -> ()
    return
  }
}

#map = affine_map<(d0, d1) -> (0, 0)>
#map1 = affine_map<(d0, d1) -> (0, 0, 0)>
module attributes {stable_mosaic.version = 14 : i64} {
  func.func @_edge_sc_body(%arg0: i32, %arg1: i32, %arg2: memref<20000x128xf32, #tpu.memory_space<hbm>>, %arg3: memref<20000x128xf32, #tpu.memory_space<hbm>>, %arg4: memref<163840x16xf32, #tpu.memory_space<hbm>>, %arg5: memref<2x2048x80xi32, #tpu.memory_space<hbm>>, %arg6: memref<2x2048x80xi32, #tpu.memory_space<hbm>>, %arg7: memref<2048x80xi32, #tpu.memory_space<hbm>>, %arg8: memref<640x128xf32, #tpu.memory_space<hbm>>, %arg9: memref<2x10240x128xf32, #tpu.memory_space<hbm>>, %arg10: memref<10240x128xf32, #tpu.memory_space<vmem_shared>>, %arg11: memref<16x80xi32, #tpu.memory_space<vmem>>, %arg12: memref<16x80xi32, #tpu.memory_space<vmem>>, %arg13: memref<16x80xi32, #tpu.memory_space<vmem>>, %arg14: memref<80x128xf32, #tpu.memory_space<vmem>>, %arg15: memref<80x128xf32, #tpu.memory_space<vmem>>, %arg16: memref<80x16xf32, #tpu.memory_space<vmem>>, %arg17: memref<80x128xf32, #tpu.memory_space<vmem>>, %arg18: memref<!tpu.dma_semaphore, #tpu.memory_space<semaphore_mem>>, %arg19: memref<!tpu.dma_semaphore, #tpu.memory_space<semaphore_mem>>, %arg20: memref<!tpu.dma_semaphore, #tpu.memory_space<semaphore_mem>>) attributes {dimension_semantics = [#tpu.dimension_semantics<core_parallel>, #tpu.dimension_semantics<subcore_parallel>], iteration_bounds = array<i64: 2, 16>, scalar_prefetch = 0 : i64, scratch_operands = 11 : i64, tpu.core_type = #tpu.core_type<sc_vector_subcore>, window_params = [{transform_indices = #map}, {transform_indices = #map}, {transform_indices = #map}, {transform_indices = #map1}, {transform_indices = #map1}, {transform_indices = #map}, {transform_indices = #map}, {transform_indices = #map1}]} {
    %mul3A = arith.constant 640 : i32
    %mul3A_0 = arith.muli %arg1, %mul3A : i32
    "tpu.region"() ({
      %run_scoped3A = tpu.sem_alloc : memref<!tpu.dma_semaphore, #tpu.memory_space<semaphore_mem>>
      %dma_start3A = arith.constant 0 : i32
      %dma_start3A_21 = tpu.memref_slice %arg10[%mul3A_0, %dma_start3A] : memref<10240x128xf32, #tpu.memory_space<vmem_shared>> -> memref<640x128xf32, #tpu.memory_space<vmem_shared>>
      tpu.enqueue_dma source(%arg8 : memref<640x128xf32, #tpu.memory_space<hbm>>) target(%dma_start3A_21 : memref<640x128xf32, #tpu.memory_space<vmem_shared>>) target_semaphore(%run_scoped3A : memref<!tpu.dma_semaphore, #tpu.memory_space<semaphore_mem>>)
      %dma_wait3A = arith.constant 0 : i32
      %dma_wait3A_22 = tpu.memref_slice %arg10[%mul3A_0, %dma_wait3A] : memref<10240x128xf32, #tpu.memory_space<vmem_shared>> -> memref<640x128xf32, #tpu.memory_space<vmem_shared>>
      tpu.wait_dma2 semaphore(%run_scoped3A : memref<!tpu.dma_semaphore, #tpu.memory_space<semaphore_mem>>) src(%arg8 : memref<640x128xf32, #tpu.memory_space<hbm>>) dst(%dma_wait3A_22 : memref<640x128xf32, #tpu.memory_space<vmem_shared>>)
      tpu.yield
    }) : () -> ()
    %scan3A = arith.constant 0 : i32
    %scan3A_1 = arith.constant 0 : i32
    %scan3A_2 = arith.constant 80 : i32
    %scan3A_3 = arith.addi %scan3A_1, %scan3A_2 : i32
    %scan3A_4 = arith.constant 1 : i32
    %scan3A_5 = scf.for %scan3A_21 = %scan3A_1 to %scan3A_3 step %scan3A_4 iter_args(%scan3A_22 = %scan3A) -> (i32)  : i32 {
      %broadcast_in_dim3A = arith.constant 0.000000e+00 : f32
      %broadcast_in_dim3A_23 = vector.broadcast %broadcast_in_dim3A : f32 to vector<16xf32>
      %swap3A = arith.index_cast %scan3A_21 : i32 to index
      %swap3A_24 = arith.constant 96 : index
      %swap3A_25 = tpu.vector_load %arg17[%swap3A, %swap3A_24] {strides = array<i32>} : memref<80x128xf32, #tpu.memory_space<vmem>>, vector<1x16xf32>,
      %swap3A_26 = vector.shape_cast %swap3A_25 : vector<1x16xf32> to vector<16xf32>
      %swap3A_27 = vector.shape_cast %broadcast_in_dim3A_23 : vector<16xf32> to vector<1x16xf32>
      tpu.vector_store %arg17[%swap3A, %swap3A_24], %swap3A_27 {strides = array<i32>} : memref<80x128xf32, #tpu.memory_space<vmem>>, vector<1x16xf32>,
      %swap3A_28 = arith.index_cast %scan3A_21 : i32 to index
      %swap3A_29 = arith.constant 112 : index
      %swap3A_30 = tpu.vector_load %arg17[%swap3A_28, %swap3A_29] {strides = array<i32>} : memref<80x128xf32, #tpu.memory_space<vmem>>, vector<1x16xf32>,
      %swap3A_31 = vector.shape_cast %swap3A_30 : vector<1x16xf32> to vector<16xf32>
      %swap3A_32 = vector.shape_cast %broadcast_in_dim3A_23 : vector<16xf32> to vector<1x16xf32>
      tpu.vector_store %arg17[%swap3A_28, %swap3A_29], %swap3A_32 {strides = array<i32>} : memref<80x128xf32, #tpu.memory_space<vmem>>, vector<1x16xf32>,
      %scan3A_33 = arith.constant 0 : i32
      scf.yield %scan3A_33 : i32
    }
    %scan3A_6 = arith.constant 80 : i32
    %barrier3A = arith.constant 0 : index
    tpu.barrier barrier_id(%barrier3A)
    %mul3A_7 = arith.constant 128 : i32
    %mul3A_8 = arith.muli %arg1, %mul3A_7 : i32
    %scan3A_9 = arith.constant 0 : i32
    %scan3A_10 = arith.constant 0 : i32
    %scan3A_11 = arith.constant 8 : i32
    %scan3A_12 = arith.addi %scan3A_10, %scan3A_11 : i32
    %scan3A_13 = arith.constant 1 : i32
    %scan3A_14 = scf.for %scan3A_21 = %scan3A_10 to %scan3A_12 step %scan3A_13 iter_args(%scan3A_22 = %scan3A_9) -> (i32)  : i32 {
      %mul3A_23 = arith.constant 16 : i32
      %mul3A_24 = arith.muli %scan3A_21, %mul3A_23 : i32
      %add3A = arith.addi %mul3A_8, %mul3A_24 : i32
      "tpu.region"() ({
        %run_scoped3A = tpu.sem_alloc : memref<!tpu.dma_semaphore, #tpu.memory_space<semaphore_mem>>
        %dma_start3A = arith.constant 0 : i32
        %dma_start3A_33 = tpu.memref_slice %arg5[%arg0, %add3A, %dma_start3A] : memref<2x2048x80xi32, #tpu.memory_space<hbm>> -> memref<1x16x80xi32, #tpu.memory_space<hbm>>
        %dma_start3A_34 = tpu.memref_squeeze %dma_start3A_33 : memref<1x16x80xi32, #tpu.memory_space<hbm>> -> memref<16x80xi32, #tpu.memory_space<hbm>>
        %dma_start3A_35 = arith.constant 0 : i32
        %dma_start3A_36 = tpu.memref_slice %arg5[%arg0, %add3A, %dma_start3A_35] : memref<2x2048x80xi32, #tpu.memory_space<hbm>> -> memref<1x16x80xi32, #tpu.memory_space<hbm>>
        %dma_start3A_37 = tpu.memref_squeeze %dma_start3A_36 : memref<1x16x80xi32, #tpu.memory_space<hbm>> -> memref<16x80xi32, #tpu.memory_space<hbm>>
        tpu.enqueue_dma source(%dma_start3A_37 : memref<16x80xi32, #tpu.memory_space<hbm>>) target(%arg11 : memref<16x80xi32, #tpu.memory_space<vmem>>) target_semaphore(%run_scoped3A : memref<!tpu.dma_semaphore, #tpu.memory_space<semaphore_mem>>)
        %dma_wait3A = arith.constant 0 : i32
        %dma_wait3A_38 = tpu.memref_slice %arg5[%arg0, %add3A, %dma_wait3A] : memref<2x2048x80xi32, #tpu.memory_space<hbm>> -> memref<1x16x80xi32, #tpu.memory_space<hbm>>
        %dma_wait3A_39 = tpu.memref_squeeze %dma_wait3A_38 : memref<1x16x80xi32, #tpu.memory_space<hbm>> -> memref<16x80xi32, #tpu.memory_space<hbm>>
        %dma_wait3A_40 = arith.constant 0 : i32
        %dma_wait3A_41 = tpu.memref_slice %arg5[%arg0, %add3A, %dma_wait3A_40] : memref<2x2048x80xi32, #tpu.memory_space<hbm>> -> memref<1x16x80xi32, #tpu.memory_space<hbm>>
        %dma_wait3A_42 = tpu.memref_squeeze %dma_wait3A_41 : memref<1x16x80xi32, #tpu.memory_space<hbm>> -> memref<16x80xi32, #tpu.memory_space<hbm>>
        tpu.wait_dma2 semaphore(%run_scoped3A : memref<!tpu.dma_semaphore, #tpu.memory_space<semaphore_mem>>) src(%dma_wait3A_42 : memref<16x80xi32, #tpu.memory_space<hbm>>) dst(%arg11 : memref<16x80xi32, #tpu.memory_space<vmem>>)
        tpu.yield
      }) : () -> ()
      "tpu.region"() ({
        %run_scoped3A = tpu.sem_alloc : memref<!tpu.dma_semaphore, #tpu.memory_space<semaphore_mem>>
        %dma_start3A = arith.constant 0 : i32
        %dma_start3A_33 = tpu.memref_slice %arg6[%arg0, %add3A, %dma_start3A] : memref<2x2048x80xi32, #tpu.memory_space<hbm>> -> memref<1x16x80xi32, #tpu.memory_space<hbm>>
        %dma_start3A_34 = tpu.memref_squeeze %dma_start3A_33 : memref<1x16x80xi32, #tpu.memory_space<hbm>> -> memref<16x80xi32, #tpu.memory_space<hbm>>
        %dma_start3A_35 = arith.constant 0 : i32
        %dma_start3A_36 = tpu.memref_slice %arg6[%arg0, %add3A, %dma_start3A_35] : memref<2x2048x80xi32, #tpu.memory_space<hbm>> -> memref<1x16x80xi32, #tpu.memory_space<hbm>>
        %dma_start3A_37 = tpu.memref_squeeze %dma_start3A_36 : memref<1x16x80xi32, #tpu.memory_space<hbm>> -> memref<16x80xi32, #tpu.memory_space<hbm>>
        tpu.enqueue_dma source(%dma_start3A_37 : memref<16x80xi32, #tpu.memory_space<hbm>>) target(%arg12 : memref<16x80xi32, #tpu.memory_space<vmem>>) target_semaphore(%run_scoped3A : memref<!tpu.dma_semaphore, #tpu.memory_space<semaphore_mem>>)
        %dma_wait3A = arith.constant 0 : i32
        %dma_wait3A_38 = tpu.memref_slice %arg6[%arg0, %add3A, %dma_wait3A] : memref<2x2048x80xi32, #tpu.memory_space<hbm>> -> memref<1x16x80xi32, #tpu.memory_space<hbm>>
        %dma_wait3A_39 = tpu.memref_squeeze %dma_wait3A_38 : memref<1x16x80xi32, #tpu.memory_space<hbm>> -> memref<16x80xi32, #tpu.memory_space<hbm>>
        %dma_wait3A_40 = arith.constant 0 : i32
        %dma_wait3A_41 = tpu.memref_slice %arg6[%arg0, %add3A, %dma_wait3A_40] : memref<2x2048x80xi32, #tpu.memory_space<hbm>> -> memref<1x16x80xi32, #tpu.memory_space<hbm>>
        %dma_wait3A_42 = tpu.memref_squeeze %dma_wait3A_41 : memref<1x16x80xi32, #tpu.memory_space<hbm>> -> memref<16x80xi32, #tpu.memory_space<hbm>>
        tpu.wait_dma2 semaphore(%run_scoped3A : memref<!tpu.dma_semaphore, #tpu.memory_space<semaphore_mem>>) src(%dma_wait3A_42 : memref<16x80xi32, #tpu.memory_space<hbm>>) dst(%arg12 : memref<16x80xi32, #tpu.memory_space<vmem>>)
        tpu.yield
      }) : () -> ()
      "tpu.region"() ({
        %run_scoped3A = tpu.sem_alloc : memref<!tpu.dma_semaphore, #tpu.memory_space<semaphore_mem>>
        %dma_start3A = arith.constant 0 : i32
        %dma_start3A_33 = tpu.memref_slice %arg7[%add3A, %dma_start3A] : memref<2048x80xi32, #tpu.memory_space<hbm>> -> memref<16x80xi32, #tpu.memory_space<hbm>>
        %dma_start3A_34 = arith.constant 0 : i32
        %dma_start3A_35 = tpu.memref_slice %arg7[%add3A, %dma_start3A_34] : memref<2048x80xi32, #tpu.memory_space<hbm>> -> memref<16x80xi32, #tpu.memory_space<hbm>>
        tpu.enqueue_dma source(%dma_start3A_35 : memref<16x80xi32, #tpu.memory_space<hbm>>) target(%arg13 : memref<16x80xi32, #tpu.memory_space<vmem>>) target_semaphore(%run_scoped3A : memref<!tpu.dma_semaphore, #tpu.memory_space<semaphore_mem>>)
        %dma_wait3A = arith.constant 0 : i32
        %dma_wait3A_36 = tpu.memref_slice %arg7[%add3A, %dma_wait3A] : memref<2048x80xi32, #tpu.memory_space<hbm>> -> memref<16x80xi32, #tpu.memory_space<hbm>>
        %dma_wait3A_37 = arith.constant 0 : i32
        %dma_wait3A_38 = tpu.memref_slice %arg7[%add3A, %dma_wait3A_37] : memref<2048x80xi32, #tpu.memory_space<hbm>> -> memref<16x80xi32, #tpu.memory_space<hbm>>
        tpu.wait_dma2 semaphore(%run_scoped3A : memref<!tpu.dma_semaphore, #tpu.memory_space<semaphore_mem>>) src(%dma_wait3A_38 : memref<16x80xi32, #tpu.memory_space<hbm>>) dst(%arg13 : memref<16x80xi32, #tpu.memory_space<vmem>>)
        tpu.yield
      }) : () -> ()
      %scan3A_25 = arith.constant 0 : i32
      %scan3A_26 = arith.constant 0 : i32
      %scan3A_27 = arith.constant 16 : i32
      %scan3A_28 = arith.addi %scan3A_26, %scan3A_27 : i32
      %scan3A_29 = arith.constant 1 : i32
      %scan3A_30 = scf.for %scan3A_33 = %scan3A_26 to %scan3A_28 step %scan3A_29 iter_args(%scan3A_34 = %scan3A_25) -> (i32)  : i32 {
        %add3A_35 = arith.addi %add3A, %scan3A_33 : i32
        %mul3A_36 = arith.constant 80 : i32
        %mul3A_37 = arith.muli %add3A_35, %mul3A_36 : i32
        %dma_start3A = arith.constant 0 : i32
        %dma_start3A_38 = tpu.memref_slice %arg11[%scan3A_33, %dma_start3A] : memref<16x80xi32, #tpu.memory_space<vmem>> -> memref<1x80xi32, #tpu.memory_space<vmem>>
        %dma_start3A_39 = tpu.memref_squeeze %dma_start3A_38 : memref<1x80xi32, #tpu.memory_space<vmem>> -> memref<80xi32, #tpu.memory_space<vmem>>
        %dma_start3A_40 = arith.constant 0 : i32
        %dma_start3A_41 = arith.constant 0 : i32
        %dma_start3A_42 = tpu.memref_slice %arg2[%dma_start3A_40, %dma_start3A_41] : memref<20000x128xf32, #tpu.memory_space<hbm>> -> memref<20000x128xf32, #tpu.memory_space<hbm>>
        tpu.enqueue_indirect_dma source(%dma_start3A_42 : memref<20000x128xf32, #tpu.memory_space<hbm>>) target(%arg14 : memref<80x128xf32, #tpu.memory_space<vmem>>) offsets(%dma_start3A_39 : memref<80xi32, #tpu.memory_space<vmem>>) semaphore(%arg18 : memref<!tpu.dma_semaphore, #tpu.memory_space<semaphore_mem>>)
        %dma_start3A_43 = arith.constant 0 : i32
        %dma_start3A_44 = tpu.memref_slice %arg12[%scan3A_33, %dma_start3A_43] : memref<16x80xi32, #tpu.memory_space<vmem>> -> memref<1x80xi32, #tpu.memory_space<vmem>>
        %dma_start3A_45 = tpu.memref_squeeze %dma_start3A_44 : memref<1x80xi32, #tpu.memory_space<vmem>> -> memref<80xi32, #tpu.memory_space<vmem>>
        %dma_start3A_46 = arith.constant 0 : i32
        %dma_start3A_47 = arith.constant 0 : i32
        %dma_start3A_48 = tpu.memref_slice %arg3[%dma_start3A_46, %dma_start3A_47] : memref<20000x128xf32, #tpu.memory_space<hbm>> -> memref<20000x128xf32, #tpu.memory_space<hbm>>
        tpu.enqueue_indirect_dma source(%dma_start3A_48 : memref<20000x128xf32, #tpu.memory_space<hbm>>) target(%arg15 : memref<80x128xf32, #tpu.memory_space<vmem>>) offsets(%dma_start3A_45 : memref<80xi32, #tpu.memory_space<vmem>>) semaphore(%arg19 : memref<!tpu.dma_semaphore, #tpu.memory_space<semaphore_mem>>)
        %dma_start3A_49 = arith.constant 0 : i32
        %dma_start3A_50 = tpu.memref_slice %arg4[%mul3A_37, %dma_start3A_49] : memref<163840x16xf32, #tpu.memory_space<hbm>> -> memref<80x16xf32, #tpu.memory_space<hbm>>
        %dma_start3A_51 = arith.constant 0 : i32
        %dma_start3A_52 = tpu.memref_slice %arg4[%mul3A_37, %dma_start3A_51] : memref<163840x16xf32, #tpu.memory_space<hbm>> -> memref<80x16xf32, #tpu.memory_space<hbm>>
        tpu.enqueue_dma source(%dma_start3A_52 : memref<80x16xf32, #tpu.memory_space<hbm>>) target(%arg16 : memref<80x16xf32, #tpu.memory_space<vmem>>) target_semaphore(%arg20 : memref<!tpu.dma_semaphore, #tpu.memory_space<semaphore_mem>>)
        %dma_wait3A = arith.constant 0 : i32
        %dma_wait3A_53 = tpu.memref_slice %arg11[%scan3A_33, %dma_wait3A] : memref<16x80xi32, #tpu.memory_space<vmem>> -> memref<1x80xi32, #tpu.memory_space<vmem>>
        %dma_wait3A_54 = tpu.memref_squeeze %dma_wait3A_53 : memref<1x80xi32, #tpu.memory_space<vmem>> -> memref<80xi32, #tpu.memory_space<vmem>>
        %dma_wait3A_55 = arith.constant 0 : i32
        %dma_wait3A_56 = arith.constant 0 : i32
        %dma_wait3A_57 = tpu.memref_slice %arg2[%dma_wait3A_55, %dma_wait3A_56] : memref<20000x128xf32, #tpu.memory_space<hbm>> -> memref<20000x128xf32, #tpu.memory_space<hbm>>
        tpu.wait_indirect_dma semaphore(%arg18 : memref<!tpu.dma_semaphore, #tpu.memory_space<semaphore_mem>>) src(%dma_wait3A_57 : memref<20000x128xf32, #tpu.memory_space<hbm>>) dst(%arg14 : memref<80x128xf32, #tpu.memory_space<vmem>>)
        %dma_wait3A_58 = arith.constant 0 : i32
        %dma_wait3A_59 = tpu.memref_slice %arg12[%scan3A_33, %dma_wait3A_58] : memref<16x80xi32, #tpu.memory_space<vmem>> -> memref<1x80xi32, #tpu.memory_space<vmem>>
        %dma_wait3A_60 = tpu.memref_squeeze %dma_wait3A_59 : memref<1x80xi32, #tpu.memory_space<vmem>> -> memref<80xi32, #tpu.memory_space<vmem>>
        %dma_wait3A_61 = arith.constant 0 : i32
        %dma_wait3A_62 = arith.constant 0 : i32
        %dma_wait3A_63 = tpu.memref_slice %arg3[%dma_wait3A_61, %dma_wait3A_62] : memref<20000x128xf32, #tpu.memory_space<hbm>> -> memref<20000x128xf32, #tpu.memory_space<hbm>>
        tpu.wait_indirect_dma semaphore(%arg19 : memref<!tpu.dma_semaphore, #tpu.memory_space<semaphore_mem>>) src(%dma_wait3A_63 : memref<20000x128xf32, #tpu.memory_space<hbm>>) dst(%arg15 : memref<80x128xf32, #tpu.memory_space<vmem>>)
        %dma_wait3A_64 = arith.constant 0 : i32
        %dma_wait3A_65 = tpu.memref_slice %arg4[%mul3A_37, %dma_wait3A_64] : memref<163840x16xf32, #tpu.memory_space<hbm>> -> memref<80x16xf32, #tpu.memory_space<hbm>>
        %dma_wait3A_66 = arith.constant 0 : i32
        %dma_wait3A_67 = tpu.memref_slice %arg4[%mul3A_37, %dma_wait3A_66] : memref<163840x16xf32, #tpu.memory_space<hbm>> -> memref<80x16xf32, #tpu.memory_space<hbm>>
        tpu.wait_dma2 semaphore(%arg20 : memref<!tpu.dma_semaphore, #tpu.memory_space<semaphore_mem>>) src(%dma_wait3A_67 : memref<80x16xf32, #tpu.memory_space<hbm>>) dst(%arg16 : memref<80x16xf32, #tpu.memory_space<vmem>>)
        %scan3A_68 = arith.constant 0 : i32
        %scan3A_69 = arith.constant 0 : i32
        %scan3A_70 = arith.constant 80 : i32
        %scan3A_71 = arith.addi %scan3A_69, %scan3A_70 : i32
        %scan3A_72 = arith.constant 1 : i32
        %scan3A_73 = scf.for %scan3A_76 = %scan3A_69 to %scan3A_71 step %scan3A_72 iter_args(%scan3A_77 = %scan3A_68) -> (i32)  : i32 {
          %get3A = arith.index_cast %scan3A_76 : i32 to index
          %get3A_78 = arith.constant 0 : index
          %get3A_79 = tpu.vector_load %arg16[%get3A, %get3A_78] {strides = array<i32>} : memref<80x16xf32, #tpu.memory_space<vmem>>, vector<1x16xf32>,
          %get3A_80 = vector.shape_cast %get3A_79 : vector<1x16xf32> to vector<16xf32>
          %get3A_81 = arith.index_cast %scan3A_76 : i32 to index
          %get3A_82 = arith.constant 64 : index
          %get3A_83 = tpu.vector_load %arg15[%get3A_81, %get3A_82] {strides = array<i32>} : memref<80x128xf32, #tpu.memory_space<vmem>>, vector<1x16xf32>,
          %get3A_84 = vector.shape_cast %get3A_83 : vector<1x16xf32> to vector<16xf32>
          %get3A_85 = arith.index_cast %scan3A_76 : i32 to index
          %get3A_86 = arith.constant 80 : index
          %get3A_87 = tpu.vector_load %arg15[%get3A_85, %get3A_86] {strides = array<i32>} : memref<80x128xf32, #tpu.memory_space<vmem>>, vector<1x16xf32>,
          %get3A_88 = vector.shape_cast %get3A_87 : vector<1x16xf32> to vector<16xf32>
          %get3A_89 = arith.index_cast %scan3A_76 : i32 to index
          %get3A_90 = arith.constant 0 : index
          %get3A_91 = tpu.vector_load %arg15[%get3A_89, %get3A_90] {strides = array<i32>} : memref<80x128xf32, #tpu.memory_space<vmem>>, vector<1x16xf32>,
          %get3A_92 = vector.shape_cast %get3A_91 : vector<1x16xf32> to vector<16xf32>
          %get3A_93 = arith.index_cast %scan3A_76 : i32 to index
          %get3A_94 = arith.constant 0 : index
          %get3A_95 = tpu.vector_load %arg14[%get3A_93, %get3A_94] {strides = array<i32>} : memref<80x128xf32, #tpu.memory_space<vmem>>, vector<1x16xf32>,
          %get3A_96 = vector.shape_cast %get3A_95 : vector<1x16xf32> to vector<16xf32>
          %mul3A_97 = arith.mulf %get3A_92, %get3A_96 : vector<16xf32>
          %get3A_98 = arith.index_cast %scan3A_76 : i32 to index
          %get3A_99 = arith.constant 16 : index
          %get3A_100 = tpu.vector_load %arg15[%get3A_98, %get3A_99] {strides = array<i32>} : memref<80x128xf32, #tpu.memory_space<vmem>>, vector<1x16xf32>,
          %get3A_101 = vector.shape_cast %get3A_100 : vector<1x16xf32> to vector<16xf32>
          %get3A_102 = arith.index_cast %scan3A_76 : i32 to index
          %get3A_103 = arith.constant 16 : index
          %get3A_104 = tpu.vector_load %arg14[%get3A_102, %get3A_103] {strides = array<i32>} : memref<80x128xf32, #tpu.memory_space<vmem>>, vector<1x16xf32>,
          %get3A_105 = vector.shape_cast %get3A_104 : vector<1x16xf32> to vector<16xf32>
          %mul3A_106 = arith.mulf %get3A_101, %get3A_105 : vector<16xf32>
          %add3A_107 = arith.addf %mul3A_97, %mul3A_106 : vector<16xf32>
          %get3A_108 = arith.index_cast %scan3A_76 : i32 to index
          %get3A_109 = arith.constant 32 : index
          %get3A_110 = tpu.vector_load %arg15[%get3A_108, %get3A_109] {strides = array<i32>} : memref<80x128xf32, #tpu.memory_space<vmem>>, vector<1x16xf32>,
          %get3A_111 = vector.shape_cast %get3A_110 : vector<1x16xf32> to vector<16xf32>
          %get3A_112 = arith.index_cast %scan3A_76 : i32 to index
          %get3A_113 = arith.constant 32 : index
          %get3A_114 = tpu.vector_load %arg14[%get3A_112, %get3A_113] {strides = array<i32>} : memref<80x128xf32, #tpu.memory_space<vmem>>, vector<1x16xf32>,
          %get3A_115 = vector.shape_cast %get3A_114 : vector<1x16xf32> to vector<16xf32>
          %mul3A_116 = arith.mulf %get3A_111, %get3A_115 : vector<16xf32>
          %add3A_117 = arith.addf %add3A_107, %mul3A_116 : vector<16xf32>
          %get3A_118 = arith.index_cast %scan3A_76 : i32 to index
          %get3A_119 = arith.constant 48 : index
          %get3A_120 = tpu.vector_load %arg15[%get3A_118, %get3A_119] {strides = array<i32>} : memref<80x128xf32, #tpu.memory_space<vmem>>, vector<1x16xf32>,
          %get3A_121 = vector.shape_cast %get3A_120 : vector<1x16xf32> to vector<16xf32>
          %get3A_122 = arith.index_cast %scan3A_76 : i32 to index
          %get3A_123 = arith.constant 48 : index
          %get3A_124 = tpu.vector_load %arg14[%get3A_122, %get3A_123] {strides = array<i32>} : memref<80x128xf32, #tpu.memory_space<vmem>>, vector<1x16xf32>,
          %get3A_125 = vector.shape_cast %get3A_124 : vector<1x16xf32> to vector<16xf32>
          %mul3A_126 = arith.mulf %get3A_121, %get3A_125 : vector<16xf32>
          %add3A_127 = arith.addf %add3A_117, %mul3A_126 : vector<16xf32>
          %mul3A_128 = arith.mulf %get3A_80, %get3A_84 : vector<16xf32>
          %add3A_129 = arith.addf %add3A_127, %mul3A_128 : vector<16xf32>
          %mul3A_130 = arith.constant 6.250000e-02 : f32
          %mul3A_131 = vector.broadcast %mul3A_130 : f32 to vector<16xf32>
          %mul3A_132 = arith.mulf %get3A_88, %mul3A_131 : vector<16xf32>
          %add3A_133 = arith.addf %add3A_129, %mul3A_132 : vector<16xf32>
          %add3A_134 = arith.addi %mul3A_37, %scan3A_76 : i32
          %lt3A = arith.constant 160000 : i32
          %lt3A_135 = arith.cmpi slt, %add3A_134, %lt3A : i32
          %convert_element_type3A = arith.extui %lt3A_135 : i1 to i32
          %convert_element_type3A_136 = arith.sitofp %convert_element_type3A : i32 to f32
          %iota3A = tpu.iota {dimensions = array<i32: 0>} : vector<16xi32>
          %xor3A = arith.constant 1 : i32
          %xor3A_137 = vector.broadcast %xor3A : i32 to vector<16xi32>
          %xor3A_138 = arith.xori %iota3A, %xor3A_137 : vector<16xi32>
          %broadcast_in_dim3A = vector.shape_cast %xor3A_138 : vector<16xi32> to vector<16x1xi32>
          %gather3A = vector.shape_cast %broadcast_in_dim3A : vector<16x1xi32> to vector<16xi32>
          %gather3A_139 = tpu.dynamic_gather %add3A_133[%gather3A] in [0] : vector<16xf32>, vector<16xi32> -> vector<16xf32>
          %add3A_140 = arith.addf %add3A_133, %gather3A_139 : vector<16xf32>
          %iota3A_141 = tpu.iota {dimensions = array<i32: 0>} : vector<16xi32>
          %xor3A_142 = arith.constant 2 : i32
          %xor3A_143 = vector.broadcast %xor3A_142 : i32 to vector<16xi32>
          %xor3A_144 = arith.xori %iota3A_141, %xor3A_143 : vector<16xi32>
          %broadcast_in_dim3A_145 = vector.shape_cast %xor3A_144 : vector<16xi32> to vector<16x1xi32>
          %gather3A_146 = vector.shape_cast %broadcast_in_dim3A_145 : vector<16x1xi32> to vector<16xi32>
          %gather3A_147 = tpu.dynamic_gather %add3A_140[%gather3A_146] in [0] : vector<16xf32>, vector<16xi32> -> vector<16xf32>
          %add3A_148 = arith.addf %add3A_140, %gather3A_147 : vector<16xf32>
          %iota3A_149 = tpu.iota {dimensions = array<i32: 0>} : vector<16xi32>
          %xor3A_150 = arith.constant 4 : i32
          %xor3A_151 = vector.broadcast %xor3A_150 : i32 to vector<16xi32>
          %xor3A_152 = arith.xori %iota3A_149, %xor3A_151 : vector<16xi32>
          %broadcast_in_dim3A_153 = vector.shape_cast %xor3A_152 : vector<16xi32> to vector<16x1xi32>
          %gather3A_154 = vector.shape_cast %broadcast_in_dim3A_153 : vector<16x1xi32> to vector<16xi32>
          %gather3A_155 = tpu.dynamic_gather %add3A_148[%gather3A_154] in [0] : vector<16xf32>, vector<16xi32> -> vector<16xf32>
          %add3A_156 = arith.addf %add3A_148, %gather3A_155 : vector<16xf32>
          %iota3A_157 = tpu.iota {dimensions = array<i32: 0>} : vector<16xi32>
          %xor3A_158 = arith.constant 8 : i32
          %xor3A_159 = vector.broadcast %xor3A_158 : i32 to vector<16xi32>
          %xor3A_160 = arith.xori %iota3A_157, %xor3A_159 : vector<16xi32>
          %broadcast_in_dim3A_161 = vector.shape_cast %xor3A_160 : vector<16xi32> to vector<16x1xi32>
          %gather3A_162 = vector.shape_cast %broadcast_in_dim3A_161 : vector<16x1xi32> to vector<16xi32>
          %gather3A_163 = tpu.dynamic_gather %add3A_156[%gather3A_162] in [0] : vector<16xf32>, vector<16xi32> -> vector<16xf32>
          %add3A_164 = arith.addf %add3A_156, %gather3A_163 : vector<16xf32>
          %mul3A_165 = arith.constant 1.250000e-01 : f32
          %mul3A_166 = vector.broadcast %mul3A_165 : f32 to vector<16xf32>
          %mul3A_167 = arith.mulf %add3A_164, %mul3A_166 : vector<16xf32>
          %exp3A = math.exp %mul3A_167 : vector<16xf32>
          %mul3A_168 = vector.broadcast %convert_element_type3A_136 : f32 to vector<16xf32>
          %mul3A_169 = arith.mulf %exp3A, %mul3A_168 : vector<16xf32>
          %get3A_170 = arith.index_cast %scan3A_76 : i32 to index
          %get3A_171 = arith.constant 64 : index
          %get3A_172 = tpu.vector_load %arg14[%get3A_170, %get3A_171] {strides = array<i32>} : memref<80x128xf32, #tpu.memory_space<vmem>>, vector<1x16xf32>,
          %get3A_173 = vector.shape_cast %get3A_172 : vector<1x16xf32> to vector<16xf32>
          %mul3A_174 = arith.mulf %get3A_173, %mul3A_169 : vector<16xf32>
          %swap3A = arith.index_cast %scan3A_76 : i32 to index
          %swap3A_175 = arith.constant 0 : index
          %swap3A_176 = tpu.vector_load %arg17[%swap3A, %swap3A_175] {strides = array<i32>} : memref<80x128xf32, #tpu.memory_space<vmem>>, vector<1x16xf32>,
          %swap3A_177 = vector.shape_cast %swap3A_176 : vector<1x16xf32> to vector<16xf32>
          %swap3A_178 = vector.shape_cast %mul3A_174 : vector<16xf32> to vector<1x16xf32>
          tpu.vector_store %arg17[%swap3A, %swap3A_175], %swap3A_178 {strides = array<i32>} : memref<80x128xf32, #tpu.memory_space<vmem>>, vector<1x16xf32>,
          %get3A_179 = arith.index_cast %scan3A_76 : i32 to index
          %get3A_180 = arith.constant 80 : index
          %get3A_181 = tpu.vector_load %arg14[%get3A_179, %get3A_180] {strides = array<i32>} : memref<80x128xf32, #tpu.memory_space<vmem>>, vector<1x16xf32>,
          %get3A_182 = vector.shape_cast %get3A_181 : vector<1x16xf32> to vector<16xf32>
          %mul3A_183 = arith.mulf %get3A_182, %mul3A_169 : vector<16xf32>
          %swap3A_184 = arith.index_cast %scan3A_76 : i32 to index
          %swap3A_185 = arith.constant 16 : index
          %swap3A_186 = tpu.vector_load %arg17[%swap3A_184, %swap3A_185] {strides = array<i32>} : memref<80x128xf32, #tpu.memory_space<vmem>>, vector<1x16xf32>,
          %swap3A_187 = vector.shape_cast %swap3A_186 : vector<1x16xf32> to vector<16xf32>
          %swap3A_188 = vector.shape_cast %mul3A_183 : vector<16xf32> to vector<1x16xf32>
          tpu.vector_store %arg17[%swap3A_184, %swap3A_185], %swap3A_188 {strides = array<i32>} : memref<80x128xf32, #tpu.memory_space<vmem>>, vector<1x16xf32>,
          %get3A_189 = arith.index_cast %scan3A_76 : i32 to index
          %get3A_190 = arith.constant 96 : index
          %get3A_191 = tpu.vector_load %arg14[%get3A_189, %get3A_190] {strides = array<i32>} : memref<80x128xf32, #tpu.memory_space<vmem>>, vector<1x16xf32>,
          %get3A_192 = vector.shape_cast %get3A_191 : vector<1x16xf32> to vector<16xf32>
          %mul3A_193 = arith.mulf %get3A_192, %mul3A_169 : vector<16xf32>
          %swap3A_194 = arith.index_cast %scan3A_76 : i32 to index
          %swap3A_195 = arith.constant 32 : index
          %swap3A_196 = tpu.vector_load %arg17[%swap3A_194, %swap3A_195] {strides = array<i32>} : memref<80x128xf32, #tpu.memory_space<vmem>>, vector<1x16xf32>,
          %swap3A_197 = vector.shape_cast %swap3A_196 : vector<1x16xf32> to vector<16xf32>
          %swap3A_198 = vector.shape_cast %mul3A_193 : vector<16xf32> to vector<1x16xf32>
          tpu.vector_store %arg17[%swap3A_194, %swap3A_195], %swap3A_198 {strides = array<i32>} : memref<80x128xf32, #tpu.memory_space<vmem>>, vector<1x16xf32>,
          %get3A_199 = arith.index_cast %scan3A_76 : i32 to index
          %get3A_200 = arith.constant 112 : index
          %get3A_201 = tpu.vector_load %arg14[%get3A_199, %get3A_200] {strides = array<i32>} : memref<80x128xf32, #tpu.memory_space<vmem>>, vector<1x16xf32>,
          %get3A_202 = vector.shape_cast %get3A_201 : vector<1x16xf32> to vector<16xf32>
          %mul3A_203 = arith.mulf %get3A_202, %mul3A_169 : vector<16xf32>
          %swap3A_204 = arith.index_cast %scan3A_76 : i32 to index
          %swap3A_205 = arith.constant 48 : index
          %swap3A_206 = tpu.vector_load %arg17[%swap3A_204, %swap3A_205] {strides = array<i32>} : memref<80x128xf32, #tpu.memory_space<vmem>>, vector<1x16xf32>,
          %swap3A_207 = vector.shape_cast %swap3A_206 : vector<1x16xf32> to vector<16xf32>
          %swap3A_208 = vector.shape_cast %mul3A_203 : vector<16xf32> to vector<1x16xf32>
          tpu.vector_store %arg17[%swap3A_204, %swap3A_205], %swap3A_208 {strides = array<i32>} : memref<80x128xf32, #tpu.memory_space<vmem>>, vector<1x16xf32>,
          %swap3A_209 = arith.index_cast %scan3A_76 : i32 to index
          %swap3A_210 = arith.constant 64 : index
          %swap3A_211 = tpu.vector_load %arg17[%swap3A_209, %swap3A_210] {strides = array<i32>} : memref<80x128xf32, #tpu.memory_space<vmem>>, vector<1x16xf32>,
          %swap3A_212 = vector.shape_cast %swap3A_211 : vector<1x16xf32> to vector<16xf32>
          %swap3A_213 = vector.shape_cast %mul3A_169 : vector<16xf32> to vector<1x16xf32>
          tpu.vector_store %arg17[%swap3A_209, %swap3A_210], %swap3A_213 {strides = array<i32>} : memref<80x128xf32, #tpu.memory_space<vmem>>, vector<1x16xf32>,
          %mul3A_214 = arith.mulf %get3A_80, %mul3A_169 : vector<16xf32>
          %swap3A_215 = arith.index_cast %scan3A_76 : i32 to index
          %swap3A_216 = arith.constant 80 : index
          %swap3A_217 = tpu.vector_load %arg17[%swap3A_215, %swap3A_216] {strides = array<i32>} : memref<80x128xf32, #tpu.memory_space<vmem>>, vector<1x16xf32>,
          %swap3A_218 = vector.shape_cast %swap3A_217 : vector<1x16xf32> to vector<16xf32>
          %swap3A_219 = vector.shape_cast %mul3A_214 : vector<16xf32> to vector<1x16xf32>
          tpu.vector_store %arg17[%swap3A_215, %swap3A_216], %swap3A_219 {strides = array<i32>} : memref<80x128xf32, #tpu.memory_space<vmem>>, vector<1x16xf32>,
          %scan3A_220 = arith.constant 0 : i32
          scf.yield %scan3A_220 : i32
        }
        %scan3A_74 = arith.constant 80 : i32
        "tpu.region"() ({
          %run_scoped3A = tpu.sem_alloc : memref<!tpu.dma_semaphore, #tpu.memory_space<semaphore_mem>>
          %dma_start3A_76 = arith.constant 0 : i32
          %dma_start3A_77 = tpu.memref_slice %arg13[%scan3A_33, %dma_start3A_76] : memref<16x80xi32, #tpu.memory_space<vmem>> -> memref<1x80xi32, #tpu.memory_space<vmem>>
          %dma_start3A_78 = tpu.memref_squeeze %dma_start3A_77 : memref<1x80xi32, #tpu.memory_space<vmem>> -> memref<80xi32, #tpu.memory_space<vmem>>
          %dma_start3A_79 = arith.constant 0 : i32
          %dma_start3A_80 = arith.constant 0 : i32
          %dma_start3A_81 = tpu.memref_slice %arg10[%dma_start3A_79, %dma_start3A_80] : memref<10240x128xf32, #tpu.memory_space<vmem_shared>> -> memref<10240x128xf32, #tpu.memory_space<vmem_shared>>
          tpu.enqueue_indirect_dma source(%arg17 : memref<80x128xf32, #tpu.memory_space<vmem>>) target(%dma_start3A_81 : memref<10240x128xf32, #tpu.memory_space<vmem_shared>>) offsets(%dma_start3A_78 : memref<80xi32, #tpu.memory_space<vmem>>) semaphore(%run_scoped3A : memref<!tpu.dma_semaphore, #tpu.memory_space<semaphore_mem>>) {add = true}
          %dma_wait3A_82 = arith.constant 0 : i32
          %dma_wait3A_83 = tpu.memref_slice %arg13[%scan3A_33, %dma_wait3A_82] : memref<16x80xi32, #tpu.memory_space<vmem>> -> memref<1x80xi32, #tpu.memory_space<vmem>>
          %dma_wait3A_84 = tpu.memref_squeeze %dma_wait3A_83 : memref<1x80xi32, #tpu.memory_space<vmem>> -> memref<80xi32, #tpu.memory_space<vmem>>
          %dma_wait3A_85 = arith.constant 0 : i32
          %dma_wait3A_86 = arith.constant 0 : i32
          %dma_wait3A_87 = tpu.memref_slice %arg10[%dma_wait3A_85, %dma_wait3A_86] : memref<10240x128xf32, #tpu.memory_space<vmem_shared>> -> memref<10240x128xf32, #tpu.memory_space<vmem_shared>>
          tpu.wait_indirect_dma semaphore(%run_scoped3A : memref<!tpu.dma_semaphore, #tpu.memory_space<semaphore_mem>>) src(%arg17 : memref<80x128xf32, #tpu.memory_space<vmem>>) dst(%dma_wait3A_87 : memref<10240x128xf32, #tpu.memory_space<vmem_shared>>)
          tpu.yield
        }) : () -> ()
        %scan3A_75 = arith.constant 0 : i32
        scf.yield %scan3A_75 : i32
      }
      %scan3A_31 = arith.constant 16 : i32
      %scan3A_32 = arith.constant 0 : i32
      scf.yield %scan3A_32 : i32
    }
    %scan3A_15 = arith.constant 8 : i32
    %barrier3A_16 = arith.constant 0 : index
    tpu.barrier barrier_id(%barrier3A_16)
    %mul3A_17 = arith.constant 640 : i32
    %mul3A_18 = arith.muli %arg1, %mul3A_17 : i32
    %mul3A_19 = arith.constant 640 : i32
    %mul3A_20 = arith.muli %arg1, %mul3A_19 : i32
    "tpu.region"() ({
      %run_scoped3A = tpu.sem_alloc : memref<!tpu.dma_semaphore, #tpu.memory_space<semaphore_mem>>
      %dma_start3A = arith.constant 0 : i32
      %dma_start3A_21 = tpu.memref_slice %arg9[%arg0, %mul3A_20, %dma_start3A] : memref<2x10240x128xf32, #tpu.memory_space<hbm>> -> memref<1x640x128xf32, #tpu.memory_space<hbm>>
      %dma_start3A_22 = tpu.memref_squeeze %dma_start3A_21 : memref<1x640x128xf32, #tpu.memory_space<hbm>> -> memref<640x128xf32, #tpu.memory_space<hbm>>
      %dma_start3A_23 = arith.constant 0 : i32
      %dma_start3A_24 = tpu.memref_slice %arg10[%mul3A_18, %dma_start3A_23] : memref<10240x128xf32, #tpu.memory_space<vmem_shared>> -> memref<640x128xf32, #tpu.memory_space<vmem_shared>>
      tpu.enqueue_dma source(%dma_start3A_24 : memref<640x128xf32, #tpu.memory_space<vmem_shared>>) target(%dma_start3A_22 : memref<640x128xf32, #tpu.memory_space<hbm>>) target_semaphore(%run_scoped3A : memref<!tpu.dma_semaphore, #tpu.memory_space<semaphore_mem>>)
      %dma_wait3A = arith.constant 0 : i32
      %dma_wait3A_25 = tpu.memref_slice %arg9[%arg0, %mul3A_20, %dma_wait3A] : memref<2x10240x128xf32, #tpu.memory_space<hbm>> -> memref<1x640x128xf32, #tpu.memory_space<hbm>>
      %dma_wait3A_26 = tpu.memref_squeeze %dma_wait3A_25 : memref<1x640x128xf32, #tpu.memory_space<hbm>> -> memref<640x128xf32, #tpu.memory_space<hbm>>
      %dma_wait3A_27 = arith.constant 0 : i32
      %dma_wait3A_28 = tpu.memref_slice %arg10[%mul3A_18, %dma_wait3A_27] : memref<10240x128xf32, #tpu.memory_space<vmem_shared>> -> memref<640x128xf32, #tpu.memory_space<vmem_shared>>
      tpu.wait_dma2 semaphore(%run_scoped3A : memref<!tpu.dma_semaphore, #tpu.memory_space<semaphore_mem>>) src(%dma_wait3A_28 : memref<640x128xf32, #tpu.memory_space<vmem_shared>>) dst(%dma_wait3A_26 : memref<640x128xf32, #tpu.memory_space<hbm>>)
      tpu.yield
    }) : () -> ()
    return
  }
}

#map = affine_map<(d0, d1) -> (0, 0)>
#map1 = affine_map<(d0, d1) -> (0, 0, 0)>
module attributes {stable_mosaic.version = 14 : i64} {
  func.func @_edge_sc_body(%arg0: i32, %arg1: i32, %arg2: memref<20000x128xf32, #tpu.memory_space<hbm>>, %arg3: memref<20000x128xf32, #tpu.memory_space<hbm>>, %arg4: memref<163840x16xf32, #tpu.memory_space<hbm>>, %arg5: memref<2x2048x80xi32, #tpu.memory_space<hbm>>, %arg6: memref<2x2048x80xi32, #tpu.memory_space<hbm>>, %arg7: memref<2048x80xi32, #tpu.memory_space<hbm>>, %arg8: memref<640x128xf32, #tpu.memory_space<hbm>>, %arg9: memref<2x10240x128xf32, #tpu.memory_space<hbm>>, %arg10: memref<10240x128xf32, #tpu.memory_space<vmem_shared>>, %arg11: memref<16x80xi32, #tpu.memory_space<vmem>>, %arg12: memref<16x80xi32, #tpu.memory_space<vmem>>, %arg13: memref<16x80xi32, #tpu.memory_space<vmem>>, %arg14: memref<80x128xf32, #tpu.memory_space<vmem>>, %arg15: memref<80x128xf32, #tpu.memory_space<vmem>>, %arg16: memref<80x16xf32, #tpu.memory_space<vmem>>, %arg17: memref<80x128xf32, #tpu.memory_space<vmem>>, %arg18: memref<!tpu.dma_semaphore, #tpu.memory_space<semaphore_mem>>, %arg19: memref<!tpu.dma_semaphore, #tpu.memory_space<semaphore_mem>>, %arg20: memref<!tpu.dma_semaphore, #tpu.memory_space<semaphore_mem>>) attributes {dimension_semantics = [#tpu.dimension_semantics<core_parallel>, #tpu.dimension_semantics<subcore_parallel>], iteration_bounds = array<i64: 2, 16>, scalar_prefetch = 0 : i64, scratch_operands = 11 : i64, tpu.core_type = #tpu.core_type<sc_vector_subcore>, window_params = [{transform_indices = #map}, {transform_indices = #map}, {transform_indices = #map}, {transform_indices = #map1}, {transform_indices = #map1}, {transform_indices = #map}, {transform_indices = #map}, {transform_indices = #map1}]} {
    %mul3A = arith.constant 640 : i32
    %mul3A_0 = arith.muli %arg1, %mul3A : i32
    "tpu.region"() ({
      %run_scoped3A = tpu.sem_alloc : memref<!tpu.dma_semaphore, #tpu.memory_space<semaphore_mem>>
      %dma_start3A = arith.constant 0 : i32
      %dma_start3A_21 = tpu.memref_slice %arg10[%mul3A_0, %dma_start3A] : memref<10240x128xf32, #tpu.memory_space<vmem_shared>> -> memref<640x128xf32, #tpu.memory_space<vmem_shared>>
      tpu.enqueue_dma source(%arg8 : memref<640x128xf32, #tpu.memory_space<hbm>>) target(%dma_start3A_21 : memref<640x128xf32, #tpu.memory_space<vmem_shared>>) target_semaphore(%run_scoped3A : memref<!tpu.dma_semaphore, #tpu.memory_space<semaphore_mem>>)
      %dma_wait3A = arith.constant 0 : i32
      %dma_wait3A_22 = tpu.memref_slice %arg10[%mul3A_0, %dma_wait3A] : memref<10240x128xf32, #tpu.memory_space<vmem_shared>> -> memref<640x128xf32, #tpu.memory_space<vmem_shared>>
      tpu.wait_dma2 semaphore(%run_scoped3A : memref<!tpu.dma_semaphore, #tpu.memory_space<semaphore_mem>>) src(%arg8 : memref<640x128xf32, #tpu.memory_space<hbm>>) dst(%dma_wait3A_22 : memref<640x128xf32, #tpu.memory_space<vmem_shared>>)
      tpu.yield
    }) : () -> ()
    %scan3A = arith.constant 0 : i32
    %scan3A_1 = arith.constant 0 : i32
    %scan3A_2 = arith.constant 80 : i32
    %scan3A_3 = arith.addi %scan3A_1, %scan3A_2 : i32
    %scan3A_4 = arith.constant 1 : i32
    %scan3A_5 = scf.for %scan3A_21 = %scan3A_1 to %scan3A_3 step %scan3A_4 iter_args(%scan3A_22 = %scan3A) -> (i32)  : i32 {
      %broadcast_in_dim3A = arith.constant 0.000000e+00 : f32
      %broadcast_in_dim3A_23 = vector.broadcast %broadcast_in_dim3A : f32 to vector<16xf32>
      %swap3A = arith.index_cast %scan3A_21 : i32 to index
      %swap3A_24 = arith.constant 96 : index
      %swap3A_25 = tpu.vector_load %arg17[%swap3A, %swap3A_24] {strides = array<i32>} : memref<80x128xf32, #tpu.memory_space<vmem>>, vector<1x16xf32>,
      %swap3A_26 = vector.shape_cast %swap3A_25 : vector<1x16xf32> to vector<16xf32>
      %swap3A_27 = vector.shape_cast %broadcast_in_dim3A_23 : vector<16xf32> to vector<1x16xf32>
      tpu.vector_store %arg17[%swap3A, %swap3A_24], %swap3A_27 {strides = array<i32>} : memref<80x128xf32, #tpu.memory_space<vmem>>, vector<1x16xf32>,
      %swap3A_28 = arith.index_cast %scan3A_21 : i32 to index
      %swap3A_29 = arith.constant 112 : index
      %swap3A_30 = tpu.vector_load %arg17[%swap3A_28, %swap3A_29] {strides = array<i32>} : memref<80x128xf32, #tpu.memory_space<vmem>>, vector<1x16xf32>,
      %swap3A_31 = vector.shape_cast %swap3A_30 : vector<1x16xf32> to vector<16xf32>
      %swap3A_32 = vector.shape_cast %broadcast_in_dim3A_23 : vector<16xf32> to vector<1x16xf32>
      tpu.vector_store %arg17[%swap3A_28, %swap3A_29], %swap3A_32 {strides = array<i32>} : memref<80x128xf32, #tpu.memory_space<vmem>>, vector<1x16xf32>,
      %scan3A_33 = arith.constant 0 : i32
      scf.yield %scan3A_33 : i32
    }
    %scan3A_6 = arith.constant 80 : i32
    %barrier3A = arith.constant 0 : index
    tpu.barrier barrier_id(%barrier3A)
    %mul3A_7 = arith.constant 128 : i32
    %mul3A_8 = arith.muli %arg1, %mul3A_7 : i32
    %scan3A_9 = arith.constant 0 : i32
    %scan3A_10 = arith.constant 0 : i32
    %scan3A_11 = arith.constant 8 : i32
    %scan3A_12 = arith.addi %scan3A_10, %scan3A_11 : i32
    %scan3A_13 = arith.constant 1 : i32
    %scan3A_14 = scf.for %scan3A_21 = %scan3A_10 to %scan3A_12 step %scan3A_13 iter_args(%scan3A_22 = %scan3A_9) -> (i32)  : i32 {
      %mul3A_23 = arith.constant 16 : i32
      %mul3A_24 = arith.muli %scan3A_21, %mul3A_23 : i32
      %add3A = arith.addi %mul3A_8, %mul3A_24 : i32
      "tpu.region"() ({
        %run_scoped3A = tpu.sem_alloc : memref<!tpu.dma_semaphore, #tpu.memory_space<semaphore_mem>>
        %dma_start3A = arith.constant 0 : i32
        %dma_start3A_33 = tpu.memref_slice %arg5[%arg0, %add3A, %dma_start3A] : memref<2x2048x80xi32, #tpu.memory_space<hbm>> -> memref<1x16x80xi32, #tpu.memory_space<hbm>>
        %dma_start3A_34 = tpu.memref_squeeze %dma_start3A_33 : memref<1x16x80xi32, #tpu.memory_space<hbm>> -> memref<16x80xi32, #tpu.memory_space<hbm>>
        %dma_start3A_35 = arith.constant 0 : i32
        %dma_start3A_36 = tpu.memref_slice %arg5[%arg0, %add3A, %dma_start3A_35] : memref<2x2048x80xi32, #tpu.memory_space<hbm>> -> memref<1x16x80xi32, #tpu.memory_space<hbm>>
        %dma_start3A_37 = tpu.memref_squeeze %dma_start3A_36 : memref<1x16x80xi32, #tpu.memory_space<hbm>> -> memref<16x80xi32, #tpu.memory_space<hbm>>
        tpu.enqueue_dma source(%dma_start3A_37 : memref<16x80xi32, #tpu.memory_space<hbm>>) target(%arg11 : memref<16x80xi32, #tpu.memory_space<vmem>>) target_semaphore(%run_scoped3A : memref<!tpu.dma_semaphore, #tpu.memory_space<semaphore_mem>>)
        %dma_wait3A = arith.constant 0 : i32
        %dma_wait3A_38 = tpu.memref_slice %arg5[%arg0, %add3A, %dma_wait3A] : memref<2x2048x80xi32, #tpu.memory_space<hbm>> -> memref<1x16x80xi32, #tpu.memory_space<hbm>>
        %dma_wait3A_39 = tpu.memref_squeeze %dma_wait3A_38 : memref<1x16x80xi32, #tpu.memory_space<hbm>> -> memref<16x80xi32, #tpu.memory_space<hbm>>
        %dma_wait3A_40 = arith.constant 0 : i32
        %dma_wait3A_41 = tpu.memref_slice %arg5[%arg0, %add3A, %dma_wait3A_40] : memref<2x2048x80xi32, #tpu.memory_space<hbm>> -> memref<1x16x80xi32, #tpu.memory_space<hbm>>
        %dma_wait3A_42 = tpu.memref_squeeze %dma_wait3A_41 : memref<1x16x80xi32, #tpu.memory_space<hbm>> -> memref<16x80xi32, #tpu.memory_space<hbm>>
        tpu.wait_dma2 semaphore(%run_scoped3A : memref<!tpu.dma_semaphore, #tpu.memory_space<semaphore_mem>>) src(%dma_wait3A_42 : memref<16x80xi32, #tpu.memory_space<hbm>>) dst(%arg11 : memref<16x80xi32, #tpu.memory_space<vmem>>)
        tpu.yield
      }) : () -> ()
      "tpu.region"() ({
        %run_scoped3A = tpu.sem_alloc : memref<!tpu.dma_semaphore, #tpu.memory_space<semaphore_mem>>
        %dma_start3A = arith.constant 0 : i32
        %dma_start3A_33 = tpu.memref_slice %arg6[%arg0, %add3A, %dma_start3A] : memref<2x2048x80xi32, #tpu.memory_space<hbm>> -> memref<1x16x80xi32, #tpu.memory_space<hbm>>
        %dma_start3A_34 = tpu.memref_squeeze %dma_start3A_33 : memref<1x16x80xi32, #tpu.memory_space<hbm>> -> memref<16x80xi32, #tpu.memory_space<hbm>>
        %dma_start3A_35 = arith.constant 0 : i32
        %dma_start3A_36 = tpu.memref_slice %arg6[%arg0, %add3A, %dma_start3A_35] : memref<2x2048x80xi32, #tpu.memory_space<hbm>> -> memref<1x16x80xi32, #tpu.memory_space<hbm>>
        %dma_start3A_37 = tpu.memref_squeeze %dma_start3A_36 : memref<1x16x80xi32, #tpu.memory_space<hbm>> -> memref<16x80xi32, #tpu.memory_space<hbm>>
        tpu.enqueue_dma source(%dma_start3A_37 : memref<16x80xi32, #tpu.memory_space<hbm>>) target(%arg12 : memref<16x80xi32, #tpu.memory_space<vmem>>) target_semaphore(%run_scoped3A : memref<!tpu.dma_semaphore, #tpu.memory_space<semaphore_mem>>)
        %dma_wait3A = arith.constant 0 : i32
        %dma_wait3A_38 = tpu.memref_slice %arg6[%arg0, %add3A, %dma_wait3A] : memref<2x2048x80xi32, #tpu.memory_space<hbm>> -> memref<1x16x80xi32, #tpu.memory_space<hbm>>
        %dma_wait3A_39 = tpu.memref_squeeze %dma_wait3A_38 : memref<1x16x80xi32, #tpu.memory_space<hbm>> -> memref<16x80xi32, #tpu.memory_space<hbm>>
        %dma_wait3A_40 = arith.constant 0 : i32
        %dma_wait3A_41 = tpu.memref_slice %arg6[%arg0, %add3A, %dma_wait3A_40] : memref<2x2048x80xi32, #tpu.memory_space<hbm>> -> memref<1x16x80xi32, #tpu.memory_space<hbm>>
        %dma_wait3A_42 = tpu.memref_squeeze %dma_wait3A_41 : memref<1x16x80xi32, #tpu.memory_space<hbm>> -> memref<16x80xi32, #tpu.memory_space<hbm>>
        tpu.wait_dma2 semaphore(%run_scoped3A : memref<!tpu.dma_semaphore, #tpu.memory_space<semaphore_mem>>) src(%dma_wait3A_42 : memref<16x80xi32, #tpu.memory_space<hbm>>) dst(%arg12 : memref<16x80xi32, #tpu.memory_space<vmem>>)
        tpu.yield
      }) : () -> ()
      "tpu.region"() ({
        %run_scoped3A = tpu.sem_alloc : memref<!tpu.dma_semaphore, #tpu.memory_space<semaphore_mem>>
        %dma_start3A = arith.constant 0 : i32
        %dma_start3A_33 = tpu.memref_slice %arg7[%add3A, %dma_start3A] : memref<2048x80xi32, #tpu.memory_space<hbm>> -> memref<16x80xi32, #tpu.memory_space<hbm>>
        %dma_start3A_34 = arith.constant 0 : i32
        %dma_start3A_35 = tpu.memref_slice %arg7[%add3A, %dma_start3A_34] : memref<2048x80xi32, #tpu.memory_space<hbm>> -> memref<16x80xi32, #tpu.memory_space<hbm>>
        tpu.enqueue_dma source(%dma_start3A_35 : memref<16x80xi32, #tpu.memory_space<hbm>>) target(%arg13 : memref<16x80xi32, #tpu.memory_space<vmem>>) target_semaphore(%run_scoped3A : memref<!tpu.dma_semaphore, #tpu.memory_space<semaphore_mem>>)
        %dma_wait3A = arith.constant 0 : i32
        %dma_wait3A_36 = tpu.memref_slice %arg7[%add3A, %dma_wait3A] : memref<2048x80xi32, #tpu.memory_space<hbm>> -> memref<16x80xi32, #tpu.memory_space<hbm>>
        %dma_wait3A_37 = arith.constant 0 : i32
        %dma_wait3A_38 = tpu.memref_slice %arg7[%add3A, %dma_wait3A_37] : memref<2048x80xi32, #tpu.memory_space<hbm>> -> memref<16x80xi32, #tpu.memory_space<hbm>>
        tpu.wait_dma2 semaphore(%run_scoped3A : memref<!tpu.dma_semaphore, #tpu.memory_space<semaphore_mem>>) src(%dma_wait3A_38 : memref<16x80xi32, #tpu.memory_space<hbm>>) dst(%arg13 : memref<16x80xi32, #tpu.memory_space<vmem>>)
        tpu.yield
      }) : () -> ()
      %scan3A_25 = arith.constant 0 : i32
      %scan3A_26 = arith.constant 0 : i32
      %scan3A_27 = arith.constant 16 : i32
      %scan3A_28 = arith.addi %scan3A_26, %scan3A_27 : i32
      %scan3A_29 = arith.constant 1 : i32
      %scan3A_30 = scf.for %scan3A_33 = %scan3A_26 to %scan3A_28 step %scan3A_29 iter_args(%scan3A_34 = %scan3A_25) -> (i32)  : i32 {
        %add3A_35 = arith.addi %add3A, %scan3A_33 : i32
        %mul3A_36 = arith.constant 80 : i32
        %mul3A_37 = arith.muli %add3A_35, %mul3A_36 : i32
        %dma_start3A = arith.constant 0 : i32
        %dma_start3A_38 = tpu.memref_slice %arg11[%scan3A_33, %dma_start3A] : memref<16x80xi32, #tpu.memory_space<vmem>> -> memref<1x80xi32, #tpu.memory_space<vmem>>
        %dma_start3A_39 = tpu.memref_squeeze %dma_start3A_38 : memref<1x80xi32, #tpu.memory_space<vmem>> -> memref<80xi32, #tpu.memory_space<vmem>>
        %dma_start3A_40 = arith.constant 0 : i32
        %dma_start3A_41 = arith.constant 0 : i32
        %dma_start3A_42 = tpu.memref_slice %arg2[%dma_start3A_40, %dma_start3A_41] : memref<20000x128xf32, #tpu.memory_space<hbm>> -> memref<20000x128xf32, #tpu.memory_space<hbm>>
        tpu.enqueue_indirect_dma source(%dma_start3A_42 : memref<20000x128xf32, #tpu.memory_space<hbm>>) target(%arg14 : memref<80x128xf32, #tpu.memory_space<vmem>>) offsets(%dma_start3A_39 : memref<80xi32, #tpu.memory_space<vmem>>) semaphore(%arg18 : memref<!tpu.dma_semaphore, #tpu.memory_space<semaphore_mem>>)
        %dma_start3A_43 = arith.constant 0 : i32
        %dma_start3A_44 = tpu.memref_slice %arg12[%scan3A_33, %dma_start3A_43] : memref<16x80xi32, #tpu.memory_space<vmem>> -> memref<1x80xi32, #tpu.memory_space<vmem>>
        %dma_start3A_45 = tpu.memref_squeeze %dma_start3A_44 : memref<1x80xi32, #tpu.memory_space<vmem>> -> memref<80xi32, #tpu.memory_space<vmem>>
        %dma_start3A_46 = arith.constant 0 : i32
        %dma_start3A_47 = arith.constant 0 : i32
        %dma_start3A_48 = tpu.memref_slice %arg3[%dma_start3A_46, %dma_start3A_47] : memref<20000x128xf32, #tpu.memory_space<hbm>> -> memref<20000x128xf32, #tpu.memory_space<hbm>>
        tpu.enqueue_indirect_dma source(%dma_start3A_48 : memref<20000x128xf32, #tpu.memory_space<hbm>>) target(%arg15 : memref<80x128xf32, #tpu.memory_space<vmem>>) offsets(%dma_start3A_45 : memref<80xi32, #tpu.memory_space<vmem>>) semaphore(%arg19 : memref<!tpu.dma_semaphore, #tpu.memory_space<semaphore_mem>>)
        %dma_start3A_49 = arith.constant 0 : i32
        %dma_start3A_50 = tpu.memref_slice %arg4[%mul3A_37, %dma_start3A_49] : memref<163840x16xf32, #tpu.memory_space<hbm>> -> memref<80x16xf32, #tpu.memory_space<hbm>>
        %dma_start3A_51 = arith.constant 0 : i32
        %dma_start3A_52 = tpu.memref_slice %arg4[%mul3A_37, %dma_start3A_51] : memref<163840x16xf32, #tpu.memory_space<hbm>> -> memref<80x16xf32, #tpu.memory_space<hbm>>
        tpu.enqueue_dma source(%dma_start3A_52 : memref<80x16xf32, #tpu.memory_space<hbm>>) target(%arg16 : memref<80x16xf32, #tpu.memory_space<vmem>>) target_semaphore(%arg20 : memref<!tpu.dma_semaphore, #tpu.memory_space<semaphore_mem>>)
        %dma_wait3A = arith.constant 0 : i32
        %dma_wait3A_53 = tpu.memref_slice %arg11[%scan3A_33, %dma_wait3A] : memref<16x80xi32, #tpu.memory_space<vmem>> -> memref<1x80xi32, #tpu.memory_space<vmem>>
        %dma_wait3A_54 = tpu.memref_squeeze %dma_wait3A_53 : memref<1x80xi32, #tpu.memory_space<vmem>> -> memref<80xi32, #tpu.memory_space<vmem>>
        %dma_wait3A_55 = arith.constant 0 : i32
        %dma_wait3A_56 = arith.constant 0 : i32
        %dma_wait3A_57 = tpu.memref_slice %arg2[%dma_wait3A_55, %dma_wait3A_56] : memref<20000x128xf32, #tpu.memory_space<hbm>> -> memref<20000x128xf32, #tpu.memory_space<hbm>>
        tpu.wait_indirect_dma semaphore(%arg18 : memref<!tpu.dma_semaphore, #tpu.memory_space<semaphore_mem>>) src(%dma_wait3A_57 : memref<20000x128xf32, #tpu.memory_space<hbm>>) dst(%arg14 : memref<80x128xf32, #tpu.memory_space<vmem>>)
        %dma_wait3A_58 = arith.constant 0 : i32
        %dma_wait3A_59 = tpu.memref_slice %arg12[%scan3A_33, %dma_wait3A_58] : memref<16x80xi32, #tpu.memory_space<vmem>> -> memref<1x80xi32, #tpu.memory_space<vmem>>
        %dma_wait3A_60 = tpu.memref_squeeze %dma_wait3A_59 : memref<1x80xi32, #tpu.memory_space<vmem>> -> memref<80xi32, #tpu.memory_space<vmem>>
        %dma_wait3A_61 = arith.constant 0 : i32
        %dma_wait3A_62 = arith.constant 0 : i32
        %dma_wait3A_63 = tpu.memref_slice %arg3[%dma_wait3A_61, %dma_wait3A_62] : memref<20000x128xf32, #tpu.memory_space<hbm>> -> memref<20000x128xf32, #tpu.memory_space<hbm>>
        tpu.wait_indirect_dma semaphore(%arg19 : memref<!tpu.dma_semaphore, #tpu.memory_space<semaphore_mem>>) src(%dma_wait3A_63 : memref<20000x128xf32, #tpu.memory_space<hbm>>) dst(%arg15 : memref<80x128xf32, #tpu.memory_space<vmem>>)
        %dma_wait3A_64 = arith.constant 0 : i32
        %dma_wait3A_65 = tpu.memref_slice %arg4[%mul3A_37, %dma_wait3A_64] : memref<163840x16xf32, #tpu.memory_space<hbm>> -> memref<80x16xf32, #tpu.memory_space<hbm>>
        %dma_wait3A_66 = arith.constant 0 : i32
        %dma_wait3A_67 = tpu.memref_slice %arg4[%mul3A_37, %dma_wait3A_66] : memref<163840x16xf32, #tpu.memory_space<hbm>> -> memref<80x16xf32, #tpu.memory_space<hbm>>
        tpu.wait_dma2 semaphore(%arg20 : memref<!tpu.dma_semaphore, #tpu.memory_space<semaphore_mem>>) src(%dma_wait3A_67 : memref<80x16xf32, #tpu.memory_space<hbm>>) dst(%arg16 : memref<80x16xf32, #tpu.memory_space<vmem>>)
        %scan3A_68 = arith.constant 0 : i32
        %scan3A_69 = arith.constant 0 : i32
        %scan3A_70 = arith.constant 80 : i32
        %scan3A_71 = arith.addi %scan3A_69, %scan3A_70 : i32
        %scan3A_72 = arith.constant 1 : i32
        %scan3A_73 = scf.for %scan3A_76 = %scan3A_69 to %scan3A_71 step %scan3A_72 iter_args(%scan3A_77 = %scan3A_68) -> (i32)  : i32 {
          %get3A = arith.index_cast %scan3A_76 : i32 to index
          %get3A_78 = arith.constant 0 : index
          %get3A_79 = tpu.vector_load %arg16[%get3A, %get3A_78] {strides = array<i32>} : memref<80x16xf32, #tpu.memory_space<vmem>>, vector<1x16xf32>,
          %get3A_80 = vector.shape_cast %get3A_79 : vector<1x16xf32> to vector<16xf32>
          %get3A_81 = arith.index_cast %scan3A_76 : i32 to index
          %get3A_82 = arith.constant 64 : index
          %get3A_83 = tpu.vector_load %arg15[%get3A_81, %get3A_82] {strides = array<i32>} : memref<80x128xf32, #tpu.memory_space<vmem>>, vector<1x16xf32>,
          %get3A_84 = vector.shape_cast %get3A_83 : vector<1x16xf32> to vector<16xf32>
          %get3A_85 = arith.index_cast %scan3A_76 : i32 to index
          %get3A_86 = arith.constant 80 : index
          %get3A_87 = tpu.vector_load %arg15[%get3A_85, %get3A_86] {strides = array<i32>} : memref<80x128xf32, #tpu.memory_space<vmem>>, vector<1x16xf32>,
          %get3A_88 = vector.shape_cast %get3A_87 : vector<1x16xf32> to vector<16xf32>
          %get3A_89 = arith.index_cast %scan3A_76 : i32 to index
          %get3A_90 = arith.constant 0 : index
          %get3A_91 = tpu.vector_load %arg15[%get3A_89, %get3A_90] {strides = array<i32>} : memref<80x128xf32, #tpu.memory_space<vmem>>, vector<1x16xf32>,
          %get3A_92 = vector.shape_cast %get3A_91 : vector<1x16xf32> to vector<16xf32>
          %get3A_93 = arith.index_cast %scan3A_76 : i32 to index
          %get3A_94 = arith.constant 0 : index
          %get3A_95 = tpu.vector_load %arg14[%get3A_93, %get3A_94] {strides = array<i32>} : memref<80x128xf32, #tpu.memory_space<vmem>>, vector<1x16xf32>,
          %get3A_96 = vector.shape_cast %get3A_95 : vector<1x16xf32> to vector<16xf32>
          %mul3A_97 = arith.mulf %get3A_92, %get3A_96 : vector<16xf32>
          %get3A_98 = arith.index_cast %scan3A_76 : i32 to index
          %get3A_99 = arith.constant 16 : index
          %get3A_100 = tpu.vector_load %arg15[%get3A_98, %get3A_99] {strides = array<i32>} : memref<80x128xf32, #tpu.memory_space<vmem>>, vector<1x16xf32>,
          %get3A_101 = vector.shape_cast %get3A_100 : vector<1x16xf32> to vector<16xf32>
          %get3A_102 = arith.index_cast %scan3A_76 : i32 to index
          %get3A_103 = arith.constant 16 : index
          %get3A_104 = tpu.vector_load %arg14[%get3A_102, %get3A_103] {strides = array<i32>} : memref<80x128xf32, #tpu.memory_space<vmem>>, vector<1x16xf32>,
          %get3A_105 = vector.shape_cast %get3A_104 : vector<1x16xf32> to vector<16xf32>
          %mul3A_106 = arith.mulf %get3A_101, %get3A_105 : vector<16xf32>
          %add3A_107 = arith.addf %mul3A_97, %mul3A_106 : vector<16xf32>
          %get3A_108 = arith.index_cast %scan3A_76 : i32 to index
          %get3A_109 = arith.constant 32 : index
          %get3A_110 = tpu.vector_load %arg15[%get3A_108, %get3A_109] {strides = array<i32>} : memref<80x128xf32, #tpu.memory_space<vmem>>, vector<1x16xf32>,
          %get3A_111 = vector.shape_cast %get3A_110 : vector<1x16xf32> to vector<16xf32>
          %get3A_112 = arith.index_cast %scan3A_76 : i32 to index
          %get3A_113 = arith.constant 32 : index
          %get3A_114 = tpu.vector_load %arg14[%get3A_112, %get3A_113] {strides = array<i32>} : memref<80x128xf32, #tpu.memory_space<vmem>>, vector<1x16xf32>,
          %get3A_115 = vector.shape_cast %get3A_114 : vector<1x16xf32> to vector<16xf32>
          %mul3A_116 = arith.mulf %get3A_111, %get3A_115 : vector<16xf32>
          %add3A_117 = arith.addf %add3A_107, %mul3A_116 : vector<16xf32>
          %get3A_118 = arith.index_cast %scan3A_76 : i32 to index
          %get3A_119 = arith.constant 48 : index
          %get3A_120 = tpu.vector_load %arg15[%get3A_118, %get3A_119] {strides = array<i32>} : memref<80x128xf32, #tpu.memory_space<vmem>>, vector<1x16xf32>,
          %get3A_121 = vector.shape_cast %get3A_120 : vector<1x16xf32> to vector<16xf32>
          %get3A_122 = arith.index_cast %scan3A_76 : i32 to index
          %get3A_123 = arith.constant 48 : index
          %get3A_124 = tpu.vector_load %arg14[%get3A_122, %get3A_123] {strides = array<i32>} : memref<80x128xf32, #tpu.memory_space<vmem>>, vector<1x16xf32>,
          %get3A_125 = vector.shape_cast %get3A_124 : vector<1x16xf32> to vector<16xf32>
          %mul3A_126 = arith.mulf %get3A_121, %get3A_125 : vector<16xf32>
          %add3A_127 = arith.addf %add3A_117, %mul3A_126 : vector<16xf32>
          %mul3A_128 = arith.mulf %get3A_80, %get3A_84 : vector<16xf32>
          %add3A_129 = arith.addf %add3A_127, %mul3A_128 : vector<16xf32>
          %mul3A_130 = arith.constant 6.250000e-02 : f32
          %mul3A_131 = vector.broadcast %mul3A_130 : f32 to vector<16xf32>
          %mul3A_132 = arith.mulf %get3A_88, %mul3A_131 : vector<16xf32>
          %add3A_133 = arith.addf %add3A_129, %mul3A_132 : vector<16xf32>
          %add3A_134 = arith.addi %mul3A_37, %scan3A_76 : i32
          %lt3A = arith.constant 160000 : i32
          %lt3A_135 = arith.cmpi slt, %add3A_134, %lt3A : i32
          %convert_element_type3A = arith.extui %lt3A_135 : i1 to i32
          %convert_element_type3A_136 = arith.sitofp %convert_element_type3A : i32 to f32
          %iota3A = tpu.iota {dimensions = array<i32: 0>} : vector<16xi32>
          %xor3A = arith.constant 1 : i32
          %xor3A_137 = vector.broadcast %xor3A : i32 to vector<16xi32>
          %xor3A_138 = arith.xori %iota3A, %xor3A_137 : vector<16xi32>
          %broadcast_in_dim3A = vector.shape_cast %xor3A_138 : vector<16xi32> to vector<16x1xi32>
          %gather3A = vector.shape_cast %broadcast_in_dim3A : vector<16x1xi32> to vector<16xi32>
          %gather3A_139 = tpu.dynamic_gather %add3A_133[%gather3A] in [0] : vector<16xf32>, vector<16xi32> -> vector<16xf32>
          %add3A_140 = arith.addf %add3A_133, %gather3A_139 : vector<16xf32>
          %iota3A_141 = tpu.iota {dimensions = array<i32: 0>} : vector<16xi32>
          %xor3A_142 = arith.constant 2 : i32
          %xor3A_143 = vector.broadcast %xor3A_142 : i32 to vector<16xi32>
          %xor3A_144 = arith.xori %iota3A_141, %xor3A_143 : vector<16xi32>
          %broadcast_in_dim3A_145 = vector.shape_cast %xor3A_144 : vector<16xi32> to vector<16x1xi32>
          %gather3A_146 = vector.shape_cast %broadcast_in_dim3A_145 : vector<16x1xi32> to vector<16xi32>
          %gather3A_147 = tpu.dynamic_gather %add3A_140[%gather3A_146] in [0] : vector<16xf32>, vector<16xi32> -> vector<16xf32>
          %add3A_148 = arith.addf %add3A_140, %gather3A_147 : vector<16xf32>
          %iota3A_149 = tpu.iota {dimensions = array<i32: 0>} : vector<16xi32>
          %xor3A_150 = arith.constant 4 : i32
          %xor3A_151 = vector.broadcast %xor3A_150 : i32 to vector<16xi32>
          %xor3A_152 = arith.xori %iota3A_149, %xor3A_151 : vector<16xi32>
          %broadcast_in_dim3A_153 = vector.shape_cast %xor3A_152 : vector<16xi32> to vector<16x1xi32>
          %gather3A_154 = vector.shape_cast %broadcast_in_dim3A_153 : vector<16x1xi32> to vector<16xi32>
          %gather3A_155 = tpu.dynamic_gather %add3A_148[%gather3A_154] in [0] : vector<16xf32>, vector<16xi32> -> vector<16xf32>
          %add3A_156 = arith.addf %add3A_148, %gather3A_155 : vector<16xf32>
          %iota3A_157 = tpu.iota {dimensions = array<i32: 0>} : vector<16xi32>
          %xor3A_158 = arith.constant 8 : i32
          %xor3A_159 = vector.broadcast %xor3A_158 : i32 to vector<16xi32>
          %xor3A_160 = arith.xori %iota3A_157, %xor3A_159 : vector<16xi32>
          %broadcast_in_dim3A_161 = vector.shape_cast %xor3A_160 : vector<16xi32> to vector<16x1xi32>
          %gather3A_162 = vector.shape_cast %broadcast_in_dim3A_161 : vector<16x1xi32> to vector<16xi32>
          %gather3A_163 = tpu.dynamic_gather %add3A_156[%gather3A_162] in [0] : vector<16xf32>, vector<16xi32> -> vector<16xf32>
          %add3A_164 = arith.addf %add3A_156, %gather3A_163 : vector<16xf32>
          %mul3A_165 = arith.constant 1.250000e-01 : f32
          %mul3A_166 = vector.broadcast %mul3A_165 : f32 to vector<16xf32>
          %mul3A_167 = arith.mulf %add3A_164, %mul3A_166 : vector<16xf32>
          %exp3A = math.exp %mul3A_167 : vector<16xf32>
          %mul3A_168 = vector.broadcast %convert_element_type3A_136 : f32 to vector<16xf32>
          %mul3A_169 = arith.mulf %exp3A, %mul3A_168 : vector<16xf32>
          %get3A_170 = arith.index_cast %scan3A_76 : i32 to index
          %get3A_171 = arith.constant 64 : index
          %get3A_172 = tpu.vector_load %arg14[%get3A_170, %get3A_171] {strides = array<i32>} : memref<80x128xf32, #tpu.memory_space<vmem>>, vector<1x16xf32>,
          %get3A_173 = vector.shape_cast %get3A_172 : vector<1x16xf32> to vector<16xf32>
          %mul3A_174 = arith.mulf %get3A_173, %mul3A_169 : vector<16xf32>
          %swap3A = arith.index_cast %scan3A_76 : i32 to index
          %swap3A_175 = arith.constant 0 : index
          %swap3A_176 = tpu.vector_load %arg17[%swap3A, %swap3A_175] {strides = array<i32>} : memref<80x128xf32, #tpu.memory_space<vmem>>, vector<1x16xf32>,
          %swap3A_177 = vector.shape_cast %swap3A_176 : vector<1x16xf32> to vector<16xf32>
          %swap3A_178 = vector.shape_cast %mul3A_174 : vector<16xf32> to vector<1x16xf32>
          tpu.vector_store %arg17[%swap3A, %swap3A_175], %swap3A_178 {strides = array<i32>} : memref<80x128xf32, #tpu.memory_space<vmem>>, vector<1x16xf32>,
          %get3A_179 = arith.index_cast %scan3A_76 : i32 to index
          %get3A_180 = arith.constant 80 : index
          %get3A_181 = tpu.vector_load %arg14[%get3A_179, %get3A_180] {strides = array<i32>} : memref<80x128xf32, #tpu.memory_space<vmem>>, vector<1x16xf32>,
          %get3A_182 = vector.shape_cast %get3A_181 : vector<1x16xf32> to vector<16xf32>
          %mul3A_183 = arith.mulf %get3A_182, %mul3A_169 : vector<16xf32>
          %swap3A_184 = arith.index_cast %scan3A_76 : i32 to index
          %swap3A_185 = arith.constant 16 : index
          %swap3A_186 = tpu.vector_load %arg17[%swap3A_184, %swap3A_185] {strides = array<i32>} : memref<80x128xf32, #tpu.memory_space<vmem>>, vector<1x16xf32>,
          %swap3A_187 = vector.shape_cast %swap3A_186 : vector<1x16xf32> to vector<16xf32>
          %swap3A_188 = vector.shape_cast %mul3A_183 : vector<16xf32> to vector<1x16xf32>
          tpu.vector_store %arg17[%swap3A_184, %swap3A_185], %swap3A_188 {strides = array<i32>} : memref<80x128xf32, #tpu.memory_space<vmem>>, vector<1x16xf32>,
          %get3A_189 = arith.index_cast %scan3A_76 : i32 to index
          %get3A_190 = arith.constant 96 : index
          %get3A_191 = tpu.vector_load %arg14[%get3A_189, %get3A_190] {strides = array<i32>} : memref<80x128xf32, #tpu.memory_space<vmem>>, vector<1x16xf32>,
          %get3A_192 = vector.shape_cast %get3A_191 : vector<1x16xf32> to vector<16xf32>
          %mul3A_193 = arith.mulf %get3A_192, %mul3A_169 : vector<16xf32>
          %swap3A_194 = arith.index_cast %scan3A_76 : i32 to index
          %swap3A_195 = arith.constant 32 : index
          %swap3A_196 = tpu.vector_load %arg17[%swap3A_194, %swap3A_195] {strides = array<i32>} : memref<80x128xf32, #tpu.memory_space<vmem>>, vector<1x16xf32>,
          %swap3A_197 = vector.shape_cast %swap3A_196 : vector<1x16xf32> to vector<16xf32>
          %swap3A_198 = vector.shape_cast %mul3A_193 : vector<16xf32> to vector<1x16xf32>
          tpu.vector_store %arg17[%swap3A_194, %swap3A_195], %swap3A_198 {strides = array<i32>} : memref<80x128xf32, #tpu.memory_space<vmem>>, vector<1x16xf32>,
          %get3A_199 = arith.index_cast %scan3A_76 : i32 to index
          %get3A_200 = arith.constant 112 : index
          %get3A_201 = tpu.vector_load %arg14[%get3A_199, %get3A_200] {strides = array<i32>} : memref<80x128xf32, #tpu.memory_space<vmem>>, vector<1x16xf32>,
          %get3A_202 = vector.shape_cast %get3A_201 : vector<1x16xf32> to vector<16xf32>
          %mul3A_203 = arith.mulf %get3A_202, %mul3A_169 : vector<16xf32>
          %swap3A_204 = arith.index_cast %scan3A_76 : i32 to index
          %swap3A_205 = arith.constant 48 : index
          %swap3A_206 = tpu.vector_load %arg17[%swap3A_204, %swap3A_205] {strides = array<i32>} : memref<80x128xf32, #tpu.memory_space<vmem>>, vector<1x16xf32>,
          %swap3A_207 = vector.shape_cast %swap3A_206 : vector<1x16xf32> to vector<16xf32>
          %swap3A_208 = vector.shape_cast %mul3A_203 : vector<16xf32> to vector<1x16xf32>
          tpu.vector_store %arg17[%swap3A_204, %swap3A_205], %swap3A_208 {strides = array<i32>} : memref<80x128xf32, #tpu.memory_space<vmem>>, vector<1x16xf32>,
          %swap3A_209 = arith.index_cast %scan3A_76 : i32 to index
          %swap3A_210 = arith.constant 64 : index
          %swap3A_211 = tpu.vector_load %arg17[%swap3A_209, %swap3A_210] {strides = array<i32>} : memref<80x128xf32, #tpu.memory_space<vmem>>, vector<1x16xf32>,
          %swap3A_212 = vector.shape_cast %swap3A_211 : vector<1x16xf32> to vector<16xf32>
          %swap3A_213 = vector.shape_cast %mul3A_169 : vector<16xf32> to vector<1x16xf32>
          tpu.vector_store %arg17[%swap3A_209, %swap3A_210], %swap3A_213 {strides = array<i32>} : memref<80x128xf32, #tpu.memory_space<vmem>>, vector<1x16xf32>,
          %mul3A_214 = arith.mulf %get3A_80, %mul3A_169 : vector<16xf32>
          %swap3A_215 = arith.index_cast %scan3A_76 : i32 to index
          %swap3A_216 = arith.constant 80 : index
          %swap3A_217 = tpu.vector_load %arg17[%swap3A_215, %swap3A_216] {strides = array<i32>} : memref<80x128xf32, #tpu.memory_space<vmem>>, vector<1x16xf32>,
          %swap3A_218 = vector.shape_cast %swap3A_217 : vector<1x16xf32> to vector<16xf32>
          %swap3A_219 = vector.shape_cast %mul3A_214 : vector<16xf32> to vector<1x16xf32>
          tpu.vector_store %arg17[%swap3A_215, %swap3A_216], %swap3A_219 {strides = array<i32>} : memref<80x128xf32, #tpu.memory_space<vmem>>, vector<1x16xf32>,
          %scan3A_220 = arith.constant 0 : i32
          scf.yield %scan3A_220 : i32
        }
        %scan3A_74 = arith.constant 80 : i32
        "tpu.region"() ({
          %run_scoped3A = tpu.sem_alloc : memref<!tpu.dma_semaphore, #tpu.memory_space<semaphore_mem>>
          %dma_start3A_76 = arith.constant 0 : i32
          %dma_start3A_77 = tpu.memref_slice %arg13[%scan3A_33, %dma_start3A_76] : memref<16x80xi32, #tpu.memory_space<vmem>> -> memref<1x80xi32, #tpu.memory_space<vmem>>
          %dma_start3A_78 = tpu.memref_squeeze %dma_start3A_77 : memref<1x80xi32, #tpu.memory_space<vmem>> -> memref<80xi32, #tpu.memory_space<vmem>>
          %dma_start3A_79 = arith.constant 0 : i32
          %dma_start3A_80 = arith.constant 0 : i32
          %dma_start3A_81 = tpu.memref_slice %arg10[%dma_start3A_79, %dma_start3A_80] : memref<10240x128xf32, #tpu.memory_space<vmem_shared>> -> memref<10240x128xf32, #tpu.memory_space<vmem_shared>>
          tpu.enqueue_indirect_dma source(%arg17 : memref<80x128xf32, #tpu.memory_space<vmem>>) target(%dma_start3A_81 : memref<10240x128xf32, #tpu.memory_space<vmem_shared>>) offsets(%dma_start3A_78 : memref<80xi32, #tpu.memory_space<vmem>>) semaphore(%run_scoped3A : memref<!tpu.dma_semaphore, #tpu.memory_space<semaphore_mem>>) {add = true}
          %dma_wait3A_82 = arith.constant 0 : i32
          %dma_wait3A_83 = tpu.memref_slice %arg13[%scan3A_33, %dma_wait3A_82] : memref<16x80xi32, #tpu.memory_space<vmem>> -> memref<1x80xi32, #tpu.memory_space<vmem>>
          %dma_wait3A_84 = tpu.memref_squeeze %dma_wait3A_83 : memref<1x80xi32, #tpu.memory_space<vmem>> -> memref<80xi32, #tpu.memory_space<vmem>>
          %dma_wait3A_85 = arith.constant 0 : i32
          %dma_wait3A_86 = arith.constant 0 : i32
          %dma_wait3A_87 = tpu.memref_slice %arg10[%dma_wait3A_85, %dma_wait3A_86] : memref<10240x128xf32, #tpu.memory_space<vmem_shared>> -> memref<10240x128xf32, #tpu.memory_space<vmem_shared>>
          tpu.wait_indirect_dma semaphore(%run_scoped3A : memref<!tpu.dma_semaphore, #tpu.memory_space<semaphore_mem>>) src(%arg17 : memref<80x128xf32, #tpu.memory_space<vmem>>) dst(%dma_wait3A_87 : memref<10240x128xf32, #tpu.memory_space<vmem_shared>>)
          tpu.yield
        }) : () -> ()
        %scan3A_75 = arith.constant 0 : i32
        scf.yield %scan3A_75 : i32
      }
      %scan3A_31 = arith.constant 16 : i32
      %scan3A_32 = arith.constant 0 : i32
      scf.yield %scan3A_32 : i32
    }
    %scan3A_15 = arith.constant 8 : i32
    %barrier3A_16 = arith.constant 0 : index
    tpu.barrier barrier_id(%barrier3A_16)
    %mul3A_17 = arith.constant 640 : i32
    %mul3A_18 = arith.muli %arg1, %mul3A_17 : i32
    %mul3A_19 = arith.constant 640 : i32
    %mul3A_20 = arith.muli %arg1, %mul3A_19 : i32
    "tpu.region"() ({
      %run_scoped3A = tpu.sem_alloc : memref<!tpu.dma_semaphore, #tpu.memory_space<semaphore_mem>>
      %dma_start3A = arith.constant 0 : i32
      %dma_start3A_21 = tpu.memref_slice %arg9[%arg0, %mul3A_20, %dma_start3A] : memref<2x10240x128xf32, #tpu.memory_space<hbm>> -> memref<1x640x128xf32, #tpu.memory_space<hbm>>
      %dma_start3A_22 = tpu.memref_squeeze %dma_start3A_21 : memref<1x640x128xf32, #tpu.memory_space<hbm>> -> memref<640x128xf32, #tpu.memory_space<hbm>>
      %dma_start3A_23 = arith.constant 0 : i32
      %dma_start3A_24 = tpu.memref_slice %arg10[%mul3A_18, %dma_start3A_23] : memref<10240x128xf32, #tpu.memory_space<vmem_shared>> -> memref<640x128xf32, #tpu.memory_space<vmem_shared>>
      tpu.enqueue_dma source(%dma_start3A_24 : memref<640x128xf32, #tpu.memory_space<vmem_shared>>) target(%dma_start3A_22 : memref<640x128xf32, #tpu.memory_space<hbm>>) target_semaphore(%run_scoped3A : memref<!tpu.dma_semaphore, #tpu.memory_space<semaphore_mem>>)
      %dma_wait3A = arith.constant 0 : i32
      %dma_wait3A_25 = tpu.memref_slice %arg9[%arg0, %mul3A_20, %dma_wait3A] : memref<2x10240x128xf32, #tpu.memory_space<hbm>> -> memref<1x640x128xf32, #tpu.memory_space<hbm>>
      %dma_wait3A_26 = tpu.memref_squeeze %dma_wait3A_25 : memref<1x640x128xf32, #tpu.memory_space<hbm>> -> memref<640x128xf32, #tpu.memory_space<hbm>>
      %dma_wait3A_27 = arith.constant 0 : i32
      %dma_wait3A_28 = tpu.memref_slice %arg10[%mul3A_18, %dma_wait3A_27] : memref<10240x128xf32, #tpu.memory_space<vmem_shared>> -> memref<640x128xf32, #tpu.memory_space<vmem_shared>>
      tpu.wait_dma2 semaphore(%run_scoped3A : memref<!tpu.dma_semaphore, #tpu.memory_space<semaphore_mem>>) src(%dma_wait3A_28 : memref<640x128xf32, #tpu.memory_space<vmem_shared>>) dst(%dma_wait3A_26 : memref<640x128xf32, #tpu.memory_space<hbm>>)
      tpu.yield
    }) : () -> ()
    return
  }
}

module attributes {stable_mosaic.version = 14 : i64} {
  func.func @_mm_body(%arg0: i32, %arg1: memref<1000x128xf32, #tpu.memory_space<vmem>>, %arg2: memref<128x576xf32, #tpu.memory_space<vmem>>, %arg3: memref<1x576xf32, #tpu.memory_space<vmem>>, %arg4: memref<2x128xf32, #tpu.memory_space<vmem>>, %arg5: memref<1x128xf32, #tpu.memory_space<vmem>>, %arg6: memref<1x128xf32, #tpu.memory_space<vmem>>, %arg7: memref<2x1000x128xf32, #tpu.memory_space<vmem>>, %arg8: memref<2x1000x128xf32, #tpu.memory_space<vmem>>, %arg9: memref<1000x128xf32, #tpu.memory_space<vmem>>) attributes {dimension_semantics = [#tpu.dimension_semantics<arbitrary>], iteration_bounds = array<i64: 10>, scalar_prefetch = 0 : i64, scratch_operands = 0 : i64, tpu.core_type = #tpu.core_type<tc>, window_params = [{transform_indices = @transform_0, window_bounds = array<i64: 1000, 128>}, {pipeline_mode = #tpu.pipeline_mode<synchronous>, transform_indices = @transform_1, window_bounds = array<i64: 128, 576>}, {pipeline_mode = #tpu.pipeline_mode<synchronous>, transform_indices = @transform_2, window_bounds = array<i64: 1, 576>}, {pipeline_mode = #tpu.pipeline_mode<synchronous>, transform_indices = @transform_3, window_bounds = array<i64: 2, 128>}, {pipeline_mode = #tpu.pipeline_mode<synchronous>, transform_indices = @transform_4, window_bounds = array<i64: 1, 128>}, {pipeline_mode = #tpu.pipeline_mode<synchronous>, transform_indices = @transform_5, window_bounds = array<i64: 1, 128>}, {transform_indices = @transform_6, window_bounds = array<i64: 2, 1000, 128>}, {transform_indices = @transform_7, window_bounds = array<i64: 2, 1000, 128>}, {transform_indices = @transform_8, window_bounds = array<i64: 1000, 128>}]} {
    %get3A = arith.constant 0 : index
    %get3A_0 = arith.constant 0 : index
    %get3A_1 = vector.load %arg1[%get3A, %get3A_0] : memref<1000x128xf32, #tpu.memory_space<vmem>>, vector<1000x128xf32>
    %get3A_2 = arith.constant 0 : index
    %get3A_3 = arith.constant 0 : index
    %get3A_4 = vector.load %arg2[%get3A_2, %get3A_3] : memref<128x576xf32, #tpu.memory_space<vmem>>, vector<128x576xf32>
    %dot_general3A = arith.constant dense<0.000000e+00> : vector<1000x576xf32>
    %dot_general3A_5 = tpu.matmul %get3A_1, %get3A_4, %dot_general3A {dimension_numbers = #tpu.dot_dimension_numbers<[1], [0], [0], [1], [0, 0, 1, 1], [], []>, transpose_lhs_hint = false} : vector<1000x128xf32>, vector<128x576xf32>, vector<1000x576xf32> -> vector<1000x576xf32>
    %get3A_6 = arith.constant 0 : index
    %get3A_7 = arith.constant 0 : index
    %get3A_8 = vector.load %arg3[%get3A_6, %get3A_7] : memref<1x576xf32, #tpu.memory_space<vmem>>, vector<1x576xf32>
    %add3A = vector.broadcast %get3A_8 : vector<1x576xf32> to vector<1000x576xf32>
    %add3A_9 = arith.addf %dot_general3A_5, %add3A : vector<1000x576xf32>
    %slice3A = vector.extract_strided_slice %add3A_9 {offsets = [0, 0], sizes = [1000, 128], strides = [1, 1]} : vector<1000x576xf32> to vector<1000x128xf32>
    %slice3A_10 = vector.extract_strided_slice %add3A_9 {offsets = [0, 128], sizes = [1000, 128], strides = [1, 1]} : vector<1000x576xf32> to vector<1000x128xf32>
    %stack3A = vector.shape_cast %slice3A : vector<1000x128xf32> to vector<1x1000x128xf32>
    %stack3A_11 = vector.shape_cast %slice3A_10 : vector<1000x128xf32> to vector<1x1000x128xf32>
    %stack3A_12 = tpu.concatenate %stack3A, %stack3A_11 in 0 : vector<1x1000x128xf32>, vector<1x1000x128xf32> -> vector<2x1000x128xf32>
    %swap3A = arith.constant 0 : index
    %swap3A_13 = arith.constant 0 : index
    %swap3A_14 = arith.constant 0 : index
    %swap3A_15 = vector.load %arg7[%swap3A, %swap3A_13, %swap3A_14] : memref<2x1000x128xf32, #tpu.memory_space<vmem>>, vector<2x1000x128xf32>
    tpu.vector_store %arg7[%swap3A, %swap3A_13, %swap3A_14], %stack3A_12 {strides = array<i32>} : memref<2x1000x128xf32, #tpu.memory_space<vmem>>, vector<2x1000x128xf32>,
    %broadcast_in_dim3A = arith.constant 0.000000e+00 : f32
    %broadcast_in_dim3A_16 = vector.broadcast %broadcast_in_dim3A : f32 to vector<1000x32xf32>
    %slice3A_17 = vector.extract_strided_slice %add3A_9 {offsets = [0, 256], sizes = [1000, 80], strides = [1, 1]} : vector<1000x576xf32> to vector<1000x80xf32>
    %slice3A_18 = vector.extract_strided_slice %add3A_9 {offsets = [0, 336], sizes = [1000, 1], strides = [1, 1]} : vector<1000x576xf32> to vector<1000x1xf32>
    %broadcast_in_dim3A_19 = vector.shape_cast %slice3A_18 : vector<1000x1xf32> to vector<1000x1xf32>
    %broadcast_in_dim3A_20 = vector.broadcast %broadcast_in_dim3A_19 : vector<1000x1xf32> to vector<1000x16xf32>
    %concatenate3A = tpu.concatenate %slice3A_17, %broadcast_in_dim3A_20, %broadcast_in_dim3A_16 in 1 : vector<1000x80xf32>, vector<1000x16xf32>, vector<1000x32xf32> -> vector<1000x128xf32>
    %slice3A_21 = vector.extract_strided_slice %add3A_9 {offsets = [0, 352], sizes = [1000, 80], strides = [1, 1]} : vector<1000x576xf32> to vector<1000x80xf32>
    %slice3A_22 = vector.extract_strided_slice %add3A_9 {offsets = [0, 432], sizes = [1000, 1], strides = [1, 1]} : vector<1000x576xf32> to vector<1000x1xf32>
    %broadcast_in_dim3A_23 = vector.shape_cast %slice3A_22 : vector<1000x1xf32> to vector<1000x1xf32>
    %broadcast_in_dim3A_24 = vector.broadcast %broadcast_in_dim3A_23 : vector<1000x1xf32> to vector<1000x16xf32>
    %concatenate3A_25 = tpu.concatenate %slice3A_21, %broadcast_in_dim3A_24, %broadcast_in_dim3A_16 in 1 : vector<1000x80xf32>, vector<1000x16xf32>, vector<1000x32xf32> -> vector<1000x128xf32>
    %stack3A_26 = vector.shape_cast %concatenate3A : vector<1000x128xf32> to vector<1x1000x128xf32>
    %stack3A_27 = vector.shape_cast %concatenate3A_25 : vector<1000x128xf32> to vector<1x1000x128xf32>
    %stack3A_28 = tpu.concatenate %stack3A_26, %stack3A_27 in 0 : vector<1x1000x128xf32>, vector<1x1000x128xf32> -> vector<2x1000x128xf32>
    %swap3A_29 = arith.constant 0 : index
    %swap3A_30 = arith.constant 0 : index
    %swap3A_31 = arith.constant 0 : index
    %swap3A_32 = vector.load %arg8[%swap3A_29, %swap3A_30, %swap3A_31] : memref<2x1000x128xf32, #tpu.memory_space<vmem>>, vector<2x1000x128xf32>
    tpu.vector_store %arg8[%swap3A_29, %swap3A_30, %swap3A_31], %stack3A_28 {strides = array<i32>} : memref<2x1000x128xf32, #tpu.memory_space<vmem>>, vector<2x1000x128xf32>,
    %slice3A_33 = vector.extract_strided_slice %add3A_9 {offsets = [0, 448], sizes = [1000, 128], strides = [1, 1]} : vector<1000x576xf32> to vector<1000x128xf32>
    %swap3A_34 = arith.constant 0 : index
    %swap3A_35 = arith.constant 0 : index
    %swap3A_36 = vector.load %arg9[%swap3A_34, %swap3A_35] : memref<1000x128xf32, #tpu.memory_space<vmem>>, vector<1000x128xf32>
    tpu.vector_store %arg9[%swap3A_34, %swap3A_35], %slice3A_33 {strides = array<i32>} : memref<1000x128xf32, #tpu.memory_space<vmem>>, vector<1000x128xf32>,
    return
  }
  func.func @transform_0(%arg0: i32) -> (i32, i32) {
    %c0_i32 = arith.constant 0 : i32
    %c0_i32_0 = arith.constant 0 : i32
    return %arg0, %c0_i32 : i32, i32
  }
  func.func @transform_1(%arg0: i32) -> (i32, i32) {
    %c0_i32 = arith.constant 0 : i32
    %c0_i32_0 = arith.constant 0 : i32
    %c0_i32_1 = arith.constant 0 : i32
    return %c0_i32, %c0_i32_0 : i32, i32
  }
  func.func @transform_2(%arg0: i32) -> (i32, i32) {
    %c0_i32 = arith.constant 0 : i32
    %c0_i32_0 = arith.constant 0 : i32
    %c0_i32_1 = arith.constant 0 : i32
    return %c0_i32, %c0_i32_0 : i32, i32
  }
  func.func @transform_3(%arg0: i32) -> (i32, i32) {
    %c0_i32 = arith.constant 0 : i32
    %c0_i32_0 = arith.constant 0 : i32
    %c0_i32_1 = arith.constant 0 : i32
    return %c0_i32, %c0_i32_0 : i32, i32
  }
  func.func @transform_4(%arg0: i32) -> (i32, i32) {
    %c0_i32 = arith.constant 0 : i32
    %c0_i32_0 = arith.constant 0 : i32
    %c0_i32_1 = arith.constant 0 : i32
    return %c0_i32, %c0_i32_0 : i32, i32
  }
  func.func @transform_5(%arg0: i32) -> (i32, i32) {
    %c0_i32 = arith.constant 0 : i32
    %c0_i32_0 = arith.constant 0 : i32
    %c0_i32_1 = arith.constant 0 : i32
    return %c0_i32, %c0_i32_0 : i32, i32
  }
  func.func @transform_6(%arg0: i32) -> (i32, i32, i32) {
    %c0_i32 = arith.constant 0 : i32
    %c0_i32_0 = arith.constant 0 : i32
    %c0_i32_1 = arith.constant 0 : i32
    return %c0_i32, %arg0, %c0_i32_0 : i32, i32, i32
  }
  func.func @transform_7(%arg0: i32) -> (i32, i32, i32) {
    %c0_i32 = arith.constant 0 : i32
    %c0_i32_0 = arith.constant 0 : i32
    %c0_i32_1 = arith.constant 0 : i32
    return %c0_i32, %arg0, %c0_i32_0 : i32, i32, i32
  }
  func.func @transform_8(%arg0: i32) -> (i32, i32) {
    %c0_i32 = arith.constant 0 : i32
    %c0_i32_0 = arith.constant 0 : i32
    return %arg0, %c0_i32 : i32, i32
  }
}

module attributes {stable_mosaic.version = 14 : i64} {
  func.func @_combine_body(%arg0: i32, %arg1: memref<2x1000x128xf32, #tpu.memory_space<vmem>>, %arg2: memref<1000x128xf32, #tpu.memory_space<vmem>>, %arg3: memref<16x128xf32, #tpu.memory_space<vmem>>, %arg4: memref<1x128xf32, #tpu.memory_space<vmem>>, %arg5: memref<1x128xf32, #tpu.memory_space<vmem>>, %arg6: memref<1x128xf32, #tpu.memory_space<vmem>>, %arg7: memref<128x64xf32, #tpu.memory_space<vmem>>, %arg8: memref<1x64xf32, #tpu.memory_space<vmem>>, %arg9: memref<1000x64xf32, #tpu.memory_space<vmem>>, %arg10: memref<2x64xf32, #tpu.memory_space<vmem>>, %arg11: memref<2x64xf32, #tpu.memory_space<vmem>>) attributes {dimension_semantics = [#tpu.dimension_semantics<arbitrary>], iteration_bounds = array<i64: 10>, scalar_prefetch = 0 : i64, scratch_operands = 1 : i64, tpu.core_type = #tpu.core_type<tc>, window_params = [{transform_indices = @transform_0, window_bounds = array<i64: 2, 1000, 128>}, {transform_indices = @transform_1, window_bounds = array<i64: 1000, 128>}, {pipeline_mode = #tpu.pipeline_mode<synchronous>, transform_indices = @transform_2, window_bounds = array<i64: 16, 128>}, {pipeline_mode = #tpu.pipeline_mode<synchronous>, transform_indices = @transform_3, window_bounds = array<i64: 1, 128>}, {pipeline_mode = #tpu.pipeline_mode<synchronous>, transform_indices = @transform_4, window_bounds = array<i64: 1, 128>}, {pipeline_mode = #tpu.pipeline_mode<synchronous>, transform_indices = @transform_5, window_bounds = array<i64: 1, 128>}, {pipeline_mode = #tpu.pipeline_mode<synchronous>, transform_indices = @transform_6, window_bounds = array<i64: 128, 64>}, {pipeline_mode = #tpu.pipeline_mode<synchronous>, transform_indices = @transform_7, window_bounds = array<i64: 1, 64>}, {transform_indices = @transform_8, window_bounds = array<i64: 1000, 64>}, {pipeline_mode = #tpu.pipeline_mode<synchronous>, transform_indices = @transform_9, window_bounds = array<i64: 2, 64>}]} {
    %get3A = arith.constant 0 : index
    %get3A_0 = arith.constant 0 : index
    %get3A_1 = arith.constant 0 : index
    %get3A_2 = vector.load %arg1[%get3A, %get3A_0, %get3A_1] : memref<2x1000x128xf32, #tpu.memory_space<vmem>>, vector<2x1000x128xf32>
    %get3A_3 = arith.constant 0 : index
    %get3A_4 = arith.constant 0 : index
    %get3A_5 = vector.load %arg3[%get3A_3, %get3A_4] : memref<16x128xf32, #tpu.memory_space<vmem>>, vector<16x128xf32>
    %slice3A = vector.extract_strided_slice %get3A_2 {offsets = [0, 0, 0], sizes = [1, 1000, 128], strides = [1, 1, 1]} : vector<2x1000x128xf32> to vector<1x1000x128xf32>
    %squeeze3A = vector.shape_cast %slice3A : vector<1x1000x128xf32> to vector<1000x128xf32>
    %slice3A_6 = vector.extract_strided_slice %squeeze3A {offsets = [0, 80], sizes = [1000, 16], strides = [1, 1]} : vector<1000x128xf32> to vector<1000x16xf32>
    %slice3A_7 = vector.extract_strided_slice %get3A_5 {offsets = [0, 0], sizes = [16, 64], strides = [1, 1]} : vector<16x128xf32> to vector<16x64xf32>
    %dot_general3A = arith.constant dense<0.000000e+00> : vector<1000x64xf32>
    %dot_general3A_8 = tpu.matmul %slice3A_6, %slice3A_7, %dot_general3A {dimension_numbers = #tpu.dot_dimension_numbers<[1], [0], [0], [1], [0, 0, 1, 1], [], []>, transpose_lhs_hint = false} : vector<1000x16xf32>, vector<16x64xf32>, vector<1000x64xf32> -> vector<1000x64xf32>
    %slice3A_9 = vector.extract_strided_slice %get3A_2 {offsets = [1, 0, 0], sizes = [1, 1000, 128], strides = [1, 1, 1]} : vector<2x1000x128xf32> to vector<1x1000x128xf32>
    %squeeze3A_10 = vector.shape_cast %slice3A_9 : vector<1x1000x128xf32> to vector<1000x128xf32>
    %slice3A_11 = vector.extract_strided_slice %squeeze3A_10 {offsets = [0, 80], sizes = [1000, 16], strides = [1, 1]} : vector<1000x128xf32> to vector<1000x16xf32>
    %slice3A_12 = vector.extract_strided_slice %get3A_5 {offsets = [0, 64], sizes = [16, 64], strides = [1, 1]} : vector<16x128xf32> to vector<16x64xf32>
    %dot_general3A_13 = arith.constant dense<0.000000e+00> : vector<1000x64xf32>
    %dot_general3A_14 = tpu.matmul %slice3A_11, %slice3A_12, %dot_general3A_13 {dimension_numbers = #tpu.dot_dimension_numbers<[1], [0], [0], [1], [0, 0, 1, 1], [], []>, transpose_lhs_hint = false} : vector<1000x16xf32>, vector<16x64xf32>, vector<1000x64xf32> -> vector<1000x64xf32>
    %slice3A_15 = vector.extract_strided_slice %get3A_2 {offsets = [0, 0, 0], sizes = [1, 1000, 128], strides = [1, 1, 1]} : vector<2x1000x128xf32> to vector<1x1000x128xf32>
    %squeeze3A_16 = vector.shape_cast %slice3A_15 : vector<1x1000x128xf32> to vector<1000x128xf32>
    %slice3A_17 = vector.extract_strided_slice %squeeze3A_16 {offsets = [0, 64], sizes = [1000, 16], strides = [1, 1]} : vector<1000x128xf32> to vector<1000x16xf32>
    %slice3A_18 = vector.extract_strided_slice %get3A_2 {offsets = [1, 0, 0], sizes = [1, 1000, 128], strides = [1, 1, 1]} : vector<2x1000x128xf32> to vector<1x1000x128xf32>
    %squeeze3A_19 = vector.shape_cast %slice3A_18 : vector<1x1000x128xf32> to vector<1000x128xf32>
    %slice3A_20 = vector.extract_strided_slice %squeeze3A_19 {offsets = [0, 64], sizes = [1000, 16], strides = [1, 1]} : vector<1000x128xf32> to vector<1000x16xf32>
    %concatenate3A = tpu.concatenate %slice3A_17, %slice3A_17, %slice3A_17, %slice3A_17, %slice3A_20, %slice3A_20, %slice3A_20, %slice3A_20 in 1 : vector<1000x16xf32>, vector<1000x16xf32>, vector<1000x16xf32>, vector<1000x16xf32>, vector<1000x16xf32>, vector<1000x16xf32>, vector<1000x16xf32>, vector<1000x16xf32> -> vector<1000x128xf32>
    %slice3A_21 = vector.extract_strided_slice %get3A_2 {offsets = [0, 0, 0], sizes = [1, 1000, 128], strides = [1, 1, 1]} : vector<2x1000x128xf32> to vector<1x1000x128xf32>
    %squeeze3A_22 = vector.shape_cast %slice3A_21 : vector<1x1000x128xf32> to vector<1000x128xf32>
    %slice3A_23 = vector.extract_strided_slice %squeeze3A_22 {offsets = [0, 0], sizes = [1000, 64], strides = [1, 1]} : vector<1000x128xf32> to vector<1000x64xf32>
    %add3A = arith.addf %slice3A_23, %dot_general3A_8 : vector<1000x64xf32>
    %slice3A_24 = vector.extract_strided_slice %get3A_2 {offsets = [1, 0, 0], sizes = [1, 1000, 128], strides = [1, 1, 1]} : vector<2x1000x128xf32> to vector<1x1000x128xf32>
    %squeeze3A_25 = vector.shape_cast %slice3A_24 : vector<1x1000x128xf32> to vector<1000x128xf32>
    %slice3A_26 = vector.extract_strided_slice %squeeze3A_25 {offsets = [0, 0], sizes = [1000, 64], strides = [1, 1]} : vector<1000x128xf32> to vector<1000x64xf32>
    %add3A_27 = arith.addf %slice3A_26, %dot_general3A_14 : vector<1000x64xf32>
    %concatenate3A_28 = tpu.concatenate %add3A, %add3A_27 in 1 : vector<1000x64xf32>, vector<1000x64xf32> -> vector<1000x128xf32>
    %get3A_29 = arith.constant 0 : index
    %get3A_30 = arith.constant 0 : index
    %get3A_31 = vector.load %arg4[%get3A_29, %get3A_30] : memref<1x128xf32, #tpu.memory_space<vmem>>, vector<1x128xf32>
    %mul3A = vector.broadcast %get3A_31 : vector<1x128xf32> to vector<1000x128xf32>
    %mul3A_32 = arith.mulf %mul3A, %concatenate3A : vector<1000x128xf32>
    %add3A_33 = arith.addf %concatenate3A_28, %mul3A_32 : vector<1000x128xf32>
    %add3A_34 = arith.constant 1.000000e-16 : f32
    %add3A_35 = vector.broadcast %add3A_34 : f32 to vector<1000x128xf32>
    %add3A_36 = arith.addf %concatenate3A, %add3A_35 : vector<1000x128xf32>
    %div3A = arith.divf %add3A_33, %add3A_36 : vector<1000x128xf32>
    %get3A_37 = arith.constant 0 : index
    %get3A_38 = arith.constant 0 : index
    %get3A_39 = vector.load %arg2[%get3A_37, %get3A_38] : memref<1000x128xf32, #tpu.memory_space<vmem>>, vector<1000x128xf32>
    %get3A_40 = arith.constant 0 : index
    %get3A_41 = arith.constant 0 : index
    %get3A_42 = vector.load %arg5[%get3A_40, %get3A_41] : memref<1x128xf32, #tpu.memory_space<vmem>>, vector<1x128xf32>
    %mul3A_43 = vector.broadcast %get3A_42 : vector<1x128xf32> to vector<1000x128xf32>
    %mul3A_44 = arith.mulf %div3A, %mul3A_43 : vector<1000x128xf32>
    %reduce_sum3A = arith.constant dense<0.000000e+00> : vector<1000xf32>
    %reduce_sum3A_45 = vector.multi_reduction <add>, %mul3A_44, %reduce_sum3A [1] : vector<1000x128xf32> to vector<1000xf32>
    %broadcast_in_dim3A = vector.shape_cast %reduce_sum3A_45 : vector<1000xf32> to vector<1000x1xf32>
    %get3A_46 = arith.constant 0 : index
    %get3A_47 = arith.constant 0 : index
    %get3A_48 = vector.load %arg6[%get3A_46, %get3A_47] : memref<1x128xf32, #tpu.memory_space<vmem>>, vector<1x128xf32>
    %mul3A_49 = vector.broadcast %get3A_48 : vector<1x128xf32> to vector<1000x128xf32>
    %mul3A_50 = arith.mulf %get3A_39, %mul3A_49 : vector<1000x128xf32>
    %reduce_sum3A_51 = arith.constant dense<0.000000e+00> : vector<1000xf32>
    %reduce_sum3A_52 = vector.multi_reduction <add>, %mul3A_50, %reduce_sum3A_51 [1] : vector<1000x128xf32> to vector<1000xf32>
    %broadcast_in_dim3A_53 = vector.shape_cast %reduce_sum3A_52 : vector<1000xf32> to vector<1000x1xf32>
    %add3A_54 = arith.addf %broadcast_in_dim3A, %broadcast_in_dim3A_53 : vector<1000x1xf32>
    %logistic3A = arith.negf %add3A_54 : vector<1000x1xf32>
    %logistic3A_55 = math.exp %logistic3A : vector<1000x1xf32>
    %logistic3A_56 = arith.constant 1.000000e+00 : f32
    %logistic3A_57 = vector.broadcast %logistic3A_56 : f32 to vector<1000x1xf32>
    %logistic3A_58 = arith.addf %logistic3A_57, %logistic3A_55 : vector<1000x1xf32>
    %logistic3A_59 = arith.divf %logistic3A_57, %logistic3A_58 : vector<1000x1xf32>
    %mul3A_60 = vector.broadcast %logistic3A_59 : vector<1000x1xf32> to vector<1000x128xf32>
    %mul3A_61 = arith.mulf %mul3A_60, %get3A_39 : vector<1000x128xf32>
    %sub3A = arith.constant 1.000000e+00 : f32
    %sub3A_62 = vector.broadcast %sub3A : f32 to vector<1000x1xf32>
    %sub3A_63 = arith.subf %sub3A_62, %logistic3A_59 : vector<1000x1xf32>
    %mul3A_64 = vector.broadcast %sub3A_63 : vector<1000x1xf32> to vector<1000x128xf32>
    %mul3A_65 = arith.mulf %mul3A_64, %div3A : vector<1000x128xf32>
    %add3A_66 = arith.addf %mul3A_61, %mul3A_65 : vector<1000x128xf32>
    %get3A_67 = arith.constant 0 : index
    %get3A_68 = arith.constant 0 : index
    %get3A_69 = vector.load %arg7[%get3A_67, %get3A_68] : memref<128x64xf32, #tpu.memory_space<vmem>>, vector<128x64xf32>
    %dot_general3A_70 = arith.constant dense<0.000000e+00> : vector<1000x64xf32>
    %dot_general3A_71 = tpu.matmul %add3A_66, %get3A_69, %dot_general3A_70 {dimension_numbers = #tpu.dot_dimension_numbers<[1], [0], [0], [1], [0, 0, 1, 1], [], []>, transpose_lhs_hint = false} : vector<1000x128xf32>, vector<128x64xf32>, vector<1000x64xf32> -> vector<1000x64xf32>
    %get3A_72 = arith.constant 0 : index
    %get3A_73 = arith.constant 0 : index
    %get3A_74 = vector.load %arg8[%get3A_72, %get3A_73] : memref<1x64xf32, #tpu.memory_space<vmem>>, vector<1x64xf32>
    %add3A_75 = vector.broadcast %get3A_74 : vector<1x64xf32> to vector<1000x64xf32>
    %add3A_76 = arith.addf %dot_general3A_71, %add3A_75 : vector<1000x64xf32>
    %gt3A = arith.constant 0.000000e+00 : f32
    %gt3A_77 = vector.broadcast %gt3A : f32 to vector<1000x64xf32>
    %gt3A_78 = arith.cmpf ogt, %add3A_76, %gt3A_77 : vector<1000x64xf32>
    %mul3A_79 = arith.constant 0.00999999977 : f32
    %mul3A_80 = vector.broadcast %mul3A_79 : f32 to vector<1000x64xf32>
    %mul3A_81 = arith.mulf %mul3A_80, %add3A_76 : vector<1000x64xf32>
    %select_n3A = arith.select %gt3A_78, %add3A_76, %mul3A_81 : vector<1000x64xi1>, vector<1000x64xf32>
    %swap3A = arith.constant 0 : index
    %swap3A_82 = arith.constant 0 : index
    %swap3A_83 = vector.load %arg9[%swap3A, %swap3A_82] : memref<1000x64xf32, #tpu.memory_space<vmem>>, vector<1000x64xf32>
    tpu.vector_store %arg9[%swap3A, %swap3A_82], %select_n3A {strides = array<i32>} : memref<1000x64xf32, #tpu.memory_space<vmem>>, vector<1000x64xf32>,
    %eq3A = arith.constant 0 : i32
    %eq3A_84 = arith.cmpi eq, %arg0, %eq3A : i32
    %convert_element_type3A = arith.extui %eq3A_84 : i1 to i32
    %cond3A = arith.constant 0 : i32
    %cond3A_85 = arith.cmpi ne, %convert_element_type3A, %cond3A : i32
    scf.if %cond3A_85 {
      %broadcast_in_dim3A_112 = arith.constant 0.000000e+00 : f32
      %broadcast_in_dim3A_113 = vector.broadcast %broadcast_in_dim3A_112 : f32 to vector<2x64xf32>
      %swap3A_114 = arith.constant 0 : index
      %swap3A_115 = arith.constant 0 : index
      %swap3A_116 = vector.load %arg11[%swap3A_114, %swap3A_115] : memref<2x64xf32, #tpu.memory_space<vmem>>, vector<2x64xf32>
      tpu.vector_store %arg11[%swap3A_114, %swap3A_115], %broadcast_in_dim3A_113 {strides = array<i32>} : memref<2x64xf32, #tpu.memory_space<vmem>>, vector<2x64xf32>,
    } else {
    }
    %get3A_86 = arith.constant 0 : index
    %get3A_87 = arith.constant 0 : index
    %get3A_88 = vector.load %arg11[%get3A_86, %get3A_87] : memref<2x64xf32, #tpu.memory_space<vmem>>, vector<1x64xf32>
    %reduce_sum3A_89 = arith.constant dense<0.000000e+00> : vector<64xf32>
    %reduce_sum3A_90 = vector.multi_reduction <add>, %select_n3A, %reduce_sum3A_89 [0] : vector<1000x64xf32> to vector<64xf32>
    %broadcast_in_dim3A_91 = vector.shape_cast %reduce_sum3A_90 : vector<64xf32> to vector<1x64xf32>
    %add3A_92 = arith.addf %get3A_88, %broadcast_in_dim3A_91 : vector<1x64xf32>
    %swap3A_93 = arith.constant 0 : index
    %swap3A_94 = arith.constant 0 : index
    %swap3A_95 = vector.load %arg11[%swap3A_93, %swap3A_94] : memref<2x64xf32, #tpu.memory_space<vmem>>, vector<1x64xf32>
    tpu.vector_store %arg11[%swap3A_93, %swap3A_94], %add3A_92 {strides = array<i32>} : memref<2x64xf32, #tpu.memory_space<vmem>>, vector<1x64xf32>,
    %get3A_96 = arith.constant 1 : index
    %get3A_97 = arith.constant 0 : index
    %get3A_98 = vector.load %arg11[%get3A_96, %get3A_97] : memref<2x64xf32, #tpu.memory_space<vmem>>, vector<1x64xf32>
    %mul3A_99 = arith.mulf %select_n3A, %select_n3A : vector<1000x64xf32>
    %reduce_sum3A_100 = arith.constant dense<0.000000e+00> : vector<64xf32>
    %reduce_sum3A_101 = vector.multi_reduction <add>, %mul3A_99, %reduce_sum3A_100 [0] : vector<1000x64xf32> to vector<64xf32>
    %broadcast_in_dim3A_102 = vector.shape_cast %reduce_sum3A_101 : vector<64xf32> to vector<1x64xf32>
    %add3A_103 = arith.addf %get3A_98, %broadcast_in_dim3A_102 : vector<1x64xf32>
    %swap3A_104 = arith.constant 1 : index
    %swap3A_105 = arith.constant 0 : index
    %swap3A_106 = vector.load %arg11[%swap3A_104, %swap3A_105] : memref<2x64xf32, #tpu.memory_space<vmem>>, vector<1x64xf32>
    tpu.vector_store %arg11[%swap3A_104, %swap3A_105], %add3A_103 {strides = array<i32>} : memref<2x64xf32, #tpu.memory_space<vmem>>, vector<1x64xf32>,
    %eq3A_107 = arith.constant 9 : i32
    %eq3A_108 = arith.cmpi eq, %arg0, %eq3A_107 : i32
    %convert_element_type3A_109 = arith.extui %eq3A_108 : i1 to i32
    %cond3A_110 = arith.constant 0 : i32
    %cond3A_111 = arith.cmpi ne, %convert_element_type3A_109, %cond3A_110 : i32
    scf.if %cond3A_111 {
      %get3A_112 = arith.constant 0 : index
      %get3A_113 = arith.constant 0 : index
      %get3A_114 = vector.load %arg11[%get3A_112, %get3A_113] : memref<2x64xf32, #tpu.memory_space<vmem>>, vector<2x64xf32>
      %swap3A_115 = arith.constant 0 : index
      %swap3A_116 = arith.constant 0 : index
      %swap3A_117 = vector.load %arg10[%swap3A_115, %swap3A_116] : memref<2x64xf32, #tpu.memory_space<vmem>>, vector<2x64xf32>
      tpu.vector_store %arg10[%swap3A_115, %swap3A_116], %get3A_114 {strides = array<i32>} : memref<2x64xf32, #tpu.memory_space<vmem>>, vector<2x64xf32>,
    } else {
    }
    return
  }
  func.func @transform_0(%arg0: i32) -> (i32, i32, i32) {
    %c0_i32 = arith.constant 0 : i32
    %c0_i32_0 = arith.constant 0 : i32
    %c0_i32_1 = arith.constant 0 : i32
    return %c0_i32, %arg0, %c0_i32_0 : i32, i32, i32
  }
  func.func @transform_1(%arg0: i32) -> (i32, i32) {
    %c0_i32 = arith.constant 0 : i32
    %c0_i32_0 = arith.constant 0 : i32
    return %arg0, %c0_i32 : i32, i32
  }
  func.func @transform_2(%arg0: i32) -> (i32, i32) {
    %c0_i32 = arith.constant 0 : i32
    %c0_i32_0 = arith.constant 0 : i32
    %c0_i32_1 = arith.constant 0 : i32
    return %c0_i32, %c0_i32_0 : i32, i32
  }
  func.func @transform_3(%arg0: i32) -> (i32, i32) {
    %c0_i32 = arith.constant 0 : i32
    %c0_i32_0 = arith.constant 0 : i32
    %c0_i32_1 = arith.constant 0 : i32
    return %c0_i32, %c0_i32_0 : i32, i32
  }
  func.func @transform_4(%arg0: i32) -> (i32, i32) {
    %c0_i32 = arith.constant 0 : i32
    %c0_i32_0 = arith.constant 0 : i32
    %c0_i32_1 = arith.constant 0 : i32
    return %c0_i32, %c0_i32_0 : i32, i32
  }
  func.func @transform_5(%arg0: i32) -> (i32, i32) {
    %c0_i32 = arith.constant 0 : i32
    %c0_i32_0 = arith.constant 0 : i32
    %c0_i32_1 = arith.constant 0 : i32
    return %c0_i32, %c0_i32_0 : i32, i32
  }
  func.func @transform_6(%arg0: i32) -> (i32, i32) {
    %c0_i32 = arith.constant 0 : i32
    %c0_i32_0 = arith.constant 0 : i32
    %c0_i32_1 = arith.constant 0 : i32
    return %c0_i32, %c0_i32_0 : i32, i32
  }
  func.func @transform_7(%arg0: i32) -> (i32, i32) {
    %c0_i32 = arith.constant 0 : i32
    %c0_i32_0 = arith.constant 0 : i32
    %c0_i32_1 = arith.constant 0 : i32
    return %c0_i32, %c0_i32_0 : i32, i32
  }
  func.func @transform_8(%arg0: i32) -> (i32, i32) {
    %c0_i32 = arith.constant 0 : i32
    %c0_i32_0 = arith.constant 0 : i32
    return %arg0, %c0_i32 : i32, i32
  }
  func.func @transform_9(%arg0: i32) -> (i32, i32) {
    %c0_i32 = arith.constant 0 : i32
    %c0_i32_0 = arith.constant 0 : i32
    %c0_i32_1 = arith.constant 0 : i32
    return %c0_i32, %c0_i32_0 : i32, i32
  }
}

module attributes {stable_mosaic.version = 14 : i64} {
  func.func @_mm_body(%arg0: i32, %arg1: memref<1000x64xf32, #tpu.memory_space<vmem>>, %arg2: memref<64x576xf32, #tpu.memory_space<vmem>>, %arg3: memref<1x576xf32, #tpu.memory_space<vmem>>, %arg4: memref<2x64xf32, #tpu.memory_space<vmem>>, %arg5: memref<1x64xf32, #tpu.memory_space<vmem>>, %arg6: memref<1x64xf32, #tpu.memory_space<vmem>>, %arg7: memref<2x1000x128xf32, #tpu.memory_space<vmem>>, %arg8: memref<2x1000x128xf32, #tpu.memory_space<vmem>>, %arg9: memref<1000x128xf32, #tpu.memory_space<vmem>>) attributes {dimension_semantics = [#tpu.dimension_semantics<arbitrary>], iteration_bounds = array<i64: 10>, scalar_prefetch = 0 : i64, scratch_operands = 0 : i64, tpu.core_type = #tpu.core_type<tc>, window_params = [{transform_indices = @transform_0, window_bounds = array<i64: 1000, 64>}, {pipeline_mode = #tpu.pipeline_mode<synchronous>, transform_indices = @transform_1, window_bounds = array<i64: 64, 576>}, {pipeline_mode = #tpu.pipeline_mode<synchronous>, transform_indices = @transform_2, window_bounds = array<i64: 1, 576>}, {pipeline_mode = #tpu.pipeline_mode<synchronous>, transform_indices = @transform_3, window_bounds = array<i64: 2, 64>}, {pipeline_mode = #tpu.pipeline_mode<synchronous>, transform_indices = @transform_4, window_bounds = array<i64: 1, 64>}, {pipeline_mode = #tpu.pipeline_mode<synchronous>, transform_indices = @transform_5, window_bounds = array<i64: 1, 64>}, {transform_indices = @transform_6, window_bounds = array<i64: 2, 1000, 128>}, {transform_indices = @transform_7, window_bounds = array<i64: 2, 1000, 128>}, {transform_indices = @transform_8, window_bounds = array<i64: 1000, 128>}]} {
    %get3A = arith.constant 0 : index
    %get3A_0 = arith.constant 0 : index
    %get3A_1 = vector.load %arg1[%get3A, %get3A_0] : memref<1000x64xf32, #tpu.memory_space<vmem>>, vector<1000x64xf32>
    %get3A_2 = arith.constant 0 : index
    %get3A_3 = arith.constant 0 : index
    %get3A_4 = vector.load %arg4[%get3A_2, %get3A_3] : memref<2x64xf32, #tpu.memory_space<vmem>>, vector<1x64xf32>
    %mul3A = arith.constant 9.99999974E-5 : f32
    %mul3A_5 = vector.broadcast %mul3A : f32 to vector<1x64xf32>
    %mul3A_6 = arith.mulf %get3A_4, %mul3A_5 : vector<1x64xf32>
    %get3A_7 = arith.constant 1 : index
    %get3A_8 = arith.constant 0 : index
    %get3A_9 = vector.load %arg4[%get3A_7, %get3A_8] : memref<2x64xf32, #tpu.memory_space<vmem>>, vector<1x64xf32>
    %mul3A_10 = arith.constant 9.99999974E-5 : f32
    %mul3A_11 = vector.broadcast %mul3A_10 : f32 to vector<1x64xf32>
    %mul3A_12 = arith.mulf %get3A_9, %mul3A_11 : vector<1x64xf32>
    %mul3A_13 = arith.mulf %mul3A_6, %mul3A_6 : vector<1x64xf32>
    %sub3A = arith.subf %mul3A_12, %mul3A_13 : vector<1x64xf32>
    %get3A_14 = arith.constant 0 : index
    %get3A_15 = arith.constant 0 : index
    %get3A_16 = vector.load %arg5[%get3A_14, %get3A_15] : memref<1x64xf32, #tpu.memory_space<vmem>>, vector<1x64xf32>
    %add3A = arith.constant 9.99999974E-6 : f32
    %add3A_17 = vector.broadcast %add3A : f32 to vector<1x64xf32>
    %add3A_18 = arith.addf %sub3A, %add3A_17 : vector<1x64xf32>
    %rsqrt3A = math.rsqrt %add3A_18 : vector<1x64xf32>
    %mul3A_19 = arith.mulf %get3A_16, %rsqrt3A : vector<1x64xf32>
    %get3A_20 = arith.constant 0 : index
    %get3A_21 = arith.constant 0 : index
    %get3A_22 = vector.load %arg6[%get3A_20, %get3A_21] : memref<1x64xf32, #tpu.memory_space<vmem>>, vector<1x64xf32>
    %mul3A_23 = arith.mulf %mul3A_6, %mul3A_19 : vector<1x64xf32>
    %sub3A_24 = arith.subf %get3A_22, %mul3A_23 : vector<1x64xf32>
    %mul3A_25 = vector.broadcast %mul3A_19 : vector<1x64xf32> to vector<1000x64xf32>
    %mul3A_26 = arith.mulf %get3A_1, %mul3A_25 : vector<1000x64xf32>
    %add3A_27 = vector.broadcast %sub3A_24 : vector<1x64xf32> to vector<1000x64xf32>
    %add3A_28 = arith.addf %mul3A_26, %add3A_27 : vector<1000x64xf32>
    %get3A_29 = arith.constant 0 : index
    %get3A_30 = arith.constant 0 : index
    %get3A_31 = vector.load %arg2[%get3A_29, %get3A_30] : memref<64x576xf32, #tpu.memory_space<vmem>>, vector<64x576xf32>
    %dot_general3A = arith.constant dense<0.000000e+00> : vector<1000x576xf32>
    %dot_general3A_32 = tpu.matmul %add3A_28, %get3A_31, %dot_general3A {dimension_numbers = #tpu.dot_dimension_numbers<[1], [0], [0], [1], [0, 0, 1, 1], [], []>, transpose_lhs_hint = false} : vector<1000x64xf32>, vector<64x576xf32>, vector<1000x576xf32> -> vector<1000x576xf32>
    %get3A_33 = arith.constant 0 : index
    %get3A_34 = arith.constant 0 : index
    %get3A_35 = vector.load %arg3[%get3A_33, %get3A_34] : memref<1x576xf32, #tpu.memory_space<vmem>>, vector<1x576xf32>
    %add3A_36 = vector.broadcast %get3A_35 : vector<1x576xf32> to vector<1000x576xf32>
    %add3A_37 = arith.addf %dot_general3A_32, %add3A_36 : vector<1000x576xf32>
    %slice3A = vector.extract_strided_slice %add3A_37 {offsets = [0, 0], sizes = [1000, 128], strides = [1, 1]} : vector<1000x576xf32> to vector<1000x128xf32>
    %slice3A_38 = vector.extract_strided_slice %add3A_37 {offsets = [0, 128], sizes = [1000, 128], strides = [1, 1]} : vector<1000x576xf32> to vector<1000x128xf32>
    %stack3A = vector.shape_cast %slice3A : vector<1000x128xf32> to vector<1x1000x128xf32>
    %stack3A_39 = vector.shape_cast %slice3A_38 : vector<1000x128xf32> to vector<1x1000x128xf32>
    %stack3A_40 = tpu.concatenate %stack3A, %stack3A_39 in 0 : vector<1x1000x128xf32>, vector<1x1000x128xf32> -> vector<2x1000x128xf32>
    %swap3A = arith.constant 0 : index
    %swap3A_41 = arith.constant 0 : index
    %swap3A_42 = arith.constant 0 : index
    %swap3A_43 = vector.load %arg7[%swap3A, %swap3A_41, %swap3A_42] : memref<2x1000x128xf32, #tpu.memory_space<vmem>>, vector<2x1000x128xf32>
    tpu.vector_store %arg7[%swap3A, %swap3A_41, %swap3A_42], %stack3A_40 {strides = array<i32>} : memref<2x1000x128xf32, #tpu.memory_space<vmem>>, vector<2x1000x128xf32>,
    %broadcast_in_dim3A = arith.constant 0.000000e+00 : f32
    %broadcast_in_dim3A_44 = vector.broadcast %broadcast_in_dim3A : f32 to vector<1000x32xf32>
    %slice3A_45 = vector.extract_strided_slice %add3A_37 {offsets = [0, 256], sizes = [1000, 80], strides = [1, 1]} : vector<1000x576xf32> to vector<1000x80xf32>
    %slice3A_46 = vector.extract_strided_slice %add3A_37 {offsets = [0, 336], sizes = [1000, 1], strides = [1, 1]} : vector<1000x576xf32> to vector<1000x1xf32>
    %broadcast_in_dim3A_47 = vector.shape_cast %slice3A_46 : vector<1000x1xf32> to vector<1000x1xf32>
    %broadcast_in_dim3A_48 = vector.broadcast %broadcast_in_dim3A_47 : vector<1000x1xf32> to vector<1000x16xf32>
    %concatenate3A = tpu.concatenate %slice3A_45, %broadcast_in_dim3A_48, %broadcast_in_dim3A_44 in 1 : vector<1000x80xf32>, vector<1000x16xf32>, vector<1000x32xf32> -> vector<1000x128xf32>
    %slice3A_49 = vector.extract_strided_slice %add3A_37 {offsets = [0, 352], sizes = [1000, 80], strides = [1, 1]} : vector<1000x576xf32> to vector<1000x80xf32>
    %slice3A_50 = vector.extract_strided_slice %add3A_37 {offsets = [0, 432], sizes = [1000, 1], strides = [1, 1]} : vector<1000x576xf32> to vector<1000x1xf32>
    %broadcast_in_dim3A_51 = vector.shape_cast %slice3A_50 : vector<1000x1xf32> to vector<1000x1xf32>
    %broadcast_in_dim3A_52 = vector.broadcast %broadcast_in_dim3A_51 : vector<1000x1xf32> to vector<1000x16xf32>
    %concatenate3A_53 = tpu.concatenate %slice3A_49, %broadcast_in_dim3A_52, %broadcast_in_dim3A_44 in 1 : vector<1000x80xf32>, vector<1000x16xf32>, vector<1000x32xf32> -> vector<1000x128xf32>
    %stack3A_54 = vector.shape_cast %concatenate3A : vector<1000x128xf32> to vector<1x1000x128xf32>
    %stack3A_55 = vector.shape_cast %concatenate3A_53 : vector<1000x128xf32> to vector<1x1000x128xf32>
    %stack3A_56 = tpu.concatenate %stack3A_54, %stack3A_55 in 0 : vector<1x1000x128xf32>, vector<1x1000x128xf32> -> vector<2x1000x128xf32>
    %swap3A_57 = arith.constant 0 : index
    %swap3A_58 = arith.constant 0 : index
    %swap3A_59 = arith.constant 0 : index
    %swap3A_60 = vector.load %arg8[%swap3A_57, %swap3A_58, %swap3A_59] : memref<2x1000x128xf32, #tpu.memory_space<vmem>>, vector<2x1000x128xf32>
    tpu.vector_store %arg8[%swap3A_57, %swap3A_58, %swap3A_59], %stack3A_56 {strides = array<i32>} : memref<2x1000x128xf32, #tpu.memory_space<vmem>>, vector<2x1000x128xf32>,
    %slice3A_61 = vector.extract_strided_slice %add3A_37 {offsets = [0, 448], sizes = [1000, 128], strides = [1, 1]} : vector<1000x576xf32> to vector<1000x128xf32>
    %swap3A_62 = arith.constant 0 : index
    %swap3A_63 = arith.constant 0 : index
    %swap3A_64 = vector.load %arg9[%swap3A_62, %swap3A_63] : memref<1000x128xf32, #tpu.memory_space<vmem>>, vector<1000x128xf32>
    tpu.vector_store %arg9[%swap3A_62, %swap3A_63], %slice3A_61 {strides = array<i32>} : memref<1000x128xf32, #tpu.memory_space<vmem>>, vector<1000x128xf32>,
    return
  }
  func.func @transform_0(%arg0: i32) -> (i32, i32) {
    %c0_i32 = arith.constant 0 : i32
    %c0_i32_0 = arith.constant 0 : i32
    return %arg0, %c0_i32 : i32, i32
  }
  func.func @transform_1(%arg0: i32) -> (i32, i32) {
    %c0_i32 = arith.constant 0 : i32
    %c0_i32_0 = arith.constant 0 : i32
    %c0_i32_1 = arith.constant 0 : i32
    return %c0_i32, %c0_i32_0 : i32, i32
  }
  func.func @transform_2(%arg0: i32) -> (i32, i32) {
    %c0_i32 = arith.constant 0 : i32
    %c0_i32_0 = arith.constant 0 : i32
    %c0_i32_1 = arith.constant 0 : i32
    return %c0_i32, %c0_i32_0 : i32, i32
  }
  func.func @transform_3(%arg0: i32) -> (i32, i32) {
    %c0_i32 = arith.constant 0 : i32
    %c0_i32_0 = arith.constant 0 : i32
    %c0_i32_1 = arith.constant 0 : i32
    return %c0_i32, %c0_i32_0 : i32, i32
  }
  func.func @transform_4(%arg0: i32) -> (i32, i32) {
    %c0_i32 = arith.constant 0 : i32
    %c0_i32_0 = arith.constant 0 : i32
    %c0_i32_1 = arith.constant 0 : i32
    return %c0_i32, %c0_i32_0 : i32, i32
  }
  func.func @transform_5(%arg0: i32) -> (i32, i32) {
    %c0_i32 = arith.constant 0 : i32
    %c0_i32_0 = arith.constant 0 : i32
    %c0_i32_1 = arith.constant 0 : i32
    return %c0_i32, %c0_i32_0 : i32, i32
  }
  func.func @transform_6(%arg0: i32) -> (i32, i32, i32) {
    %c0_i32 = arith.constant 0 : i32
    %c0_i32_0 = arith.constant 0 : i32
    %c0_i32_1 = arith.constant 0 : i32
    return %c0_i32, %arg0, %c0_i32_0 : i32, i32, i32
  }
  func.func @transform_7(%arg0: i32) -> (i32, i32, i32) {
    %c0_i32 = arith.constant 0 : i32
    %c0_i32_0 = arith.constant 0 : i32
    %c0_i32_1 = arith.constant 0 : i32
    return %c0_i32, %arg0, %c0_i32_0 : i32, i32, i32
  }
  func.func @transform_8(%arg0: i32) -> (i32, i32) {
    %c0_i32 = arith.constant 0 : i32
    %c0_i32_0 = arith.constant 0 : i32
    return %arg0, %c0_i32 : i32, i32
  }
}

module attributes {stable_mosaic.version = 14 : i64} {
  func.func @_pool_body(%arg0: i32, %arg1: memref<400x64xf32, #tpu.memory_space<vmem>>, %arg2: memref<2x64xf32, #tpu.memory_space<vmem>>, %arg3: memref<1x64xf32, #tpu.memory_space<vmem>>, %arg4: memref<1x64xf32, #tpu.memory_space<vmem>>, %arg5: memref<400x1xf32, #tpu.memory_space<vmem>>, %arg6: memref<32x128xf32, #tpu.memory_space<vmem>>, %arg7: memref<32x128xf32, #tpu.memory_space<vmem>>, %arg8: memref<32x64xf32, #tpu.memory_space<vmem>>, %arg9: memref<32x64xf32, #tpu.memory_space<vmem>>, %arg10: memref<32x1xf32, #tpu.memory_space<vmem>>) attributes {dimension_semantics = [#tpu.dimension_semantics<arbitrary>], iteration_bounds = array<i64: 25>, scalar_prefetch = 0 : i64, scratch_operands = 3 : i64, tpu.core_type = #tpu.core_type<tc>, window_params = [{transform_indices = @transform_0, window_bounds = array<i64: 400, 64>}, {pipeline_mode = #tpu.pipeline_mode<synchronous>, transform_indices = @transform_1, window_bounds = array<i64: 2, 64>}, {pipeline_mode = #tpu.pipeline_mode<synchronous>, transform_indices = @transform_2, window_bounds = array<i64: 1, 64>}, {pipeline_mode = #tpu.pipeline_mode<synchronous>, transform_indices = @transform_3, window_bounds = array<i64: 1, 64>}, {transform_indices = @transform_4, window_bounds = array<i64: 400, 1>}, {pipeline_mode = #tpu.pipeline_mode<synchronous>, transform_indices = @transform_5, window_bounds = array<i64: 32, 128>}, {pipeline_mode = #tpu.pipeline_mode<synchronous>, transform_indices = @transform_6, window_bounds = array<i64: 32, 128>}]} {
    %get3A = arith.constant 0 : index
    %get3A_0 = arith.constant 0 : index
    %get3A_1 = vector.load %arg2[%get3A, %get3A_0] : memref<2x64xf32, #tpu.memory_space<vmem>>, vector<1x64xf32>
    %mul3A = arith.constant 9.99999974E-5 : f32
    %mul3A_2 = vector.broadcast %mul3A : f32 to vector<1x64xf32>
    %mul3A_3 = arith.mulf %get3A_1, %mul3A_2 : vector<1x64xf32>
    %get3A_4 = arith.constant 1 : index
    %get3A_5 = arith.constant 0 : index
    %get3A_6 = vector.load %arg2[%get3A_4, %get3A_5] : memref<2x64xf32, #tpu.memory_space<vmem>>, vector<1x64xf32>
    %mul3A_7 = arith.constant 9.99999974E-5 : f32
    %mul3A_8 = vector.broadcast %mul3A_7 : f32 to vector<1x64xf32>
    %mul3A_9 = arith.mulf %get3A_6, %mul3A_8 : vector<1x64xf32>
    %mul3A_10 = arith.mulf %mul3A_3, %mul3A_3 : vector<1x64xf32>
    %sub3A = arith.subf %mul3A_9, %mul3A_10 : vector<1x64xf32>
    %get3A_11 = arith.constant 0 : index
    %get3A_12 = arith.constant 0 : index
    %get3A_13 = vector.load %arg3[%get3A_11, %get3A_12] : memref<1x64xf32, #tpu.memory_space<vmem>>, vector<1x64xf32>
    %add3A = arith.constant 9.99999974E-6 : f32
    %add3A_14 = vector.broadcast %add3A : f32 to vector<1x64xf32>
    %add3A_15 = arith.addf %sub3A, %add3A_14 : vector<1x64xf32>
    %rsqrt3A = math.rsqrt %add3A_15 : vector<1x64xf32>
    %mul3A_16 = arith.mulf %get3A_13, %rsqrt3A : vector<1x64xf32>
    %get3A_17 = arith.constant 0 : index
    %get3A_18 = arith.constant 0 : index
    %get3A_19 = vector.load %arg4[%get3A_17, %get3A_18] : memref<1x64xf32, #tpu.memory_space<vmem>>, vector<1x64xf32>
    %mul3A_20 = arith.mulf %mul3A_3, %mul3A_16 : vector<1x64xf32>
    %sub3A_21 = arith.subf %get3A_19, %mul3A_20 : vector<1x64xf32>
    %get3A_22 = arith.constant 0 : index
    %get3A_23 = arith.constant 0 : index
    %get3A_24 = vector.load %arg1[%get3A_22, %get3A_23] : memref<400x64xf32, #tpu.memory_space<vmem>>, vector<400x64xf32>
    %mul3A_25 = vector.broadcast %mul3A_16 : vector<1x64xf32> to vector<400x64xf32>
    %mul3A_26 = arith.mulf %get3A_24, %mul3A_25 : vector<400x64xf32>
    %add3A_27 = vector.broadcast %sub3A_21 : vector<1x64xf32> to vector<400x64xf32>
    %add3A_28 = arith.addf %mul3A_26, %add3A_27 : vector<400x64xf32>
    %get3A_29 = arith.constant 0 : index
    %get3A_30 = arith.constant 0 : index
    %get3A_31 = vector.load %arg5[%get3A_29, %get3A_30] : memref<400x1xf32, #tpu.memory_space<vmem>>, vector<400x1xf32>
    %eq3A = arith.constant 0 : i32
    %eq3A_32 = arith.cmpi eq, %arg0, %eq3A : i32
    %convert_element_type3A = arith.extui %eq3A_32 : i1 to i32
    %cond3A = arith.constant 0xFF800000 : f32
    %cond3A_33 = arith.constant 0 : i32
    %cond3A_34 = arith.cmpi ne, %convert_element_type3A, %cond3A_33 : i32
    scf.if %cond3A_34 {
      %broadcast_in_dim3A_1474 = vector.broadcast %cond3A : f32 to vector<32x64xf32>
      %swap3A_1475 = arith.constant 0 : index
      %swap3A_1476 = arith.constant 0 : index
      %swap3A_1477 = vector.load %arg8[%swap3A_1475, %swap3A_1476] : memref<32x64xf32, #tpu.memory_space<vmem>>, vector<32x64xf32>
      tpu.vector_store %arg8[%swap3A_1475, %swap3A_1476], %broadcast_in_dim3A_1474 {strides = array<i32>} : memref<32x64xf32, #tpu.memory_space<vmem>>, vector<32x64xf32>,
      %broadcast_in_dim3A_1478 = arith.constant 0.000000e+00 : f32
      %broadcast_in_dim3A_1479 = vector.broadcast %broadcast_in_dim3A_1478 : f32 to vector<32x64xf32>
      %swap3A_1480 = arith.constant 0 : index
      %swap3A_1481 = arith.constant 0 : index
      %swap3A_1482 = vector.load %arg9[%swap3A_1480, %swap3A_1481] : memref<32x64xf32, #tpu.memory_space<vmem>>, vector<32x64xf32>
      tpu.vector_store %arg9[%swap3A_1480, %swap3A_1481], %broadcast_in_dim3A_1479 {strides = array<i32>} : memref<32x64xf32, #tpu.memory_space<vmem>>, vector<32x64xf32>,
      %broadcast_in_dim3A_1483 = arith.constant 0.000000e+00 : f32
      %broadcast_in_dim3A_1484 = vector.broadcast %broadcast_in_dim3A_1483 : f32 to vector<32x1xf32>
      %swap3A_1485 = arith.constant 0 : index
      %swap3A_1486 = arith.constant 0 : index
      %swap3A_1487 = vector.load %arg10[%swap3A_1485, %swap3A_1486] : memref<32x1xf32, #tpu.memory_space<vmem>>, vector<32x1xf32>
      tpu.vector_store %arg10[%swap3A_1485, %swap3A_1486], %broadcast_in_dim3A_1484 {strides = array<i32>} : memref<32x1xf32, #tpu.memory_space<vmem>>, vector<32x1xf32>,
    } else {
    }
    %eq3A_35 = arith.constant 0.000000e+00 : f32
    %eq3A_36 = vector.broadcast %eq3A_35 : f32 to vector<400x1xf32>
    %eq3A_37 = arith.cmpf oeq, %get3A_31, %eq3A_36 : vector<400x1xf32>
    %jit3A = arith.constant 0xFF800000 : f32
    %broadcast_in_dim3A = vector.shape_cast %eq3A_37 : vector<400x1xi1> to vector<400x1xi1>
    %broadcast_in_dim3A_38 = vector.broadcast %broadcast_in_dim3A : vector<400x1xi1> to vector<400x64xi1>
    %broadcast_in_dim3A_39 = vector.broadcast %jit3A : f32 to vector<400x64xf32>
    %select_n3A = arith.select %broadcast_in_dim3A_38, %add3A_28, %broadcast_in_dim3A_39 : vector<400x64xi1>, vector<400x64xf32>
    %get3A_40 = arith.constant 0 : index
    %get3A_41 = arith.constant 0 : index
    %get3A_42 = vector.load %arg8[%get3A_40, %get3A_41] : memref<32x64xf32, #tpu.memory_space<vmem>>, vector<1x64xf32>
    %reduce_max3A = arith.constant dense<0xFF800000> : vector<64xf32>
    %reduce_max3A_43 = vector.multi_reduction <maximumf>, %select_n3A, %reduce_max3A [0] : vector<400x64xf32> to vector<64xf32>
    %broadcast_in_dim3A_44 = vector.shape_cast %reduce_max3A_43 : vector<64xf32> to vector<1x64xf32>
    %max3A = arith.maximumf %get3A_42, %broadcast_in_dim3A_44 : vector<1x64xf32>
    %swap3A = arith.constant 0 : index
    %swap3A_45 = arith.constant 0 : index
    %swap3A_46 = vector.load %arg8[%swap3A, %swap3A_45] : memref<32x64xf32, #tpu.memory_space<vmem>>, vector<1x64xf32>
    tpu.vector_store %arg8[%swap3A, %swap3A_45], %max3A {strides = array<i32>} : memref<32x64xf32, #tpu.memory_space<vmem>>, vector<1x64xf32>,
    %get3A_47 = arith.constant 0 : index
    %get3A_48 = arith.constant 0 : index
    %get3A_49 = vector.load %arg9[%get3A_47, %get3A_48] : memref<32x64xf32, #tpu.memory_space<vmem>>, vector<1x64xf32>
    %jit3A_50 = arith.constant 0.000000e+00 : f32
    %broadcast_in_dim3A_51 = vector.shape_cast %eq3A_37 : vector<400x1xi1> to vector<400x1xi1>
    %broadcast_in_dim3A_52 = vector.broadcast %broadcast_in_dim3A_51 : vector<400x1xi1> to vector<400x64xi1>
    %broadcast_in_dim3A_53 = vector.broadcast %jit3A_50 : f32 to vector<400x64xf32>
    %select_n3A_54 = arith.select %broadcast_in_dim3A_52, %add3A_28, %broadcast_in_dim3A_53 : vector<400x64xi1>, vector<400x64xf32>
    %reduce_sum3A = arith.constant dense<0.000000e+00> : vector<64xf32>
    %reduce_sum3A_55 = vector.multi_reduction <add>, %select_n3A_54, %reduce_sum3A [0] : vector<400x64xf32> to vector<64xf32>
    %broadcast_in_dim3A_56 = vector.shape_cast %reduce_sum3A_55 : vector<64xf32> to vector<1x64xf32>
    %add3A_57 = arith.addf %get3A_49, %broadcast_in_dim3A_56 : vector<1x64xf32>
    %swap3A_58 = arith.constant 0 : index
    %swap3A_59 = arith.constant 0 : index
    %swap3A_60 = vector.load %arg9[%swap3A_58, %swap3A_59] : memref<32x64xf32, #tpu.memory_space<vmem>>, vector<1x64xf32>
    tpu.vector_store %arg9[%swap3A_58, %swap3A_59], %add3A_57 {strides = array<i32>} : memref<32x64xf32, #tpu.memory_space<vmem>>, vector<1x64xf32>,
    %get3A_61 = arith.constant 0 : index
    %get3A_62 = arith.constant 0 : index
    %get3A_63 = vector.load %arg10[%get3A_61, %get3A_62] : memref<32x1xf32, #tpu.memory_space<vmem>>, vector<1x1xf32>
    %convert_element_type3A_64 = arith.extui %eq3A_37 : vector<400x1xi1> to vector<400x1xi32>
    %convert_element_type3A_65 = arith.sitofp %convert_element_type3A_64 : vector<400x1xi32> to vector<400x1xf32>
    %reduce_sum3A_66 = arith.constant dense<0.000000e+00> : vector<1xf32>
    %reduce_sum3A_67 = vector.multi_reduction <add>, %convert_element_type3A_65, %reduce_sum3A_66 [0] : vector<400x1xf32> to vector<1xf32>
    %broadcast_in_dim3A_68 = vector.shape_cast %reduce_sum3A_67 : vector<1xf32> to vector<1x1xf32>
    %add3A_69 = arith.addf %get3A_63, %broadcast_in_dim3A_68 : vector<1x1xf32>
    %swap3A_70 = arith.constant 0 : index
    %swap3A_71 = arith.constant 0 : index
    %swap3A_72 = vector.load %arg10[%swap3A_70, %swap3A_71] : memref<32x1xf32, #tpu.memory_space<vmem>>, vector<1x1xf32>
    tpu.vector_store %arg10[%swap3A_70, %swap3A_71], %add3A_69 {strides = array<i32>} : memref<32x1xf32, #tpu.memory_space<vmem>>, vector<1x1xf32>,
    %eq3A_73 = arith.constant 1.000000e+00 : f32
    %eq3A_74 = vector.broadcast %eq3A_73 : f32 to vector<400x1xf32>
    %eq3A_75 = arith.cmpf oeq, %get3A_31, %eq3A_74 : vector<400x1xf32>
    %jit3A_76 = arith.constant 0xFF800000 : f32
    %broadcast_in_dim3A_77 = vector.shape_cast %eq3A_75 : vector<400x1xi1> to vector<400x1xi1>
    %broadcast_in_dim3A_78 = vector.broadcast %broadcast_in_dim3A_77 : vector<400x1xi1> to vector<400x64xi1>
    %broadcast_in_dim3A_79 = vector.broadcast %jit3A_76 : f32 to vector<400x64xf32>
    %select_n3A_80 = arith.select %broadcast_in_dim3A_78, %add3A_28, %broadcast_in_dim3A_79 : vector<400x64xi1>, vector<400x64xf32>
    %get3A_81 = arith.constant 1 : index
    %get3A_82 = arith.constant 0 : index
    %get3A_83 = vector.load %arg8[%get3A_81, %get3A_82] : memref<32x64xf32, #tpu.memory_space<vmem>>, vector<1x64xf32>
    %reduce_max3A_84 = arith.constant dense<0xFF800000> : vector<64xf32>
    %reduce_max3A_85 = vector.multi_reduction <maximumf>, %select_n3A_80, %reduce_max3A_84 [0] : vector<400x64xf32> to vector<64xf32>
    %broadcast_in_dim3A_86 = vector.shape_cast %reduce_max3A_85 : vector<64xf32> to vector<1x64xf32>
    %max3A_87 = arith.maximumf %get3A_83, %broadcast_in_dim3A_86 : vector<1x64xf32>
    %swap3A_88 = arith.constant 1 : index
    %swap3A_89 = arith.constant 0 : index
    %swap3A_90 = vector.load %arg8[%swap3A_88, %swap3A_89] : memref<32x64xf32, #tpu.memory_space<vmem>>, vector<1x64xf32>
    tpu.vector_store %arg8[%swap3A_88, %swap3A_89], %max3A_87 {strides = array<i32>} : memref<32x64xf32, #tpu.memory_space<vmem>>, vector<1x64xf32>,
    %get3A_91 = arith.constant 1 : index
    %get3A_92 = arith.constant 0 : index
    %get3A_93 = vector.load %arg9[%get3A_91, %get3A_92] : memref<32x64xf32, #tpu.memory_space<vmem>>, vector<1x64xf32>
    %jit3A_94 = arith.constant 0.000000e+00 : f32
    %broadcast_in_dim3A_95 = vector.shape_cast %eq3A_75 : vector<400x1xi1> to vector<400x1xi1>
    %broadcast_in_dim3A_96 = vector.broadcast %broadcast_in_dim3A_95 : vector<400x1xi1> to vector<400x64xi1>
    %broadcast_in_dim3A_97 = vector.broadcast %jit3A_94 : f32 to vector<400x64xf32>
    %select_n3A_98 = arith.select %broadcast_in_dim3A_96, %add3A_28, %broadcast_in_dim3A_97 : vector<400x64xi1>, vector<400x64xf32>
    %reduce_sum3A_99 = arith.constant dense<0.000000e+00> : vector<64xf32>
    %reduce_sum3A_100 = vector.multi_reduction <add>, %select_n3A_98, %reduce_sum3A_99 [0] : vector<400x64xf32> to vector<64xf32>
    %broadcast_in_dim3A_101 = vector.shape_cast %reduce_sum3A_100 : vector<64xf32> to vector<1x64xf32>
    %add3A_102 = arith.addf %get3A_93, %broadcast_in_dim3A_101 : vector<1x64xf32>
    %swap3A_103 = arith.constant 1 : index
    %swap3A_104 = arith.constant 0 : index
    %swap3A_105 = vector.load %arg9[%swap3A_103, %swap3A_104] : memref<32x64xf32, #tpu.memory_space<vmem>>, vector<1x64xf32>
    tpu.vector_store %arg9[%swap3A_103, %swap3A_104], %add3A_102 {strides = array<i32>} : memref<32x64xf32, #tpu.memory_space<vmem>>, vector<1x64xf32>,
    %get3A_106 = arith.constant 1 : index
    %get3A_107 = arith.constant 0 : index
    %get3A_108 = vector.load %arg10[%get3A_106, %get3A_107] : memref<32x1xf32, #tpu.memory_space<vmem>>, vector<1x1xf32>
    %convert_element_type3A_109 = arith.extui %eq3A_75 : vector<400x1xi1> to vector<400x1xi32>
    %convert_element_type3A_110 = arith.sitofp %convert_element_type3A_109 : vector<400x1xi32> to vector<400x1xf32>
    %reduce_sum3A_111 = arith.constant dense<0.000000e+00> : vector<1xf32>
    %reduce_sum3A_112 = vector.multi_reduction <add>, %convert_element_type3A_110, %reduce_sum3A_111 [0] : vector<400x1xf32> to vector<1xf32>
    %broadcast_in_dim3A_113 = vector.shape_cast %reduce_sum3A_112 : vector<1xf32> to vector<1x1xf32>
    %add3A_114 = arith.addf %get3A_108, %broadcast_in_dim3A_113 : vector<1x1xf32>
    %swap3A_115 = arith.constant 1 : index
    %swap3A_116 = arith.constant 0 : index
    %swap3A_117 = vector.load %arg10[%swap3A_115, %swap3A_116] : memref<32x1xf32, #tpu.memory_space<vmem>>, vector<1x1xf32>
    tpu.vector_store %arg10[%swap3A_115, %swap3A_116], %add3A_114 {strides = array<i32>} : memref<32x1xf32, #tpu.memory_space<vmem>>, vector<1x1xf32>,
    %eq3A_118 = arith.constant 2.000000e+00 : f32
    %eq3A_119 = vector.broadcast %eq3A_118 : f32 to vector<400x1xf32>
    %eq3A_120 = arith.cmpf oeq, %get3A_31, %eq3A_119 : vector<400x1xf32>
    %jit3A_121 = arith.constant 0xFF800000 : f32
    %broadcast_in_dim3A_122 = vector.shape_cast %eq3A_120 : vector<400x1xi1> to vector<400x1xi1>
    %broadcast_in_dim3A_123 = vector.broadcast %broadcast_in_dim3A_122 : vector<400x1xi1> to vector<400x64xi1>
    %broadcast_in_dim3A_124 = vector.broadcast %jit3A_121 : f32 to vector<400x64xf32>
    %select_n3A_125 = arith.select %broadcast_in_dim3A_123, %add3A_28, %broadcast_in_dim3A_124 : vector<400x64xi1>, vector<400x64xf32>
    %get3A_126 = arith.constant 2 : index
    %get3A_127 = arith.constant 0 : index
    %get3A_128 = vector.load %arg8[%get3A_126, %get3A_127] : memref<32x64xf32, #tpu.memory_space<vmem>>, vector<1x64xf32>
    %reduce_max3A_129 = arith.constant dense<0xFF800000> : vector<64xf32>
    %reduce_max3A_130 = vector.multi_reduction <maximumf>, %select_n3A_125, %reduce_max3A_129 [0] : vector<400x64xf32> to vector<64xf32>
    %broadcast_in_dim3A_131 = vector.shape_cast %reduce_max3A_130 : vector<64xf32> to vector<1x64xf32>
    %max3A_132 = arith.maximumf %get3A_128, %broadcast_in_dim3A_131 : vector<1x64xf32>
    %swap3A_133 = arith.constant 2 : index
    %swap3A_134 = arith.constant 0 : index
    %swap3A_135 = vector.load %arg8[%swap3A_133, %swap3A_134] : memref<32x64xf32, #tpu.memory_space<vmem>>, vector<1x64xf32>
    tpu.vector_store %arg8[%swap3A_133, %swap3A_134], %max3A_132 {strides = array<i32>} : memref<32x64xf32, #tpu.memory_space<vmem>>, vector<1x64xf32>,
    %get3A_136 = arith.constant 2 : index
    %get3A_137 = arith.constant 0 : index
    %get3A_138 = vector.load %arg9[%get3A_136, %get3A_137] : memref<32x64xf32, #tpu.memory_space<vmem>>, vector<1x64xf32>
    %jit3A_139 = arith.constant 0.000000e+00 : f32
    %broadcast_in_dim3A_140 = vector.shape_cast %eq3A_120 : vector<400x1xi1> to vector<400x1xi1>
    %broadcast_in_dim3A_141 = vector.broadcast %broadcast_in_dim3A_140 : vector<400x1xi1> to vector<400x64xi1>
    %broadcast_in_dim3A_142 = vector.broadcast %jit3A_139 : f32 to vector<400x64xf32>
    %select_n3A_143 = arith.select %broadcast_in_dim3A_141, %add3A_28, %broadcast_in_dim3A_142 : vector<400x64xi1>, vector<400x64xf32>
    %reduce_sum3A_144 = arith.constant dense<0.000000e+00> : vector<64xf32>
    %reduce_sum3A_145 = vector.multi_reduction <add>, %select_n3A_143, %reduce_sum3A_144 [0] : vector<400x64xf32> to vector<64xf32>
    %broadcast_in_dim3A_146 = vector.shape_cast %reduce_sum3A_145 : vector<64xf32> to vector<1x64xf32>
    %add3A_147 = arith.addf %get3A_138, %broadcast_in_dim3A_146 : vector<1x64xf32>
    %swap3A_148 = arith.constant 2 : index
    %swap3A_149 = arith.constant 0 : index
    %swap3A_150 = vector.load %arg9[%swap3A_148, %swap3A_149] : memref<32x64xf32, #tpu.memory_space<vmem>>, vector<1x64xf32>
    tpu.vector_store %arg9[%swap3A_148, %swap3A_149], %add3A_147 {strides = array<i32>} : memref<32x64xf32, #tpu.memory_space<vmem>>, vector<1x64xf32>,
    %get3A_151 = arith.constant 2 : index
    %get3A_152 = arith.constant 0 : index
    %get3A_153 = vector.load %arg10[%get3A_151, %get3A_152] : memref<32x1xf32, #tpu.memory_space<vmem>>, vector<1x1xf32>
    %convert_element_type3A_154 = arith.extui %eq3A_120 : vector<400x1xi1> to vector<400x1xi32>
    %convert_element_type3A_155 = arith.sitofp %convert_element_type3A_154 : vector<400x1xi32> to vector<400x1xf32>
    %reduce_sum3A_156 = arith.constant dense<0.000000e+00> : vector<1xf32>
    %reduce_sum3A_157 = vector.multi_reduction <add>, %convert_element_type3A_155, %reduce_sum3A_156 [0] : vector<400x1xf32> to vector<1xf32>
    %broadcast_in_dim3A_158 = vector.shape_cast %reduce_sum3A_157 : vector<1xf32> to vector<1x1xf32>
    %add3A_159 = arith.addf %get3A_153, %broadcast_in_dim3A_158 : vector<1x1xf32>
    %swap3A_160 = arith.constant 2 : index
    %swap3A_161 = arith.constant 0 : index
    %swap3A_162 = vector.load %arg10[%swap3A_160, %swap3A_161] : memref<32x1xf32, #tpu.memory_space<vmem>>, vector<1x1xf32>
    tpu.vector_store %arg10[%swap3A_160, %swap3A_161], %add3A_159 {strides = array<i32>} : memref<32x1xf32, #tpu.memory_space<vmem>>, vector<1x1xf32>,
    %eq3A_163 = arith.constant 3.000000e+00 : f32
    %eq3A_164 = vector.broadcast %eq3A_163 : f32 to vector<400x1xf32>
    %eq3A_165 = arith.cmpf oeq, %get3A_31, %eq3A_164 : vector<400x1xf32>
    %jit3A_166 = arith.constant 0xFF800000 : f32
    %broadcast_in_dim3A_167 = vector.shape_cast %eq3A_165 : vector<400x1xi1> to vector<400x1xi1>
    %broadcast_in_dim3A_168 = vector.broadcast %broadcast_in_dim3A_167 : vector<400x1xi1> to vector<400x64xi1>
    %broadcast_in_dim3A_169 = vector.broadcast %jit3A_166 : f32 to vector<400x64xf32>
    %select_n3A_170 = arith.select %broadcast_in_dim3A_168, %add3A_28, %broadcast_in_dim3A_169 : vector<400x64xi1>, vector<400x64xf32>
    %get3A_171 = arith.constant 3 : index
    %get3A_172 = arith.constant 0 : index
    %get3A_173 = vector.load %arg8[%get3A_171, %get3A_172] : memref<32x64xf32, #tpu.memory_space<vmem>>, vector<1x64xf32>
    %reduce_max3A_174 = arith.constant dense<0xFF800000> : vector<64xf32>
    %reduce_max3A_175 = vector.multi_reduction <maximumf>, %select_n3A_170, %reduce_max3A_174 [0] : vector<400x64xf32> to vector<64xf32>
    %broadcast_in_dim3A_176 = vector.shape_cast %reduce_max3A_175 : vector<64xf32> to vector<1x64xf32>
    %max3A_177 = arith.maximumf %get3A_173, %broadcast_in_dim3A_176 : vector<1x64xf32>
    %swap3A_178 = arith.constant 3 : index
    %swap3A_179 = arith.constant 0 : index
    %swap3A_180 = vector.load %arg8[%swap3A_178, %swap3A_179] : memref<32x64xf32, #tpu.memory_space<vmem>>, vector<1x64xf32>
    tpu.vector_store %arg8[%swap3A_178, %swap3A_179], %max3A_177 {strides = array<i32>} : memref<32x64xf32, #tpu.memory_space<vmem>>, vector<1x64xf32>,
    %get3A_181 = arith.constant 3 : index
    %get3A_182 = arith.constant 0 : index
    %get3A_183 = vector.load %arg9[%get3A_181, %get3A_182] : memref<32x64xf32, #tpu.memory_space<vmem>>, vector<1x64xf32>
    %jit3A_184 = arith.constant 0.000000e+00 : f32
    %broadcast_in_dim3A_185 = vector.shape_cast %eq3A_165 : vector<400x1xi1> to vector<400x1xi1>
    %broadcast_in_dim3A_186 = vector.broadcast %broadcast_in_dim3A_185 : vector<400x1xi1> to vector<400x64xi1>
    %broadcast_in_dim3A_187 = vector.broadcast %jit3A_184 : f32 to vector<400x64xf32>
    %select_n3A_188 = arith.select %broadcast_in_dim3A_186, %add3A_28, %broadcast_in_dim3A_187 : vector<400x64xi1>, vector<400x64xf32>
    %reduce_sum3A_189 = arith.constant dense<0.000000e+00> : vector<64xf32>
    %reduce_sum3A_190 = vector.multi_reduction <add>, %select_n3A_188, %reduce_sum3A_189 [0] : vector<400x64xf32> to vector<64xf32>
    %broadcast_in_dim3A_191 = vector.shape_cast %reduce_sum3A_190 : vector<64xf32> to vector<1x64xf32>
    %add3A_192 = arith.addf %get3A_183, %broadcast_in_dim3A_191 : vector<1x64xf32>
    %swap3A_193 = arith.constant 3 : index
    %swap3A_194 = arith.constant 0 : index
    %swap3A_195 = vector.load %arg9[%swap3A_193, %swap3A_194] : memref<32x64xf32, #tpu.memory_space<vmem>>, vector<1x64xf32>
    tpu.vector_store %arg9[%swap3A_193, %swap3A_194], %add3A_192 {strides = array<i32>} : memref<32x64xf32, #tpu.memory_space<vmem>>, vector<1x64xf32>,
    %get3A_196 = arith.constant 3 : index
    %get3A_197 = arith.constant 0 : index
    %get3A_198 = vector.load %arg10[%get3A_196, %get3A_197] : memref<32x1xf32, #tpu.memory_space<vmem>>, vector<1x1xf32>
    %convert_element_type3A_199 = arith.extui %eq3A_165 : vector<400x1xi1> to vector<400x1xi32>
    %convert_element_type3A_200 = arith.sitofp %convert_element_type3A_199 : vector<400x1xi32> to vector<400x1xf32>
    %reduce_sum3A_201 = arith.constant dense<0.000000e+00> : vector<1xf32>
    %reduce_sum3A_202 = vector.multi_reduction <add>, %convert_element_type3A_200, %reduce_sum3A_201 [0] : vector<400x1xf32> to vector<1xf32>
    %broadcast_in_dim3A_203 = vector.shape_cast %reduce_sum3A_202 : vector<1xf32> to vector<1x1xf32>
    %add3A_204 = arith.addf %get3A_198, %broadcast_in_dim3A_203 : vector<1x1xf32>
    %swap3A_205 = arith.constant 3 : index
    %swap3A_206 = arith.constant 0 : index
    %swap3A_207 = vector.load %arg10[%swap3A_205, %swap3A_206] : memref<32x1xf32, #tpu.memory_space<vmem>>, vector<1x1xf32>
    tpu.vector_store %arg10[%swap3A_205, %swap3A_206], %add3A_204 {strides = array<i32>} : memref<32x1xf32, #tpu.memory_space<vmem>>, vector<1x1xf32>,
    %eq3A_208 = arith.constant 4.000000e+00 : f32
    %eq3A_209 = vector.broadcast %eq3A_208 : f32 to vector<400x1xf32>
    %eq3A_210 = arith.cmpf oeq, %get3A_31, %eq3A_209 : vector<400x1xf32>
    %jit3A_211 = arith.constant 0xFF800000 : f32
    %broadcast_in_dim3A_212 = vector.shape_cast %eq3A_210 : vector<400x1xi1> to vector<400x1xi1>
    %broadcast_in_dim3A_213 = vector.broadcast %broadcast_in_dim3A_212 : vector<400x1xi1> to vector<400x64xi1>
    %broadcast_in_dim3A_214 = vector.broadcast %jit3A_211 : f32 to vector<400x64xf32>
    %select_n3A_215 = arith.select %broadcast_in_dim3A_213, %add3A_28, %broadcast_in_dim3A_214 : vector<400x64xi1>, vector<400x64xf32>
    %get3A_216 = arith.constant 4 : index
    %get3A_217 = arith.constant 0 : index
    %get3A_218 = vector.load %arg8[%get3A_216, %get3A_217] : memref<32x64xf32, #tpu.memory_space<vmem>>, vector<1x64xf32>
    %reduce_max3A_219 = arith.constant dense<0xFF800000> : vector<64xf32>
    %reduce_max3A_220 = vector.multi_reduction <maximumf>, %select_n3A_215, %reduce_max3A_219 [0] : vector<400x64xf32> to vector<64xf32>
    %broadcast_in_dim3A_221 = vector.shape_cast %reduce_max3A_220 : vector<64xf32> to vector<1x64xf32>
    %max3A_222 = arith.maximumf %get3A_218, %broadcast_in_dim3A_221 : vector<1x64xf32>
    %swap3A_223 = arith.constant 4 : index
    %swap3A_224 = arith.constant 0 : index
    %swap3A_225 = vector.load %arg8[%swap3A_223, %swap3A_224] : memref<32x64xf32, #tpu.memory_space<vmem>>, vector<1x64xf32>
    tpu.vector_store %arg8[%swap3A_223, %swap3A_224], %max3A_222 {strides = array<i32>} : memref<32x64xf32, #tpu.memory_space<vmem>>, vector<1x64xf32>,
    %get3A_226 = arith.constant 4 : index
    %get3A_227 = arith.constant 0 : index
    %get3A_228 = vector.load %arg9[%get3A_226, %get3A_227] : memref<32x64xf32, #tpu.memory_space<vmem>>, vector<1x64xf32>
    %jit3A_229 = arith.constant 0.000000e+00 : f32
    %broadcast_in_dim3A_230 = vector.shape_cast %eq3A_210 : vector<400x1xi1> to vector<400x1xi1>
    %broadcast_in_dim3A_231 = vector.broadcast %broadcast_in_dim3A_230 : vector<400x1xi1> to vector<400x64xi1>
    %broadcast_in_dim3A_232 = vector.broadcast %jit3A_229 : f32 to vector<400x64xf32>
    %select_n3A_233 = arith.select %broadcast_in_dim3A_231, %add3A_28, %broadcast_in_dim3A_232 : vector<400x64xi1>, vector<400x64xf32>
    %reduce_sum3A_234 = arith.constant dense<0.000000e+00> : vector<64xf32>
    %reduce_sum3A_235 = vector.multi_reduction <add>, %select_n3A_233, %reduce_sum3A_234 [0] : vector<400x64xf32> to vector<64xf32>
    %broadcast_in_dim3A_236 = vector.shape_cast %reduce_sum3A_235 : vector<64xf32> to vector<1x64xf32>
    %add3A_237 = arith.addf %get3A_228, %broadcast_in_dim3A_236 : vector<1x64xf32>
    %swap3A_238 = arith.constant 4 : index
    %swap3A_239 = arith.constant 0 : index
    %swap3A_240 = vector.load %arg9[%swap3A_238, %swap3A_239] : memref<32x64xf32, #tpu.memory_space<vmem>>, vector<1x64xf32>
    tpu.vector_store %arg9[%swap3A_238, %swap3A_239], %add3A_237 {strides = array<i32>} : memref<32x64xf32, #tpu.memory_space<vmem>>, vector<1x64xf32>,
    %get3A_241 = arith.constant 4 : index
    %get3A_242 = arith.constant 0 : index
    %get3A_243 = vector.load %arg10[%get3A_241, %get3A_242] : memref<32x1xf32, #tpu.memory_space<vmem>>, vector<1x1xf32>
    %convert_element_type3A_244 = arith.extui %eq3A_210 : vector<400x1xi1> to vector<400x1xi32>
    %convert_element_type3A_245 = arith.sitofp %convert_element_type3A_244 : vector<400x1xi32> to vector<400x1xf32>
    %reduce_sum3A_246 = arith.constant dense<0.000000e+00> : vector<1xf32>
    %reduce_sum3A_247 = vector.multi_reduction <add>, %convert_element_type3A_245, %reduce_sum3A_246 [0] : vector<400x1xf32> to vector<1xf32>
    %broadcast_in_dim3A_248 = vector.shape_cast %reduce_sum3A_247 : vector<1xf32> to vector<1x1xf32>
    %add3A_249 = arith.addf %get3A_243, %broadcast_in_dim3A_248 : vector<1x1xf32>
    %swap3A_250 = arith.constant 4 : index
    %swap3A_251 = arith.constant 0 : index
    %swap3A_252 = vector.load %arg10[%swap3A_250, %swap3A_251] : memref<32x1xf32, #tpu.memory_space<vmem>>, vector<1x1xf32>
    tpu.vector_store %arg10[%swap3A_250, %swap3A_251], %add3A_249 {strides = array<i32>} : memref<32x1xf32, #tpu.memory_space<vmem>>, vector<1x1xf32>,
    %eq3A_253 = arith.constant 5.000000e+00 : f32
    %eq3A_254 = vector.broadcast %eq3A_253 : f32 to vector<400x1xf32>
    %eq3A_255 = arith.cmpf oeq, %get3A_31, %eq3A_254 : vector<400x1xf32>
    %jit3A_256 = arith.constant 0xFF800000 : f32
    %broadcast_in_dim3A_257 = vector.shape_cast %eq3A_255 : vector<400x1xi1> to vector<400x1xi1>
    %broadcast_in_dim3A_258 = vector.broadcast %broadcast_in_dim3A_257 : vector<400x1xi1> to vector<400x64xi1>
    %broadcast_in_dim3A_259 = vector.broadcast %jit3A_256 : f32 to vector<400x64xf32>
    %select_n3A_260 = arith.select %broadcast_in_dim3A_258, %add3A_28, %broadcast_in_dim3A_259 : vector<400x64xi1>, vector<400x64xf32>
    %get3A_261 = arith.constant 5 : index
    %get3A_262 = arith.constant 0 : index
    %get3A_263 = vector.load %arg8[%get3A_261, %get3A_262] : memref<32x64xf32, #tpu.memory_space<vmem>>, vector<1x64xf32>
    %reduce_max3A_264 = arith.constant dense<0xFF800000> : vector<64xf32>
    %reduce_max3A_265 = vector.multi_reduction <maximumf>, %select_n3A_260, %reduce_max3A_264 [0] : vector<400x64xf32> to vector<64xf32>
    %broadcast_in_dim3A_266 = vector.shape_cast %reduce_max3A_265 : vector<64xf32> to vector<1x64xf32>
    %max3A_267 = arith.maximumf %get3A_263, %broadcast_in_dim3A_266 : vector<1x64xf32>
    %swap3A_268 = arith.constant 5 : index
    %swap3A_269 = arith.constant 0 : index
    %swap3A_270 = vector.load %arg8[%swap3A_268, %swap3A_269] : memref<32x64xf32, #tpu.memory_space<vmem>>, vector<1x64xf32>
    tpu.vector_store %arg8[%swap3A_268, %swap3A_269], %max3A_267 {strides = array<i32>} : memref<32x64xf32, #tpu.memory_space<vmem>>, vector<1x64xf32>,
    %get3A_271 = arith.constant 5 : index
    %get3A_272 = arith.constant 0 : index
    %get3A_273 = vector.load %arg9[%get3A_271, %get3A_272] : memref<32x64xf32, #tpu.memory_space<vmem>>, vector<1x64xf32>
    %jit3A_274 = arith.constant 0.000000e+00 : f32
    %broadcast_in_dim3A_275 = vector.shape_cast %eq3A_255 : vector<400x1xi1> to vector<400x1xi1>
    %broadcast_in_dim3A_276 = vector.broadcast %broadcast_in_dim3A_275 : vector<400x1xi1> to vector<400x64xi1>
    %broadcast_in_dim3A_277 = vector.broadcast %jit3A_274 : f32 to vector<400x64xf32>
    %select_n3A_278 = arith.select %broadcast_in_dim3A_276, %add3A_28, %broadcast_in_dim3A_277 : vector<400x64xi1>, vector<400x64xf32>
    %reduce_sum3A_279 = arith.constant dense<0.000000e+00> : vector<64xf32>
    %reduce_sum3A_280 = vector.multi_reduction <add>, %select_n3A_278, %reduce_sum3A_279 [0] : vector<400x64xf32> to vector<64xf32>
    %broadcast_in_dim3A_281 = vector.shape_cast %reduce_sum3A_280 : vector<64xf32> to vector<1x64xf32>
    %add3A_282 = arith.addf %get3A_273, %broadcast_in_dim3A_281 : vector<1x64xf32>
    %swap3A_283 = arith.constant 5 : index
    %swap3A_284 = arith.constant 0 : index
    %swap3A_285 = vector.load %arg9[%swap3A_283, %swap3A_284] : memref<32x64xf32, #tpu.memory_space<vmem>>, vector<1x64xf32>
    tpu.vector_store %arg9[%swap3A_283, %swap3A_284], %add3A_282 {strides = array<i32>} : memref<32x64xf32, #tpu.memory_space<vmem>>, vector<1x64xf32>,
    %get3A_286 = arith.constant 5 : index
    %get3A_287 = arith.constant 0 : index
    %get3A_288 = vector.load %arg10[%get3A_286, %get3A_287] : memref<32x1xf32, #tpu.memory_space<vmem>>, vector<1x1xf32>
    %convert_element_type3A_289 = arith.extui %eq3A_255 : vector<400x1xi1> to vector<400x1xi32>
    %convert_element_type3A_290 = arith.sitofp %convert_element_type3A_289 : vector<400x1xi32> to vector<400x1xf32>
    %reduce_sum3A_291 = arith.constant dense<0.000000e+00> : vector<1xf32>
    %reduce_sum3A_292 = vector.multi_reduction <add>, %convert_element_type3A_290, %reduce_sum3A_291 [0] : vector<400x1xf32> to vector<1xf32>
    %broadcast_in_dim3A_293 = vector.shape_cast %reduce_sum3A_292 : vector<1xf32> to vector<1x1xf32>
    %add3A_294 = arith.addf %get3A_288, %broadcast_in_dim3A_293 : vector<1x1xf32>
    %swap3A_295 = arith.constant 5 : index
    %swap3A_296 = arith.constant 0 : index
    %swap3A_297 = vector.load %arg10[%swap3A_295, %swap3A_296] : memref<32x1xf32, #tpu.memory_space<vmem>>, vector<1x1xf32>
    tpu.vector_store %arg10[%swap3A_295, %swap3A_296], %add3A_294 {strides = array<i32>} : memref<32x1xf32, #tpu.memory_space<vmem>>, vector<1x1xf32>,
    %eq3A_298 = arith.constant 6.000000e+00 : f32
    %eq3A_299 = vector.broadcast %eq3A_298 : f32 to vector<400x1xf32>
    %eq3A_300 = arith.cmpf oeq, %get3A_31, %eq3A_299 : vector<400x1xf32>
    %jit3A_301 = arith.constant 0xFF800000 : f32
    %broadcast_in_dim3A_302 = vector.shape_cast %eq3A_300 : vector<400x1xi1> to vector<400x1xi1>
    %broadcast_in_dim3A_303 = vector.broadcast %broadcast_in_dim3A_302 : vector<400x1xi1> to vector<400x64xi1>
    %broadcast_in_dim3A_304 = vector.broadcast %jit3A_301 : f32 to vector<400x64xf32>
    %select_n3A_305 = arith.select %broadcast_in_dim3A_303, %add3A_28, %broadcast_in_dim3A_304 : vector<400x64xi1>, vector<400x64xf32>
    %get3A_306 = arith.constant 6 : index
    %get3A_307 = arith.constant 0 : index
    %get3A_308 = vector.load %arg8[%get3A_306, %get3A_307] : memref<32x64xf32, #tpu.memory_space<vmem>>, vector<1x64xf32>
    %reduce_max3A_309 = arith.constant dense<0xFF800000> : vector<64xf32>
    %reduce_max3A_310 = vector.multi_reduction <maximumf>, %select_n3A_305, %reduce_max3A_309 [0] : vector<400x64xf32> to vector<64xf32>
    %broadcast_in_dim3A_311 = vector.shape_cast %reduce_max3A_310 : vector<64xf32> to vector<1x64xf32>
    %max3A_312 = arith.maximumf %get3A_308, %broadcast_in_dim3A_311 : vector<1x64xf32>
    %swap3A_313 = arith.constant 6 : index
    %swap3A_314 = arith.constant 0 : index
    %swap3A_315 = vector.load %arg8[%swap3A_313, %swap3A_314] : memref<32x64xf32, #tpu.memory_space<vmem>>, vector<1x64xf32>
    tpu.vector_store %arg8[%swap3A_313, %swap3A_314], %max3A_312 {strides = array<i32>} : memref<32x64xf32, #tpu.memory_space<vmem>>, vector<1x64xf32>,
    %get3A_316 = arith.constant 6 : index
    %get3A_317 = arith.constant 0 : index
    %get3A_318 = vector.load %arg9[%get3A_316, %get3A_317] : memref<32x64xf32, #tpu.memory_space<vmem>>, vector<1x64xf32>
    %jit3A_319 = arith.constant 0.000000e+00 : f32
    %broadcast_in_dim3A_320 = vector.shape_cast %eq3A_300 : vector<400x1xi1> to vector<400x1xi1>
    %broadcast_in_dim3A_321 = vector.broadcast %broadcast_in_dim3A_320 : vector<400x1xi1> to vector<400x64xi1>
    %broadcast_in_dim3A_322 = vector.broadcast %jit3A_319 : f32 to vector<400x64xf32>
    %select_n3A_323 = arith.select %broadcast_in_dim3A_321, %add3A_28, %broadcast_in_dim3A_322 : vector<400x64xi1>, vector<400x64xf32>
    %reduce_sum3A_324 = arith.constant dense<0.000000e+00> : vector<64xf32>
    %reduce_sum3A_325 = vector.multi_reduction <add>, %select_n3A_323, %reduce_sum3A_324 [0] : vector<400x64xf32> to vector<64xf32>
    %broadcast_in_dim3A_326 = vector.shape_cast %reduce_sum3A_325 : vector<64xf32> to vector<1x64xf32>
    %add3A_327 = arith.addf %get3A_318, %broadcast_in_dim3A_326 : vector<1x64xf32>
    %swap3A_328 = arith.constant 6 : index
    %swap3A_329 = arith.constant 0 : index
    %swap3A_330 = vector.load %arg9[%swap3A_328, %swap3A_329] : memref<32x64xf32, #tpu.memory_space<vmem>>, vector<1x64xf32>
    tpu.vector_store %arg9[%swap3A_328, %swap3A_329], %add3A_327 {strides = array<i32>} : memref<32x64xf32, #tpu.memory_space<vmem>>, vector<1x64xf32>,
    %get3A_331 = arith.constant 6 : index
    %get3A_332 = arith.constant 0 : index
    %get3A_333 = vector.load %arg10[%get3A_331, %get3A_332] : memref<32x1xf32, #tpu.memory_space<vmem>>, vector<1x1xf32>
    %convert_element_type3A_334 = arith.extui %eq3A_300 : vector<400x1xi1> to vector<400x1xi32>
    %convert_element_type3A_335 = arith.sitofp %convert_element_type3A_334 : vector<400x1xi32> to vector<400x1xf32>
    %reduce_sum3A_336 = arith.constant dense<0.000000e+00> : vector<1xf32>
    %reduce_sum3A_337 = vector.multi_reduction <add>, %convert_element_type3A_335, %reduce_sum3A_336 [0] : vector<400x1xf32> to vector<1xf32>
    %broadcast_in_dim3A_338 = vector.shape_cast %reduce_sum3A_337 : vector<1xf32> to vector<1x1xf32>
    %add3A_339 = arith.addf %get3A_333, %broadcast_in_dim3A_338 : vector<1x1xf32>
    %swap3A_340 = arith.constant 6 : index
    %swap3A_341 = arith.constant 0 : index
    %swap3A_342 = vector.load %arg10[%swap3A_340, %swap3A_341] : memref<32x1xf32, #tpu.memory_space<vmem>>, vector<1x1xf32>
    tpu.vector_store %arg10[%swap3A_340, %swap3A_341], %add3A_339 {strides = array<i32>} : memref<32x1xf32, #tpu.memory_space<vmem>>, vector<1x1xf32>,
    %eq3A_343 = arith.constant 7.000000e+00 : f32
    %eq3A_344 = vector.broadcast %eq3A_343 : f32 to vector<400x1xf32>
    %eq3A_345 = arith.cmpf oeq, %get3A_31, %eq3A_344 : vector<400x1xf32>
    %jit3A_346 = arith.constant 0xFF800000 : f32
    %broadcast_in_dim3A_347 = vector.shape_cast %eq3A_345 : vector<400x1xi1> to vector<400x1xi1>
    %broadcast_in_dim3A_348 = vector.broadcast %broadcast_in_dim3A_347 : vector<400x1xi1> to vector<400x64xi1>
    %broadcast_in_dim3A_349 = vector.broadcast %jit3A_346 : f32 to vector<400x64xf32>
    %select_n3A_350 = arith.select %broadcast_in_dim3A_348, %add3A_28, %broadcast_in_dim3A_349 : vector<400x64xi1>, vector<400x64xf32>
    %get3A_351 = arith.constant 7 : index
    %get3A_352 = arith.constant 0 : index
    %get3A_353 = vector.load %arg8[%get3A_351, %get3A_352] : memref<32x64xf32, #tpu.memory_space<vmem>>, vector<1x64xf32>
    %reduce_max3A_354 = arith.constant dense<0xFF800000> : vector<64xf32>
    %reduce_max3A_355 = vector.multi_reduction <maximumf>, %select_n3A_350, %reduce_max3A_354 [0] : vector<400x64xf32> to vector<64xf32>
    %broadcast_in_dim3A_356 = vector.shape_cast %reduce_max3A_355 : vector<64xf32> to vector<1x64xf32>
    %max3A_357 = arith.maximumf %get3A_353, %broadcast_in_dim3A_356 : vector<1x64xf32>
    %swap3A_358 = arith.constant 7 : index
    %swap3A_359 = arith.constant 0 : index
    %swap3A_360 = vector.load %arg8[%swap3A_358, %swap3A_359] : memref<32x64xf32, #tpu.memory_space<vmem>>, vector<1x64xf32>
    tpu.vector_store %arg8[%swap3A_358, %swap3A_359], %max3A_357 {strides = array<i32>} : memref<32x64xf32, #tpu.memory_space<vmem>>, vector<1x64xf32>,
    %get3A_361 = arith.constant 7 : index
    %get3A_362 = arith.constant 0 : index
    %get3A_363 = vector.load %arg9[%get3A_361, %get3A_362] : memref<32x64xf32, #tpu.memory_space<vmem>>, vector<1x64xf32>
    %jit3A_364 = arith.constant 0.000000e+00 : f32
    %broadcast_in_dim3A_365 = vector.shape_cast %eq3A_345 : vector<400x1xi1> to vector<400x1xi1>
    %broadcast_in_dim3A_366 = vector.broadcast %broadcast_in_dim3A_365 : vector<400x1xi1> to vector<400x64xi1>
    %broadcast_in_dim3A_367 = vector.broadcast %jit3A_364 : f32 to vector<400x64xf32>
    %select_n3A_368 = arith.select %broadcast_in_dim3A_366, %add3A_28, %broadcast_in_dim3A_367 : vector<400x64xi1>, vector<400x64xf32>
    %reduce_sum3A_369 = arith.constant dense<0.000000e+00> : vector<64xf32>
    %reduce_sum3A_370 = vector.multi_reduction <add>, %select_n3A_368, %reduce_sum3A_369 [0] : vector<400x64xf32> to vector<64xf32>
    %broadcast_in_dim3A_371 = vector.shape_cast %reduce_sum3A_370 : vector<64xf32> to vector<1x64xf32>
    %add3A_372 = arith.addf %get3A_363, %broadcast_in_dim3A_371 : vector<1x64xf32>
    %swap3A_373 = arith.constant 7 : index
    %swap3A_374 = arith.constant 0 : index
    %swap3A_375 = vector.load %arg9[%swap3A_373, %swap3A_374] : memref<32x64xf32, #tpu.memory_space<vmem>>, vector<1x64xf32>
    tpu.vector_store %arg9[%swap3A_373, %swap3A_374], %add3A_372 {strides = array<i32>} : memref<32x64xf32, #tpu.memory_space<vmem>>, vector<1x64xf32>,
    %get3A_376 = arith.constant 7 : index
    %get3A_377 = arith.constant 0 : index
    %get3A_378 = vector.load %arg10[%get3A_376, %get3A_377] : memref<32x1xf32, #tpu.memory_space<vmem>>, vector<1x1xf32>
    %convert_element_type3A_379 = arith.extui %eq3A_345 : vector<400x1xi1> to vector<400x1xi32>
    %convert_element_type3A_380 = arith.sitofp %convert_element_type3A_379 : vector<400x1xi32> to vector<400x1xf32>
    %reduce_sum3A_381 = arith.constant dense<0.000000e+00> : vector<1xf32>
    %reduce_sum3A_382 = vector.multi_reduction <add>, %convert_element_type3A_380, %reduce_sum3A_381 [0] : vector<400x1xf32> to vector<1xf32>
    %broadcast_in_dim3A_383 = vector.shape_cast %reduce_sum3A_382 : vector<1xf32> to vector<1x1xf32>
    %add3A_384 = arith.addf %get3A_378, %broadcast_in_dim3A_383 : vector<1x1xf32>
    %swap3A_385 = arith.constant 7 : index
    %swap3A_386 = arith.constant 0 : index
    %swap3A_387 = vector.load %arg10[%swap3A_385, %swap3A_386] : memref<32x1xf32, #tpu.memory_space<vmem>>, vector<1x1xf32>
    tpu.vector_store %arg10[%swap3A_385, %swap3A_386], %add3A_384 {strides = array<i32>} : memref<32x1xf32, #tpu.memory_space<vmem>>, vector<1x1xf32>,
    %eq3A_388 = arith.constant 8.000000e+00 : f32
    %eq3A_389 = vector.broadcast %eq3A_388 : f32 to vector<400x1xf32>
    %eq3A_390 = arith.cmpf oeq, %get3A_31, %eq3A_389 : vector<400x1xf32>
    %jit3A_391 = arith.constant 0xFF800000 : f32
    %broadcast_in_dim3A_392 = vector.shape_cast %eq3A_390 : vector<400x1xi1> to vector<400x1xi1>
    %broadcast_in_dim3A_393 = vector.broadcast %broadcast_in_dim3A_392 : vector<400x1xi1> to vector<400x64xi1>
    %broadcast_in_dim3A_394 = vector.broadcast %jit3A_391 : f32 to vector<400x64xf32>
    %select_n3A_395 = arith.select %broadcast_in_dim3A_393, %add3A_28, %broadcast_in_dim3A_394 : vector<400x64xi1>, vector<400x64xf32>
    %get3A_396 = arith.constant 8 : index
    %get3A_397 = arith.constant 0 : index
    %get3A_398 = vector.load %arg8[%get3A_396, %get3A_397] : memref<32x64xf32, #tpu.memory_space<vmem>>, vector<1x64xf32>
    %reduce_max3A_399 = arith.constant dense<0xFF800000> : vector<64xf32>
    %reduce_max3A_400 = vector.multi_reduction <maximumf>, %select_n3A_395, %reduce_max3A_399 [0] : vector<400x64xf32> to vector<64xf32>
    %broadcast_in_dim3A_401 = vector.shape_cast %reduce_max3A_400 : vector<64xf32> to vector<1x64xf32>
    %max3A_402 = arith.maximumf %get3A_398, %broadcast_in_dim3A_401 : vector<1x64xf32>
    %swap3A_403 = arith.constant 8 : index
    %swap3A_404 = arith.constant 0 : index
    %swap3A_405 = vector.load %arg8[%swap3A_403, %swap3A_404] : memref<32x64xf32, #tpu.memory_space<vmem>>, vector<1x64xf32>
    tpu.vector_store %arg8[%swap3A_403, %swap3A_404], %max3A_402 {strides = array<i32>} : memref<32x64xf32, #tpu.memory_space<vmem>>, vector<1x64xf32>,
    %get3A_406 = arith.constant 8 : index
    %get3A_407 = arith.constant 0 : index
    %get3A_408 = vector.load %arg9[%get3A_406, %get3A_407] : memref<32x64xf32, #tpu.memory_space<vmem>>, vector<1x64xf32>
    %jit3A_409 = arith.constant 0.000000e+00 : f32
    %broadcast_in_dim3A_410 = vector.shape_cast %eq3A_390 : vector<400x1xi1> to vector<400x1xi1>
    %broadcast_in_dim3A_411 = vector.broadcast %broadcast_in_dim3A_410 : vector<400x1xi1> to vector<400x64xi1>
    %broadcast_in_dim3A_412 = vector.broadcast %jit3A_409 : f32 to vector<400x64xf32>
    %select_n3A_413 = arith.select %broadcast_in_dim3A_411, %add3A_28, %broadcast_in_dim3A_412 : vector<400x64xi1>, vector<400x64xf32>
    %reduce_sum3A_414 = arith.constant dense<0.000000e+00> : vector<64xf32>
    %reduce_sum3A_415 = vector.multi_reduction <add>, %select_n3A_413, %reduce_sum3A_414 [0] : vector<400x64xf32> to vector<64xf32>
    %broadcast_in_dim3A_416 = vector.shape_cast %reduce_sum3A_415 : vector<64xf32> to vector<1x64xf32>
    %add3A_417 = arith.addf %get3A_408, %broadcast_in_dim3A_416 : vector<1x64xf32>
    %swap3A_418 = arith.constant 8 : index
    %swap3A_419 = arith.constant 0 : index
    %swap3A_420 = vector.load %arg9[%swap3A_418, %swap3A_419] : memref<32x64xf32, #tpu.memory_space<vmem>>, vector<1x64xf32>
    tpu.vector_store %arg9[%swap3A_418, %swap3A_419], %add3A_417 {strides = array<i32>} : memref<32x64xf32, #tpu.memory_space<vmem>>, vector<1x64xf32>,
    %get3A_421 = arith.constant 8 : index
    %get3A_422 = arith.constant 0 : index
    %get3A_423 = vector.load %arg10[%get3A_421, %get3A_422] : memref<32x1xf32, #tpu.memory_space<vmem>>, vector<1x1xf32>
    %convert_element_type3A_424 = arith.extui %eq3A_390 : vector<400x1xi1> to vector<400x1xi32>
    %convert_element_type3A_425 = arith.sitofp %convert_element_type3A_424 : vector<400x1xi32> to vector<400x1xf32>
    %reduce_sum3A_426 = arith.constant dense<0.000000e+00> : vector<1xf32>
    %reduce_sum3A_427 = vector.multi_reduction <add>, %convert_element_type3A_425, %reduce_sum3A_426 [0] : vector<400x1xf32> to vector<1xf32>
    %broadcast_in_dim3A_428 = vector.shape_cast %reduce_sum3A_427 : vector<1xf32> to vector<1x1xf32>
    %add3A_429 = arith.addf %get3A_423, %broadcast_in_dim3A_428 : vector<1x1xf32>
    %swap3A_430 = arith.constant 8 : index
    %swap3A_431 = arith.constant 0 : index
    %swap3A_432 = vector.load %arg10[%swap3A_430, %swap3A_431] : memref<32x1xf32, #tpu.memory_space<vmem>>, vector<1x1xf32>
    tpu.vector_store %arg10[%swap3A_430, %swap3A_431], %add3A_429 {strides = array<i32>} : memref<32x1xf32, #tpu.memory_space<vmem>>, vector<1x1xf32>,
    %eq3A_433 = arith.constant 9.000000e+00 : f32
    %eq3A_434 = vector.broadcast %eq3A_433 : f32 to vector<400x1xf32>
    %eq3A_435 = arith.cmpf oeq, %get3A_31, %eq3A_434 : vector<400x1xf32>
    %jit3A_436 = arith.constant 0xFF800000 : f32
    %broadcast_in_dim3A_437 = vector.shape_cast %eq3A_435 : vector<400x1xi1> to vector<400x1xi1>
    %broadcast_in_dim3A_438 = vector.broadcast %broadcast_in_dim3A_437 : vector<400x1xi1> to vector<400x64xi1>
    %broadcast_in_dim3A_439 = vector.broadcast %jit3A_436 : f32 to vector<400x64xf32>
    %select_n3A_440 = arith.select %broadcast_in_dim3A_438, %add3A_28, %broadcast_in_dim3A_439 : vector<400x64xi1>, vector<400x64xf32>
    %get3A_441 = arith.constant 9 : index
    %get3A_442 = arith.constant 0 : index
    %get3A_443 = vector.load %arg8[%get3A_441, %get3A_442] : memref<32x64xf32, #tpu.memory_space<vmem>>, vector<1x64xf32>
    %reduce_max3A_444 = arith.constant dense<0xFF800000> : vector<64xf32>
    %reduce_max3A_445 = vector.multi_reduction <maximumf>, %select_n3A_440, %reduce_max3A_444 [0] : vector<400x64xf32> to vector<64xf32>
    %broadcast_in_dim3A_446 = vector.shape_cast %reduce_max3A_445 : vector<64xf32> to vector<1x64xf32>
    %max3A_447 = arith.maximumf %get3A_443, %broadcast_in_dim3A_446 : vector<1x64xf32>
    %swap3A_448 = arith.constant 9 : index
    %swap3A_449 = arith.constant 0 : index
    %swap3A_450 = vector.load %arg8[%swap3A_448, %swap3A_449] : memref<32x64xf32, #tpu.memory_space<vmem>>, vector<1x64xf32>
    tpu.vector_store %arg8[%swap3A_448, %swap3A_449], %max3A_447 {strides = array<i32>} : memref<32x64xf32, #tpu.memory_space<vmem>>, vector<1x64xf32>,
    %get3A_451 = arith.constant 9 : index
    %get3A_452 = arith.constant 0 : index
    %get3A_453 = vector.load %arg9[%get3A_451, %get3A_452] : memref<32x64xf32, #tpu.memory_space<vmem>>, vector<1x64xf32>
    %jit3A_454 = arith.constant 0.000000e+00 : f32
    %broadcast_in_dim3A_455 = vector.shape_cast %eq3A_435 : vector<400x1xi1> to vector<400x1xi1>
    %broadcast_in_dim3A_456 = vector.broadcast %broadcast_in_dim3A_455 : vector<400x1xi1> to vector<400x64xi1>
    %broadcast_in_dim3A_457 = vector.broadcast %jit3A_454 : f32 to vector<400x64xf32>
    %select_n3A_458 = arith.select %broadcast_in_dim3A_456, %add3A_28, %broadcast_in_dim3A_457 : vector<400x64xi1>, vector<400x64xf32>
    %reduce_sum3A_459 = arith.constant dense<0.000000e+00> : vector<64xf32>
    %reduce_sum3A_460 = vector.multi_reduction <add>, %select_n3A_458, %reduce_sum3A_459 [0] : vector<400x64xf32> to vector<64xf32>
    %broadcast_in_dim3A_461 = vector.shape_cast %reduce_sum3A_460 : vector<64xf32> to vector<1x64xf32>
    %add3A_462 = arith.addf %get3A_453, %broadcast_in_dim3A_461 : vector<1x64xf32>
    %swap3A_463 = arith.constant 9 : index
    %swap3A_464 = arith.constant 0 : index
    %swap3A_465 = vector.load %arg9[%swap3A_463, %swap3A_464] : memref<32x64xf32, #tpu.memory_space<vmem>>, vector<1x64xf32>
    tpu.vector_store %arg9[%swap3A_463, %swap3A_464], %add3A_462 {strides = array<i32>} : memref<32x64xf32, #tpu.memory_space<vmem>>, vector<1x64xf32>,
    %get3A_466 = arith.constant 9 : index
    %get3A_467 = arith.constant 0 : index
    %get3A_468 = vector.load %arg10[%get3A_466, %get3A_467] : memref<32x1xf32, #tpu.memory_space<vmem>>, vector<1x1xf32>
    %convert_element_type3A_469 = arith.extui %eq3A_435 : vector<400x1xi1> to vector<400x1xi32>
    %convert_element_type3A_470 = arith.sitofp %convert_element_type3A_469 : vector<400x1xi32> to vector<400x1xf32>
    %reduce_sum3A_471 = arith.constant dense<0.000000e+00> : vector<1xf32>
    %reduce_sum3A_472 = vector.multi_reduction <add>, %convert_element_type3A_470, %reduce_sum3A_471 [0] : vector<400x1xf32> to vector<1xf32>
    %broadcast_in_dim3A_473 = vector.shape_cast %reduce_sum3A_472 : vector<1xf32> to vector<1x1xf32>
    %add3A_474 = arith.addf %get3A_468, %broadcast_in_dim3A_473 : vector<1x1xf32>
    %swap3A_475 = arith.constant 9 : index
    %swap3A_476 = arith.constant 0 : index
    %swap3A_477 = vector.load %arg10[%swap3A_475, %swap3A_476] : memref<32x1xf32, #tpu.memory_space<vmem>>, vector<1x1xf32>
    tpu.vector_store %arg10[%swap3A_475, %swap3A_476], %add3A_474 {strides = array<i32>} : memref<32x1xf32, #tpu.memory_space<vmem>>, vector<1x1xf32>,
    %eq3A_478 = arith.constant 1.000000e+01 : f32
    %eq3A_479 = vector.broadcast %eq3A_478 : f32 to vector<400x1xf32>
    %eq3A_480 = arith.cmpf oeq, %get3A_31, %eq3A_479 : vector<400x1xf32>
    %jit3A_481 = arith.constant 0xFF800000 : f32
    %broadcast_in_dim3A_482 = vector.shape_cast %eq3A_480 : vector<400x1xi1> to vector<400x1xi1>
    %broadcast_in_dim3A_483 = vector.broadcast %broadcast_in_dim3A_482 : vector<400x1xi1> to vector<400x64xi1>
    %broadcast_in_dim3A_484 = vector.broadcast %jit3A_481 : f32 to vector<400x64xf32>
    %select_n3A_485 = arith.select %broadcast_in_dim3A_483, %add3A_28, %broadcast_in_dim3A_484 : vector<400x64xi1>, vector<400x64xf32>
    %get3A_486 = arith.constant 10 : index
    %get3A_487 = arith.constant 0 : index
    %get3A_488 = vector.load %arg8[%get3A_486, %get3A_487] : memref<32x64xf32, #tpu.memory_space<vmem>>, vector<1x64xf32>
    %reduce_max3A_489 = arith.constant dense<0xFF800000> : vector<64xf32>
    %reduce_max3A_490 = vector.multi_reduction <maximumf>, %select_n3A_485, %reduce_max3A_489 [0] : vector<400x64xf32> to vector<64xf32>
    %broadcast_in_dim3A_491 = vector.shape_cast %reduce_max3A_490 : vector<64xf32> to vector<1x64xf32>
    %max3A_492 = arith.maximumf %get3A_488, %broadcast_in_dim3A_491 : vector<1x64xf32>
    %swap3A_493 = arith.constant 10 : index
    %swap3A_494 = arith.constant 0 : index
    %swap3A_495 = vector.load %arg8[%swap3A_493, %swap3A_494] : memref<32x64xf32, #tpu.memory_space<vmem>>, vector<1x64xf32>
    tpu.vector_store %arg8[%swap3A_493, %swap3A_494], %max3A_492 {strides = array<i32>} : memref<32x64xf32, #tpu.memory_space<vmem>>, vector<1x64xf32>,
    %get3A_496 = arith.constant 10 : index
    %get3A_497 = arith.constant 0 : index
    %get3A_498 = vector.load %arg9[%get3A_496, %get3A_497] : memref<32x64xf32, #tpu.memory_space<vmem>>, vector<1x64xf32>
    %jit3A_499 = arith.constant 0.000000e+00 : f32
    %broadcast_in_dim3A_500 = vector.shape_cast %eq3A_480 : vector<400x1xi1> to vector<400x1xi1>
    %broadcast_in_dim3A_501 = vector.broadcast %broadcast_in_dim3A_500 : vector<400x1xi1> to vector<400x64xi1>
    %broadcast_in_dim3A_502 = vector.broadcast %jit3A_499 : f32 to vector<400x64xf32>
    %select_n3A_503 = arith.select %broadcast_in_dim3A_501, %add3A_28, %broadcast_in_dim3A_502 : vector<400x64xi1>, vector<400x64xf32>
    %reduce_sum3A_504 = arith.constant dense<0.000000e+00> : vector<64xf32>
    %reduce_sum3A_505 = vector.multi_reduction <add>, %select_n3A_503, %reduce_sum3A_504 [0] : vector<400x64xf32> to vector<64xf32>
    %broadcast_in_dim3A_506 = vector.shape_cast %reduce_sum3A_505 : vector<64xf32> to vector<1x64xf32>
    %add3A_507 = arith.addf %get3A_498, %broadcast_in_dim3A_506 : vector<1x64xf32>
    %swap3A_508 = arith.constant 10 : index
    %swap3A_509 = arith.constant 0 : index
    %swap3A_510 = vector.load %arg9[%swap3A_508, %swap3A_509] : memref<32x64xf32, #tpu.memory_space<vmem>>, vector<1x64xf32>
    tpu.vector_store %arg9[%swap3A_508, %swap3A_509], %add3A_507 {strides = array<i32>} : memref<32x64xf32, #tpu.memory_space<vmem>>, vector<1x64xf32>,
    %get3A_511 = arith.constant 10 : index
    %get3A_512 = arith.constant 0 : index
    %get3A_513 = vector.load %arg10[%get3A_511, %get3A_512] : memref<32x1xf32, #tpu.memory_space<vmem>>, vector<1x1xf32>
    %convert_element_type3A_514 = arith.extui %eq3A_480 : vector<400x1xi1> to vector<400x1xi32>
    %convert_element_type3A_515 = arith.sitofp %convert_element_type3A_514 : vector<400x1xi32> to vector<400x1xf32>
    %reduce_sum3A_516 = arith.constant dense<0.000000e+00> : vector<1xf32>
    %reduce_sum3A_517 = vector.multi_reduction <add>, %convert_element_type3A_515, %reduce_sum3A_516 [0] : vector<400x1xf32> to vector<1xf32>
    %broadcast_in_dim3A_518 = vector.shape_cast %reduce_sum3A_517 : vector<1xf32> to vector<1x1xf32>
    %add3A_519 = arith.addf %get3A_513, %broadcast_in_dim3A_518 : vector<1x1xf32>
    %swap3A_520 = arith.constant 10 : index
    %swap3A_521 = arith.constant 0 : index
    %swap3A_522 = vector.load %arg10[%swap3A_520, %swap3A_521] : memref<32x1xf32, #tpu.memory_space<vmem>>, vector<1x1xf32>
    tpu.vector_store %arg10[%swap3A_520, %swap3A_521], %add3A_519 {strides = array<i32>} : memref<32x1xf32, #tpu.memory_space<vmem>>, vector<1x1xf32>,
    %eq3A_523 = arith.constant 1.100000e+01 : f32
    %eq3A_524 = vector.broadcast %eq3A_523 : f32 to vector<400x1xf32>
    %eq3A_525 = arith.cmpf oeq, %get3A_31, %eq3A_524 : vector<400x1xf32>
    %jit3A_526 = arith.constant 0xFF800000 : f32
    %broadcast_in_dim3A_527 = vector.shape_cast %eq3A_525 : vector<400x1xi1> to vector<400x1xi1>
    %broadcast_in_dim3A_528 = vector.broadcast %broadcast_in_dim3A_527 : vector<400x1xi1> to vector<400x64xi1>
    %broadcast_in_dim3A_529 = vector.broadcast %jit3A_526 : f32 to vector<400x64xf32>
    %select_n3A_530 = arith.select %broadcast_in_dim3A_528, %add3A_28, %broadcast_in_dim3A_529 : vector<400x64xi1>, vector<400x64xf32>
    %get3A_531 = arith.constant 11 : index
    %get3A_532 = arith.constant 0 : index
    %get3A_533 = vector.load %arg8[%get3A_531, %get3A_532] : memref<32x64xf32, #tpu.memory_space<vmem>>, vector<1x64xf32>
    %reduce_max3A_534 = arith.constant dense<0xFF800000> : vector<64xf32>
    %reduce_max3A_535 = vector.multi_reduction <maximumf>, %select_n3A_530, %reduce_max3A_534 [0] : vector<400x64xf32> to vector<64xf32>
    %broadcast_in_dim3A_536 = vector.shape_cast %reduce_max3A_535 : vector<64xf32> to vector<1x64xf32>
    %max3A_537 = arith.maximumf %get3A_533, %broadcast_in_dim3A_536 : vector<1x64xf32>
    %swap3A_538 = arith.constant 11 : index
    %swap3A_539 = arith.constant 0 : index
    %swap3A_540 = vector.load %arg8[%swap3A_538, %swap3A_539] : memref<32x64xf32, #tpu.memory_space<vmem>>, vector<1x64xf32>
    tpu.vector_store %arg8[%swap3A_538, %swap3A_539], %max3A_537 {strides = array<i32>} : memref<32x64xf32, #tpu.memory_space<vmem>>, vector<1x64xf32>,
    %get3A_541 = arith.constant 11 : index
    %get3A_542 = arith.constant 0 : index
    %get3A_543 = vector.load %arg9[%get3A_541, %get3A_542] : memref<32x64xf32, #tpu.memory_space<vmem>>, vector<1x64xf32>
    %jit3A_544 = arith.constant 0.000000e+00 : f32
    %broadcast_in_dim3A_545 = vector.shape_cast %eq3A_525 : vector<400x1xi1> to vector<400x1xi1>
    %broadcast_in_dim3A_546 = vector.broadcast %broadcast_in_dim3A_545 : vector<400x1xi1> to vector<400x64xi1>
    %broadcast_in_dim3A_547 = vector.broadcast %jit3A_544 : f32 to vector<400x64xf32>
    %select_n3A_548 = arith.select %broadcast_in_dim3A_546, %add3A_28, %broadcast_in_dim3A_547 : vector<400x64xi1>, vector<400x64xf32>
    %reduce_sum3A_549 = arith.constant dense<0.000000e+00> : vector<64xf32>
    %reduce_sum3A_550 = vector.multi_reduction <add>, %select_n3A_548, %reduce_sum3A_549 [0] : vector<400x64xf32> to vector<64xf32>
    %broadcast_in_dim3A_551 = vector.shape_cast %reduce_sum3A_550 : vector<64xf32> to vector<1x64xf32>
    %add3A_552 = arith.addf %get3A_543, %broadcast_in_dim3A_551 : vector<1x64xf32>
    %swap3A_553 = arith.constant 11 : index
    %swap3A_554 = arith.constant 0 : index
    %swap3A_555 = vector.load %arg9[%swap3A_553, %swap3A_554] : memref<32x64xf32, #tpu.memory_space<vmem>>, vector<1x64xf32>
    tpu.vector_store %arg9[%swap3A_553, %swap3A_554], %add3A_552 {strides = array<i32>} : memref<32x64xf32, #tpu.memory_space<vmem>>, vector<1x64xf32>,
    %get3A_556 = arith.constant 11 : index
    %get3A_557 = arith.constant 0 : index
    %get3A_558 = vector.load %arg10[%get3A_556, %get3A_557] : memref<32x1xf32, #tpu.memory_space<vmem>>, vector<1x1xf32>
    %convert_element_type3A_559 = arith.extui %eq3A_525 : vector<400x1xi1> to vector<400x1xi32>
    %convert_element_type3A_560 = arith.sitofp %convert_element_type3A_559 : vector<400x1xi32> to vector<400x1xf32>
    %reduce_sum3A_561 = arith.constant dense<0.000000e+00> : vector<1xf32>
    %reduce_sum3A_562 = vector.multi_reduction <add>, %convert_element_type3A_560, %reduce_sum3A_561 [0] : vector<400x1xf32> to vector<1xf32>
    %broadcast_in_dim3A_563 = vector.shape_cast %reduce_sum3A_562 : vector<1xf32> to vector<1x1xf32>
    %add3A_564 = arith.addf %get3A_558, %broadcast_in_dim3A_563 : vector<1x1xf32>
    %swap3A_565 = arith.constant 11 : index
    %swap3A_566 = arith.constant 0 : index
    %swap3A_567 = vector.load %arg10[%swap3A_565, %swap3A_566] : memref<32x1xf32, #tpu.memory_space<vmem>>, vector<1x1xf32>
    tpu.vector_store %arg10[%swap3A_565, %swap3A_566], %add3A_564 {strides = array<i32>} : memref<32x1xf32, #tpu.memory_space<vmem>>, vector<1x1xf32>,
    %eq3A_568 = arith.constant 1.200000e+01 : f32
    %eq3A_569 = vector.broadcast %eq3A_568 : f32 to vector<400x1xf32>
    %eq3A_570 = arith.cmpf oeq, %get3A_31, %eq3A_569 : vector<400x1xf32>
    %jit3A_571 = arith.constant 0xFF800000 : f32
    %broadcast_in_dim3A_572 = vector.shape_cast %eq3A_570 : vector<400x1xi1> to vector<400x1xi1>
    %broadcast_in_dim3A_573 = vector.broadcast %broadcast_in_dim3A_572 : vector<400x1xi1> to vector<400x64xi1>
    %broadcast_in_dim3A_574 = vector.broadcast %jit3A_571 : f32 to vector<400x64xf32>
    %select_n3A_575 = arith.select %broadcast_in_dim3A_573, %add3A_28, %broadcast_in_dim3A_574 : vector<400x64xi1>, vector<400x64xf32>
    %get3A_576 = arith.constant 12 : index
    %get3A_577 = arith.constant 0 : index
    %get3A_578 = vector.load %arg8[%get3A_576, %get3A_577] : memref<32x64xf32, #tpu.memory_space<vmem>>, vector<1x64xf32>
    %reduce_max3A_579 = arith.constant dense<0xFF800000> : vector<64xf32>
    %reduce_max3A_580 = vector.multi_reduction <maximumf>, %select_n3A_575, %reduce_max3A_579 [0] : vector<400x64xf32> to vector<64xf32>
    %broadcast_in_dim3A_581 = vector.shape_cast %reduce_max3A_580 : vector<64xf32> to vector<1x64xf32>
    %max3A_582 = arith.maximumf %get3A_578, %broadcast_in_dim3A_581 : vector<1x64xf32>
    %swap3A_583 = arith.constant 12 : index
    %swap3A_584 = arith.constant 0 : index
    %swap3A_585 = vector.load %arg8[%swap3A_583, %swap3A_584] : memref<32x64xf32, #tpu.memory_space<vmem>>, vector<1x64xf32>
    tpu.vector_store %arg8[%swap3A_583, %swap3A_584], %max3A_582 {strides = array<i32>} : memref<32x64xf32, #tpu.memory_space<vmem>>, vector<1x64xf32>,
    %get3A_586 = arith.constant 12 : index
    %get3A_587 = arith.constant 0 : index
    %get3A_588 = vector.load %arg9[%get3A_586, %get3A_587] : memref<32x64xf32, #tpu.memory_space<vmem>>, vector<1x64xf32>
    %jit3A_589 = arith.constant 0.000000e+00 : f32
    %broadcast_in_dim3A_590 = vector.shape_cast %eq3A_570 : vector<400x1xi1> to vector<400x1xi1>
    %broadcast_in_dim3A_591 = vector.broadcast %broadcast_in_dim3A_590 : vector<400x1xi1> to vector<400x64xi1>
    %broadcast_in_dim3A_592 = vector.broadcast %jit3A_589 : f32 to vector<400x64xf32>
    %select_n3A_593 = arith.select %broadcast_in_dim3A_591, %add3A_28, %broadcast_in_dim3A_592 : vector<400x64xi1>, vector<400x64xf32>
    %reduce_sum3A_594 = arith.constant dense<0.000000e+00> : vector<64xf32>
    %reduce_sum3A_595 = vector.multi_reduction <add>, %select_n3A_593, %reduce_sum3A_594 [0] : vector<400x64xf32> to vector<64xf32>
    %broadcast_in_dim3A_596 = vector.shape_cast %reduce_sum3A_595 : vector<64xf32> to vector<1x64xf32>
    %add3A_597 = arith.addf %get3A_588, %broadcast_in_dim3A_596 : vector<1x64xf32>
    %swap3A_598 = arith.constant 12 : index
    %swap3A_599 = arith.constant 0 : index
    %swap3A_600 = vector.load %arg9[%swap3A_598, %swap3A_599] : memref<32x64xf32, #tpu.memory_space<vmem>>, vector<1x64xf32>
    tpu.vector_store %arg9[%swap3A_598, %swap3A_599], %add3A_597 {strides = array<i32>} : memref<32x64xf32, #tpu.memory_space<vmem>>, vector<1x64xf32>,
    %get3A_601 = arith.constant 12 : index
    %get3A_602 = arith.constant 0 : index
    %get3A_603 = vector.load %arg10[%get3A_601, %get3A_602] : memref<32x1xf32, #tpu.memory_space<vmem>>, vector<1x1xf32>
    %convert_element_type3A_604 = arith.extui %eq3A_570 : vector<400x1xi1> to vector<400x1xi32>
    %convert_element_type3A_605 = arith.sitofp %convert_element_type3A_604 : vector<400x1xi32> to vector<400x1xf32>
    %reduce_sum3A_606 = arith.constant dense<0.000000e+00> : vector<1xf32>
    %reduce_sum3A_607 = vector.multi_reduction <add>, %convert_element_type3A_605, %reduce_sum3A_606 [0] : vector<400x1xf32> to vector<1xf32>
    %broadcast_in_dim3A_608 = vector.shape_cast %reduce_sum3A_607 : vector<1xf32> to vector<1x1xf32>
    %add3A_609 = arith.addf %get3A_603, %broadcast_in_dim3A_608 : vector<1x1xf32>
    %swap3A_610 = arith.constant 12 : index
    %swap3A_611 = arith.constant 0 : index
    %swap3A_612 = vector.load %arg10[%swap3A_610, %swap3A_611] : memref<32x1xf32, #tpu.memory_space<vmem>>, vector<1x1xf32>
    tpu.vector_store %arg10[%swap3A_610, %swap3A_611], %add3A_609 {strides = array<i32>} : memref<32x1xf32, #tpu.memory_space<vmem>>, vector<1x1xf32>,
    %eq3A_613 = arith.constant 1.300000e+01 : f32
    %eq3A_614 = vector.broadcast %eq3A_613 : f32 to vector<400x1xf32>
    %eq3A_615 = arith.cmpf oeq, %get3A_31, %eq3A_614 : vector<400x1xf32>
    %jit3A_616 = arith.constant 0xFF800000 : f32
    %broadcast_in_dim3A_617 = vector.shape_cast %eq3A_615 : vector<400x1xi1> to vector<400x1xi1>
    %broadcast_in_dim3A_618 = vector.broadcast %broadcast_in_dim3A_617 : vector<400x1xi1> to vector<400x64xi1>
    %broadcast_in_dim3A_619 = vector.broadcast %jit3A_616 : f32 to vector<400x64xf32>
    %select_n3A_620 = arith.select %broadcast_in_dim3A_618, %add3A_28, %broadcast_in_dim3A_619 : vector<400x64xi1>, vector<400x64xf32>
    %get3A_621 = arith.constant 13 : index
    %get3A_622 = arith.constant 0 : index
    %get3A_623 = vector.load %arg8[%get3A_621, %get3A_622] : memref<32x64xf32, #tpu.memory_space<vmem>>, vector<1x64xf32>
    %reduce_max3A_624 = arith.constant dense<0xFF800000> : vector<64xf32>
    %reduce_max3A_625 = vector.multi_reduction <maximumf>, %select_n3A_620, %reduce_max3A_624 [0] : vector<400x64xf32> to vector<64xf32>
    %broadcast_in_dim3A_626 = vector.shape_cast %reduce_max3A_625 : vector<64xf32> to vector<1x64xf32>
    %max3A_627 = arith.maximumf %get3A_623, %broadcast_in_dim3A_626 : vector<1x64xf32>
    %swap3A_628 = arith.constant 13 : index
    %swap3A_629 = arith.constant 0 : index
    %swap3A_630 = vector.load %arg8[%swap3A_628, %swap3A_629] : memref<32x64xf32, #tpu.memory_space<vmem>>, vector<1x64xf32>
    tpu.vector_store %arg8[%swap3A_628, %swap3A_629], %max3A_627 {strides = array<i32>} : memref<32x64xf32, #tpu.memory_space<vmem>>, vector<1x64xf32>,
    %get3A_631 = arith.constant 13 : index
    %get3A_632 = arith.constant 0 : index
    %get3A_633 = vector.load %arg9[%get3A_631, %get3A_632] : memref<32x64xf32, #tpu.memory_space<vmem>>, vector<1x64xf32>
    %jit3A_634 = arith.constant 0.000000e+00 : f32
    %broadcast_in_dim3A_635 = vector.shape_cast %eq3A_615 : vector<400x1xi1> to vector<400x1xi1>
    %broadcast_in_dim3A_636 = vector.broadcast %broadcast_in_dim3A_635 : vector<400x1xi1> to vector<400x64xi1>
    %broadcast_in_dim3A_637 = vector.broadcast %jit3A_634 : f32 to vector<400x64xf32>
    %select_n3A_638 = arith.select %broadcast_in_dim3A_636, %add3A_28, %broadcast_in_dim3A_637 : vector<400x64xi1>, vector<400x64xf32>
    %reduce_sum3A_639 = arith.constant dense<0.000000e+00> : vector<64xf32>
    %reduce_sum3A_640 = vector.multi_reduction <add>, %select_n3A_638, %reduce_sum3A_639 [0] : vector<400x64xf32> to vector<64xf32>
    %broadcast_in_dim3A_641 = vector.shape_cast %reduce_sum3A_640 : vector<64xf32> to vector<1x64xf32>
    %add3A_642 = arith.addf %get3A_633, %broadcast_in_dim3A_641 : vector<1x64xf32>
    %swap3A_643 = arith.constant 13 : index
    %swap3A_644 = arith.constant 0 : index
    %swap3A_645 = vector.load %arg9[%swap3A_643, %swap3A_644] : memref<32x64xf32, #tpu.memory_space<vmem>>, vector<1x64xf32>
    tpu.vector_store %arg9[%swap3A_643, %swap3A_644], %add3A_642 {strides = array<i32>} : memref<32x64xf32, #tpu.memory_space<vmem>>, vector<1x64xf32>,
    %get3A_646 = arith.constant 13 : index
    %get3A_647 = arith.constant 0 : index
    %get3A_648 = vector.load %arg10[%get3A_646, %get3A_647] : memref<32x1xf32, #tpu.memory_space<vmem>>, vector<1x1xf32>
    %convert_element_type3A_649 = arith.extui %eq3A_615 : vector<400x1xi1> to vector<400x1xi32>
    %convert_element_type3A_650 = arith.sitofp %convert_element_type3A_649 : vector<400x1xi32> to vector<400x1xf32>
    %reduce_sum3A_651 = arith.constant dense<0.000000e+00> : vector<1xf32>
    %reduce_sum3A_652 = vector.multi_reduction <add>, %convert_element_type3A_650, %reduce_sum3A_651 [0] : vector<400x1xf32> to vector<1xf32>
    %broadcast_in_dim3A_653 = vector.shape_cast %reduce_sum3A_652 : vector<1xf32> to vector<1x1xf32>
    %add3A_654 = arith.addf %get3A_648, %broadcast_in_dim3A_653 : vector<1x1xf32>
    %swap3A_655 = arith.constant 13 : index
    %swap3A_656 = arith.constant 0 : index
    %swap3A_657 = vector.load %arg10[%swap3A_655, %swap3A_656] : memref<32x1xf32, #tpu.memory_space<vmem>>, vector<1x1xf32>
    tpu.vector_store %arg10[%swap3A_655, %swap3A_656], %add3A_654 {strides = array<i32>} : memref<32x1xf32, #tpu.memory_space<vmem>>, vector<1x1xf32>,
    %eq3A_658 = arith.constant 1.400000e+01 : f32
    %eq3A_659 = vector.broadcast %eq3A_658 : f32 to vector<400x1xf32>
    %eq3A_660 = arith.cmpf oeq, %get3A_31, %eq3A_659 : vector<400x1xf32>
    %jit3A_661 = arith.constant 0xFF800000 : f32
    %broadcast_in_dim3A_662 = vector.shape_cast %eq3A_660 : vector<400x1xi1> to vector<400x1xi1>
    %broadcast_in_dim3A_663 = vector.broadcast %broadcast_in_dim3A_662 : vector<400x1xi1> to vector<400x64xi1>
    %broadcast_in_dim3A_664 = vector.broadcast %jit3A_661 : f32 to vector<400x64xf32>
    %select_n3A_665 = arith.select %broadcast_in_dim3A_663, %add3A_28, %broadcast_in_dim3A_664 : vector<400x64xi1>, vector<400x64xf32>
    %get3A_666 = arith.constant 14 : index
    %get3A_667 = arith.constant 0 : index
    %get3A_668 = vector.load %arg8[%get3A_666, %get3A_667] : memref<32x64xf32, #tpu.memory_space<vmem>>, vector<1x64xf32>
    %reduce_max3A_669 = arith.constant dense<0xFF800000> : vector<64xf32>
    %reduce_max3A_670 = vector.multi_reduction <maximumf>, %select_n3A_665, %reduce_max3A_669 [0] : vector<400x64xf32> to vector<64xf32>
    %broadcast_in_dim3A_671 = vector.shape_cast %reduce_max3A_670 : vector<64xf32> to vector<1x64xf32>
    %max3A_672 = arith.maximumf %get3A_668, %broadcast_in_dim3A_671 : vector<1x64xf32>
    %swap3A_673 = arith.constant 14 : index
    %swap3A_674 = arith.constant 0 : index
    %swap3A_675 = vector.load %arg8[%swap3A_673, %swap3A_674] : memref<32x64xf32, #tpu.memory_space<vmem>>, vector<1x64xf32>
    tpu.vector_store %arg8[%swap3A_673, %swap3A_674], %max3A_672 {strides = array<i32>} : memref<32x64xf32, #tpu.memory_space<vmem>>, vector<1x64xf32>,
    %get3A_676 = arith.constant 14 : index
    %get3A_677 = arith.constant 0 : index
    %get3A_678 = vector.load %arg9[%get3A_676, %get3A_677] : memref<32x64xf32, #tpu.memory_space<vmem>>, vector<1x64xf32>
    %jit3A_679 = arith.constant 0.000000e+00 : f32
    %broadcast_in_dim3A_680 = vector.shape_cast %eq3A_660 : vector<400x1xi1> to vector<400x1xi1>
    %broadcast_in_dim3A_681 = vector.broadcast %broadcast_in_dim3A_680 : vector<400x1xi1> to vector<400x64xi1>
    %broadcast_in_dim3A_682 = vector.broadcast %jit3A_679 : f32 to vector<400x64xf32>
    %select_n3A_683 = arith.select %broadcast_in_dim3A_681, %add3A_28, %broadcast_in_dim3A_682 : vector<400x64xi1>, vector<400x64xf32>
    %reduce_sum3A_684 = arith.constant dense<0.000000e+00> : vector<64xf32>
    %reduce_sum3A_685 = vector.multi_reduction <add>, %select_n3A_683, %reduce_sum3A_684 [0] : vector<400x64xf32> to vector<64xf32>
    %broadcast_in_dim3A_686 = vector.shape_cast %reduce_sum3A_685 : vector<64xf32> to vector<1x64xf32>
    %add3A_687 = arith.addf %get3A_678, %broadcast_in_dim3A_686 : vector<1x64xf32>
    %swap3A_688 = arith.constant 14 : index
    %swap3A_689 = arith.constant 0 : index
    %swap3A_690 = vector.load %arg9[%swap3A_688, %swap3A_689] : memref<32x64xf32, #tpu.memory_space<vmem>>, vector<1x64xf32>
    tpu.vector_store %arg9[%swap3A_688, %swap3A_689], %add3A_687 {strides = array<i32>} : memref<32x64xf32, #tpu.memory_space<vmem>>, vector<1x64xf32>,
    %get3A_691 = arith.constant 14 : index
    %get3A_692 = arith.constant 0 : index
    %get3A_693 = vector.load %arg10[%get3A_691, %get3A_692] : memref<32x1xf32, #tpu.memory_space<vmem>>, vector<1x1xf32>
    %convert_element_type3A_694 = arith.extui %eq3A_660 : vector<400x1xi1> to vector<400x1xi32>
    %convert_element_type3A_695 = arith.sitofp %convert_element_type3A_694 : vector<400x1xi32> to vector<400x1xf32>
    %reduce_sum3A_696 = arith.constant dense<0.000000e+00> : vector<1xf32>
    %reduce_sum3A_697 = vector.multi_reduction <add>, %convert_element_type3A_695, %reduce_sum3A_696 [0] : vector<400x1xf32> to vector<1xf32>
    %broadcast_in_dim3A_698 = vector.shape_cast %reduce_sum3A_697 : vector<1xf32> to vector<1x1xf32>
    %add3A_699 = arith.addf %get3A_693, %broadcast_in_dim3A_698 : vector<1x1xf32>
    %swap3A_700 = arith.constant 14 : index
    %swap3A_701 = arith.constant 0 : index
    %swap3A_702 = vector.load %arg10[%swap3A_700, %swap3A_701] : memref<32x1xf32, #tpu.memory_space<vmem>>, vector<1x1xf32>
    tpu.vector_store %arg10[%swap3A_700, %swap3A_701], %add3A_699 {strides = array<i32>} : memref<32x1xf32, #tpu.memory_space<vmem>>, vector<1x1xf32>,
    %eq3A_703 = arith.constant 1.500000e+01 : f32
    %eq3A_704 = vector.broadcast %eq3A_703 : f32 to vector<400x1xf32>
    %eq3A_705 = arith.cmpf oeq, %get3A_31, %eq3A_704 : vector<400x1xf32>
    %jit3A_706 = arith.constant 0xFF800000 : f32
    %broadcast_in_dim3A_707 = vector.shape_cast %eq3A_705 : vector<400x1xi1> to vector<400x1xi1>
    %broadcast_in_dim3A_708 = vector.broadcast %broadcast_in_dim3A_707 : vector<400x1xi1> to vector<400x64xi1>
    %broadcast_in_dim3A_709 = vector.broadcast %jit3A_706 : f32 to vector<400x64xf32>
    %select_n3A_710 = arith.select %broadcast_in_dim3A_708, %add3A_28, %broadcast_in_dim3A_709 : vector<400x64xi1>, vector<400x64xf32>
    %get3A_711 = arith.constant 15 : index
    %get3A_712 = arith.constant 0 : index
    %get3A_713 = vector.load %arg8[%get3A_711, %get3A_712] : memref<32x64xf32, #tpu.memory_space<vmem>>, vector<1x64xf32>
    %reduce_max3A_714 = arith.constant dense<0xFF800000> : vector<64xf32>
    %reduce_max3A_715 = vector.multi_reduction <maximumf>, %select_n3A_710, %reduce_max3A_714 [0] : vector<400x64xf32> to vector<64xf32>
    %broadcast_in_dim3A_716 = vector.shape_cast %reduce_max3A_715 : vector<64xf32> to vector<1x64xf32>
    %max3A_717 = arith.maximumf %get3A_713, %broadcast_in_dim3A_716 : vector<1x64xf32>
    %swap3A_718 = arith.constant 15 : index
    %swap3A_719 = arith.constant 0 : index
    %swap3A_720 = vector.load %arg8[%swap3A_718, %swap3A_719] : memref<32x64xf32, #tpu.memory_space<vmem>>, vector<1x64xf32>
    tpu.vector_store %arg8[%swap3A_718, %swap3A_719], %max3A_717 {strides = array<i32>} : memref<32x64xf32, #tpu.memory_space<vmem>>, vector<1x64xf32>,
    %get3A_721 = arith.constant 15 : index
    %get3A_722 = arith.constant 0 : index
    %get3A_723 = vector.load %arg9[%get3A_721, %get3A_722] : memref<32x64xf32, #tpu.memory_space<vmem>>, vector<1x64xf32>
    %jit3A_724 = arith.constant 0.000000e+00 : f32
    %broadcast_in_dim3A_725 = vector.shape_cast %eq3A_705 : vector<400x1xi1> to vector<400x1xi1>
    %broadcast_in_dim3A_726 = vector.broadcast %broadcast_in_dim3A_725 : vector<400x1xi1> to vector<400x64xi1>
    %broadcast_in_dim3A_727 = vector.broadcast %jit3A_724 : f32 to vector<400x64xf32>
    %select_n3A_728 = arith.select %broadcast_in_dim3A_726, %add3A_28, %broadcast_in_dim3A_727 : vector<400x64xi1>, vector<400x64xf32>
    %reduce_sum3A_729 = arith.constant dense<0.000000e+00> : vector<64xf32>
    %reduce_sum3A_730 = vector.multi_reduction <add>, %select_n3A_728, %reduce_sum3A_729 [0] : vector<400x64xf32> to vector<64xf32>
    %broadcast_in_dim3A_731 = vector.shape_cast %reduce_sum3A_730 : vector<64xf32> to vector<1x64xf32>
    %add3A_732 = arith.addf %get3A_723, %broadcast_in_dim3A_731 : vector<1x64xf32>
    %swap3A_733 = arith.constant 15 : index
    %swap3A_734 = arith.constant 0 : index
    %swap3A_735 = vector.load %arg9[%swap3A_733, %swap3A_734] : memref<32x64xf32, #tpu.memory_space<vmem>>, vector<1x64xf32>
    tpu.vector_store %arg9[%swap3A_733, %swap3A_734], %add3A_732 {strides = array<i32>} : memref<32x64xf32, #tpu.memory_space<vmem>>, vector<1x64xf32>,
    %get3A_736 = arith.constant 15 : index
    %get3A_737 = arith.constant 0 : index
    %get3A_738 = vector.load %arg10[%get3A_736, %get3A_737] : memref<32x1xf32, #tpu.memory_space<vmem>>, vector<1x1xf32>
    %convert_element_type3A_739 = arith.extui %eq3A_705 : vector<400x1xi1> to vector<400x1xi32>
    %convert_element_type3A_740 = arith.sitofp %convert_element_type3A_739 : vector<400x1xi32> to vector<400x1xf32>
    %reduce_sum3A_741 = arith.constant dense<0.000000e+00> : vector<1xf32>
    %reduce_sum3A_742 = vector.multi_reduction <add>, %convert_element_type3A_740, %reduce_sum3A_741 [0] : vector<400x1xf32> to vector<1xf32>
    %broadcast_in_dim3A_743 = vector.shape_cast %reduce_sum3A_742 : vector<1xf32> to vector<1x1xf32>
    %add3A_744 = arith.addf %get3A_738, %broadcast_in_dim3A_743 : vector<1x1xf32>
    %swap3A_745 = arith.constant 15 : index
    %swap3A_746 = arith.constant 0 : index
    %swap3A_747 = vector.load %arg10[%swap3A_745, %swap3A_746] : memref<32x1xf32, #tpu.memory_space<vmem>>, vector<1x1xf32>
    tpu.vector_store %arg10[%swap3A_745, %swap3A_746], %add3A_744 {strides = array<i32>} : memref<32x1xf32, #tpu.memory_space<vmem>>, vector<1x1xf32>,
    %eq3A_748 = arith.constant 1.600000e+01 : f32
    %eq3A_749 = vector.broadcast %eq3A_748 : f32 to vector<400x1xf32>
    %eq3A_750 = arith.cmpf oeq, %get3A_31, %eq3A_749 : vector<400x1xf32>
    %jit3A_751 = arith.constant 0xFF800000 : f32
    %broadcast_in_dim3A_752 = vector.shape_cast %eq3A_750 : vector<400x1xi1> to vector<400x1xi1>
    %broadcast_in_dim3A_753 = vector.broadcast %broadcast_in_dim3A_752 : vector<400x1xi1> to vector<400x64xi1>
    %broadcast_in_dim3A_754 = vector.broadcast %jit3A_751 : f32 to vector<400x64xf32>
    %select_n3A_755 = arith.select %broadcast_in_dim3A_753, %add3A_28, %broadcast_in_dim3A_754 : vector<400x64xi1>, vector<400x64xf32>
    %get3A_756 = arith.constant 16 : index
    %get3A_757 = arith.constant 0 : index
    %get3A_758 = vector.load %arg8[%get3A_756, %get3A_757] : memref<32x64xf32, #tpu.memory_space<vmem>>, vector<1x64xf32>
    %reduce_max3A_759 = arith.constant dense<0xFF800000> : vector<64xf32>
    %reduce_max3A_760 = vector.multi_reduction <maximumf>, %select_n3A_755, %reduce_max3A_759 [0] : vector<400x64xf32> to vector<64xf32>
    %broadcast_in_dim3A_761 = vector.shape_cast %reduce_max3A_760 : vector<64xf32> to vector<1x64xf32>
    %max3A_762 = arith.maximumf %get3A_758, %broadcast_in_dim3A_761 : vector<1x64xf32>
    %swap3A_763 = arith.constant 16 : index
    %swap3A_764 = arith.constant 0 : index
    %swap3A_765 = vector.load %arg8[%swap3A_763, %swap3A_764] : memref<32x64xf32, #tpu.memory_space<vmem>>, vector<1x64xf32>
    tpu.vector_store %arg8[%swap3A_763, %swap3A_764], %max3A_762 {strides = array<i32>} : memref<32x64xf32, #tpu.memory_space<vmem>>, vector<1x64xf32>,
    %get3A_766 = arith.constant 16 : index
    %get3A_767 = arith.constant 0 : index
    %get3A_768 = vector.load %arg9[%get3A_766, %get3A_767] : memref<32x64xf32, #tpu.memory_space<vmem>>, vector<1x64xf32>
    %jit3A_769 = arith.constant 0.000000e+00 : f32
    %broadcast_in_dim3A_770 = vector.shape_cast %eq3A_750 : vector<400x1xi1> to vector<400x1xi1>
    %broadcast_in_dim3A_771 = vector.broadcast %broadcast_in_dim3A_770 : vector<400x1xi1> to vector<400x64xi1>
    %broadcast_in_dim3A_772 = vector.broadcast %jit3A_769 : f32 to vector<400x64xf32>
    %select_n3A_773 = arith.select %broadcast_in_dim3A_771, %add3A_28, %broadcast_in_dim3A_772 : vector<400x64xi1>, vector<400x64xf32>
    %reduce_sum3A_774 = arith.constant dense<0.000000e+00> : vector<64xf32>
    %reduce_sum3A_775 = vector.multi_reduction <add>, %select_n3A_773, %reduce_sum3A_774 [0] : vector<400x64xf32> to vector<64xf32>
    %broadcast_in_dim3A_776 = vector.shape_cast %reduce_sum3A_775 : vector<64xf32> to vector<1x64xf32>
    %add3A_777 = arith.addf %get3A_768, %broadcast_in_dim3A_776 : vector<1x64xf32>
    %swap3A_778 = arith.constant 16 : index
    %swap3A_779 = arith.constant 0 : index
    %swap3A_780 = vector.load %arg9[%swap3A_778, %swap3A_779] : memref<32x64xf32, #tpu.memory_space<vmem>>, vector<1x64xf32>
    tpu.vector_store %arg9[%swap3A_778, %swap3A_779], %add3A_777 {strides = array<i32>} : memref<32x64xf32, #tpu.memory_space<vmem>>, vector<1x64xf32>,
    %get3A_781 = arith.constant 16 : index
    %get3A_782 = arith.constant 0 : index
    %get3A_783 = vector.load %arg10[%get3A_781, %get3A_782] : memref<32x1xf32, #tpu.memory_space<vmem>>, vector<1x1xf32>
    %convert_element_type3A_784 = arith.extui %eq3A_750 : vector<400x1xi1> to vector<400x1xi32>
    %convert_element_type3A_785 = arith.sitofp %convert_element_type3A_784 : vector<400x1xi32> to vector<400x1xf32>
    %reduce_sum3A_786 = arith.constant dense<0.000000e+00> : vector<1xf32>
    %reduce_sum3A_787 = vector.multi_reduction <add>, %convert_element_type3A_785, %reduce_sum3A_786 [0] : vector<400x1xf32> to vector<1xf32>
    %broadcast_in_dim3A_788 = vector.shape_cast %reduce_sum3A_787 : vector<1xf32> to vector<1x1xf32>
    %add3A_789 = arith.addf %get3A_783, %broadcast_in_dim3A_788 : vector<1x1xf32>
    %swap3A_790 = arith.constant 16 : index
    %swap3A_791 = arith.constant 0 : index
    %swap3A_792 = vector.load %arg10[%swap3A_790, %swap3A_791] : memref<32x1xf32, #tpu.memory_space<vmem>>, vector<1x1xf32>
    tpu.vector_store %arg10[%swap3A_790, %swap3A_791], %add3A_789 {strides = array<i32>} : memref<32x1xf32, #tpu.memory_space<vmem>>, vector<1x1xf32>,
    %eq3A_793 = arith.constant 1.700000e+01 : f32
    %eq3A_794 = vector.broadcast %eq3A_793 : f32 to vector<400x1xf32>
    %eq3A_795 = arith.cmpf oeq, %get3A_31, %eq3A_794 : vector<400x1xf32>
    %jit3A_796 = arith.constant 0xFF800000 : f32
    %broadcast_in_dim3A_797 = vector.shape_cast %eq3A_795 : vector<400x1xi1> to vector<400x1xi1>
    %broadcast_in_dim3A_798 = vector.broadcast %broadcast_in_dim3A_797 : vector<400x1xi1> to vector<400x64xi1>
    %broadcast_in_dim3A_799 = vector.broadcast %jit3A_796 : f32 to vector<400x64xf32>
    %select_n3A_800 = arith.select %broadcast_in_dim3A_798, %add3A_28, %broadcast_in_dim3A_799 : vector<400x64xi1>, vector<400x64xf32>
    %get3A_801 = arith.constant 17 : index
    %get3A_802 = arith.constant 0 : index
    %get3A_803 = vector.load %arg8[%get3A_801, %get3A_802] : memref<32x64xf32, #tpu.memory_space<vmem>>, vector<1x64xf32>
    %reduce_max3A_804 = arith.constant dense<0xFF800000> : vector<64xf32>
    %reduce_max3A_805 = vector.multi_reduction <maximumf>, %select_n3A_800, %reduce_max3A_804 [0] : vector<400x64xf32> to vector<64xf32>
    %broadcast_in_dim3A_806 = vector.shape_cast %reduce_max3A_805 : vector<64xf32> to vector<1x64xf32>
    %max3A_807 = arith.maximumf %get3A_803, %broadcast_in_dim3A_806 : vector<1x64xf32>
    %swap3A_808 = arith.constant 17 : index
    %swap3A_809 = arith.constant 0 : index
    %swap3A_810 = vector.load %arg8[%swap3A_808, %swap3A_809] : memref<32x64xf32, #tpu.memory_space<vmem>>, vector<1x64xf32>
    tpu.vector_store %arg8[%swap3A_808, %swap3A_809], %max3A_807 {strides = array<i32>} : memref<32x64xf32, #tpu.memory_space<vmem>>, vector<1x64xf32>,
    %get3A_811 = arith.constant 17 : index
    %get3A_812 = arith.constant 0 : index
    %get3A_813 = vector.load %arg9[%get3A_811, %get3A_812] : memref<32x64xf32, #tpu.memory_space<vmem>>, vector<1x64xf32>
    %jit3A_814 = arith.constant 0.000000e+00 : f32
    %broadcast_in_dim3A_815 = vector.shape_cast %eq3A_795 : vector<400x1xi1> to vector<400x1xi1>
    %broadcast_in_dim3A_816 = vector.broadcast %broadcast_in_dim3A_815 : vector<400x1xi1> to vector<400x64xi1>
    %broadcast_in_dim3A_817 = vector.broadcast %jit3A_814 : f32 to vector<400x64xf32>
    %select_n3A_818 = arith.select %broadcast_in_dim3A_816, %add3A_28, %broadcast_in_dim3A_817 : vector<400x64xi1>, vector<400x64xf32>
    %reduce_sum3A_819 = arith.constant dense<0.000000e+00> : vector<64xf32>
    %reduce_sum3A_820 = vector.multi_reduction <add>, %select_n3A_818, %reduce_sum3A_819 [0] : vector<400x64xf32> to vector<64xf32>
    %broadcast_in_dim3A_821 = vector.shape_cast %reduce_sum3A_820 : vector<64xf32> to vector<1x64xf32>
    %add3A_822 = arith.addf %get3A_813, %broadcast_in_dim3A_821 : vector<1x64xf32>
    %swap3A_823 = arith.constant 17 : index
    %swap3A_824 = arith.constant 0 : index
    %swap3A_825 = vector.load %arg9[%swap3A_823, %swap3A_824] : memref<32x64xf32, #tpu.memory_space<vmem>>, vector<1x64xf32>
    tpu.vector_store %arg9[%swap3A_823, %swap3A_824], %add3A_822 {strides = array<i32>} : memref<32x64xf32, #tpu.memory_space<vmem>>, vector<1x64xf32>,
    %get3A_826 = arith.constant 17 : index
    %get3A_827 = arith.constant 0 : index
    %get3A_828 = vector.load %arg10[%get3A_826, %get3A_827] : memref<32x1xf32, #tpu.memory_space<vmem>>, vector<1x1xf32>
    %convert_element_type3A_829 = arith.extui %eq3A_795 : vector<400x1xi1> to vector<400x1xi32>
    %convert_element_type3A_830 = arith.sitofp %convert_element_type3A_829 : vector<400x1xi32> to vector<400x1xf32>
    %reduce_sum3A_831 = arith.constant dense<0.000000e+00> : vector<1xf32>
    %reduce_sum3A_832 = vector.multi_reduction <add>, %convert_element_type3A_830, %reduce_sum3A_831 [0] : vector<400x1xf32> to vector<1xf32>
    %broadcast_in_dim3A_833 = vector.shape_cast %reduce_sum3A_832 : vector<1xf32> to vector<1x1xf32>
    %add3A_834 = arith.addf %get3A_828, %broadcast_in_dim3A_833 : vector<1x1xf32>
    %swap3A_835 = arith.constant 17 : index
    %swap3A_836 = arith.constant 0 : index
    %swap3A_837 = vector.load %arg10[%swap3A_835, %swap3A_836] : memref<32x1xf32, #tpu.memory_space<vmem>>, vector<1x1xf32>
    tpu.vector_store %arg10[%swap3A_835, %swap3A_836], %add3A_834 {strides = array<i32>} : memref<32x1xf32, #tpu.memory_space<vmem>>, vector<1x1xf32>,
    %eq3A_838 = arith.constant 1.800000e+01 : f32
    %eq3A_839 = vector.broadcast %eq3A_838 : f32 to vector<400x1xf32>
    %eq3A_840 = arith.cmpf oeq, %get3A_31, %eq3A_839 : vector<400x1xf32>
    %jit3A_841 = arith.constant 0xFF800000 : f32
    %broadcast_in_dim3A_842 = vector.shape_cast %eq3A_840 : vector<400x1xi1> to vector<400x1xi1>
    %broadcast_in_dim3A_843 = vector.broadcast %broadcast_in_dim3A_842 : vector<400x1xi1> to vector<400x64xi1>
    %broadcast_in_dim3A_844 = vector.broadcast %jit3A_841 : f32 to vector<400x64xf32>
    %select_n3A_845 = arith.select %broadcast_in_dim3A_843, %add3A_28, %broadcast_in_dim3A_844 : vector<400x64xi1>, vector<400x64xf32>
    %get3A_846 = arith.constant 18 : index
    %get3A_847 = arith.constant 0 : index
    %get3A_848 = vector.load %arg8[%get3A_846, %get3A_847] : memref<32x64xf32, #tpu.memory_space<vmem>>, vector<1x64xf32>
    %reduce_max3A_849 = arith.constant dense<0xFF800000> : vector<64xf32>
    %reduce_max3A_850 = vector.multi_reduction <maximumf>, %select_n3A_845, %reduce_max3A_849 [0] : vector<400x64xf32> to vector<64xf32>
    %broadcast_in_dim3A_851 = vector.shape_cast %reduce_max3A_850 : vector<64xf32> to vector<1x64xf32>
    %max3A_852 = arith.maximumf %get3A_848, %broadcast_in_dim3A_851 : vector<1x64xf32>
    %swap3A_853 = arith.constant 18 : index
    %swap3A_854 = arith.constant 0 : index
    %swap3A_855 = vector.load %arg8[%swap3A_853, %swap3A_854] : memref<32x64xf32, #tpu.memory_space<vmem>>, vector<1x64xf32>
    tpu.vector_store %arg8[%swap3A_853, %swap3A_854], %max3A_852 {strides = array<i32>} : memref<32x64xf32, #tpu.memory_space<vmem>>, vector<1x64xf32>,
    %get3A_856 = arith.constant 18 : index
    %get3A_857 = arith.constant 0 : index
    %get3A_858 = vector.load %arg9[%get3A_856, %get3A_857] : memref<32x64xf32, #tpu.memory_space<vmem>>, vector<1x64xf32>
    %jit3A_859 = arith.constant 0.000000e+00 : f32
    %broadcast_in_dim3A_860 = vector.shape_cast %eq3A_840 : vector<400x1xi1> to vector<400x1xi1>
    %broadcast_in_dim3A_861 = vector.broadcast %broadcast_in_dim3A_860 : vector<400x1xi1> to vector<400x64xi1>
    %broadcast_in_dim3A_862 = vector.broadcast %jit3A_859 : f32 to vector<400x64xf32>
    %select_n3A_863 = arith.select %broadcast_in_dim3A_861, %add3A_28, %broadcast_in_dim3A_862 : vector<400x64xi1>, vector<400x64xf32>
    %reduce_sum3A_864 = arith.constant dense<0.000000e+00> : vector<64xf32>
    %reduce_sum3A_865 = vector.multi_reduction <add>, %select_n3A_863, %reduce_sum3A_864 [0] : vector<400x64xf32> to vector<64xf32>
    %broadcast_in_dim3A_866 = vector.shape_cast %reduce_sum3A_865 : vector<64xf32> to vector<1x64xf32>
    %add3A_867 = arith.addf %get3A_858, %broadcast_in_dim3A_866 : vector<1x64xf32>
    %swap3A_868 = arith.constant 18 : index
    %swap3A_869 = arith.constant 0 : index
    %swap3A_870 = vector.load %arg9[%swap3A_868, %swap3A_869] : memref<32x64xf32, #tpu.memory_space<vmem>>, vector<1x64xf32>
    tpu.vector_store %arg9[%swap3A_868, %swap3A_869], %add3A_867 {strides = array<i32>} : memref<32x64xf32, #tpu.memory_space<vmem>>, vector<1x64xf32>,
    %get3A_871 = arith.constant 18 : index
    %get3A_872 = arith.constant 0 : index
    %get3A_873 = vector.load %arg10[%get3A_871, %get3A_872] : memref<32x1xf32, #tpu.memory_space<vmem>>, vector<1x1xf32>
    %convert_element_type3A_874 = arith.extui %eq3A_840 : vector<400x1xi1> to vector<400x1xi32>
    %convert_element_type3A_875 = arith.sitofp %convert_element_type3A_874 : vector<400x1xi32> to vector<400x1xf32>
    %reduce_sum3A_876 = arith.constant dense<0.000000e+00> : vector<1xf32>
    %reduce_sum3A_877 = vector.multi_reduction <add>, %convert_element_type3A_875, %reduce_sum3A_876 [0] : vector<400x1xf32> to vector<1xf32>
    %broadcast_in_dim3A_878 = vector.shape_cast %reduce_sum3A_877 : vector<1xf32> to vector<1x1xf32>
    %add3A_879 = arith.addf %get3A_873, %broadcast_in_dim3A_878 : vector<1x1xf32>
    %swap3A_880 = arith.constant 18 : index
    %swap3A_881 = arith.constant 0 : index
    %swap3A_882 = vector.load %arg10[%swap3A_880, %swap3A_881] : memref<32x1xf32, #tpu.memory_space<vmem>>, vector<1x1xf32>
    tpu.vector_store %arg10[%swap3A_880, %swap3A_881], %add3A_879 {strides = array<i32>} : memref<32x1xf32, #tpu.memory_space<vmem>>, vector<1x1xf32>,
    %eq3A_883 = arith.constant 1.900000e+01 : f32
    %eq3A_884 = vector.broadcast %eq3A_883 : f32 to vector<400x1xf32>
    %eq3A_885 = arith.cmpf oeq, %get3A_31, %eq3A_884 : vector<400x1xf32>
    %jit3A_886 = arith.constant 0xFF800000 : f32
    %broadcast_in_dim3A_887 = vector.shape_cast %eq3A_885 : vector<400x1xi1> to vector<400x1xi1>
    %broadcast_in_dim3A_888 = vector.broadcast %broadcast_in_dim3A_887 : vector<400x1xi1> to vector<400x64xi1>
    %broadcast_in_dim3A_889 = vector.broadcast %jit3A_886 : f32 to vector<400x64xf32>
    %select_n3A_890 = arith.select %broadcast_in_dim3A_888, %add3A_28, %broadcast_in_dim3A_889 : vector<400x64xi1>, vector<400x64xf32>
    %get3A_891 = arith.constant 19 : index
    %get3A_892 = arith.constant 0 : index
    %get3A_893 = vector.load %arg8[%get3A_891, %get3A_892] : memref<32x64xf32, #tpu.memory_space<vmem>>, vector<1x64xf32>
    %reduce_max3A_894 = arith.constant dense<0xFF800000> : vector<64xf32>
    %reduce_max3A_895 = vector.multi_reduction <maximumf>, %select_n3A_890, %reduce_max3A_894 [0] : vector<400x64xf32> to vector<64xf32>
    %broadcast_in_dim3A_896 = vector.shape_cast %reduce_max3A_895 : vector<64xf32> to vector<1x64xf32>
    %max3A_897 = arith.maximumf %get3A_893, %broadcast_in_dim3A_896 : vector<1x64xf32>
    %swap3A_898 = arith.constant 19 : index
    %swap3A_899 = arith.constant 0 : index
    %swap3A_900 = vector.load %arg8[%swap3A_898, %swap3A_899] : memref<32x64xf32, #tpu.memory_space<vmem>>, vector<1x64xf32>
    tpu.vector_store %arg8[%swap3A_898, %swap3A_899], %max3A_897 {strides = array<i32>} : memref<32x64xf32, #tpu.memory_space<vmem>>, vector<1x64xf32>,
    %get3A_901 = arith.constant 19 : index
    %get3A_902 = arith.constant 0 : index
    %get3A_903 = vector.load %arg9[%get3A_901, %get3A_902] : memref<32x64xf32, #tpu.memory_space<vmem>>, vector<1x64xf32>
    %jit3A_904 = arith.constant 0.000000e+00 : f32
    %broadcast_in_dim3A_905 = vector.shape_cast %eq3A_885 : vector<400x1xi1> to vector<400x1xi1>
    %broadcast_in_dim3A_906 = vector.broadcast %broadcast_in_dim3A_905 : vector<400x1xi1> to vector<400x64xi1>
    %broadcast_in_dim3A_907 = vector.broadcast %jit3A_904 : f32 to vector<400x64xf32>
    %select_n3A_908 = arith.select %broadcast_in_dim3A_906, %add3A_28, %broadcast_in_dim3A_907 : vector<400x64xi1>, vector<400x64xf32>
    %reduce_sum3A_909 = arith.constant dense<0.000000e+00> : vector<64xf32>
    %reduce_sum3A_910 = vector.multi_reduction <add>, %select_n3A_908, %reduce_sum3A_909 [0] : vector<400x64xf32> to vector<64xf32>
    %broadcast_in_dim3A_911 = vector.shape_cast %reduce_sum3A_910 : vector<64xf32> to vector<1x64xf32>
    %add3A_912 = arith.addf %get3A_903, %broadcast_in_dim3A_911 : vector<1x64xf32>
    %swap3A_913 = arith.constant 19 : index
    %swap3A_914 = arith.constant 0 : index
    %swap3A_915 = vector.load %arg9[%swap3A_913, %swap3A_914] : memref<32x64xf32, #tpu.memory_space<vmem>>, vector<1x64xf32>
    tpu.vector_store %arg9[%swap3A_913, %swap3A_914], %add3A_912 {strides = array<i32>} : memref<32x64xf32, #tpu.memory_space<vmem>>, vector<1x64xf32>,
    %get3A_916 = arith.constant 19 : index
    %get3A_917 = arith.constant 0 : index
    %get3A_918 = vector.load %arg10[%get3A_916, %get3A_917] : memref<32x1xf32, #tpu.memory_space<vmem>>, vector<1x1xf32>
    %convert_element_type3A_919 = arith.extui %eq3A_885 : vector<400x1xi1> to vector<400x1xi32>
    %convert_element_type3A_920 = arith.sitofp %convert_element_type3A_919 : vector<400x1xi32> to vector<400x1xf32>
    %reduce_sum3A_921 = arith.constant dense<0.000000e+00> : vector<1xf32>
    %reduce_sum3A_922 = vector.multi_reduction <add>, %convert_element_type3A_920, %reduce_sum3A_921 [0] : vector<400x1xf32> to vector<1xf32>
    %broadcast_in_dim3A_923 = vector.shape_cast %reduce_sum3A_922 : vector<1xf32> to vector<1x1xf32>
    %add3A_924 = arith.addf %get3A_918, %broadcast_in_dim3A_923 : vector<1x1xf32>
    %swap3A_925 = arith.constant 19 : index
    %swap3A_926 = arith.constant 0 : index
    %swap3A_927 = vector.load %arg10[%swap3A_925, %swap3A_926] : memref<32x1xf32, #tpu.memory_space<vmem>>, vector<1x1xf32>
    tpu.vector_store %arg10[%swap3A_925, %swap3A_926], %add3A_924 {strides = array<i32>} : memref<32x1xf32, #tpu.memory_space<vmem>>, vector<1x1xf32>,
    %eq3A_928 = arith.constant 2.000000e+01 : f32
    %eq3A_929 = vector.broadcast %eq3A_928 : f32 to vector<400x1xf32>
    %eq3A_930 = arith.cmpf oeq, %get3A_31, %eq3A_929 : vector<400x1xf32>
    %jit3A_931 = arith.constant 0xFF800000 : f32
    %broadcast_in_dim3A_932 = vector.shape_cast %eq3A_930 : vector<400x1xi1> to vector<400x1xi1>
    %broadcast_in_dim3A_933 = vector.broadcast %broadcast_in_dim3A_932 : vector<400x1xi1> to vector<400x64xi1>
    %broadcast_in_dim3A_934 = vector.broadcast %jit3A_931 : f32 to vector<400x64xf32>
    %select_n3A_935 = arith.select %broadcast_in_dim3A_933, %add3A_28, %broadcast_in_dim3A_934 : vector<400x64xi1>, vector<400x64xf32>
    %get3A_936 = arith.constant 20 : index
    %get3A_937 = arith.constant 0 : index
    %get3A_938 = vector.load %arg8[%get3A_936, %get3A_937] : memref<32x64xf32, #tpu.memory_space<vmem>>, vector<1x64xf32>
    %reduce_max3A_939 = arith.constant dense<0xFF800000> : vector<64xf32>
    %reduce_max3A_940 = vector.multi_reduction <maximumf>, %select_n3A_935, %reduce_max3A_939 [0] : vector<400x64xf32> to vector<64xf32>
    %broadcast_in_dim3A_941 = vector.shape_cast %reduce_max3A_940 : vector<64xf32> to vector<1x64xf32>
    %max3A_942 = arith.maximumf %get3A_938, %broadcast_in_dim3A_941 : vector<1x64xf32>
    %swap3A_943 = arith.constant 20 : index
    %swap3A_944 = arith.constant 0 : index
    %swap3A_945 = vector.load %arg8[%swap3A_943, %swap3A_944] : memref<32x64xf32, #tpu.memory_space<vmem>>, vector<1x64xf32>
    tpu.vector_store %arg8[%swap3A_943, %swap3A_944], %max3A_942 {strides = array<i32>} : memref<32x64xf32, #tpu.memory_space<vmem>>, vector<1x64xf32>,
    %get3A_946 = arith.constant 20 : index
    %get3A_947 = arith.constant 0 : index
    %get3A_948 = vector.load %arg9[%get3A_946, %get3A_947] : memref<32x64xf32, #tpu.memory_space<vmem>>, vector<1x64xf32>
    %jit3A_949 = arith.constant 0.000000e+00 : f32
    %broadcast_in_dim3A_950 = vector.shape_cast %eq3A_930 : vector<400x1xi1> to vector<400x1xi1>
    %broadcast_in_dim3A_951 = vector.broadcast %broadcast_in_dim3A_950 : vector<400x1xi1> to vector<400x64xi1>
    %broadcast_in_dim3A_952 = vector.broadcast %jit3A_949 : f32 to vector<400x64xf32>
    %select_n3A_953 = arith.select %broadcast_in_dim3A_951, %add3A_28, %broadcast_in_dim3A_952 : vector<400x64xi1>, vector<400x64xf32>
    %reduce_sum3A_954 = arith.constant dense<0.000000e+00> : vector<64xf32>
    %reduce_sum3A_955 = vector.multi_reduction <add>, %select_n3A_953, %reduce_sum3A_954 [0] : vector<400x64xf32> to vector<64xf32>
    %broadcast_in_dim3A_956 = vector.shape_cast %reduce_sum3A_955 : vector<64xf32> to vector<1x64xf32>
    %add3A_957 = arith.addf %get3A_948, %broadcast_in_dim3A_956 : vector<1x64xf32>
    %swap3A_958 = arith.constant 20 : index
    %swap3A_959 = arith.constant 0 : index
    %swap3A_960 = vector.load %arg9[%swap3A_958, %swap3A_959] : memref<32x64xf32, #tpu.memory_space<vmem>>, vector<1x64xf32>
    tpu.vector_store %arg9[%swap3A_958, %swap3A_959], %add3A_957 {strides = array<i32>} : memref<32x64xf32, #tpu.memory_space<vmem>>, vector<1x64xf32>,
    %get3A_961 = arith.constant 20 : index
    %get3A_962 = arith.constant 0 : index
    %get3A_963 = vector.load %arg10[%get3A_961, %get3A_962] : memref<32x1xf32, #tpu.memory_space<vmem>>, vector<1x1xf32>
    %convert_element_type3A_964 = arith.extui %eq3A_930 : vector<400x1xi1> to vector<400x1xi32>
    %convert_element_type3A_965 = arith.sitofp %convert_element_type3A_964 : vector<400x1xi32> to vector<400x1xf32>
    %reduce_sum3A_966 = arith.constant dense<0.000000e+00> : vector<1xf32>
    %reduce_sum3A_967 = vector.multi_reduction <add>, %convert_element_type3A_965, %reduce_sum3A_966 [0] : vector<400x1xf32> to vector<1xf32>
    %broadcast_in_dim3A_968 = vector.shape_cast %reduce_sum3A_967 : vector<1xf32> to vector<1x1xf32>
    %add3A_969 = arith.addf %get3A_963, %broadcast_in_dim3A_968 : vector<1x1xf32>
    %swap3A_970 = arith.constant 20 : index
    %swap3A_971 = arith.constant 0 : index
    %swap3A_972 = vector.load %arg10[%swap3A_970, %swap3A_971] : memref<32x1xf32, #tpu.memory_space<vmem>>, vector<1x1xf32>
    tpu.vector_store %arg10[%swap3A_970, %swap3A_971], %add3A_969 {strides = array<i32>} : memref<32x1xf32, #tpu.memory_space<vmem>>, vector<1x1xf32>,
    %eq3A_973 = arith.constant 2.100000e+01 : f32
    %eq3A_974 = vector.broadcast %eq3A_973 : f32 to vector<400x1xf32>
    %eq3A_975 = arith.cmpf oeq, %get3A_31, %eq3A_974 : vector<400x1xf32>
    %jit3A_976 = arith.constant 0xFF800000 : f32
    %broadcast_in_dim3A_977 = vector.shape_cast %eq3A_975 : vector<400x1xi1> to vector<400x1xi1>
    %broadcast_in_dim3A_978 = vector.broadcast %broadcast_in_dim3A_977 : vector<400x1xi1> to vector<400x64xi1>
    %broadcast_in_dim3A_979 = vector.broadcast %jit3A_976 : f32 to vector<400x64xf32>
    %select_n3A_980 = arith.select %broadcast_in_dim3A_978, %add3A_28, %broadcast_in_dim3A_979 : vector<400x64xi1>, vector<400x64xf32>
    %get3A_981 = arith.constant 21 : index
    %get3A_982 = arith.constant 0 : index
    %get3A_983 = vector.load %arg8[%get3A_981, %get3A_982] : memref<32x64xf32, #tpu.memory_space<vmem>>, vector<1x64xf32>
    %reduce_max3A_984 = arith.constant dense<0xFF800000> : vector<64xf32>
    %reduce_max3A_985 = vector.multi_reduction <maximumf>, %select_n3A_980, %reduce_max3A_984 [0] : vector<400x64xf32> to vector<64xf32>
    %broadcast_in_dim3A_986 = vector.shape_cast %reduce_max3A_985 : vector<64xf32> to vector<1x64xf32>
    %max3A_987 = arith.maximumf %get3A_983, %broadcast_in_dim3A_986 : vector<1x64xf32>
    %swap3A_988 = arith.constant 21 : index
    %swap3A_989 = arith.constant 0 : index
    %swap3A_990 = vector.load %arg8[%swap3A_988, %swap3A_989] : memref<32x64xf32, #tpu.memory_space<vmem>>, vector<1x64xf32>
    tpu.vector_store %arg8[%swap3A_988, %swap3A_989], %max3A_987 {strides = array<i32>} : memref<32x64xf32, #tpu.memory_space<vmem>>, vector<1x64xf32>,
    %get3A_991 = arith.constant 21 : index
    %get3A_992 = arith.constant 0 : index
    %get3A_993 = vector.load %arg9[%get3A_991, %get3A_992] : memref<32x64xf32, #tpu.memory_space<vmem>>, vector<1x64xf32>
    %jit3A_994 = arith.constant 0.000000e+00 : f32
    %broadcast_in_dim3A_995 = vector.shape_cast %eq3A_975 : vector<400x1xi1> to vector<400x1xi1>
    %broadcast_in_dim3A_996 = vector.broadcast %broadcast_in_dim3A_995 : vector<400x1xi1> to vector<400x64xi1>
    %broadcast_in_dim3A_997 = vector.broadcast %jit3A_994 : f32 to vector<400x64xf32>
    %select_n3A_998 = arith.select %broadcast_in_dim3A_996, %add3A_28, %broadcast_in_dim3A_997 : vector<400x64xi1>, vector<400x64xf32>
    %reduce_sum3A_999 = arith.constant dense<0.000000e+00> : vector<64xf32>
    %reduce_sum3A_1000 = vector.multi_reduction <add>, %select_n3A_998, %reduce_sum3A_999 [0] : vector<400x64xf32> to vector<64xf32>
    %broadcast_in_dim3A_1001 = vector.shape_cast %reduce_sum3A_1000 : vector<64xf32> to vector<1x64xf32>
    %add3A_1002 = arith.addf %get3A_993, %broadcast_in_dim3A_1001 : vector<1x64xf32>
    %swap3A_1003 = arith.constant 21 : index
    %swap3A_1004 = arith.constant 0 : index
    %swap3A_1005 = vector.load %arg9[%swap3A_1003, %swap3A_1004] : memref<32x64xf32, #tpu.memory_space<vmem>>, vector<1x64xf32>
    tpu.vector_store %arg9[%swap3A_1003, %swap3A_1004], %add3A_1002 {strides = array<i32>} : memref<32x64xf32, #tpu.memory_space<vmem>>, vector<1x64xf32>,
    %get3A_1006 = arith.constant 21 : index
    %get3A_1007 = arith.constant 0 : index
    %get3A_1008 = vector.load %arg10[%get3A_1006, %get3A_1007] : memref<32x1xf32, #tpu.memory_space<vmem>>, vector<1x1xf32>
    %convert_element_type3A_1009 = arith.extui %eq3A_975 : vector<400x1xi1> to vector<400x1xi32>
    %convert_element_type3A_1010 = arith.sitofp %convert_element_type3A_1009 : vector<400x1xi32> to vector<400x1xf32>
    %reduce_sum3A_1011 = arith.constant dense<0.000000e+00> : vector<1xf32>
    %reduce_sum3A_1012 = vector.multi_reduction <add>, %convert_element_type3A_1010, %reduce_sum3A_1011 [0] : vector<400x1xf32> to vector<1xf32>
    %broadcast_in_dim3A_1013 = vector.shape_cast %reduce_sum3A_1012 : vector<1xf32> to vector<1x1xf32>
    %add3A_1014 = arith.addf %get3A_1008, %broadcast_in_dim3A_1013 : vector<1x1xf32>
    %swap3A_1015 = arith.constant 21 : index
    %swap3A_1016 = arith.constant 0 : index
    %swap3A_1017 = vector.load %arg10[%swap3A_1015, %swap3A_1016] : memref<32x1xf32, #tpu.memory_space<vmem>>, vector<1x1xf32>
    tpu.vector_store %arg10[%swap3A_1015, %swap3A_1016], %add3A_1014 {strides = array<i32>} : memref<32x1xf32, #tpu.memory_space<vmem>>, vector<1x1xf32>,
    %eq3A_1018 = arith.constant 2.200000e+01 : f32
    %eq3A_1019 = vector.broadcast %eq3A_1018 : f32 to vector<400x1xf32>
    %eq3A_1020 = arith.cmpf oeq, %get3A_31, %eq3A_1019 : vector<400x1xf32>
    %jit3A_1021 = arith.constant 0xFF800000 : f32
    %broadcast_in_dim3A_1022 = vector.shape_cast %eq3A_1020 : vector<400x1xi1> to vector<400x1xi1>
    %broadcast_in_dim3A_1023 = vector.broadcast %broadcast_in_dim3A_1022 : vector<400x1xi1> to vector<400x64xi1>
    %broadcast_in_dim3A_1024 = vector.broadcast %jit3A_1021 : f32 to vector<400x64xf32>
    %select_n3A_1025 = arith.select %broadcast_in_dim3A_1023, %add3A_28, %broadcast_in_dim3A_1024 : vector<400x64xi1>, vector<400x64xf32>
    %get3A_1026 = arith.constant 22 : index
    %get3A_1027 = arith.constant 0 : index
    %get3A_1028 = vector.load %arg8[%get3A_1026, %get3A_1027] : memref<32x64xf32, #tpu.memory_space<vmem>>, vector<1x64xf32>
    %reduce_max3A_1029 = arith.constant dense<0xFF800000> : vector<64xf32>
    %reduce_max3A_1030 = vector.multi_reduction <maximumf>, %select_n3A_1025, %reduce_max3A_1029 [0] : vector<400x64xf32> to vector<64xf32>
    %broadcast_in_dim3A_1031 = vector.shape_cast %reduce_max3A_1030 : vector<64xf32> to vector<1x64xf32>
    %max3A_1032 = arith.maximumf %get3A_1028, %broadcast_in_dim3A_1031 : vector<1x64xf32>
    %swap3A_1033 = arith.constant 22 : index
    %swap3A_1034 = arith.constant 0 : index
    %swap3A_1035 = vector.load %arg8[%swap3A_1033, %swap3A_1034] : memref<32x64xf32, #tpu.memory_space<vmem>>, vector<1x64xf32>
    tpu.vector_store %arg8[%swap3A_1033, %swap3A_1034], %max3A_1032 {strides = array<i32>} : memref<32x64xf32, #tpu.memory_space<vmem>>, vector<1x64xf32>,
    %get3A_1036 = arith.constant 22 : index
    %get3A_1037 = arith.constant 0 : index
    %get3A_1038 = vector.load %arg9[%get3A_1036, %get3A_1037] : memref<32x64xf32, #tpu.memory_space<vmem>>, vector<1x64xf32>
    %jit3A_1039 = arith.constant 0.000000e+00 : f32
    %broadcast_in_dim3A_1040 = vector.shape_cast %eq3A_1020 : vector<400x1xi1> to vector<400x1xi1>
    %broadcast_in_dim3A_1041 = vector.broadcast %broadcast_in_dim3A_1040 : vector<400x1xi1> to vector<400x64xi1>
    %broadcast_in_dim3A_1042 = vector.broadcast %jit3A_1039 : f32 to vector<400x64xf32>
    %select_n3A_1043 = arith.select %broadcast_in_dim3A_1041, %add3A_28, %broadcast_in_dim3A_1042 : vector<400x64xi1>, vector<400x64xf32>
    %reduce_sum3A_1044 = arith.constant dense<0.000000e+00> : vector<64xf32>
    %reduce_sum3A_1045 = vector.multi_reduction <add>, %select_n3A_1043, %reduce_sum3A_1044 [0] : vector<400x64xf32> to vector<64xf32>
    %broadcast_in_dim3A_1046 = vector.shape_cast %reduce_sum3A_1045 : vector<64xf32> to vector<1x64xf32>
    %add3A_1047 = arith.addf %get3A_1038, %broadcast_in_dim3A_1046 : vector<1x64xf32>
    %swap3A_1048 = arith.constant 22 : index
    %swap3A_1049 = arith.constant 0 : index
    %swap3A_1050 = vector.load %arg9[%swap3A_1048, %swap3A_1049] : memref<32x64xf32, #tpu.memory_space<vmem>>, vector<1x64xf32>
    tpu.vector_store %arg9[%swap3A_1048, %swap3A_1049], %add3A_1047 {strides = array<i32>} : memref<32x64xf32, #tpu.memory_space<vmem>>, vector<1x64xf32>,
    %get3A_1051 = arith.constant 22 : index
    %get3A_1052 = arith.constant 0 : index
    %get3A_1053 = vector.load %arg10[%get3A_1051, %get3A_1052] : memref<32x1xf32, #tpu.memory_space<vmem>>, vector<1x1xf32>
    %convert_element_type3A_1054 = arith.extui %eq3A_1020 : vector<400x1xi1> to vector<400x1xi32>
    %convert_element_type3A_1055 = arith.sitofp %convert_element_type3A_1054 : vector<400x1xi32> to vector<400x1xf32>
    %reduce_sum3A_1056 = arith.constant dense<0.000000e+00> : vector<1xf32>
    %reduce_sum3A_1057 = vector.multi_reduction <add>, %convert_element_type3A_1055, %reduce_sum3A_1056 [0] : vector<400x1xf32> to vector<1xf32>
    %broadcast_in_dim3A_1058 = vector.shape_cast %reduce_sum3A_1057 : vector<1xf32> to vector<1x1xf32>
    %add3A_1059 = arith.addf %get3A_1053, %broadcast_in_dim3A_1058 : vector<1x1xf32>
    %swap3A_1060 = arith.constant 22 : index
    %swap3A_1061 = arith.constant 0 : index
    %swap3A_1062 = vector.load %arg10[%swap3A_1060, %swap3A_1061] : memref<32x1xf32, #tpu.memory_space<vmem>>, vector<1x1xf32>
    tpu.vector_store %arg10[%swap3A_1060, %swap3A_1061], %add3A_1059 {strides = array<i32>} : memref<32x1xf32, #tpu.memory_space<vmem>>, vector<1x1xf32>,
    %eq3A_1063 = arith.constant 2.300000e+01 : f32
    %eq3A_1064 = vector.broadcast %eq3A_1063 : f32 to vector<400x1xf32>
    %eq3A_1065 = arith.cmpf oeq, %get3A_31, %eq3A_1064 : vector<400x1xf32>
    %jit3A_1066 = arith.constant 0xFF800000 : f32
    %broadcast_in_dim3A_1067 = vector.shape_cast %eq3A_1065 : vector<400x1xi1> to vector<400x1xi1>
    %broadcast_in_dim3A_1068 = vector.broadcast %broadcast_in_dim3A_1067 : vector<400x1xi1> to vector<400x64xi1>
    %broadcast_in_dim3A_1069 = vector.broadcast %jit3A_1066 : f32 to vector<400x64xf32>
    %select_n3A_1070 = arith.select %broadcast_in_dim3A_1068, %add3A_28, %broadcast_in_dim3A_1069 : vector<400x64xi1>, vector<400x64xf32>
    %get3A_1071 = arith.constant 23 : index
    %get3A_1072 = arith.constant 0 : index
    %get3A_1073 = vector.load %arg8[%get3A_1071, %get3A_1072] : memref<32x64xf32, #tpu.memory_space<vmem>>, vector<1x64xf32>
    %reduce_max3A_1074 = arith.constant dense<0xFF800000> : vector<64xf32>
    %reduce_max3A_1075 = vector.multi_reduction <maximumf>, %select_n3A_1070, %reduce_max3A_1074 [0] : vector<400x64xf32> to vector<64xf32>
    %broadcast_in_dim3A_1076 = vector.shape_cast %reduce_max3A_1075 : vector<64xf32> to vector<1x64xf32>
    %max3A_1077 = arith.maximumf %get3A_1073, %broadcast_in_dim3A_1076 : vector<1x64xf32>
    %swap3A_1078 = arith.constant 23 : index
    %swap3A_1079 = arith.constant 0 : index
    %swap3A_1080 = vector.load %arg8[%swap3A_1078, %swap3A_1079] : memref<32x64xf32, #tpu.memory_space<vmem>>, vector<1x64xf32>
    tpu.vector_store %arg8[%swap3A_1078, %swap3A_1079], %max3A_1077 {strides = array<i32>} : memref<32x64xf32, #tpu.memory_space<vmem>>, vector<1x64xf32>,
    %get3A_1081 = arith.constant 23 : index
    %get3A_1082 = arith.constant 0 : index
    %get3A_1083 = vector.load %arg9[%get3A_1081, %get3A_1082] : memref<32x64xf32, #tpu.memory_space<vmem>>, vector<1x64xf32>
    %jit3A_1084 = arith.constant 0.000000e+00 : f32
    %broadcast_in_dim3A_1085 = vector.shape_cast %eq3A_1065 : vector<400x1xi1> to vector<400x1xi1>
    %broadcast_in_dim3A_1086 = vector.broadcast %broadcast_in_dim3A_1085 : vector<400x1xi1> to vector<400x64xi1>
    %broadcast_in_dim3A_1087 = vector.broadcast %jit3A_1084 : f32 to vector<400x64xf32>
    %select_n3A_1088 = arith.select %broadcast_in_dim3A_1086, %add3A_28, %broadcast_in_dim3A_1087 : vector<400x64xi1>, vector<400x64xf32>
    %reduce_sum3A_1089 = arith.constant dense<0.000000e+00> : vector<64xf32>
    %reduce_sum3A_1090 = vector.multi_reduction <add>, %select_n3A_1088, %reduce_sum3A_1089 [0] : vector<400x64xf32> to vector<64xf32>
    %broadcast_in_dim3A_1091 = vector.shape_cast %reduce_sum3A_1090 : vector<64xf32> to vector<1x64xf32>
    %add3A_1092 = arith.addf %get3A_1083, %broadcast_in_dim3A_1091 : vector<1x64xf32>
    %swap3A_1093 = arith.constant 23 : index
    %swap3A_1094 = arith.constant 0 : index
    %swap3A_1095 = vector.load %arg9[%swap3A_1093, %swap3A_1094] : memref<32x64xf32, #tpu.memory_space<vmem>>, vector<1x64xf32>
    tpu.vector_store %arg9[%swap3A_1093, %swap3A_1094], %add3A_1092 {strides = array<i32>} : memref<32x64xf32, #tpu.memory_space<vmem>>, vector<1x64xf32>,
    %get3A_1096 = arith.constant 23 : index
    %get3A_1097 = arith.constant 0 : index
    %get3A_1098 = vector.load %arg10[%get3A_1096, %get3A_1097] : memref<32x1xf32, #tpu.memory_space<vmem>>, vector<1x1xf32>
    %convert_element_type3A_1099 = arith.extui %eq3A_1065 : vector<400x1xi1> to vector<400x1xi32>
    %convert_element_type3A_1100 = arith.sitofp %convert_element_type3A_1099 : vector<400x1xi32> to vector<400x1xf32>
    %reduce_sum3A_1101 = arith.constant dense<0.000000e+00> : vector<1xf32>
    %reduce_sum3A_1102 = vector.multi_reduction <add>, %convert_element_type3A_1100, %reduce_sum3A_1101 [0] : vector<400x1xf32> to vector<1xf32>
    %broadcast_in_dim3A_1103 = vector.shape_cast %reduce_sum3A_1102 : vector<1xf32> to vector<1x1xf32>
    %add3A_1104 = arith.addf %get3A_1098, %broadcast_in_dim3A_1103 : vector<1x1xf32>
    %swap3A_1105 = arith.constant 23 : index
    %swap3A_1106 = arith.constant 0 : index
    %swap3A_1107 = vector.load %arg10[%swap3A_1105, %swap3A_1106] : memref<32x1xf32, #tpu.memory_space<vmem>>, vector<1x1xf32>
    tpu.vector_store %arg10[%swap3A_1105, %swap3A_1106], %add3A_1104 {strides = array<i32>} : memref<32x1xf32, #tpu.memory_space<vmem>>, vector<1x1xf32>,
    %eq3A_1108 = arith.constant 2.400000e+01 : f32
    %eq3A_1109 = vector.broadcast %eq3A_1108 : f32 to vector<400x1xf32>
    %eq3A_1110 = arith.cmpf oeq, %get3A_31, %eq3A_1109 : vector<400x1xf32>
    %jit3A_1111 = arith.constant 0xFF800000 : f32
    %broadcast_in_dim3A_1112 = vector.shape_cast %eq3A_1110 : vector<400x1xi1> to vector<400x1xi1>
    %broadcast_in_dim3A_1113 = vector.broadcast %broadcast_in_dim3A_1112 : vector<400x1xi1> to vector<400x64xi1>
    %broadcast_in_dim3A_1114 = vector.broadcast %jit3A_1111 : f32 to vector<400x64xf32>
    %select_n3A_1115 = arith.select %broadcast_in_dim3A_1113, %add3A_28, %broadcast_in_dim3A_1114 : vector<400x64xi1>, vector<400x64xf32>
    %get3A_1116 = arith.constant 24 : index
    %get3A_1117 = arith.constant 0 : index
    %get3A_1118 = vector.load %arg8[%get3A_1116, %get3A_1117] : memref<32x64xf32, #tpu.memory_space<vmem>>, vector<1x64xf32>
    %reduce_max3A_1119 = arith.constant dense<0xFF800000> : vector<64xf32>
    %reduce_max3A_1120 = vector.multi_reduction <maximumf>, %select_n3A_1115, %reduce_max3A_1119 [0] : vector<400x64xf32> to vector<64xf32>
    %broadcast_in_dim3A_1121 = vector.shape_cast %reduce_max3A_1120 : vector<64xf32> to vector<1x64xf32>
    %max3A_1122 = arith.maximumf %get3A_1118, %broadcast_in_dim3A_1121 : vector<1x64xf32>
    %swap3A_1123 = arith.constant 24 : index
    %swap3A_1124 = arith.constant 0 : index
    %swap3A_1125 = vector.load %arg8[%swap3A_1123, %swap3A_1124] : memref<32x64xf32, #tpu.memory_space<vmem>>, vector<1x64xf32>
    tpu.vector_store %arg8[%swap3A_1123, %swap3A_1124], %max3A_1122 {strides = array<i32>} : memref<32x64xf32, #tpu.memory_space<vmem>>, vector<1x64xf32>,
    %get3A_1126 = arith.constant 24 : index
    %get3A_1127 = arith.constant 0 : index
    %get3A_1128 = vector.load %arg9[%get3A_1126, %get3A_1127] : memref<32x64xf32, #tpu.memory_space<vmem>>, vector<1x64xf32>
    %jit3A_1129 = arith.constant 0.000000e+00 : f32
    %broadcast_in_dim3A_1130 = vector.shape_cast %eq3A_1110 : vector<400x1xi1> to vector<400x1xi1>
    %broadcast_in_dim3A_1131 = vector.broadcast %broadcast_in_dim3A_1130 : vector<400x1xi1> to vector<400x64xi1>
    %broadcast_in_dim3A_1132 = vector.broadcast %jit3A_1129 : f32 to vector<400x64xf32>
    %select_n3A_1133 = arith.select %broadcast_in_dim3A_1131, %add3A_28, %broadcast_in_dim3A_1132 : vector<400x64xi1>, vector<400x64xf32>
    %reduce_sum3A_1134 = arith.constant dense<0.000000e+00> : vector<64xf32>
    %reduce_sum3A_1135 = vector.multi_reduction <add>, %select_n3A_1133, %reduce_sum3A_1134 [0] : vector<400x64xf32> to vector<64xf32>
    %broadcast_in_dim3A_1136 = vector.shape_cast %reduce_sum3A_1135 : vector<64xf32> to vector<1x64xf32>
    %add3A_1137 = arith.addf %get3A_1128, %broadcast_in_dim3A_1136 : vector<1x64xf32>
    %swap3A_1138 = arith.constant 24 : index
    %swap3A_1139 = arith.constant 0 : index
    %swap3A_1140 = vector.load %arg9[%swap3A_1138, %swap3A_1139] : memref<32x64xf32, #tpu.memory_space<vmem>>, vector<1x64xf32>
    tpu.vector_store %arg9[%swap3A_1138, %swap3A_1139], %add3A_1137 {strides = array<i32>} : memref<32x64xf32, #tpu.memory_space<vmem>>, vector<1x64xf32>,
    %get3A_1141 = arith.constant 24 : index
    %get3A_1142 = arith.constant 0 : index
    %get3A_1143 = vector.load %arg10[%get3A_1141, %get3A_1142] : memref<32x1xf32, #tpu.memory_space<vmem>>, vector<1x1xf32>
    %convert_element_type3A_1144 = arith.extui %eq3A_1110 : vector<400x1xi1> to vector<400x1xi32>
    %convert_element_type3A_1145 = arith.sitofp %convert_element_type3A_1144 : vector<400x1xi32> to vector<400x1xf32>
    %reduce_sum3A_1146 = arith.constant dense<0.000000e+00> : vector<1xf32>
    %reduce_sum3A_1147 = vector.multi_reduction <add>, %convert_element_type3A_1145, %reduce_sum3A_1146 [0] : vector<400x1xf32> to vector<1xf32>
    %broadcast_in_dim3A_1148 = vector.shape_cast %reduce_sum3A_1147 : vector<1xf32> to vector<1x1xf32>
    %add3A_1149 = arith.addf %get3A_1143, %broadcast_in_dim3A_1148 : vector<1x1xf32>
    %swap3A_1150 = arith.constant 24 : index
    %swap3A_1151 = arith.constant 0 : index
    %swap3A_1152 = vector.load %arg10[%swap3A_1150, %swap3A_1151] : memref<32x1xf32, #tpu.memory_space<vmem>>, vector<1x1xf32>
    tpu.vector_store %arg10[%swap3A_1150, %swap3A_1151], %add3A_1149 {strides = array<i32>} : memref<32x1xf32, #tpu.memory_space<vmem>>, vector<1x1xf32>,
    %eq3A_1153 = arith.constant 2.500000e+01 : f32
    %eq3A_1154 = vector.broadcast %eq3A_1153 : f32 to vector<400x1xf32>
    %eq3A_1155 = arith.cmpf oeq, %get3A_31, %eq3A_1154 : vector<400x1xf32>
    %jit3A_1156 = arith.constant 0xFF800000 : f32
    %broadcast_in_dim3A_1157 = vector.shape_cast %eq3A_1155 : vector<400x1xi1> to vector<400x1xi1>
    %broadcast_in_dim3A_1158 = vector.broadcast %broadcast_in_dim3A_1157 : vector<400x1xi1> to vector<400x64xi1>
    %broadcast_in_dim3A_1159 = vector.broadcast %jit3A_1156 : f32 to vector<400x64xf32>
    %select_n3A_1160 = arith.select %broadcast_in_dim3A_1158, %add3A_28, %broadcast_in_dim3A_1159 : vector<400x64xi1>, vector<400x64xf32>
    %get3A_1161 = arith.constant 25 : index
    %get3A_1162 = arith.constant 0 : index
    %get3A_1163 = vector.load %arg8[%get3A_1161, %get3A_1162] : memref<32x64xf32, #tpu.memory_space<vmem>>, vector<1x64xf32>
    %reduce_max3A_1164 = arith.constant dense<0xFF800000> : vector<64xf32>
    %reduce_max3A_1165 = vector.multi_reduction <maximumf>, %select_n3A_1160, %reduce_max3A_1164 [0] : vector<400x64xf32> to vector<64xf32>
    %broadcast_in_dim3A_1166 = vector.shape_cast %reduce_max3A_1165 : vector<64xf32> to vector<1x64xf32>
    %max3A_1167 = arith.maximumf %get3A_1163, %broadcast_in_dim3A_1166 : vector<1x64xf32>
    %swap3A_1168 = arith.constant 25 : index
    %swap3A_1169 = arith.constant 0 : index
    %swap3A_1170 = vector.load %arg8[%swap3A_1168, %swap3A_1169] : memref<32x64xf32, #tpu.memory_space<vmem>>, vector<1x64xf32>
    tpu.vector_store %arg8[%swap3A_1168, %swap3A_1169], %max3A_1167 {strides = array<i32>} : memref<32x64xf32, #tpu.memory_space<vmem>>, vector<1x64xf32>,
    %get3A_1171 = arith.constant 25 : index
    %get3A_1172 = arith.constant 0 : index
    %get3A_1173 = vector.load %arg9[%get3A_1171, %get3A_1172] : memref<32x64xf32, #tpu.memory_space<vmem>>, vector<1x64xf32>
    %jit3A_1174 = arith.constant 0.000000e+00 : f32
    %broadcast_in_dim3A_1175 = vector.shape_cast %eq3A_1155 : vector<400x1xi1> to vector<400x1xi1>
    %broadcast_in_dim3A_1176 = vector.broadcast %broadcast_in_dim3A_1175 : vector<400x1xi1> to vector<400x64xi1>
    %broadcast_in_dim3A_1177 = vector.broadcast %jit3A_1174 : f32 to vector<400x64xf32>
    %select_n3A_1178 = arith.select %broadcast_in_dim3A_1176, %add3A_28, %broadcast_in_dim3A_1177 : vector<400x64xi1>, vector<400x64xf32>
    %reduce_sum3A_1179 = arith.constant dense<0.000000e+00> : vector<64xf32>
    %reduce_sum3A_1180 = vector.multi_reduction <add>, %select_n3A_1178, %reduce_sum3A_1179 [0] : vector<400x64xf32> to vector<64xf32>
    %broadcast_in_dim3A_1181 = vector.shape_cast %reduce_sum3A_1180 : vector<64xf32> to vector<1x64xf32>
    %add3A_1182 = arith.addf %get3A_1173, %broadcast_in_dim3A_1181 : vector<1x64xf32>
    %swap3A_1183 = arith.constant 25 : index
    %swap3A_1184 = arith.constant 0 : index
    %swap3A_1185 = vector.load %arg9[%swap3A_1183, %swap3A_1184] : memref<32x64xf32, #tpu.memory_space<vmem>>, vector<1x64xf32>
    tpu.vector_store %arg9[%swap3A_1183, %swap3A_1184], %add3A_1182 {strides = array<i32>} : memref<32x64xf32, #tpu.memory_space<vmem>>, vector<1x64xf32>,
    %get3A_1186 = arith.constant 25 : index
    %get3A_1187 = arith.constant 0 : index
    %get3A_1188 = vector.load %arg10[%get3A_1186, %get3A_1187] : memref<32x1xf32, #tpu.memory_space<vmem>>, vector<1x1xf32>
    %convert_element_type3A_1189 = arith.extui %eq3A_1155 : vector<400x1xi1> to vector<400x1xi32>
    %convert_element_type3A_1190 = arith.sitofp %convert_element_type3A_1189 : vector<400x1xi32> to vector<400x1xf32>
    %reduce_sum3A_1191 = arith.constant dense<0.000000e+00> : vector<1xf32>
    %reduce_sum3A_1192 = vector.multi_reduction <add>, %convert_element_type3A_1190, %reduce_sum3A_1191 [0] : vector<400x1xf32> to vector<1xf32>
    %broadcast_in_dim3A_1193 = vector.shape_cast %reduce_sum3A_1192 : vector<1xf32> to vector<1x1xf32>
    %add3A_1194 = arith.addf %get3A_1188, %broadcast_in_dim3A_1193 : vector<1x1xf32>
    %swap3A_1195 = arith.constant 25 : index
    %swap3A_1196 = arith.constant 0 : index
    %swap3A_1197 = vector.load %arg10[%swap3A_1195, %swap3A_1196] : memref<32x1xf32, #tpu.memory_space<vmem>>, vector<1x1xf32>
    tpu.vector_store %arg10[%swap3A_1195, %swap3A_1196], %add3A_1194 {strides = array<i32>} : memref<32x1xf32, #tpu.memory_space<vmem>>, vector<1x1xf32>,
    %eq3A_1198 = arith.constant 2.600000e+01 : f32
    %eq3A_1199 = vector.broadcast %eq3A_1198 : f32 to vector<400x1xf32>
    %eq3A_1200 = arith.cmpf oeq, %get3A_31, %eq3A_1199 : vector<400x1xf32>
    %jit3A_1201 = arith.constant 0xFF800000 : f32
    %broadcast_in_dim3A_1202 = vector.shape_cast %eq3A_1200 : vector<400x1xi1> to vector<400x1xi1>
    %broadcast_in_dim3A_1203 = vector.broadcast %broadcast_in_dim3A_1202 : vector<400x1xi1> to vector<400x64xi1>
    %broadcast_in_dim3A_1204 = vector.broadcast %jit3A_1201 : f32 to vector<400x64xf32>
    %select_n3A_1205 = arith.select %broadcast_in_dim3A_1203, %add3A_28, %broadcast_in_dim3A_1204 : vector<400x64xi1>, vector<400x64xf32>
    %get3A_1206 = arith.constant 26 : index
    %get3A_1207 = arith.constant 0 : index
    %get3A_1208 = vector.load %arg8[%get3A_1206, %get3A_1207] : memref<32x64xf32, #tpu.memory_space<vmem>>, vector<1x64xf32>
    %reduce_max3A_1209 = arith.constant dense<0xFF800000> : vector<64xf32>
    %reduce_max3A_1210 = vector.multi_reduction <maximumf>, %select_n3A_1205, %reduce_max3A_1209 [0] : vector<400x64xf32> to vector<64xf32>
    %broadcast_in_dim3A_1211 = vector.shape_cast %reduce_max3A_1210 : vector<64xf32> to vector<1x64xf32>
    %max3A_1212 = arith.maximumf %get3A_1208, %broadcast_in_dim3A_1211 : vector<1x64xf32>
    %swap3A_1213 = arith.constant 26 : index
    %swap3A_1214 = arith.constant 0 : index
    %swap3A_1215 = vector.load %arg8[%swap3A_1213, %swap3A_1214] : memref<32x64xf32, #tpu.memory_space<vmem>>, vector<1x64xf32>
    tpu.vector_store %arg8[%swap3A_1213, %swap3A_1214], %max3A_1212 {strides = array<i32>} : memref<32x64xf32, #tpu.memory_space<vmem>>, vector<1x64xf32>,
    %get3A_1216 = arith.constant 26 : index
    %get3A_1217 = arith.constant 0 : index
    %get3A_1218 = vector.load %arg9[%get3A_1216, %get3A_1217] : memref<32x64xf32, #tpu.memory_space<vmem>>, vector<1x64xf32>
    %jit3A_1219 = arith.constant 0.000000e+00 : f32
    %broadcast_in_dim3A_1220 = vector.shape_cast %eq3A_1200 : vector<400x1xi1> to vector<400x1xi1>
    %broadcast_in_dim3A_1221 = vector.broadcast %broadcast_in_dim3A_1220 : vector<400x1xi1> to vector<400x64xi1>
    %broadcast_in_dim3A_1222 = vector.broadcast %jit3A_1219 : f32 to vector<400x64xf32>
    %select_n3A_1223 = arith.select %broadcast_in_dim3A_1221, %add3A_28, %broadcast_in_dim3A_1222 : vector<400x64xi1>, vector<400x64xf32>
    %reduce_sum3A_1224 = arith.constant dense<0.000000e+00> : vector<64xf32>
    %reduce_sum3A_1225 = vector.multi_reduction <add>, %select_n3A_1223, %reduce_sum3A_1224 [0] : vector<400x64xf32> to vector<64xf32>
    %broadcast_in_dim3A_1226 = vector.shape_cast %reduce_sum3A_1225 : vector<64xf32> to vector<1x64xf32>
    %add3A_1227 = arith.addf %get3A_1218, %broadcast_in_dim3A_1226 : vector<1x64xf32>
    %swap3A_1228 = arith.constant 26 : index
    %swap3A_1229 = arith.constant 0 : index
    %swap3A_1230 = vector.load %arg9[%swap3A_1228, %swap3A_1229] : memref<32x64xf32, #tpu.memory_space<vmem>>, vector<1x64xf32>
    tpu.vector_store %arg9[%swap3A_1228, %swap3A_1229], %add3A_1227 {strides = array<i32>} : memref<32x64xf32, #tpu.memory_space<vmem>>, vector<1x64xf32>,
    %get3A_1231 = arith.constant 26 : index
    %get3A_1232 = arith.constant 0 : index
    %get3A_1233 = vector.load %arg10[%get3A_1231, %get3A_1232] : memref<32x1xf32, #tpu.memory_space<vmem>>, vector<1x1xf32>
    %convert_element_type3A_1234 = arith.extui %eq3A_1200 : vector<400x1xi1> to vector<400x1xi32>
    %convert_element_type3A_1235 = arith.sitofp %convert_element_type3A_1234 : vector<400x1xi32> to vector<400x1xf32>
    %reduce_sum3A_1236 = arith.constant dense<0.000000e+00> : vector<1xf32>
    %reduce_sum3A_1237 = vector.multi_reduction <add>, %convert_element_type3A_1235, %reduce_sum3A_1236 [0] : vector<400x1xf32> to vector<1xf32>
    %broadcast_in_dim3A_1238 = vector.shape_cast %reduce_sum3A_1237 : vector<1xf32> to vector<1x1xf32>
    %add3A_1239 = arith.addf %get3A_1233, %broadcast_in_dim3A_1238 : vector<1x1xf32>
    %swap3A_1240 = arith.constant 26 : index
    %swap3A_1241 = arith.constant 0 : index
    %swap3A_1242 = vector.load %arg10[%swap3A_1240, %swap3A_1241] : memref<32x1xf32, #tpu.memory_space<vmem>>, vector<1x1xf32>
    tpu.vector_store %arg10[%swap3A_1240, %swap3A_1241], %add3A_1239 {strides = array<i32>} : memref<32x1xf32, #tpu.memory_space<vmem>>, vector<1x1xf32>,
    %eq3A_1243 = arith.constant 2.700000e+01 : f32
    %eq3A_1244 = vector.broadcast %eq3A_1243 : f32 to vector<400x1xf32>
    %eq3A_1245 = arith.cmpf oeq, %get3A_31, %eq3A_1244 : vector<400x1xf32>
    %jit3A_1246 = arith.constant 0xFF800000 : f32
    %broadcast_in_dim3A_1247 = vector.shape_cast %eq3A_1245 : vector<400x1xi1> to vector<400x1xi1>
    %broadcast_in_dim3A_1248 = vector.broadcast %broadcast_in_dim3A_1247 : vector<400x1xi1> to vector<400x64xi1>
    %broadcast_in_dim3A_1249 = vector.broadcast %jit3A_1246 : f32 to vector<400x64xf32>
    %select_n3A_1250 = arith.select %broadcast_in_dim3A_1248, %add3A_28, %broadcast_in_dim3A_1249 : vector<400x64xi1>, vector<400x64xf32>
    %get3A_1251 = arith.constant 27 : index
    %get3A_1252 = arith.constant 0 : index
    %get3A_1253 = vector.load %arg8[%get3A_1251, %get3A_1252] : memref<32x64xf32, #tpu.memory_space<vmem>>, vector<1x64xf32>
    %reduce_max3A_1254 = arith.constant dense<0xFF800000> : vector<64xf32>
    %reduce_max3A_1255 = vector.multi_reduction <maximumf>, %select_n3A_1250, %reduce_max3A_1254 [0] : vector<400x64xf32> to vector<64xf32>
    %broadcast_in_dim3A_1256 = vector.shape_cast %reduce_max3A_1255 : vector<64xf32> to vector<1x64xf32>
    %max3A_1257 = arith.maximumf %get3A_1253, %broadcast_in_dim3A_1256 : vector<1x64xf32>
    %swap3A_1258 = arith.constant 27 : index
    %swap3A_1259 = arith.constant 0 : index
    %swap3A_1260 = vector.load %arg8[%swap3A_1258, %swap3A_1259] : memref<32x64xf32, #tpu.memory_space<vmem>>, vector<1x64xf32>
    tpu.vector_store %arg8[%swap3A_1258, %swap3A_1259], %max3A_1257 {strides = array<i32>} : memref<32x64xf32, #tpu.memory_space<vmem>>, vector<1x64xf32>,
    %get3A_1261 = arith.constant 27 : index
    %get3A_1262 = arith.constant 0 : index
    %get3A_1263 = vector.load %arg9[%get3A_1261, %get3A_1262] : memref<32x64xf32, #tpu.memory_space<vmem>>, vector<1x64xf32>
    %jit3A_1264 = arith.constant 0.000000e+00 : f32
    %broadcast_in_dim3A_1265 = vector.shape_cast %eq3A_1245 : vector<400x1xi1> to vector<400x1xi1>
    %broadcast_in_dim3A_1266 = vector.broadcast %broadcast_in_dim3A_1265 : vector<400x1xi1> to vector<400x64xi1>
    %broadcast_in_dim3A_1267 = vector.broadcast %jit3A_1264 : f32 to vector<400x64xf32>
    %select_n3A_1268 = arith.select %broadcast_in_dim3A_1266, %add3A_28, %broadcast_in_dim3A_1267 : vector<400x64xi1>, vector<400x64xf32>
    %reduce_sum3A_1269 = arith.constant dense<0.000000e+00> : vector<64xf32>
    %reduce_sum3A_1270 = vector.multi_reduction <add>, %select_n3A_1268, %reduce_sum3A_1269 [0] : vector<400x64xf32> to vector<64xf32>
    %broadcast_in_dim3A_1271 = vector.shape_cast %reduce_sum3A_1270 : vector<64xf32> to vector<1x64xf32>
    %add3A_1272 = arith.addf %get3A_1263, %broadcast_in_dim3A_1271 : vector<1x64xf32>
    %swap3A_1273 = arith.constant 27 : index
    %swap3A_1274 = arith.constant 0 : index
    %swap3A_1275 = vector.load %arg9[%swap3A_1273, %swap3A_1274] : memref<32x64xf32, #tpu.memory_space<vmem>>, vector<1x64xf32>
    tpu.vector_store %arg9[%swap3A_1273, %swap3A_1274], %add3A_1272 {strides = array<i32>} : memref<32x64xf32, #tpu.memory_space<vmem>>, vector<1x64xf32>,
    %get3A_1276 = arith.constant 27 : index
    %get3A_1277 = arith.constant 0 : index
    %get3A_1278 = vector.load %arg10[%get3A_1276, %get3A_1277] : memref<32x1xf32, #tpu.memory_space<vmem>>, vector<1x1xf32>
    %convert_element_type3A_1279 = arith.extui %eq3A_1245 : vector<400x1xi1> to vector<400x1xi32>
    %convert_element_type3A_1280 = arith.sitofp %convert_element_type3A_1279 : vector<400x1xi32> to vector<400x1xf32>
    %reduce_sum3A_1281 = arith.constant dense<0.000000e+00> : vector<1xf32>
    %reduce_sum3A_1282 = vector.multi_reduction <add>, %convert_element_type3A_1280, %reduce_sum3A_1281 [0] : vector<400x1xf32> to vector<1xf32>
    %broadcast_in_dim3A_1283 = vector.shape_cast %reduce_sum3A_1282 : vector<1xf32> to vector<1x1xf32>
    %add3A_1284 = arith.addf %get3A_1278, %broadcast_in_dim3A_1283 : vector<1x1xf32>
    %swap3A_1285 = arith.constant 27 : index
    %swap3A_1286 = arith.constant 0 : index
    %swap3A_1287 = vector.load %arg10[%swap3A_1285, %swap3A_1286] : memref<32x1xf32, #tpu.memory_space<vmem>>, vector<1x1xf32>
    tpu.vector_store %arg10[%swap3A_1285, %swap3A_1286], %add3A_1284 {strides = array<i32>} : memref<32x1xf32, #tpu.memory_space<vmem>>, vector<1x1xf32>,
    %eq3A_1288 = arith.constant 2.800000e+01 : f32
    %eq3A_1289 = vector.broadcast %eq3A_1288 : f32 to vector<400x1xf32>
    %eq3A_1290 = arith.cmpf oeq, %get3A_31, %eq3A_1289 : vector<400x1xf32>
    %jit3A_1291 = arith.constant 0xFF800000 : f32
    %broadcast_in_dim3A_1292 = vector.shape_cast %eq3A_1290 : vector<400x1xi1> to vector<400x1xi1>
    %broadcast_in_dim3A_1293 = vector.broadcast %broadcast_in_dim3A_1292 : vector<400x1xi1> to vector<400x64xi1>
    %broadcast_in_dim3A_1294 = vector.broadcast %jit3A_1291 : f32 to vector<400x64xf32>
    %select_n3A_1295 = arith.select %broadcast_in_dim3A_1293, %add3A_28, %broadcast_in_dim3A_1294 : vector<400x64xi1>, vector<400x64xf32>
    %get3A_1296 = arith.constant 28 : index
    %get3A_1297 = arith.constant 0 : index
    %get3A_1298 = vector.load %arg8[%get3A_1296, %get3A_1297] : memref<32x64xf32, #tpu.memory_space<vmem>>, vector<1x64xf32>
    %reduce_max3A_1299 = arith.constant dense<0xFF800000> : vector<64xf32>
    %reduce_max3A_1300 = vector.multi_reduction <maximumf>, %select_n3A_1295, %reduce_max3A_1299 [0] : vector<400x64xf32> to vector<64xf32>
    %broadcast_in_dim3A_1301 = vector.shape_cast %reduce_max3A_1300 : vector<64xf32> to vector<1x64xf32>
    %max3A_1302 = arith.maximumf %get3A_1298, %broadcast_in_dim3A_1301 : vector<1x64xf32>
    %swap3A_1303 = arith.constant 28 : index
    %swap3A_1304 = arith.constant 0 : index
    %swap3A_1305 = vector.load %arg8[%swap3A_1303, %swap3A_1304] : memref<32x64xf32, #tpu.memory_space<vmem>>, vector<1x64xf32>
    tpu.vector_store %arg8[%swap3A_1303, %swap3A_1304], %max3A_1302 {strides = array<i32>} : memref<32x64xf32, #tpu.memory_space<vmem>>, vector<1x64xf32>,
    %get3A_1306 = arith.constant 28 : index
    %get3A_1307 = arith.constant 0 : index
    %get3A_1308 = vector.load %arg9[%get3A_1306, %get3A_1307] : memref<32x64xf32, #tpu.memory_space<vmem>>, vector<1x64xf32>
    %jit3A_1309 = arith.constant 0.000000e+00 : f32
    %broadcast_in_dim3A_1310 = vector.shape_cast %eq3A_1290 : vector<400x1xi1> to vector<400x1xi1>
    %broadcast_in_dim3A_1311 = vector.broadcast %broadcast_in_dim3A_1310 : vector<400x1xi1> to vector<400x64xi1>
    %broadcast_in_dim3A_1312 = vector.broadcast %jit3A_1309 : f32 to vector<400x64xf32>
    %select_n3A_1313 = arith.select %broadcast_in_dim3A_1311, %add3A_28, %broadcast_in_dim3A_1312 : vector<400x64xi1>, vector<400x64xf32>
    %reduce_sum3A_1314 = arith.constant dense<0.000000e+00> : vector<64xf32>
    %reduce_sum3A_1315 = vector.multi_reduction <add>, %select_n3A_1313, %reduce_sum3A_1314 [0] : vector<400x64xf32> to vector<64xf32>
    %broadcast_in_dim3A_1316 = vector.shape_cast %reduce_sum3A_1315 : vector<64xf32> to vector<1x64xf32>
    %add3A_1317 = arith.addf %get3A_1308, %broadcast_in_dim3A_1316 : vector<1x64xf32>
    %swap3A_1318 = arith.constant 28 : index
    %swap3A_1319 = arith.constant 0 : index
    %swap3A_1320 = vector.load %arg9[%swap3A_1318, %swap3A_1319] : memref<32x64xf32, #tpu.memory_space<vmem>>, vector<1x64xf32>
    tpu.vector_store %arg9[%swap3A_1318, %swap3A_1319], %add3A_1317 {strides = array<i32>} : memref<32x64xf32, #tpu.memory_space<vmem>>, vector<1x64xf32>,
    %get3A_1321 = arith.constant 28 : index
    %get3A_1322 = arith.constant 0 : index
    %get3A_1323 = vector.load %arg10[%get3A_1321, %get3A_1322] : memref<32x1xf32, #tpu.memory_space<vmem>>, vector<1x1xf32>
    %convert_element_type3A_1324 = arith.extui %eq3A_1290 : vector<400x1xi1> to vector<400x1xi32>
    %convert_element_type3A_1325 = arith.sitofp %convert_element_type3A_1324 : vector<400x1xi32> to vector<400x1xf32>
    %reduce_sum3A_1326 = arith.constant dense<0.000000e+00> : vector<1xf32>
    %reduce_sum3A_1327 = vector.multi_reduction <add>, %convert_element_type3A_1325, %reduce_sum3A_1326 [0] : vector<400x1xf32> to vector<1xf32>
    %broadcast_in_dim3A_1328 = vector.shape_cast %reduce_sum3A_1327 : vector<1xf32> to vector<1x1xf32>
    %add3A_1329 = arith.addf %get3A_1323, %broadcast_in_dim3A_1328 : vector<1x1xf32>
    %swap3A_1330 = arith.constant 28 : index
    %swap3A_1331 = arith.constant 0 : index
    %swap3A_1332 = vector.load %arg10[%swap3A_1330, %swap3A_1331] : memref<32x1xf32, #tpu.memory_space<vmem>>, vector<1x1xf32>
    tpu.vector_store %arg10[%swap3A_1330, %swap3A_1331], %add3A_1329 {strides = array<i32>} : memref<32x1xf32, #tpu.memory_space<vmem>>, vector<1x1xf32>,
    %eq3A_1333 = arith.constant 2.900000e+01 : f32
    %eq3A_1334 = vector.broadcast %eq3A_1333 : f32 to vector<400x1xf32>
    %eq3A_1335 = arith.cmpf oeq, %get3A_31, %eq3A_1334 : vector<400x1xf32>
    %jit3A_1336 = arith.constant 0xFF800000 : f32
    %broadcast_in_dim3A_1337 = vector.shape_cast %eq3A_1335 : vector<400x1xi1> to vector<400x1xi1>
    %broadcast_in_dim3A_1338 = vector.broadcast %broadcast_in_dim3A_1337 : vector<400x1xi1> to vector<400x64xi1>
    %broadcast_in_dim3A_1339 = vector.broadcast %jit3A_1336 : f32 to vector<400x64xf32>
    %select_n3A_1340 = arith.select %broadcast_in_dim3A_1338, %add3A_28, %broadcast_in_dim3A_1339 : vector<400x64xi1>, vector<400x64xf32>
    %get3A_1341 = arith.constant 29 : index
    %get3A_1342 = arith.constant 0 : index
    %get3A_1343 = vector.load %arg8[%get3A_1341, %get3A_1342] : memref<32x64xf32, #tpu.memory_space<vmem>>, vector<1x64xf32>
    %reduce_max3A_1344 = arith.constant dense<0xFF800000> : vector<64xf32>
    %reduce_max3A_1345 = vector.multi_reduction <maximumf>, %select_n3A_1340, %reduce_max3A_1344 [0] : vector<400x64xf32> to vector<64xf32>
    %broadcast_in_dim3A_1346 = vector.shape_cast %reduce_max3A_1345 : vector<64xf32> to vector<1x64xf32>
    %max3A_1347 = arith.maximumf %get3A_1343, %broadcast_in_dim3A_1346 : vector<1x64xf32>
    %swap3A_1348 = arith.constant 29 : index
    %swap3A_1349 = arith.constant 0 : index
    %swap3A_1350 = vector.load %arg8[%swap3A_1348, %swap3A_1349] : memref<32x64xf32, #tpu.memory_space<vmem>>, vector<1x64xf32>
    tpu.vector_store %arg8[%swap3A_1348, %swap3A_1349], %max3A_1347 {strides = array<i32>} : memref<32x64xf32, #tpu.memory_space<vmem>>, vector<1x64xf32>,
    %get3A_1351 = arith.constant 29 : index
    %get3A_1352 = arith.constant 0 : index
    %get3A_1353 = vector.load %arg9[%get3A_1351, %get3A_1352] : memref<32x64xf32, #tpu.memory_space<vmem>>, vector<1x64xf32>
    %jit3A_1354 = arith.constant 0.000000e+00 : f32
    %broadcast_in_dim3A_1355 = vector.shape_cast %eq3A_1335 : vector<400x1xi1> to vector<400x1xi1>
    %broadcast_in_dim3A_1356 = vector.broadcast %broadcast_in_dim3A_1355 : vector<400x1xi1> to vector<400x64xi1>
    %broadcast_in_dim3A_1357 = vector.broadcast %jit3A_1354 : f32 to vector<400x64xf32>
    %select_n3A_1358 = arith.select %broadcast_in_dim3A_1356, %add3A_28, %broadcast_in_dim3A_1357 : vector<400x64xi1>, vector<400x64xf32>
    %reduce_sum3A_1359 = arith.constant dense<0.000000e+00> : vector<64xf32>
    %reduce_sum3A_1360 = vector.multi_reduction <add>, %select_n3A_1358, %reduce_sum3A_1359 [0] : vector<400x64xf32> to vector<64xf32>
    %broadcast_in_dim3A_1361 = vector.shape_cast %reduce_sum3A_1360 : vector<64xf32> to vector<1x64xf32>
    %add3A_1362 = arith.addf %get3A_1353, %broadcast_in_dim3A_1361 : vector<1x64xf32>
    %swap3A_1363 = arith.constant 29 : index
    %swap3A_1364 = arith.constant 0 : index
    %swap3A_1365 = vector.load %arg9[%swap3A_1363, %swap3A_1364] : memref<32x64xf32, #tpu.memory_space<vmem>>, vector<1x64xf32>
    tpu.vector_store %arg9[%swap3A_1363, %swap3A_1364], %add3A_1362 {strides = array<i32>} : memref<32x64xf32, #tpu.memory_space<vmem>>, vector<1x64xf32>,
    %get3A_1366 = arith.constant 29 : index
    %get3A_1367 = arith.constant 0 : index
    %get3A_1368 = vector.load %arg10[%get3A_1366, %get3A_1367] : memref<32x1xf32, #tpu.memory_space<vmem>>, vector<1x1xf32>
    %convert_element_type3A_1369 = arith.extui %eq3A_1335 : vector<400x1xi1> to vector<400x1xi32>
    %convert_element_type3A_1370 = arith.sitofp %convert_element_type3A_1369 : vector<400x1xi32> to vector<400x1xf32>
    %reduce_sum3A_1371 = arith.constant dense<0.000000e+00> : vector<1xf32>
    %reduce_sum3A_1372 = vector.multi_reduction <add>, %convert_element_type3A_1370, %reduce_sum3A_1371 [0] : vector<400x1xf32> to vector<1xf32>
    %broadcast_in_dim3A_1373 = vector.shape_cast %reduce_sum3A_1372 : vector<1xf32> to vector<1x1xf32>
    %add3A_1374 = arith.addf %get3A_1368, %broadcast_in_dim3A_1373 : vector<1x1xf32>
    %swap3A_1375 = arith.constant 29 : index
    %swap3A_1376 = arith.constant 0 : index
    %swap3A_1377 = vector.load %arg10[%swap3A_1375, %swap3A_1376] : memref<32x1xf32, #tpu.memory_space<vmem>>, vector<1x1xf32>
    tpu.vector_store %arg10[%swap3A_1375, %swap3A_1376], %add3A_1374 {strides = array<i32>} : memref<32x1xf32, #tpu.memory_space<vmem>>, vector<1x1xf32>,
    %eq3A_1378 = arith.constant 3.000000e+01 : f32
    %eq3A_1379 = vector.broadcast %eq3A_1378 : f32 to vector<400x1xf32>
    %eq3A_1380 = arith.cmpf oeq, %get3A_31, %eq3A_1379 : vector<400x1xf32>
    %jit3A_1381 = arith.constant 0xFF800000 : f32
    %broadcast_in_dim3A_1382 = vector.shape_cast %eq3A_1380 : vector<400x1xi1> to vector<400x1xi1>
    %broadcast_in_dim3A_1383 = vector.broadcast %broadcast_in_dim3A_1382 : vector<400x1xi1> to vector<400x64xi1>
    %broadcast_in_dim3A_1384 = vector.broadcast %jit3A_1381 : f32 to vector<400x64xf32>
    %select_n3A_1385 = arith.select %broadcast_in_dim3A_1383, %add3A_28, %broadcast_in_dim3A_1384 : vector<400x64xi1>, vector<400x64xf32>
    %get3A_1386 = arith.constant 30 : index
    %get3A_1387 = arith.constant 0 : index
    %get3A_1388 = vector.load %arg8[%get3A_1386, %get3A_1387] : memref<32x64xf32, #tpu.memory_space<vmem>>, vector<1x64xf32>
    %reduce_max3A_1389 = arith.constant dense<0xFF800000> : vector<64xf32>
    %reduce_max3A_1390 = vector.multi_reduction <maximumf>, %select_n3A_1385, %reduce_max3A_1389 [0] : vector<400x64xf32> to vector<64xf32>
    %broadcast_in_dim3A_1391 = vector.shape_cast %reduce_max3A_1390 : vector<64xf32> to vector<1x64xf32>
    %max3A_1392 = arith.maximumf %get3A_1388, %broadcast_in_dim3A_1391 : vector<1x64xf32>
    %swap3A_1393 = arith.constant 30 : index
    %swap3A_1394 = arith.constant 0 : index
    %swap3A_1395 = vector.load %arg8[%swap3A_1393, %swap3A_1394] : memref<32x64xf32, #tpu.memory_space<vmem>>, vector<1x64xf32>
    tpu.vector_store %arg8[%swap3A_1393, %swap3A_1394], %max3A_1392 {strides = array<i32>} : memref<32x64xf32, #tpu.memory_space<vmem>>, vector<1x64xf32>,
    %get3A_1396 = arith.constant 30 : index
    %get3A_1397 = arith.constant 0 : index
    %get3A_1398 = vector.load %arg9[%get3A_1396, %get3A_1397] : memref<32x64xf32, #tpu.memory_space<vmem>>, vector<1x64xf32>
    %jit3A_1399 = arith.constant 0.000000e+00 : f32
    %broadcast_in_dim3A_1400 = vector.shape_cast %eq3A_1380 : vector<400x1xi1> to vector<400x1xi1>
    %broadcast_in_dim3A_1401 = vector.broadcast %broadcast_in_dim3A_1400 : vector<400x1xi1> to vector<400x64xi1>
    %broadcast_in_dim3A_1402 = vector.broadcast %jit3A_1399 : f32 to vector<400x64xf32>
    %select_n3A_1403 = arith.select %broadcast_in_dim3A_1401, %add3A_28, %broadcast_in_dim3A_1402 : vector<400x64xi1>, vector<400x64xf32>
    %reduce_sum3A_1404 = arith.constant dense<0.000000e+00> : vector<64xf32>
    %reduce_sum3A_1405 = vector.multi_reduction <add>, %select_n3A_1403, %reduce_sum3A_1404 [0] : vector<400x64xf32> to vector<64xf32>
    %broadcast_in_dim3A_1406 = vector.shape_cast %reduce_sum3A_1405 : vector<64xf32> to vector<1x64xf32>
    %add3A_1407 = arith.addf %get3A_1398, %broadcast_in_dim3A_1406 : vector<1x64xf32>
    %swap3A_1408 = arith.constant 30 : index
    %swap3A_1409 = arith.constant 0 : index
    %swap3A_1410 = vector.load %arg9[%swap3A_1408, %swap3A_1409] : memref<32x64xf32, #tpu.memory_space<vmem>>, vector<1x64xf32>
    tpu.vector_store %arg9[%swap3A_1408, %swap3A_1409], %add3A_1407 {strides = array<i32>} : memref<32x64xf32, #tpu.memory_space<vmem>>, vector<1x64xf32>,
    %get3A_1411 = arith.constant 30 : index
    %get3A_1412 = arith.constant 0 : index
    %get3A_1413 = vector.load %arg10[%get3A_1411, %get3A_1412] : memref<32x1xf32, #tpu.memory_space<vmem>>, vector<1x1xf32>
    %convert_element_type3A_1414 = arith.extui %eq3A_1380 : vector<400x1xi1> to vector<400x1xi32>
    %convert_element_type3A_1415 = arith.sitofp %convert_element_type3A_1414 : vector<400x1xi32> to vector<400x1xf32>
    %reduce_sum3A_1416 = arith.constant dense<0.000000e+00> : vector<1xf32>
    %reduce_sum3A_1417 = vector.multi_reduction <add>, %convert_element_type3A_1415, %reduce_sum3A_1416 [0] : vector<400x1xf32> to vector<1xf32>
    %broadcast_in_dim3A_1418 = vector.shape_cast %reduce_sum3A_1417 : vector<1xf32> to vector<1x1xf32>
    %add3A_1419 = arith.addf %get3A_1413, %broadcast_in_dim3A_1418 : vector<1x1xf32>
    %swap3A_1420 = arith.constant 30 : index
    %swap3A_1421 = arith.constant 0 : index
    %swap3A_1422 = vector.load %arg10[%swap3A_1420, %swap3A_1421] : memref<32x1xf32, #tpu.memory_space<vmem>>, vector<1x1xf32>
    tpu.vector_store %arg10[%swap3A_1420, %swap3A_1421], %add3A_1419 {strides = array<i32>} : memref<32x1xf32, #tpu.memory_space<vmem>>, vector<1x1xf32>,
    %eq3A_1423 = arith.constant 3.100000e+01 : f32
    %eq3A_1424 = vector.broadcast %eq3A_1423 : f32 to vector<400x1xf32>
    %eq3A_1425 = arith.cmpf oeq, %get3A_31, %eq3A_1424 : vector<400x1xf32>
    %jit3A_1426 = arith.constant 0xFF800000 : f32
    %broadcast_in_dim3A_1427 = vector.shape_cast %eq3A_1425 : vector<400x1xi1> to vector<400x1xi1>
    %broadcast_in_dim3A_1428 = vector.broadcast %broadcast_in_dim3A_1427 : vector<400x1xi1> to vector<400x64xi1>
    %broadcast_in_dim3A_1429 = vector.broadcast %jit3A_1426 : f32 to vector<400x64xf32>
    %select_n3A_1430 = arith.select %broadcast_in_dim3A_1428, %add3A_28, %broadcast_in_dim3A_1429 : vector<400x64xi1>, vector<400x64xf32>
    %get3A_1431 = arith.constant 31 : index
    %get3A_1432 = arith.constant 0 : index
    %get3A_1433 = vector.load %arg8[%get3A_1431, %get3A_1432] : memref<32x64xf32, #tpu.memory_space<vmem>>, vector<1x64xf32>
    %reduce_max3A_1434 = arith.constant dense<0xFF800000> : vector<64xf32>
    %reduce_max3A_1435 = vector.multi_reduction <maximumf>, %select_n3A_1430, %reduce_max3A_1434 [0] : vector<400x64xf32> to vector<64xf32>
    %broadcast_in_dim3A_1436 = vector.shape_cast %reduce_max3A_1435 : vector<64xf32> to vector<1x64xf32>
    %max3A_1437 = arith.maximumf %get3A_1433, %broadcast_in_dim3A_1436 : vector<1x64xf32>
    %swap3A_1438 = arith.constant 31 : index
    %swap3A_1439 = arith.constant 0 : index
    %swap3A_1440 = vector.load %arg8[%swap3A_1438, %swap3A_1439] : memref<32x64xf32, #tpu.memory_space<vmem>>, vector<1x64xf32>
    tpu.vector_store %arg8[%swap3A_1438, %swap3A_1439], %max3A_1437 {strides = array<i32>} : memref<32x64xf32, #tpu.memory_space<vmem>>, vector<1x64xf32>,
    %get3A_1441 = arith.constant 31 : index
    %get3A_1442 = arith.constant 0 : index
    %get3A_1443 = vector.load %arg9[%get3A_1441, %get3A_1442] : memref<32x64xf32, #tpu.memory_space<vmem>>, vector<1x64xf32>
    %jit3A_1444 = arith.constant 0.000000e+00 : f32
    %broadcast_in_dim3A_1445 = vector.shape_cast %eq3A_1425 : vector<400x1xi1> to vector<400x1xi1>
    %broadcast_in_dim3A_1446 = vector.broadcast %broadcast_in_dim3A_1445 : vector<400x1xi1> to vector<400x64xi1>
    %broadcast_in_dim3A_1447 = vector.broadcast %jit3A_1444 : f32 to vector<400x64xf32>
    %select_n3A_1448 = arith.select %broadcast_in_dim3A_1446, %add3A_28, %broadcast_in_dim3A_1447 : vector<400x64xi1>, vector<400x64xf32>
    %reduce_sum3A_1449 = arith.constant dense<0.000000e+00> : vector<64xf32>
    %reduce_sum3A_1450 = vector.multi_reduction <add>, %select_n3A_1448, %reduce_sum3A_1449 [0] : vector<400x64xf32> to vector<64xf32>
    %broadcast_in_dim3A_1451 = vector.shape_cast %reduce_sum3A_1450 : vector<64xf32> to vector<1x64xf32>
    %add3A_1452 = arith.addf %get3A_1443, %broadcast_in_dim3A_1451 : vector<1x64xf32>
    %swap3A_1453 = arith.constant 31 : index
    %swap3A_1454 = arith.constant 0 : index
    %swap3A_1455 = vector.load %arg9[%swap3A_1453, %swap3A_1454] : memref<32x64xf32, #tpu.memory_space<vmem>>, vector<1x64xf32>
    tpu.vector_store %arg9[%swap3A_1453, %swap3A_1454], %add3A_1452 {strides = array<i32>} : memref<32x64xf32, #tpu.memory_space<vmem>>, vector<1x64xf32>,
    %get3A_1456 = arith.constant 31 : index
    %get3A_1457 = arith.constant 0 : index
    %get3A_1458 = vector.load %arg10[%get3A_1456, %get3A_1457] : memref<32x1xf32, #tpu.memory_space<vmem>>, vector<1x1xf32>
    %convert_element_type3A_1459 = arith.extui %eq3A_1425 : vector<400x1xi1> to vector<400x1xi32>
    %convert_element_type3A_1460 = arith.sitofp %convert_element_type3A_1459 : vector<400x1xi32> to vector<400x1xf32>
    %reduce_sum3A_1461 = arith.constant dense<0.000000e+00> : vector<1xf32>
    %reduce_sum3A_1462 = vector.multi_reduction <add>, %convert_element_type3A_1460, %reduce_sum3A_1461 [0] : vector<400x1xf32> to vector<1xf32>
    %broadcast_in_dim3A_1463 = vector.shape_cast %reduce_sum3A_1462 : vector<1xf32> to vector<1x1xf32>
    %add3A_1464 = arith.addf %get3A_1458, %broadcast_in_dim3A_1463 : vector<1x1xf32>
    %swap3A_1465 = arith.constant 31 : index
    %swap3A_1466 = arith.constant 0 : index
    %swap3A_1467 = vector.load %arg10[%swap3A_1465, %swap3A_1466] : memref<32x1xf32, #tpu.memory_space<vmem>>, vector<1x1xf32>
    tpu.vector_store %arg10[%swap3A_1465, %swap3A_1466], %add3A_1464 {strides = array<i32>} : memref<32x1xf32, #tpu.memory_space<vmem>>, vector<1x1xf32>,
    %eq3A_1468 = arith.constant 24 : i32
    %eq3A_1469 = arith.cmpi eq, %arg0, %eq3A_1468 : i32
    %convert_element_type3A_1470 = arith.extui %eq3A_1469 : i1 to i32
    %cond3A_1471 = arith.constant 0xFF800000 : f32
    %cond3A_1472 = arith.constant 0 : i32
    %cond3A_1473 = arith.cmpi ne, %convert_element_type3A_1470, %cond3A_1472 : i32
    scf.if %cond3A_1473 {
      %get3A_1474 = arith.constant 0 : index
      %get3A_1475 = arith.constant 0 : index
      %get3A_1476 = vector.load %arg9[%get3A_1474, %get3A_1475] : memref<32x64xf32, #tpu.memory_space<vmem>>, vector<32x64xf32>
      %get3A_1477 = arith.constant 0 : index
      %get3A_1478 = arith.constant 0 : index
      %get3A_1479 = vector.load %arg10[%get3A_1477, %get3A_1478] : memref<32x1xf32, #tpu.memory_space<vmem>>, vector<32x1xf32>
      %max3A_1480 = arith.constant 1.000000e+00 : f32
      %max3A_1481 = vector.broadcast %max3A_1480 : f32 to vector<32x1xf32>
      %max3A_1482 = arith.maximumf %get3A_1479, %max3A_1481 : vector<32x1xf32>
      %div3A = vector.broadcast %max3A_1482 : vector<32x1xf32> to vector<32x64xf32>
      %div3A_1483 = arith.divf %get3A_1476, %div3A : vector<32x64xf32>
      %get3A_1484 = arith.constant 0 : index
      %get3A_1485 = arith.constant 0 : index
      %get3A_1486 = vector.load %arg8[%get3A_1484, %get3A_1485] : memref<32x64xf32, #tpu.memory_space<vmem>>, vector<32x64xf32>
      %eq3A_1487 = vector.broadcast %cond3A_1471 : f32 to vector<32x64xf32>
      %eq3A_1488 = arith.cmpf oeq, %get3A_1486, %eq3A_1487 : vector<32x64xf32>
      %jit3A_1489 = arith.constant 0.000000e+00 : f32
      %broadcast_in_dim3A_1490 = vector.broadcast %jit3A_1489 : f32 to vector<32x64xf32>
      %select_n3A_1491 = arith.select %eq3A_1488, %broadcast_in_dim3A_1490, %get3A_1486 : vector<32x64xi1>, vector<32x64xf32>
      %concatenate3A = tpu.concatenate %select_n3A_1491, %div3A_1483 in 1 : vector<32x64xf32>, vector<32x64xf32> -> vector<32x128xf32>
      %get3A_1492 = arith.constant 0 : index
      %get3A_1493 = arith.constant 0 : index
      %get3A_1494 = vector.load %arg6[%get3A_1492, %get3A_1493] : memref<32x128xf32, #tpu.memory_space<vmem>>, vector<32x128xf32>
      %add3A_1495 = arith.addf %concatenate3A, %get3A_1494 : vector<32x128xf32>
      %swap3A_1496 = arith.constant 0 : index
      %swap3A_1497 = arith.constant 0 : index
      %swap3A_1498 = vector.load %arg7[%swap3A_1496, %swap3A_1497] : memref<32x128xf32, #tpu.memory_space<vmem>>, vector<32x128xf32>
      tpu.vector_store %arg7[%swap3A_1496, %swap3A_1497], %add3A_1495 {strides = array<i32>} : memref<32x128xf32, #tpu.memory_space<vmem>>, vector<32x128xf32>,
    } else {
    }
    return
  }
  func.func @transform_0(%arg0: i32) -> (i32, i32) {
    %c0_i32 = arith.constant 0 : i32
    %c0_i32_0 = arith.constant 0 : i32
    return %arg0, %c0_i32 : i32, i32
  }
  func.func @transform_1(%arg0: i32) -> (i32, i32) {
    %c0_i32 = arith.constant 0 : i32
    %c0_i32_0 = arith.constant 0 : i32
    %c0_i32_1 = arith.constant 0 : i32
    return %c0_i32, %c0_i32_0 : i32, i32
  }
  func.func @transform_2(%arg0: i32) -> (i32, i32) {
    %c0_i32 = arith.constant 0 : i32
    %c0_i32_0 = arith.constant 0 : i32
    %c0_i32_1 = arith.constant 0 : i32
    return %c0_i32, %c0_i32_0 : i32, i32
  }
  func.func @transform_3(%arg0: i32) -> (i32, i32) {
    %c0_i32 = arith.constant 0 : i32
    %c0_i32_0 = arith.constant 0 : i32
    %c0_i32_1 = arith.constant 0 : i32
    return %c0_i32, %c0_i32_0 : i32, i32
  }
  func.func @transform_4(%arg0: i32) -> (i32, i32) {
    %c0_i32 = arith.constant 0 : i32
    %c0_i32_0 = arith.constant 0 : i32
    return %arg0, %c0_i32 : i32, i32
  }
  func.func @transform_5(%arg0: i32) -> (i32, i32) {
    %c0_i32 = arith.constant 0 : i32
    %c0_i32_0 = arith.constant 0 : i32
    %c0_i32_1 = arith.constant 0 : i32
    return %c0_i32, %c0_i32_0 : i32, i32
  }
  func.func @transform_6(%arg0: i32) -> (i32, i32) {
    %c0_i32 = arith.constant 0 : i32
    %c0_i32_0 = arith.constant 0 : i32
    %c0_i32_1 = arith.constant 0 : i32
    return %c0_i32, %c0_i32_0 : i32, i32
  }
}

module attributes {stable_mosaic.version = 14 : i64} {
  func.func @_pool_body(%arg0: i32, %arg1: memref<400x64xf32, #tpu.memory_space<vmem>>, %arg2: memref<2x64xf32, #tpu.memory_space<vmem>>, %arg3: memref<1x64xf32, #tpu.memory_space<vmem>>, %arg4: memref<1x64xf32, #tpu.memory_space<vmem>>, %arg5: memref<400x1xf32, #tpu.memory_space<vmem>>, %arg6: memref<32x128xf32, #tpu.memory_space<vmem>>, %arg7: memref<32x128xf32, #tpu.memory_space<vmem>>, %arg8: memref<32x64xf32, #tpu.memory_space<vmem>>, %arg9: memref<32x64xf32, #tpu.memory_space<vmem>>, %arg10: memref<32x1xf32, #tpu.memory_space<vmem>>) attributes {dimension_semantics = [#tpu.dimension_semantics<arbitrary>], iteration_bounds = array<i64: 25>, scalar_prefetch = 0 : i64, scratch_operands = 3 : i64, tpu.core_type = #tpu.core_type<tc>, window_params = [{transform_indices = @transform_0, window_bounds = array<i64: 400, 64>}, {pipeline_mode = #tpu.pipeline_mode<synchronous>, transform_indices = @transform_1, window_bounds = array<i64: 2, 64>}, {pipeline_mode = #tpu.pipeline_mode<synchronous>, transform_indices = @transform_2, window_bounds = array<i64: 1, 64>}, {pipeline_mode = #tpu.pipeline_mode<synchronous>, transform_indices = @transform_3, window_bounds = array<i64: 1, 64>}, {transform_indices = @transform_4, window_bounds = array<i64: 400, 1>}, {pipeline_mode = #tpu.pipeline_mode<synchronous>, transform_indices = @transform_5, window_bounds = array<i64: 32, 128>}, {pipeline_mode = #tpu.pipeline_mode<synchronous>, transform_indices = @transform_6, window_bounds = array<i64: 32, 128>}]} {
    %get3A = arith.constant 0 : index
    %get3A_0 = arith.constant 0 : index
    %get3A_1 = vector.load %arg2[%get3A, %get3A_0] : memref<2x64xf32, #tpu.memory_space<vmem>>, vector<1x64xf32>
    %mul3A = arith.constant 9.99999974E-5 : f32
    %mul3A_2 = vector.broadcast %mul3A : f32 to vector<1x64xf32>
    %mul3A_3 = arith.mulf %get3A_1, %mul3A_2 : vector<1x64xf32>
    %get3A_4 = arith.constant 1 : index
    %get3A_5 = arith.constant 0 : index
    %get3A_6 = vector.load %arg2[%get3A_4, %get3A_5] : memref<2x64xf32, #tpu.memory_space<vmem>>, vector<1x64xf32>
    %mul3A_7 = arith.constant 9.99999974E-5 : f32
    %mul3A_8 = vector.broadcast %mul3A_7 : f32 to vector<1x64xf32>
    %mul3A_9 = arith.mulf %get3A_6, %mul3A_8 : vector<1x64xf32>
    %mul3A_10 = arith.mulf %mul3A_3, %mul3A_3 : vector<1x64xf32>
    %sub3A = arith.subf %mul3A_9, %mul3A_10 : vector<1x64xf32>
    %get3A_11 = arith.constant 0 : index
    %get3A_12 = arith.constant 0 : index
    %get3A_13 = vector.load %arg3[%get3A_11, %get3A_12] : memref<1x64xf32, #tpu.memory_space<vmem>>, vector<1x64xf32>
    %add3A = arith.constant 9.99999974E-6 : f32
    %add3A_14 = vector.broadcast %add3A : f32 to vector<1x64xf32>
    %add3A_15 = arith.addf %sub3A, %add3A_14 : vector<1x64xf32>
    %rsqrt3A = math.rsqrt %add3A_15 : vector<1x64xf32>
    %mul3A_16 = arith.mulf %get3A_13, %rsqrt3A : vector<1x64xf32>
    %get3A_17 = arith.constant 0 : index
    %get3A_18 = arith.constant 0 : index
    %get3A_19 = vector.load %arg4[%get3A_17, %get3A_18] : memref<1x64xf32, #tpu.memory_space<vmem>>, vector<1x64xf32>
    %mul3A_20 = arith.mulf %mul3A_3, %mul3A_16 : vector<1x64xf32>
    %sub3A_21 = arith.subf %get3A_19, %mul3A_20 : vector<1x64xf32>
    %get3A_22 = arith.constant 0 : index
    %get3A_23 = arith.constant 0 : index
    %get3A_24 = vector.load %arg1[%get3A_22, %get3A_23] : memref<400x64xf32, #tpu.memory_space<vmem>>, vector<400x64xf32>
    %mul3A_25 = vector.broadcast %mul3A_16 : vector<1x64xf32> to vector<400x64xf32>
    %mul3A_26 = arith.mulf %get3A_24, %mul3A_25 : vector<400x64xf32>
    %add3A_27 = vector.broadcast %sub3A_21 : vector<1x64xf32> to vector<400x64xf32>
    %add3A_28 = arith.addf %mul3A_26, %add3A_27 : vector<400x64xf32>
    %get3A_29 = arith.constant 0 : index
    %get3A_30 = arith.constant 0 : index
    %get3A_31 = vector.load %arg5[%get3A_29, %get3A_30] : memref<400x1xf32, #tpu.memory_space<vmem>>, vector<400x1xf32>
    %eq3A = arith.constant 0 : i32
    %eq3A_32 = arith.cmpi eq, %arg0, %eq3A : i32
    %convert_element_type3A = arith.extui %eq3A_32 : i1 to i32
    %cond3A = arith.constant 0xFF800000 : f32
    %cond3A_33 = arith.constant 0 : i32
    %cond3A_34 = arith.cmpi ne, %convert_element_type3A, %cond3A_33 : i32
    scf.if %cond3A_34 {
      %broadcast_in_dim3A_1474 = vector.broadcast %cond3A : f32 to vector<32x64xf32>
      %swap3A_1475 = arith.constant 0 : index
      %swap3A_1476 = arith.constant 0 : index
      %swap3A_1477 = vector.load %arg8[%swap3A_1475, %swap3A_1476] : memref<32x64xf32, #tpu.memory_space<vmem>>, vector<32x64xf32>
      tpu.vector_store %arg8[%swap3A_1475, %swap3A_1476], %broadcast_in_dim3A_1474 {strides = array<i32>} : memref<32x64xf32, #tpu.memory_space<vmem>>, vector<32x64xf32>,
      %broadcast_in_dim3A_1478 = arith.constant 0.000000e+00 : f32
      %broadcast_in_dim3A_1479 = vector.broadcast %broadcast_in_dim3A_1478 : f32 to vector<32x64xf32>
      %swap3A_1480 = arith.constant 0 : index
      %swap3A_1481 = arith.constant 0 : index
      %swap3A_1482 = vector.load %arg9[%swap3A_1480, %swap3A_1481] : memref<32x64xf32, #tpu.memory_space<vmem>>, vector<32x64xf32>
      tpu.vector_store %arg9[%swap3A_1480, %swap3A_1481], %broadcast_in_dim3A_1479 {strides = array<i32>} : memref<32x64xf32, #tpu.memory_space<vmem>>, vector<32x64xf32>,
      %broadcast_in_dim3A_1483 = arith.constant 0.000000e+00 : f32
      %broadcast_in_dim3A_1484 = vector.broadcast %broadcast_in_dim3A_1483 : f32 to vector<32x1xf32>
      %swap3A_1485 = arith.constant 0 : index
      %swap3A_1486 = arith.constant 0 : index
      %swap3A_1487 = vector.load %arg10[%swap3A_1485, %swap3A_1486] : memref<32x1xf32, #tpu.memory_space<vmem>>, vector<32x1xf32>
      tpu.vector_store %arg10[%swap3A_1485, %swap3A_1486], %broadcast_in_dim3A_1484 {strides = array<i32>} : memref<32x1xf32, #tpu.memory_space<vmem>>, vector<32x1xf32>,
    } else {
    }
    %eq3A_35 = arith.constant 0.000000e+00 : f32
    %eq3A_36 = vector.broadcast %eq3A_35 : f32 to vector<400x1xf32>
    %eq3A_37 = arith.cmpf oeq, %get3A_31, %eq3A_36 : vector<400x1xf32>
    %jit3A = arith.constant 0xFF800000 : f32
    %broadcast_in_dim3A = vector.shape_cast %eq3A_37 : vector<400x1xi1> to vector<400x1xi1>
    %broadcast_in_dim3A_38 = vector.broadcast %broadcast_in_dim3A : vector<400x1xi1> to vector<400x64xi1>
    %broadcast_in_dim3A_39 = vector.broadcast %jit3A : f32 to vector<400x64xf32>
    %select_n3A = arith.select %broadcast_in_dim3A_38, %add3A_28, %broadcast_in_dim3A_39 : vector<400x64xi1>, vector<400x64xf32>
    %get3A_40 = arith.constant 0 : index
    %get3A_41 = arith.constant 0 : index
    %get3A_42 = vector.load %arg8[%get3A_40, %get3A_41] : memref<32x64xf32, #tpu.memory_space<vmem>>, vector<1x64xf32>
    %reduce_max3A = arith.constant dense<0xFF800000> : vector<64xf32>
    %reduce_max3A_43 = vector.multi_reduction <maximumf>, %select_n3A, %reduce_max3A [0] : vector<400x64xf32> to vector<64xf32>
    %broadcast_in_dim3A_44 = vector.shape_cast %reduce_max3A_43 : vector<64xf32> to vector<1x64xf32>
    %max3A = arith.maximumf %get3A_42, %broadcast_in_dim3A_44 : vector<1x64xf32>
    %swap3A = arith.constant 0 : index
    %swap3A_45 = arith.constant 0 : index
    %swap3A_46 = vector.load %arg8[%swap3A, %swap3A_45] : memref<32x64xf32, #tpu.memory_space<vmem>>, vector<1x64xf32>
    tpu.vector_store %arg8[%swap3A, %swap3A_45], %max3A {strides = array<i32>} : memref<32x64xf32, #tpu.memory_space<vmem>>, vector<1x64xf32>,
    %get3A_47 = arith.constant 0 : index
    %get3A_48 = arith.constant 0 : index
    %get3A_49 = vector.load %arg9[%get3A_47, %get3A_48] : memref<32x64xf32, #tpu.memory_space<vmem>>, vector<1x64xf32>
    %jit3A_50 = arith.constant 0.000000e+00 : f32
    %broadcast_in_dim3A_51 = vector.shape_cast %eq3A_37 : vector<400x1xi1> to vector<400x1xi1>
    %broadcast_in_dim3A_52 = vector.broadcast %broadcast_in_dim3A_51 : vector<400x1xi1> to vector<400x64xi1>
    %broadcast_in_dim3A_53 = vector.broadcast %jit3A_50 : f32 to vector<400x64xf32>
    %select_n3A_54 = arith.select %broadcast_in_dim3A_52, %add3A_28, %broadcast_in_dim3A_53 : vector<400x64xi1>, vector<400x64xf32>
    %reduce_sum3A = arith.constant dense<0.000000e+00> : vector<64xf32>
    %reduce_sum3A_55 = vector.multi_reduction <add>, %select_n3A_54, %reduce_sum3A [0] : vector<400x64xf32> to vector<64xf32>
    %broadcast_in_dim3A_56 = vector.shape_cast %reduce_sum3A_55 : vector<64xf32> to vector<1x64xf32>
    %add3A_57 = arith.addf %get3A_49, %broadcast_in_dim3A_56 : vector<1x64xf32>
    %swap3A_58 = arith.constant 0 : index
    %swap3A_59 = arith.constant 0 : index
    %swap3A_60 = vector.load %arg9[%swap3A_58, %swap3A_59] : memref<32x64xf32, #tpu.memory_space<vmem>>, vector<1x64xf32>
    tpu.vector_store %arg9[%swap3A_58, %swap3A_59], %add3A_57 {strides = array<i32>} : memref<32x64xf32, #tpu.memory_space<vmem>>, vector<1x64xf32>,
    %get3A_61 = arith.constant 0 : index
    %get3A_62 = arith.constant 0 : index
    %get3A_63 = vector.load %arg10[%get3A_61, %get3A_62] : memref<32x1xf32, #tpu.memory_space<vmem>>, vector<1x1xf32>
    %convert_element_type3A_64 = arith.extui %eq3A_37 : vector<400x1xi1> to vector<400x1xi32>
    %convert_element_type3A_65 = arith.sitofp %convert_element_type3A_64 : vector<400x1xi32> to vector<400x1xf32>
    %reduce_sum3A_66 = arith.constant dense<0.000000e+00> : vector<1xf32>
    %reduce_sum3A_67 = vector.multi_reduction <add>, %convert_element_type3A_65, %reduce_sum3A_66 [0] : vector<400x1xf32> to vector<1xf32>
    %broadcast_in_dim3A_68 = vector.shape_cast %reduce_sum3A_67 : vector<1xf32> to vector<1x1xf32>
    %add3A_69 = arith.addf %get3A_63, %broadcast_in_dim3A_68 : vector<1x1xf32>
    %swap3A_70 = arith.constant 0 : index
    %swap3A_71 = arith.constant 0 : index
    %swap3A_72 = vector.load %arg10[%swap3A_70, %swap3A_71] : memref<32x1xf32, #tpu.memory_space<vmem>>, vector<1x1xf32>
    tpu.vector_store %arg10[%swap3A_70, %swap3A_71], %add3A_69 {strides = array<i32>} : memref<32x1xf32, #tpu.memory_space<vmem>>, vector<1x1xf32>,
    %eq3A_73 = arith.constant 1.000000e+00 : f32
    %eq3A_74 = vector.broadcast %eq3A_73 : f32 to vector<400x1xf32>
    %eq3A_75 = arith.cmpf oeq, %get3A_31, %eq3A_74 : vector<400x1xf32>
    %jit3A_76 = arith.constant 0xFF800000 : f32
    %broadcast_in_dim3A_77 = vector.shape_cast %eq3A_75 : vector<400x1xi1> to vector<400x1xi1>
    %broadcast_in_dim3A_78 = vector.broadcast %broadcast_in_dim3A_77 : vector<400x1xi1> to vector<400x64xi1>
    %broadcast_in_dim3A_79 = vector.broadcast %jit3A_76 : f32 to vector<400x64xf32>
    %select_n3A_80 = arith.select %broadcast_in_dim3A_78, %add3A_28, %broadcast_in_dim3A_79 : vector<400x64xi1>, vector<400x64xf32>
    %get3A_81 = arith.constant 1 : index
    %get3A_82 = arith.constant 0 : index
    %get3A_83 = vector.load %arg8[%get3A_81, %get3A_82] : memref<32x64xf32, #tpu.memory_space<vmem>>, vector<1x64xf32>
    %reduce_max3A_84 = arith.constant dense<0xFF800000> : vector<64xf32>
    %reduce_max3A_85 = vector.multi_reduction <maximumf>, %select_n3A_80, %reduce_max3A_84 [0] : vector<400x64xf32> to vector<64xf32>
    %broadcast_in_dim3A_86 = vector.shape_cast %reduce_max3A_85 : vector<64xf32> to vector<1x64xf32>
    %max3A_87 = arith.maximumf %get3A_83, %broadcast_in_dim3A_86 : vector<1x64xf32>
    %swap3A_88 = arith.constant 1 : index
    %swap3A_89 = arith.constant 0 : index
    %swap3A_90 = vector.load %arg8[%swap3A_88, %swap3A_89] : memref<32x64xf32, #tpu.memory_space<vmem>>, vector<1x64xf32>
    tpu.vector_store %arg8[%swap3A_88, %swap3A_89], %max3A_87 {strides = array<i32>} : memref<32x64xf32, #tpu.memory_space<vmem>>, vector<1x64xf32>,
    %get3A_91 = arith.constant 1 : index
    %get3A_92 = arith.constant 0 : index
    %get3A_93 = vector.load %arg9[%get3A_91, %get3A_92] : memref<32x64xf32, #tpu.memory_space<vmem>>, vector<1x64xf32>
    %jit3A_94 = arith.constant 0.000000e+00 : f32
    %broadcast_in_dim3A_95 = vector.shape_cast %eq3A_75 : vector<400x1xi1> to vector<400x1xi1>
    %broadcast_in_dim3A_96 = vector.broadcast %broadcast_in_dim3A_95 : vector<400x1xi1> to vector<400x64xi1>
    %broadcast_in_dim3A_97 = vector.broadcast %jit3A_94 : f32 to vector<400x64xf32>
    %select_n3A_98 = arith.select %broadcast_in_dim3A_96, %add3A_28, %broadcast_in_dim3A_97 : vector<400x64xi1>, vector<400x64xf32>
    %reduce_sum3A_99 = arith.constant dense<0.000000e+00> : vector<64xf32>
    %reduce_sum3A_100 = vector.multi_reduction <add>, %select_n3A_98, %reduce_sum3A_99 [0] : vector<400x64xf32> to vector<64xf32>
    %broadcast_in_dim3A_101 = vector.shape_cast %reduce_sum3A_100 : vector<64xf32> to vector<1x64xf32>
    %add3A_102 = arith.addf %get3A_93, %broadcast_in_dim3A_101 : vector<1x64xf32>
    %swap3A_103 = arith.constant 1 : index
    %swap3A_104 = arith.constant 0 : index
    %swap3A_105 = vector.load %arg9[%swap3A_103, %swap3A_104] : memref<32x64xf32, #tpu.memory_space<vmem>>, vector<1x64xf32>
    tpu.vector_store %arg9[%swap3A_103, %swap3A_104], %add3A_102 {strides = array<i32>} : memref<32x64xf32, #tpu.memory_space<vmem>>, vector<1x64xf32>,
    %get3A_106 = arith.constant 1 : index
    %get3A_107 = arith.constant 0 : index
    %get3A_108 = vector.load %arg10[%get3A_106, %get3A_107] : memref<32x1xf32, #tpu.memory_space<vmem>>, vector<1x1xf32>
    %convert_element_type3A_109 = arith.extui %eq3A_75 : vector<400x1xi1> to vector<400x1xi32>
    %convert_element_type3A_110 = arith.sitofp %convert_element_type3A_109 : vector<400x1xi32> to vector<400x1xf32>
    %reduce_sum3A_111 = arith.constant dense<0.000000e+00> : vector<1xf32>
    %reduce_sum3A_112 = vector.multi_reduction <add>, %convert_element_type3A_110, %reduce_sum3A_111 [0] : vector<400x1xf32> to vector<1xf32>
    %broadcast_in_dim3A_113 = vector.shape_cast %reduce_sum3A_112 : vector<1xf32> to vector<1x1xf32>
    %add3A_114 = arith.addf %get3A_108, %broadcast_in_dim3A_113 : vector<1x1xf32>
    %swap3A_115 = arith.constant 1 : index
    %swap3A_116 = arith.constant 0 : index
    %swap3A_117 = vector.load %arg10[%swap3A_115, %swap3A_116] : memref<32x1xf32, #tpu.memory_space<vmem>>, vector<1x1xf32>
    tpu.vector_store %arg10[%swap3A_115, %swap3A_116], %add3A_114 {strides = array<i32>} : memref<32x1xf32, #tpu.memory_space<vmem>>, vector<1x1xf32>,
    %eq3A_118 = arith.constant 2.000000e+00 : f32
    %eq3A_119 = vector.broadcast %eq3A_118 : f32 to vector<400x1xf32>
    %eq3A_120 = arith.cmpf oeq, %get3A_31, %eq3A_119 : vector<400x1xf32>
    %jit3A_121 = arith.constant 0xFF800000 : f32
    %broadcast_in_dim3A_122 = vector.shape_cast %eq3A_120 : vector<400x1xi1> to vector<400x1xi1>
    %broadcast_in_dim3A_123 = vector.broadcast %broadcast_in_dim3A_122 : vector<400x1xi1> to vector<400x64xi1>
    %broadcast_in_dim3A_124 = vector.broadcast %jit3A_121 : f32 to vector<400x64xf32>
    %select_n3A_125 = arith.select %broadcast_in_dim3A_123, %add3A_28, %broadcast_in_dim3A_124 : vector<400x64xi1>, vector<400x64xf32>
    %get3A_126 = arith.constant 2 : index
    %get3A_127 = arith.constant 0 : index
    %get3A_128 = vector.load %arg8[%get3A_126, %get3A_127] : memref<32x64xf32, #tpu.memory_space<vmem>>, vector<1x64xf32>
    %reduce_max3A_129 = arith.constant dense<0xFF800000> : vector<64xf32>
    %reduce_max3A_130 = vector.multi_reduction <maximumf>, %select_n3A_125, %reduce_max3A_129 [0] : vector<400x64xf32> to vector<64xf32>
    %broadcast_in_dim3A_131 = vector.shape_cast %reduce_max3A_130 : vector<64xf32> to vector<1x64xf32>
    %max3A_132 = arith.maximumf %get3A_128, %broadcast_in_dim3A_131 : vector<1x64xf32>
    %swap3A_133 = arith.constant 2 : index
    %swap3A_134 = arith.constant 0 : index
    %swap3A_135 = vector.load %arg8[%swap3A_133, %swap3A_134] : memref<32x64xf32, #tpu.memory_space<vmem>>, vector<1x64xf32>
    tpu.vector_store %arg8[%swap3A_133, %swap3A_134], %max3A_132 {strides = array<i32>} : memref<32x64xf32, #tpu.memory_space<vmem>>, vector<1x64xf32>,
    %get3A_136 = arith.constant 2 : index
    %get3A_137 = arith.constant 0 : index
    %get3A_138 = vector.load %arg9[%get3A_136, %get3A_137] : memref<32x64xf32, #tpu.memory_space<vmem>>, vector<1x64xf32>
    %jit3A_139 = arith.constant 0.000000e+00 : f32
    %broadcast_in_dim3A_140 = vector.shape_cast %eq3A_120 : vector<400x1xi1> to vector<400x1xi1>
    %broadcast_in_dim3A_141 = vector.broadcast %broadcast_in_dim3A_140 : vector<400x1xi1> to vector<400x64xi1>
    %broadcast_in_dim3A_142 = vector.broadcast %jit3A_139 : f32 to vector<400x64xf32>
    %select_n3A_143 = arith.select %broadcast_in_dim3A_141, %add3A_28, %broadcast_in_dim3A_142 : vector<400x64xi1>, vector<400x64xf32>
    %reduce_sum3A_144 = arith.constant dense<0.000000e+00> : vector<64xf32>
    %reduce_sum3A_145 = vector.multi_reduction <add>, %select_n3A_143, %reduce_sum3A_144 [0] : vector<400x64xf32> to vector<64xf32>
    %broadcast_in_dim3A_146 = vector.shape_cast %reduce_sum3A_145 : vector<64xf32> to vector<1x64xf32>
    %add3A_147 = arith.addf %get3A_138, %broadcast_in_dim3A_146 : vector<1x64xf32>
    %swap3A_148 = arith.constant 2 : index
    %swap3A_149 = arith.constant 0 : index
    %swap3A_150 = vector.load %arg9[%swap3A_148, %swap3A_149] : memref<32x64xf32, #tpu.memory_space<vmem>>, vector<1x64xf32>
    tpu.vector_store %arg9[%swap3A_148, %swap3A_149], %add3A_147 {strides = array<i32>} : memref<32x64xf32, #tpu.memory_space<vmem>>, vector<1x64xf32>,
    %get3A_151 = arith.constant 2 : index
    %get3A_152 = arith.constant 0 : index
    %get3A_153 = vector.load %arg10[%get3A_151, %get3A_152] : memref<32x1xf32, #tpu.memory_space<vmem>>, vector<1x1xf32>
    %convert_element_type3A_154 = arith.extui %eq3A_120 : vector<400x1xi1> to vector<400x1xi32>
    %convert_element_type3A_155 = arith.sitofp %convert_element_type3A_154 : vector<400x1xi32> to vector<400x1xf32>
    %reduce_sum3A_156 = arith.constant dense<0.000000e+00> : vector<1xf32>
    %reduce_sum3A_157 = vector.multi_reduction <add>, %convert_element_type3A_155, %reduce_sum3A_156 [0] : vector<400x1xf32> to vector<1xf32>
    %broadcast_in_dim3A_158 = vector.shape_cast %reduce_sum3A_157 : vector<1xf32> to vector<1x1xf32>
    %add3A_159 = arith.addf %get3A_153, %broadcast_in_dim3A_158 : vector<1x1xf32>
    %swap3A_160 = arith.constant 2 : index
    %swap3A_161 = arith.constant 0 : index
    %swap3A_162 = vector.load %arg10[%swap3A_160, %swap3A_161] : memref<32x1xf32, #tpu.memory_space<vmem>>, vector<1x1xf32>
    tpu.vector_store %arg10[%swap3A_160, %swap3A_161], %add3A_159 {strides = array<i32>} : memref<32x1xf32, #tpu.memory_space<vmem>>, vector<1x1xf32>,
    %eq3A_163 = arith.constant 3.000000e+00 : f32
    %eq3A_164 = vector.broadcast %eq3A_163 : f32 to vector<400x1xf32>
    %eq3A_165 = arith.cmpf oeq, %get3A_31, %eq3A_164 : vector<400x1xf32>
    %jit3A_166 = arith.constant 0xFF800000 : f32
    %broadcast_in_dim3A_167 = vector.shape_cast %eq3A_165 : vector<400x1xi1> to vector<400x1xi1>
    %broadcast_in_dim3A_168 = vector.broadcast %broadcast_in_dim3A_167 : vector<400x1xi1> to vector<400x64xi1>
    %broadcast_in_dim3A_169 = vector.broadcast %jit3A_166 : f32 to vector<400x64xf32>
    %select_n3A_170 = arith.select %broadcast_in_dim3A_168, %add3A_28, %broadcast_in_dim3A_169 : vector<400x64xi1>, vector<400x64xf32>
    %get3A_171 = arith.constant 3 : index
    %get3A_172 = arith.constant 0 : index
    %get3A_173 = vector.load %arg8[%get3A_171, %get3A_172] : memref<32x64xf32, #tpu.memory_space<vmem>>, vector<1x64xf32>
    %reduce_max3A_174 = arith.constant dense<0xFF800000> : vector<64xf32>
    %reduce_max3A_175 = vector.multi_reduction <maximumf>, %select_n3A_170, %reduce_max3A_174 [0] : vector<400x64xf32> to vector<64xf32>
    %broadcast_in_dim3A_176 = vector.shape_cast %reduce_max3A_175 : vector<64xf32> to vector<1x64xf32>
    %max3A_177 = arith.maximumf %get3A_173, %broadcast_in_dim3A_176 : vector<1x64xf32>
    %swap3A_178 = arith.constant 3 : index
    %swap3A_179 = arith.constant 0 : index
    %swap3A_180 = vector.load %arg8[%swap3A_178, %swap3A_179] : memref<32x64xf32, #tpu.memory_space<vmem>>, vector<1x64xf32>
    tpu.vector_store %arg8[%swap3A_178, %swap3A_179], %max3A_177 {strides = array<i32>} : memref<32x64xf32, #tpu.memory_space<vmem>>, vector<1x64xf32>,
    %get3A_181 = arith.constant 3 : index
    %get3A_182 = arith.constant 0 : index
    %get3A_183 = vector.load %arg9[%get3A_181, %get3A_182] : memref<32x64xf32, #tpu.memory_space<vmem>>, vector<1x64xf32>
    %jit3A_184 = arith.constant 0.000000e+00 : f32
    %broadcast_in_dim3A_185 = vector.shape_cast %eq3A_165 : vector<400x1xi1> to vector<400x1xi1>
    %broadcast_in_dim3A_186 = vector.broadcast %broadcast_in_dim3A_185 : vector<400x1xi1> to vector<400x64xi1>
    %broadcast_in_dim3A_187 = vector.broadcast %jit3A_184 : f32 to vector<400x64xf32>
    %select_n3A_188 = arith.select %broadcast_in_dim3A_186, %add3A_28, %broadcast_in_dim3A_187 : vector<400x64xi1>, vector<400x64xf32>
    %reduce_sum3A_189 = arith.constant dense<0.000000e+00> : vector<64xf32>
    %reduce_sum3A_190 = vector.multi_reduction <add>, %select_n3A_188, %reduce_sum3A_189 [0] : vector<400x64xf32> to vector<64xf32>
    %broadcast_in_dim3A_191 = vector.shape_cast %reduce_sum3A_190 : vector<64xf32> to vector<1x64xf32>
    %add3A_192 = arith.addf %get3A_183, %broadcast_in_dim3A_191 : vector<1x64xf32>
    %swap3A_193 = arith.constant 3 : index
    %swap3A_194 = arith.constant 0 : index
    %swap3A_195 = vector.load %arg9[%swap3A_193, %swap3A_194] : memref<32x64xf32, #tpu.memory_space<vmem>>, vector<1x64xf32>
    tpu.vector_store %arg9[%swap3A_193, %swap3A_194], %add3A_192 {strides = array<i32>} : memref<32x64xf32, #tpu.memory_space<vmem>>, vector<1x64xf32>,
    %get3A_196 = arith.constant 3 : index
    %get3A_197 = arith.constant 0 : index
    %get3A_198 = vector.load %arg10[%get3A_196, %get3A_197] : memref<32x1xf32, #tpu.memory_space<vmem>>, vector<1x1xf32>
    %convert_element_type3A_199 = arith.extui %eq3A_165 : vector<400x1xi1> to vector<400x1xi32>
    %convert_element_type3A_200 = arith.sitofp %convert_element_type3A_199 : vector<400x1xi32> to vector<400x1xf32>
    %reduce_sum3A_201 = arith.constant dense<0.000000e+00> : vector<1xf32>
    %reduce_sum3A_202 = vector.multi_reduction <add>, %convert_element_type3A_200, %reduce_sum3A_201 [0] : vector<400x1xf32> to vector<1xf32>
    %broadcast_in_dim3A_203 = vector.shape_cast %reduce_sum3A_202 : vector<1xf32> to vector<1x1xf32>
    %add3A_204 = arith.addf %get3A_198, %broadcast_in_dim3A_203 : vector<1x1xf32>
    %swap3A_205 = arith.constant 3 : index
    %swap3A_206 = arith.constant 0 : index
    %swap3A_207 = vector.load %arg10[%swap3A_205, %swap3A_206] : memref<32x1xf32, #tpu.memory_space<vmem>>, vector<1x1xf32>
    tpu.vector_store %arg10[%swap3A_205, %swap3A_206], %add3A_204 {strides = array<i32>} : memref<32x1xf32, #tpu.memory_space<vmem>>, vector<1x1xf32>,
    %eq3A_208 = arith.constant 4.000000e+00 : f32
    %eq3A_209 = vector.broadcast %eq3A_208 : f32 to vector<400x1xf32>
    %eq3A_210 = arith.cmpf oeq, %get3A_31, %eq3A_209 : vector<400x1xf32>
    %jit3A_211 = arith.constant 0xFF800000 : f32
    %broadcast_in_dim3A_212 = vector.shape_cast %eq3A_210 : vector<400x1xi1> to vector<400x1xi1>
    %broadcast_in_dim3A_213 = vector.broadcast %broadcast_in_dim3A_212 : vector<400x1xi1> to vector<400x64xi1>
    %broadcast_in_dim3A_214 = vector.broadcast %jit3A_211 : f32 to vector<400x64xf32>
    %select_n3A_215 = arith.select %broadcast_in_dim3A_213, %add3A_28, %broadcast_in_dim3A_214 : vector<400x64xi1>, vector<400x64xf32>
    %get3A_216 = arith.constant 4 : index
    %get3A_217 = arith.constant 0 : index
    %get3A_218 = vector.load %arg8[%get3A_216, %get3A_217] : memref<32x64xf32, #tpu.memory_space<vmem>>, vector<1x64xf32>
    %reduce_max3A_219 = arith.constant dense<0xFF800000> : vector<64xf32>
    %reduce_max3A_220 = vector.multi_reduction <maximumf>, %select_n3A_215, %reduce_max3A_219 [0] : vector<400x64xf32> to vector<64xf32>
    %broadcast_in_dim3A_221 = vector.shape_cast %reduce_max3A_220 : vector<64xf32> to vector<1x64xf32>
    %max3A_222 = arith.maximumf %get3A_218, %broadcast_in_dim3A_221 : vector<1x64xf32>
    %swap3A_223 = arith.constant 4 : index
    %swap3A_224 = arith.constant 0 : index
    %swap3A_225 = vector.load %arg8[%swap3A_223, %swap3A_224] : memref<32x64xf32, #tpu.memory_space<vmem>>, vector<1x64xf32>
    tpu.vector_store %arg8[%swap3A_223, %swap3A_224], %max3A_222 {strides = array<i32>} : memref<32x64xf32, #tpu.memory_space<vmem>>, vector<1x64xf32>,
    %get3A_226 = arith.constant 4 : index
    %get3A_227 = arith.constant 0 : index
    %get3A_228 = vector.load %arg9[%get3A_226, %get3A_227] : memref<32x64xf32, #tpu.memory_space<vmem>>, vector<1x64xf32>
    %jit3A_229 = arith.constant 0.000000e+00 : f32
    %broadcast_in_dim3A_230 = vector.shape_cast %eq3A_210 : vector<400x1xi1> to vector<400x1xi1>
    %broadcast_in_dim3A_231 = vector.broadcast %broadcast_in_dim3A_230 : vector<400x1xi1> to vector<400x64xi1>
    %broadcast_in_dim3A_232 = vector.broadcast %jit3A_229 : f32 to vector<400x64xf32>
    %select_n3A_233 = arith.select %broadcast_in_dim3A_231, %add3A_28, %broadcast_in_dim3A_232 : vector<400x64xi1>, vector<400x64xf32>
    %reduce_sum3A_234 = arith.constant dense<0.000000e+00> : vector<64xf32>
    %reduce_sum3A_235 = vector.multi_reduction <add>, %select_n3A_233, %reduce_sum3A_234 [0] : vector<400x64xf32> to vector<64xf32>
    %broadcast_in_dim3A_236 = vector.shape_cast %reduce_sum3A_235 : vector<64xf32> to vector<1x64xf32>
    %add3A_237 = arith.addf %get3A_228, %broadcast_in_dim3A_236 : vector<1x64xf32>
    %swap3A_238 = arith.constant 4 : index
    %swap3A_239 = arith.constant 0 : index
    %swap3A_240 = vector.load %arg9[%swap3A_238, %swap3A_239] : memref<32x64xf32, #tpu.memory_space<vmem>>, vector<1x64xf32>
    tpu.vector_store %arg9[%swap3A_238, %swap3A_239], %add3A_237 {strides = array<i32>} : memref<32x64xf32, #tpu.memory_space<vmem>>, vector<1x64xf32>,
    %get3A_241 = arith.constant 4 : index
    %get3A_242 = arith.constant 0 : index
    %get3A_243 = vector.load %arg10[%get3A_241, %get3A_242] : memref<32x1xf32, #tpu.memory_space<vmem>>, vector<1x1xf32>
    %convert_element_type3A_244 = arith.extui %eq3A_210 : vector<400x1xi1> to vector<400x1xi32>
    %convert_element_type3A_245 = arith.sitofp %convert_element_type3A_244 : vector<400x1xi32> to vector<400x1xf32>
    %reduce_sum3A_246 = arith.constant dense<0.000000e+00> : vector<1xf32>
    %reduce_sum3A_247 = vector.multi_reduction <add>, %convert_element_type3A_245, %reduce_sum3A_246 [0] : vector<400x1xf32> to vector<1xf32>
    %broadcast_in_dim3A_248 = vector.shape_cast %reduce_sum3A_247 : vector<1xf32> to vector<1x1xf32>
    %add3A_249 = arith.addf %get3A_243, %broadcast_in_dim3A_248 : vector<1x1xf32>
    %swap3A_250 = arith.constant 4 : index
    %swap3A_251 = arith.constant 0 : index
    %swap3A_252 = vector.load %arg10[%swap3A_250, %swap3A_251] : memref<32x1xf32, #tpu.memory_space<vmem>>, vector<1x1xf32>
    tpu.vector_store %arg10[%swap3A_250, %swap3A_251], %add3A_249 {strides = array<i32>} : memref<32x1xf32, #tpu.memory_space<vmem>>, vector<1x1xf32>,
    %eq3A_253 = arith.constant 5.000000e+00 : f32
    %eq3A_254 = vector.broadcast %eq3A_253 : f32 to vector<400x1xf32>
    %eq3A_255 = arith.cmpf oeq, %get3A_31, %eq3A_254 : vector<400x1xf32>
    %jit3A_256 = arith.constant 0xFF800000 : f32
    %broadcast_in_dim3A_257 = vector.shape_cast %eq3A_255 : vector<400x1xi1> to vector<400x1xi1>
    %broadcast_in_dim3A_258 = vector.broadcast %broadcast_in_dim3A_257 : vector<400x1xi1> to vector<400x64xi1>
    %broadcast_in_dim3A_259 = vector.broadcast %jit3A_256 : f32 to vector<400x64xf32>
    %select_n3A_260 = arith.select %broadcast_in_dim3A_258, %add3A_28, %broadcast_in_dim3A_259 : vector<400x64xi1>, vector<400x64xf32>
    %get3A_261 = arith.constant 5 : index
    %get3A_262 = arith.constant 0 : index
    %get3A_263 = vector.load %arg8[%get3A_261, %get3A_262] : memref<32x64xf32, #tpu.memory_space<vmem>>, vector<1x64xf32>
    %reduce_max3A_264 = arith.constant dense<0xFF800000> : vector<64xf32>
    %reduce_max3A_265 = vector.multi_reduction <maximumf>, %select_n3A_260, %reduce_max3A_264 [0] : vector<400x64xf32> to vector<64xf32>
    %broadcast_in_dim3A_266 = vector.shape_cast %reduce_max3A_265 : vector<64xf32> to vector<1x64xf32>
    %max3A_267 = arith.maximumf %get3A_263, %broadcast_in_dim3A_266 : vector<1x64xf32>
    %swap3A_268 = arith.constant 5 : index
    %swap3A_269 = arith.constant 0 : index
    %swap3A_270 = vector.load %arg8[%swap3A_268, %swap3A_269] : memref<32x64xf32, #tpu.memory_space<vmem>>, vector<1x64xf32>
    tpu.vector_store %arg8[%swap3A_268, %swap3A_269], %max3A_267 {strides = array<i32>} : memref<32x64xf32, #tpu.memory_space<vmem>>, vector<1x64xf32>,
    %get3A_271 = arith.constant 5 : index
    %get3A_272 = arith.constant 0 : index
    %get3A_273 = vector.load %arg9[%get3A_271, %get3A_272] : memref<32x64xf32, #tpu.memory_space<vmem>>, vector<1x64xf32>
    %jit3A_274 = arith.constant 0.000000e+00 : f32
    %broadcast_in_dim3A_275 = vector.shape_cast %eq3A_255 : vector<400x1xi1> to vector<400x1xi1>
    %broadcast_in_dim3A_276 = vector.broadcast %broadcast_in_dim3A_275 : vector<400x1xi1> to vector<400x64xi1>
    %broadcast_in_dim3A_277 = vector.broadcast %jit3A_274 : f32 to vector<400x64xf32>
    %select_n3A_278 = arith.select %broadcast_in_dim3A_276, %add3A_28, %broadcast_in_dim3A_277 : vector<400x64xi1>, vector<400x64xf32>
    %reduce_sum3A_279 = arith.constant dense<0.000000e+00> : vector<64xf32>
    %reduce_sum3A_280 = vector.multi_reduction <add>, %select_n3A_278, %reduce_sum3A_279 [0] : vector<400x64xf32> to vector<64xf32>
    %broadcast_in_dim3A_281 = vector.shape_cast %reduce_sum3A_280 : vector<64xf32> to vector<1x64xf32>
    %add3A_282 = arith.addf %get3A_273, %broadcast_in_dim3A_281 : vector<1x64xf32>
    %swap3A_283 = arith.constant 5 : index
    %swap3A_284 = arith.constant 0 : index
    %swap3A_285 = vector.load %arg9[%swap3A_283, %swap3A_284] : memref<32x64xf32, #tpu.memory_space<vmem>>, vector<1x64xf32>
    tpu.vector_store %arg9[%swap3A_283, %swap3A_284], %add3A_282 {strides = array<i32>} : memref<32x64xf32, #tpu.memory_space<vmem>>, vector<1x64xf32>,
    %get3A_286 = arith.constant 5 : index
    %get3A_287 = arith.constant 0 : index
    %get3A_288 = vector.load %arg10[%get3A_286, %get3A_287] : memref<32x1xf32, #tpu.memory_space<vmem>>, vector<1x1xf32>
    %convert_element_type3A_289 = arith.extui %eq3A_255 : vector<400x1xi1> to vector<400x1xi32>
    %convert_element_type3A_290 = arith.sitofp %convert_element_type3A_289 : vector<400x1xi32> to vector<400x1xf32>
    %reduce_sum3A_291 = arith.constant dense<0.000000e+00> : vector<1xf32>
    %reduce_sum3A_292 = vector.multi_reduction <add>, %convert_element_type3A_290, %reduce_sum3A_291 [0] : vector<400x1xf32> to vector<1xf32>
    %broadcast_in_dim3A_293 = vector.shape_cast %reduce_sum3A_292 : vector<1xf32> to vector<1x1xf32>
    %add3A_294 = arith.addf %get3A_288, %broadcast_in_dim3A_293 : vector<1x1xf32>
    %swap3A_295 = arith.constant 5 : index
    %swap3A_296 = arith.constant 0 : index
    %swap3A_297 = vector.load %arg10[%swap3A_295, %swap3A_296] : memref<32x1xf32, #tpu.memory_space<vmem>>, vector<1x1xf32>
    tpu.vector_store %arg10[%swap3A_295, %swap3A_296], %add3A_294 {strides = array<i32>} : memref<32x1xf32, #tpu.memory_space<vmem>>, vector<1x1xf32>,
    %eq3A_298 = arith.constant 6.000000e+00 : f32
    %eq3A_299 = vector.broadcast %eq3A_298 : f32 to vector<400x1xf32>
    %eq3A_300 = arith.cmpf oeq, %get3A_31, %eq3A_299 : vector<400x1xf32>
    %jit3A_301 = arith.constant 0xFF800000 : f32
    %broadcast_in_dim3A_302 = vector.shape_cast %eq3A_300 : vector<400x1xi1> to vector<400x1xi1>
    %broadcast_in_dim3A_303 = vector.broadcast %broadcast_in_dim3A_302 : vector<400x1xi1> to vector<400x64xi1>
    %broadcast_in_dim3A_304 = vector.broadcast %jit3A_301 : f32 to vector<400x64xf32>
    %select_n3A_305 = arith.select %broadcast_in_dim3A_303, %add3A_28, %broadcast_in_dim3A_304 : vector<400x64xi1>, vector<400x64xf32>
    %get3A_306 = arith.constant 6 : index
    %get3A_307 = arith.constant 0 : index
    %get3A_308 = vector.load %arg8[%get3A_306, %get3A_307] : memref<32x64xf32, #tpu.memory_space<vmem>>, vector<1x64xf32>
    %reduce_max3A_309 = arith.constant dense<0xFF800000> : vector<64xf32>
    %reduce_max3A_310 = vector.multi_reduction <maximumf>, %select_n3A_305, %reduce_max3A_309 [0] : vector<400x64xf32> to vector<64xf32>
    %broadcast_in_dim3A_311 = vector.shape_cast %reduce_max3A_310 : vector<64xf32> to vector<1x64xf32>
    %max3A_312 = arith.maximumf %get3A_308, %broadcast_in_dim3A_311 : vector<1x64xf32>
    %swap3A_313 = arith.constant 6 : index
    %swap3A_314 = arith.constant 0 : index
    %swap3A_315 = vector.load %arg8[%swap3A_313, %swap3A_314] : memref<32x64xf32, #tpu.memory_space<vmem>>, vector<1x64xf32>
    tpu.vector_store %arg8[%swap3A_313, %swap3A_314], %max3A_312 {strides = array<i32>} : memref<32x64xf32, #tpu.memory_space<vmem>>, vector<1x64xf32>,
    %get3A_316 = arith.constant 6 : index
    %get3A_317 = arith.constant 0 : index
    %get3A_318 = vector.load %arg9[%get3A_316, %get3A_317] : memref<32x64xf32, #tpu.memory_space<vmem>>, vector<1x64xf32>
    %jit3A_319 = arith.constant 0.000000e+00 : f32
    %broadcast_in_dim3A_320 = vector.shape_cast %eq3A_300 : vector<400x1xi1> to vector<400x1xi1>
    %broadcast_in_dim3A_321 = vector.broadcast %broadcast_in_dim3A_320 : vector<400x1xi1> to vector<400x64xi1>
    %broadcast_in_dim3A_322 = vector.broadcast %jit3A_319 : f32 to vector<400x64xf32>
    %select_n3A_323 = arith.select %broadcast_in_dim3A_321, %add3A_28, %broadcast_in_dim3A_322 : vector<400x64xi1>, vector<400x64xf32>
    %reduce_sum3A_324 = arith.constant dense<0.000000e+00> : vector<64xf32>
    %reduce_sum3A_325 = vector.multi_reduction <add>, %select_n3A_323, %reduce_sum3A_324 [0] : vector<400x64xf32> to vector<64xf32>
    %broadcast_in_dim3A_326 = vector.shape_cast %reduce_sum3A_325 : vector<64xf32> to vector<1x64xf32>
    %add3A_327 = arith.addf %get3A_318, %broadcast_in_dim3A_326 : vector<1x64xf32>
    %swap3A_328 = arith.constant 6 : index
    %swap3A_329 = arith.constant 0 : index
    %swap3A_330 = vector.load %arg9[%swap3A_328, %swap3A_329] : memref<32x64xf32, #tpu.memory_space<vmem>>, vector<1x64xf32>
    tpu.vector_store %arg9[%swap3A_328, %swap3A_329], %add3A_327 {strides = array<i32>} : memref<32x64xf32, #tpu.memory_space<vmem>>, vector<1x64xf32>,
    %get3A_331 = arith.constant 6 : index
    %get3A_332 = arith.constant 0 : index
    %get3A_333 = vector.load %arg10[%get3A_331, %get3A_332] : memref<32x1xf32, #tpu.memory_space<vmem>>, vector<1x1xf32>
    %convert_element_type3A_334 = arith.extui %eq3A_300 : vector<400x1xi1> to vector<400x1xi32>
    %convert_element_type3A_335 = arith.sitofp %convert_element_type3A_334 : vector<400x1xi32> to vector<400x1xf32>
    %reduce_sum3A_336 = arith.constant dense<0.000000e+00> : vector<1xf32>
    %reduce_sum3A_337 = vector.multi_reduction <add>, %convert_element_type3A_335, %reduce_sum3A_336 [0] : vector<400x1xf32> to vector<1xf32>
    %broadcast_in_dim3A_338 = vector.shape_cast %reduce_sum3A_337 : vector<1xf32> to vector<1x1xf32>
    %add3A_339 = arith.addf %get3A_333, %broadcast_in_dim3A_338 : vector<1x1xf32>
    %swap3A_340 = arith.constant 6 : index
    %swap3A_341 = arith.constant 0 : index
    %swap3A_342 = vector.load %arg10[%swap3A_340, %swap3A_341] : memref<32x1xf32, #tpu.memory_space<vmem>>, vector<1x1xf32>
    tpu.vector_store %arg10[%swap3A_340, %swap3A_341], %add3A_339 {strides = array<i32>} : memref<32x1xf32, #tpu.memory_space<vmem>>, vector<1x1xf32>,
    %eq3A_343 = arith.constant 7.000000e+00 : f32
    %eq3A_344 = vector.broadcast %eq3A_343 : f32 to vector<400x1xf32>
    %eq3A_345 = arith.cmpf oeq, %get3A_31, %eq3A_344 : vector<400x1xf32>
    %jit3A_346 = arith.constant 0xFF800000 : f32
    %broadcast_in_dim3A_347 = vector.shape_cast %eq3A_345 : vector<400x1xi1> to vector<400x1xi1>
    %broadcast_in_dim3A_348 = vector.broadcast %broadcast_in_dim3A_347 : vector<400x1xi1> to vector<400x64xi1>
    %broadcast_in_dim3A_349 = vector.broadcast %jit3A_346 : f32 to vector<400x64xf32>
    %select_n3A_350 = arith.select %broadcast_in_dim3A_348, %add3A_28, %broadcast_in_dim3A_349 : vector<400x64xi1>, vector<400x64xf32>
    %get3A_351 = arith.constant 7 : index
    %get3A_352 = arith.constant 0 : index
    %get3A_353 = vector.load %arg8[%get3A_351, %get3A_352] : memref<32x64xf32, #tpu.memory_space<vmem>>, vector<1x64xf32>
    %reduce_max3A_354 = arith.constant dense<0xFF800000> : vector<64xf32>
    %reduce_max3A_355 = vector.multi_reduction <maximumf>, %select_n3A_350, %reduce_max3A_354 [0] : vector<400x64xf32> to vector<64xf32>
    %broadcast_in_dim3A_356 = vector.shape_cast %reduce_max3A_355 : vector<64xf32> to vector<1x64xf32>
    %max3A_357 = arith.maximumf %get3A_353, %broadcast_in_dim3A_356 : vector<1x64xf32>
    %swap3A_358 = arith.constant 7 : index
    %swap3A_359 = arith.constant 0 : index
    %swap3A_360 = vector.load %arg8[%swap3A_358, %swap3A_359] : memref<32x64xf32, #tpu.memory_space<vmem>>, vector<1x64xf32>
    tpu.vector_store %arg8[%swap3A_358, %swap3A_359], %max3A_357 {strides = array<i32>} : memref<32x64xf32, #tpu.memory_space<vmem>>, vector<1x64xf32>,
    %get3A_361 = arith.constant 7 : index
    %get3A_362 = arith.constant 0 : index
    %get3A_363 = vector.load %arg9[%get3A_361, %get3A_362] : memref<32x64xf32, #tpu.memory_space<vmem>>, vector<1x64xf32>
    %jit3A_364 = arith.constant 0.000000e+00 : f32
    %broadcast_in_dim3A_365 = vector.shape_cast %eq3A_345 : vector<400x1xi1> to vector<400x1xi1>
    %broadcast_in_dim3A_366 = vector.broadcast %broadcast_in_dim3A_365 : vector<400x1xi1> to vector<400x64xi1>
    %broadcast_in_dim3A_367 = vector.broadcast %jit3A_364 : f32 to vector<400x64xf32>
    %select_n3A_368 = arith.select %broadcast_in_dim3A_366, %add3A_28, %broadcast_in_dim3A_367 : vector<400x64xi1>, vector<400x64xf32>
    %reduce_sum3A_369 = arith.constant dense<0.000000e+00> : vector<64xf32>
    %reduce_sum3A_370 = vector.multi_reduction <add>, %select_n3A_368, %reduce_sum3A_369 [0] : vector<400x64xf32> to vector<64xf32>
    %broadcast_in_dim3A_371 = vector.shape_cast %reduce_sum3A_370 : vector<64xf32> to vector<1x64xf32>
    %add3A_372 = arith.addf %get3A_363, %broadcast_in_dim3A_371 : vector<1x64xf32>
    %swap3A_373 = arith.constant 7 : index
    %swap3A_374 = arith.constant 0 : index
    %swap3A_375 = vector.load %arg9[%swap3A_373, %swap3A_374] : memref<32x64xf32, #tpu.memory_space<vmem>>, vector<1x64xf32>
    tpu.vector_store %arg9[%swap3A_373, %swap3A_374], %add3A_372 {strides = array<i32>} : memref<32x64xf32, #tpu.memory_space<vmem>>, vector<1x64xf32>,
    %get3A_376 = arith.constant 7 : index
    %get3A_377 = arith.constant 0 : index
    %get3A_378 = vector.load %arg10[%get3A_376, %get3A_377] : memref<32x1xf32, #tpu.memory_space<vmem>>, vector<1x1xf32>
    %convert_element_type3A_379 = arith.extui %eq3A_345 : vector<400x1xi1> to vector<400x1xi32>
    %convert_element_type3A_380 = arith.sitofp %convert_element_type3A_379 : vector<400x1xi32> to vector<400x1xf32>
    %reduce_sum3A_381 = arith.constant dense<0.000000e+00> : vector<1xf32>
    %reduce_sum3A_382 = vector.multi_reduction <add>, %convert_element_type3A_380, %reduce_sum3A_381 [0] : vector<400x1xf32> to vector<1xf32>
    %broadcast_in_dim3A_383 = vector.shape_cast %reduce_sum3A_382 : vector<1xf32> to vector<1x1xf32>
    %add3A_384 = arith.addf %get3A_378, %broadcast_in_dim3A_383 : vector<1x1xf32>
    %swap3A_385 = arith.constant 7 : index
    %swap3A_386 = arith.constant 0 : index
    %swap3A_387 = vector.load %arg10[%swap3A_385, %swap3A_386] : memref<32x1xf32, #tpu.memory_space<vmem>>, vector<1x1xf32>
    tpu.vector_store %arg10[%swap3A_385, %swap3A_386], %add3A_384 {strides = array<i32>} : memref<32x1xf32, #tpu.memory_space<vmem>>, vector<1x1xf32>,
    %eq3A_388 = arith.constant 8.000000e+00 : f32
    %eq3A_389 = vector.broadcast %eq3A_388 : f32 to vector<400x1xf32>
    %eq3A_390 = arith.cmpf oeq, %get3A_31, %eq3A_389 : vector<400x1xf32>
    %jit3A_391 = arith.constant 0xFF800000 : f32
    %broadcast_in_dim3A_392 = vector.shape_cast %eq3A_390 : vector<400x1xi1> to vector<400x1xi1>
    %broadcast_in_dim3A_393 = vector.broadcast %broadcast_in_dim3A_392 : vector<400x1xi1> to vector<400x64xi1>
    %broadcast_in_dim3A_394 = vector.broadcast %jit3A_391 : f32 to vector<400x64xf32>
    %select_n3A_395 = arith.select %broadcast_in_dim3A_393, %add3A_28, %broadcast_in_dim3A_394 : vector<400x64xi1>, vector<400x64xf32>
    %get3A_396 = arith.constant 8 : index
    %get3A_397 = arith.constant 0 : index
    %get3A_398 = vector.load %arg8[%get3A_396, %get3A_397] : memref<32x64xf32, #tpu.memory_space<vmem>>, vector<1x64xf32>
    %reduce_max3A_399 = arith.constant dense<0xFF800000> : vector<64xf32>
    %reduce_max3A_400 = vector.multi_reduction <maximumf>, %select_n3A_395, %reduce_max3A_399 [0] : vector<400x64xf32> to vector<64xf32>
    %broadcast_in_dim3A_401 = vector.shape_cast %reduce_max3A_400 : vector<64xf32> to vector<1x64xf32>
    %max3A_402 = arith.maximumf %get3A_398, %broadcast_in_dim3A_401 : vector<1x64xf32>
    %swap3A_403 = arith.constant 8 : index
    %swap3A_404 = arith.constant 0 : index
    %swap3A_405 = vector.load %arg8[%swap3A_403, %swap3A_404] : memref<32x64xf32, #tpu.memory_space<vmem>>, vector<1x64xf32>
    tpu.vector_store %arg8[%swap3A_403, %swap3A_404], %max3A_402 {strides = array<i32>} : memref<32x64xf32, #tpu.memory_space<vmem>>, vector<1x64xf32>,
    %get3A_406 = arith.constant 8 : index
    %get3A_407 = arith.constant 0 : index
    %get3A_408 = vector.load %arg9[%get3A_406, %get3A_407] : memref<32x64xf32, #tpu.memory_space<vmem>>, vector<1x64xf32>
    %jit3A_409 = arith.constant 0.000000e+00 : f32
    %broadcast_in_dim3A_410 = vector.shape_cast %eq3A_390 : vector<400x1xi1> to vector<400x1xi1>
    %broadcast_in_dim3A_411 = vector.broadcast %broadcast_in_dim3A_410 : vector<400x1xi1> to vector<400x64xi1>
    %broadcast_in_dim3A_412 = vector.broadcast %jit3A_409 : f32 to vector<400x64xf32>
    %select_n3A_413 = arith.select %broadcast_in_dim3A_411, %add3A_28, %broadcast_in_dim3A_412 : vector<400x64xi1>, vector<400x64xf32>
    %reduce_sum3A_414 = arith.constant dense<0.000000e+00> : vector<64xf32>
    %reduce_sum3A_415 = vector.multi_reduction <add>, %select_n3A_413, %reduce_sum3A_414 [0] : vector<400x64xf32> to vector<64xf32>
    %broadcast_in_dim3A_416 = vector.shape_cast %reduce_sum3A_415 : vector<64xf32> to vector<1x64xf32>
    %add3A_417 = arith.addf %get3A_408, %broadcast_in_dim3A_416 : vector<1x64xf32>
    %swap3A_418 = arith.constant 8 : index
    %swap3A_419 = arith.constant 0 : index
    %swap3A_420 = vector.load %arg9[%swap3A_418, %swap3A_419] : memref<32x64xf32, #tpu.memory_space<vmem>>, vector<1x64xf32>
    tpu.vector_store %arg9[%swap3A_418, %swap3A_419], %add3A_417 {strides = array<i32>} : memref<32x64xf32, #tpu.memory_space<vmem>>, vector<1x64xf32>,
    %get3A_421 = arith.constant 8 : index
    %get3A_422 = arith.constant 0 : index
    %get3A_423 = vector.load %arg10[%get3A_421, %get3A_422] : memref<32x1xf32, #tpu.memory_space<vmem>>, vector<1x1xf32>
    %convert_element_type3A_424 = arith.extui %eq3A_390 : vector<400x1xi1> to vector<400x1xi32>
    %convert_element_type3A_425 = arith.sitofp %convert_element_type3A_424 : vector<400x1xi32> to vector<400x1xf32>
    %reduce_sum3A_426 = arith.constant dense<0.000000e+00> : vector<1xf32>
    %reduce_sum3A_427 = vector.multi_reduction <add>, %convert_element_type3A_425, %reduce_sum3A_426 [0] : vector<400x1xf32> to vector<1xf32>
    %broadcast_in_dim3A_428 = vector.shape_cast %reduce_sum3A_427 : vector<1xf32> to vector<1x1xf32>
    %add3A_429 = arith.addf %get3A_423, %broadcast_in_dim3A_428 : vector<1x1xf32>
    %swap3A_430 = arith.constant 8 : index
    %swap3A_431 = arith.constant 0 : index
    %swap3A_432 = vector.load %arg10[%swap3A_430, %swap3A_431] : memref<32x1xf32, #tpu.memory_space<vmem>>, vector<1x1xf32>
    tpu.vector_store %arg10[%swap3A_430, %swap3A_431], %add3A_429 {strides = array<i32>} : memref<32x1xf32, #tpu.memory_space<vmem>>, vector<1x1xf32>,
    %eq3A_433 = arith.constant 9.000000e+00 : f32
    %eq3A_434 = vector.broadcast %eq3A_433 : f32 to vector<400x1xf32>
    %eq3A_435 = arith.cmpf oeq, %get3A_31, %eq3A_434 : vector<400x1xf32>
    %jit3A_436 = arith.constant 0xFF800000 : f32
    %broadcast_in_dim3A_437 = vector.shape_cast %eq3A_435 : vector<400x1xi1> to vector<400x1xi1>
    %broadcast_in_dim3A_438 = vector.broadcast %broadcast_in_dim3A_437 : vector<400x1xi1> to vector<400x64xi1>
    %broadcast_in_dim3A_439 = vector.broadcast %jit3A_436 : f32 to vector<400x64xf32>
    %select_n3A_440 = arith.select %broadcast_in_dim3A_438, %add3A_28, %broadcast_in_dim3A_439 : vector<400x64xi1>, vector<400x64xf32>
    %get3A_441 = arith.constant 9 : index
    %get3A_442 = arith.constant 0 : index
    %get3A_443 = vector.load %arg8[%get3A_441, %get3A_442] : memref<32x64xf32, #tpu.memory_space<vmem>>, vector<1x64xf32>
    %reduce_max3A_444 = arith.constant dense<0xFF800000> : vector<64xf32>
    %reduce_max3A_445 = vector.multi_reduction <maximumf>, %select_n3A_440, %reduce_max3A_444 [0] : vector<400x64xf32> to vector<64xf32>
    %broadcast_in_dim3A_446 = vector.shape_cast %reduce_max3A_445 : vector<64xf32> to vector<1x64xf32>
    %max3A_447 = arith.maximumf %get3A_443, %broadcast_in_dim3A_446 : vector<1x64xf32>
    %swap3A_448 = arith.constant 9 : index
    %swap3A_449 = arith.constant 0 : index
    %swap3A_450 = vector.load %arg8[%swap3A_448, %swap3A_449] : memref<32x64xf32, #tpu.memory_space<vmem>>, vector<1x64xf32>
    tpu.vector_store %arg8[%swap3A_448, %swap3A_449], %max3A_447 {strides = array<i32>} : memref<32x64xf32, #tpu.memory_space<vmem>>, vector<1x64xf32>,
    %get3A_451 = arith.constant 9 : index
    %get3A_452 = arith.constant 0 : index
    %get3A_453 = vector.load %arg9[%get3A_451, %get3A_452] : memref<32x64xf32, #tpu.memory_space<vmem>>, vector<1x64xf32>
    %jit3A_454 = arith.constant 0.000000e+00 : f32
    %broadcast_in_dim3A_455 = vector.shape_cast %eq3A_435 : vector<400x1xi1> to vector<400x1xi1>
    %broadcast_in_dim3A_456 = vector.broadcast %broadcast_in_dim3A_455 : vector<400x1xi1> to vector<400x64xi1>
    %broadcast_in_dim3A_457 = vector.broadcast %jit3A_454 : f32 to vector<400x64xf32>
    %select_n3A_458 = arith.select %broadcast_in_dim3A_456, %add3A_28, %broadcast_in_dim3A_457 : vector<400x64xi1>, vector<400x64xf32>
    %reduce_sum3A_459 = arith.constant dense<0.000000e+00> : vector<64xf32>
    %reduce_sum3A_460 = vector.multi_reduction <add>, %select_n3A_458, %reduce_sum3A_459 [0] : vector<400x64xf32> to vector<64xf32>
    %broadcast_in_dim3A_461 = vector.shape_cast %reduce_sum3A_460 : vector<64xf32> to vector<1x64xf32>
    %add3A_462 = arith.addf %get3A_453, %broadcast_in_dim3A_461 : vector<1x64xf32>
    %swap3A_463 = arith.constant 9 : index
    %swap3A_464 = arith.constant 0 : index
    %swap3A_465 = vector.load %arg9[%swap3A_463, %swap3A_464] : memref<32x64xf32, #tpu.memory_space<vmem>>, vector<1x64xf32>
    tpu.vector_store %arg9[%swap3A_463, %swap3A_464], %add3A_462 {strides = array<i32>} : memref<32x64xf32, #tpu.memory_space<vmem>>, vector<1x64xf32>,
    %get3A_466 = arith.constant 9 : index
    %get3A_467 = arith.constant 0 : index
    %get3A_468 = vector.load %arg10[%get3A_466, %get3A_467] : memref<32x1xf32, #tpu.memory_space<vmem>>, vector<1x1xf32>
    %convert_element_type3A_469 = arith.extui %eq3A_435 : vector<400x1xi1> to vector<400x1xi32>
    %convert_element_type3A_470 = arith.sitofp %convert_element_type3A_469 : vector<400x1xi32> to vector<400x1xf32>
    %reduce_sum3A_471 = arith.constant dense<0.000000e+00> : vector<1xf32>
    %reduce_sum3A_472 = vector.multi_reduction <add>, %convert_element_type3A_470, %reduce_sum3A_471 [0] : vector<400x1xf32> to vector<1xf32>
    %broadcast_in_dim3A_473 = vector.shape_cast %reduce_sum3A_472 : vector<1xf32> to vector<1x1xf32>
    %add3A_474 = arith.addf %get3A_468, %broadcast_in_dim3A_473 : vector<1x1xf32>
    %swap3A_475 = arith.constant 9 : index
    %swap3A_476 = arith.constant 0 : index
    %swap3A_477 = vector.load %arg10[%swap3A_475, %swap3A_476] : memref<32x1xf32, #tpu.memory_space<vmem>>, vector<1x1xf32>
    tpu.vector_store %arg10[%swap3A_475, %swap3A_476], %add3A_474 {strides = array<i32>} : memref<32x1xf32, #tpu.memory_space<vmem>>, vector<1x1xf32>,
    %eq3A_478 = arith.constant 1.000000e+01 : f32
    %eq3A_479 = vector.broadcast %eq3A_478 : f32 to vector<400x1xf32>
    %eq3A_480 = arith.cmpf oeq, %get3A_31, %eq3A_479 : vector<400x1xf32>
    %jit3A_481 = arith.constant 0xFF800000 : f32
    %broadcast_in_dim3A_482 = vector.shape_cast %eq3A_480 : vector<400x1xi1> to vector<400x1xi1>
    %broadcast_in_dim3A_483 = vector.broadcast %broadcast_in_dim3A_482 : vector<400x1xi1> to vector<400x64xi1>
    %broadcast_in_dim3A_484 = vector.broadcast %jit3A_481 : f32 to vector<400x64xf32>
    %select_n3A_485 = arith.select %broadcast_in_dim3A_483, %add3A_28, %broadcast_in_dim3A_484 : vector<400x64xi1>, vector<400x64xf32>
    %get3A_486 = arith.constant 10 : index
    %get3A_487 = arith.constant 0 : index
    %get3A_488 = vector.load %arg8[%get3A_486, %get3A_487] : memref<32x64xf32, #tpu.memory_space<vmem>>, vector<1x64xf32>
    %reduce_max3A_489 = arith.constant dense<0xFF800000> : vector<64xf32>
    %reduce_max3A_490 = vector.multi_reduction <maximumf>, %select_n3A_485, %reduce_max3A_489 [0] : vector<400x64xf32> to vector<64xf32>
    %broadcast_in_dim3A_491 = vector.shape_cast %reduce_max3A_490 : vector<64xf32> to vector<1x64xf32>
    %max3A_492 = arith.maximumf %get3A_488, %broadcast_in_dim3A_491 : vector<1x64xf32>
    %swap3A_493 = arith.constant 10 : index
    %swap3A_494 = arith.constant 0 : index
    %swap3A_495 = vector.load %arg8[%swap3A_493, %swap3A_494] : memref<32x64xf32, #tpu.memory_space<vmem>>, vector<1x64xf32>
    tpu.vector_store %arg8[%swap3A_493, %swap3A_494], %max3A_492 {strides = array<i32>} : memref<32x64xf32, #tpu.memory_space<vmem>>, vector<1x64xf32>,
    %get3A_496 = arith.constant 10 : index
    %get3A_497 = arith.constant 0 : index
    %get3A_498 = vector.load %arg9[%get3A_496, %get3A_497] : memref<32x64xf32, #tpu.memory_space<vmem>>, vector<1x64xf32>
    %jit3A_499 = arith.constant 0.000000e+00 : f32
    %broadcast_in_dim3A_500 = vector.shape_cast %eq3A_480 : vector<400x1xi1> to vector<400x1xi1>
    %broadcast_in_dim3A_501 = vector.broadcast %broadcast_in_dim3A_500 : vector<400x1xi1> to vector<400x64xi1>
    %broadcast_in_dim3A_502 = vector.broadcast %jit3A_499 : f32 to vector<400x64xf32>
    %select_n3A_503 = arith.select %broadcast_in_dim3A_501, %add3A_28, %broadcast_in_dim3A_502 : vector<400x64xi1>, vector<400x64xf32>
    %reduce_sum3A_504 = arith.constant dense<0.000000e+00> : vector<64xf32>
    %reduce_sum3A_505 = vector.multi_reduction <add>, %select_n3A_503, %reduce_sum3A_504 [0] : vector<400x64xf32> to vector<64xf32>
    %broadcast_in_dim3A_506 = vector.shape_cast %reduce_sum3A_505 : vector<64xf32> to vector<1x64xf32>
    %add3A_507 = arith.addf %get3A_498, %broadcast_in_dim3A_506 : vector<1x64xf32>
    %swap3A_508 = arith.constant 10 : index
    %swap3A_509 = arith.constant 0 : index
    %swap3A_510 = vector.load %arg9[%swap3A_508, %swap3A_509] : memref<32x64xf32, #tpu.memory_space<vmem>>, vector<1x64xf32>
    tpu.vector_store %arg9[%swap3A_508, %swap3A_509], %add3A_507 {strides = array<i32>} : memref<32x64xf32, #tpu.memory_space<vmem>>, vector<1x64xf32>,
    %get3A_511 = arith.constant 10 : index
    %get3A_512 = arith.constant 0 : index
    %get3A_513 = vector.load %arg10[%get3A_511, %get3A_512] : memref<32x1xf32, #tpu.memory_space<vmem>>, vector<1x1xf32>
    %convert_element_type3A_514 = arith.extui %eq3A_480 : vector<400x1xi1> to vector<400x1xi32>
    %convert_element_type3A_515 = arith.sitofp %convert_element_type3A_514 : vector<400x1xi32> to vector<400x1xf32>
    %reduce_sum3A_516 = arith.constant dense<0.000000e+00> : vector<1xf32>
    %reduce_sum3A_517 = vector.multi_reduction <add>, %convert_element_type3A_515, %reduce_sum3A_516 [0] : vector<400x1xf32> to vector<1xf32>
    %broadcast_in_dim3A_518 = vector.shape_cast %reduce_sum3A_517 : vector<1xf32> to vector<1x1xf32>
    %add3A_519 = arith.addf %get3A_513, %broadcast_in_dim3A_518 : vector<1x1xf32>
    %swap3A_520 = arith.constant 10 : index
    %swap3A_521 = arith.constant 0 : index
    %swap3A_522 = vector.load %arg10[%swap3A_520, %swap3A_521] : memref<32x1xf32, #tpu.memory_space<vmem>>, vector<1x1xf32>
    tpu.vector_store %arg10[%swap3A_520, %swap3A_521], %add3A_519 {strides = array<i32>} : memref<32x1xf32, #tpu.memory_space<vmem>>, vector<1x1xf32>,
    %eq3A_523 = arith.constant 1.100000e+01 : f32
    %eq3A_524 = vector.broadcast %eq3A_523 : f32 to vector<400x1xf32>
    %eq3A_525 = arith.cmpf oeq, %get3A_31, %eq3A_524 : vector<400x1xf32>
    %jit3A_526 = arith.constant 0xFF800000 : f32
    %broadcast_in_dim3A_527 = vector.shape_cast %eq3A_525 : vector<400x1xi1> to vector<400x1xi1>
    %broadcast_in_dim3A_528 = vector.broadcast %broadcast_in_dim3A_527 : vector<400x1xi1> to vector<400x64xi1>
    %broadcast_in_dim3A_529 = vector.broadcast %jit3A_526 : f32 to vector<400x64xf32>
    %select_n3A_530 = arith.select %broadcast_in_dim3A_528, %add3A_28, %broadcast_in_dim3A_529 : vector<400x64xi1>, vector<400x64xf32>
    %get3A_531 = arith.constant 11 : index
    %get3A_532 = arith.constant 0 : index
    %get3A_533 = vector.load %arg8[%get3A_531, %get3A_532] : memref<32x64xf32, #tpu.memory_space<vmem>>, vector<1x64xf32>
    %reduce_max3A_534 = arith.constant dense<0xFF800000> : vector<64xf32>
    %reduce_max3A_535 = vector.multi_reduction <maximumf>, %select_n3A_530, %reduce_max3A_534 [0] : vector<400x64xf32> to vector<64xf32>
    %broadcast_in_dim3A_536 = vector.shape_cast %reduce_max3A_535 : vector<64xf32> to vector<1x64xf32>
    %max3A_537 = arith.maximumf %get3A_533, %broadcast_in_dim3A_536 : vector<1x64xf32>
    %swap3A_538 = arith.constant 11 : index
    %swap3A_539 = arith.constant 0 : index
    %swap3A_540 = vector.load %arg8[%swap3A_538, %swap3A_539] : memref<32x64xf32, #tpu.memory_space<vmem>>, vector<1x64xf32>
    tpu.vector_store %arg8[%swap3A_538, %swap3A_539], %max3A_537 {strides = array<i32>} : memref<32x64xf32, #tpu.memory_space<vmem>>, vector<1x64xf32>,
    %get3A_541 = arith.constant 11 : index
    %get3A_542 = arith.constant 0 : index
    %get3A_543 = vector.load %arg9[%get3A_541, %get3A_542] : memref<32x64xf32, #tpu.memory_space<vmem>>, vector<1x64xf32>
    %jit3A_544 = arith.constant 0.000000e+00 : f32
    %broadcast_in_dim3A_545 = vector.shape_cast %eq3A_525 : vector<400x1xi1> to vector<400x1xi1>
    %broadcast_in_dim3A_546 = vector.broadcast %broadcast_in_dim3A_545 : vector<400x1xi1> to vector<400x64xi1>
    %broadcast_in_dim3A_547 = vector.broadcast %jit3A_544 : f32 to vector<400x64xf32>
    %select_n3A_548 = arith.select %broadcast_in_dim3A_546, %add3A_28, %broadcast_in_dim3A_547 : vector<400x64xi1>, vector<400x64xf32>
    %reduce_sum3A_549 = arith.constant dense<0.000000e+00> : vector<64xf32>
    %reduce_sum3A_550 = vector.multi_reduction <add>, %select_n3A_548, %reduce_sum3A_549 [0] : vector<400x64xf32> to vector<64xf32>
    %broadcast_in_dim3A_551 = vector.shape_cast %reduce_sum3A_550 : vector<64xf32> to vector<1x64xf32>
    %add3A_552 = arith.addf %get3A_543, %broadcast_in_dim3A_551 : vector<1x64xf32>
    %swap3A_553 = arith.constant 11 : index
    %swap3A_554 = arith.constant 0 : index
    %swap3A_555 = vector.load %arg9[%swap3A_553, %swap3A_554] : memref<32x64xf32, #tpu.memory_space<vmem>>, vector<1x64xf32>
    tpu.vector_store %arg9[%swap3A_553, %swap3A_554], %add3A_552 {strides = array<i32>} : memref<32x64xf32, #tpu.memory_space<vmem>>, vector<1x64xf32>,
    %get3A_556 = arith.constant 11 : index
    %get3A_557 = arith.constant 0 : index
    %get3A_558 = vector.load %arg10[%get3A_556, %get3A_557] : memref<32x1xf32, #tpu.memory_space<vmem>>, vector<1x1xf32>
    %convert_element_type3A_559 = arith.extui %eq3A_525 : vector<400x1xi1> to vector<400x1xi32>
    %convert_element_type3A_560 = arith.sitofp %convert_element_type3A_559 : vector<400x1xi32> to vector<400x1xf32>
    %reduce_sum3A_561 = arith.constant dense<0.000000e+00> : vector<1xf32>
    %reduce_sum3A_562 = vector.multi_reduction <add>, %convert_element_type3A_560, %reduce_sum3A_561 [0] : vector<400x1xf32> to vector<1xf32>
    %broadcast_in_dim3A_563 = vector.shape_cast %reduce_sum3A_562 : vector<1xf32> to vector<1x1xf32>
    %add3A_564 = arith.addf %get3A_558, %broadcast_in_dim3A_563 : vector<1x1xf32>
    %swap3A_565 = arith.constant 11 : index
    %swap3A_566 = arith.constant 0 : index
    %swap3A_567 = vector.load %arg10[%swap3A_565, %swap3A_566] : memref<32x1xf32, #tpu.memory_space<vmem>>, vector<1x1xf32>
    tpu.vector_store %arg10[%swap3A_565, %swap3A_566], %add3A_564 {strides = array<i32>} : memref<32x1xf32, #tpu.memory_space<vmem>>, vector<1x1xf32>,
    %eq3A_568 = arith.constant 1.200000e+01 : f32
    %eq3A_569 = vector.broadcast %eq3A_568 : f32 to vector<400x1xf32>
    %eq3A_570 = arith.cmpf oeq, %get3A_31, %eq3A_569 : vector<400x1xf32>
    %jit3A_571 = arith.constant 0xFF800000 : f32
    %broadcast_in_dim3A_572 = vector.shape_cast %eq3A_570 : vector<400x1xi1> to vector<400x1xi1>
    %broadcast_in_dim3A_573 = vector.broadcast %broadcast_in_dim3A_572 : vector<400x1xi1> to vector<400x64xi1>
    %broadcast_in_dim3A_574 = vector.broadcast %jit3A_571 : f32 to vector<400x64xf32>
    %select_n3A_575 = arith.select %broadcast_in_dim3A_573, %add3A_28, %broadcast_in_dim3A_574 : vector<400x64xi1>, vector<400x64xf32>
    %get3A_576 = arith.constant 12 : index
    %get3A_577 = arith.constant 0 : index
    %get3A_578 = vector.load %arg8[%get3A_576, %get3A_577] : memref<32x64xf32, #tpu.memory_space<vmem>>, vector<1x64xf32>
    %reduce_max3A_579 = arith.constant dense<0xFF800000> : vector<64xf32>
    %reduce_max3A_580 = vector.multi_reduction <maximumf>, %select_n3A_575, %reduce_max3A_579 [0] : vector<400x64xf32> to vector<64xf32>
    %broadcast_in_dim3A_581 = vector.shape_cast %reduce_max3A_580 : vector<64xf32> to vector<1x64xf32>
    %max3A_582 = arith.maximumf %get3A_578, %broadcast_in_dim3A_581 : vector<1x64xf32>
    %swap3A_583 = arith.constant 12 : index
    %swap3A_584 = arith.constant 0 : index
    %swap3A_585 = vector.load %arg8[%swap3A_583, %swap3A_584] : memref<32x64xf32, #tpu.memory_space<vmem>>, vector<1x64xf32>
    tpu.vector_store %arg8[%swap3A_583, %swap3A_584], %max3A_582 {strides = array<i32>} : memref<32x64xf32, #tpu.memory_space<vmem>>, vector<1x64xf32>,
    %get3A_586 = arith.constant 12 : index
    %get3A_587 = arith.constant 0 : index
    %get3A_588 = vector.load %arg9[%get3A_586, %get3A_587] : memref<32x64xf32, #tpu.memory_space<vmem>>, vector<1x64xf32>
    %jit3A_589 = arith.constant 0.000000e+00 : f32
    %broadcast_in_dim3A_590 = vector.shape_cast %eq3A_570 : vector<400x1xi1> to vector<400x1xi1>
    %broadcast_in_dim3A_591 = vector.broadcast %broadcast_in_dim3A_590 : vector<400x1xi1> to vector<400x64xi1>
    %broadcast_in_dim3A_592 = vector.broadcast %jit3A_589 : f32 to vector<400x64xf32>
    %select_n3A_593 = arith.select %broadcast_in_dim3A_591, %add3A_28, %broadcast_in_dim3A_592 : vector<400x64xi1>, vector<400x64xf32>
    %reduce_sum3A_594 = arith.constant dense<0.000000e+00> : vector<64xf32>
    %reduce_sum3A_595 = vector.multi_reduction <add>, %select_n3A_593, %reduce_sum3A_594 [0] : vector<400x64xf32> to vector<64xf32>
    %broadcast_in_dim3A_596 = vector.shape_cast %reduce_sum3A_595 : vector<64xf32> to vector<1x64xf32>
    %add3A_597 = arith.addf %get3A_588, %broadcast_in_dim3A_596 : vector<1x64xf32>
    %swap3A_598 = arith.constant 12 : index
    %swap3A_599 = arith.constant 0 : index
    %swap3A_600 = vector.load %arg9[%swap3A_598, %swap3A_599] : memref<32x64xf32, #tpu.memory_space<vmem>>, vector<1x64xf32>
    tpu.vector_store %arg9[%swap3A_598, %swap3A_599], %add3A_597 {strides = array<i32>} : memref<32x64xf32, #tpu.memory_space<vmem>>, vector<1x64xf32>,
    %get3A_601 = arith.constant 12 : index
    %get3A_602 = arith.constant 0 : index
    %get3A_603 = vector.load %arg10[%get3A_601, %get3A_602] : memref<32x1xf32, #tpu.memory_space<vmem>>, vector<1x1xf32>
    %convert_element_type3A_604 = arith.extui %eq3A_570 : vector<400x1xi1> to vector<400x1xi32>
    %convert_element_type3A_605 = arith.sitofp %convert_element_type3A_604 : vector<400x1xi32> to vector<400x1xf32>
    %reduce_sum3A_606 = arith.constant dense<0.000000e+00> : vector<1xf32>
    %reduce_sum3A_607 = vector.multi_reduction <add>, %convert_element_type3A_605, %reduce_sum3A_606 [0] : vector<400x1xf32> to vector<1xf32>
    %broadcast_in_dim3A_608 = vector.shape_cast %reduce_sum3A_607 : vector<1xf32> to vector<1x1xf32>
    %add3A_609 = arith.addf %get3A_603, %broadcast_in_dim3A_608 : vector<1x1xf32>
    %swap3A_610 = arith.constant 12 : index
    %swap3A_611 = arith.constant 0 : index
    %swap3A_612 = vector.load %arg10[%swap3A_610, %swap3A_611] : memref<32x1xf32, #tpu.memory_space<vmem>>, vector<1x1xf32>
    tpu.vector_store %arg10[%swap3A_610, %swap3A_611], %add3A_609 {strides = array<i32>} : memref<32x1xf32, #tpu.memory_space<vmem>>, vector<1x1xf32>,
    %eq3A_613 = arith.constant 1.300000e+01 : f32
    %eq3A_614 = vector.broadcast %eq3A_613 : f32 to vector<400x1xf32>
    %eq3A_615 = arith.cmpf oeq, %get3A_31, %eq3A_614 : vector<400x1xf32>
    %jit3A_616 = arith.constant 0xFF800000 : f32
    %broadcast_in_dim3A_617 = vector.shape_cast %eq3A_615 : vector<400x1xi1> to vector<400x1xi1>
    %broadcast_in_dim3A_618 = vector.broadcast %broadcast_in_dim3A_617 : vector<400x1xi1> to vector<400x64xi1>
    %broadcast_in_dim3A_619 = vector.broadcast %jit3A_616 : f32 to vector<400x64xf32>
    %select_n3A_620 = arith.select %broadcast_in_dim3A_618, %add3A_28, %broadcast_in_dim3A_619 : vector<400x64xi1>, vector<400x64xf32>
    %get3A_621 = arith.constant 13 : index
    %get3A_622 = arith.constant 0 : index
    %get3A_623 = vector.load %arg8[%get3A_621, %get3A_622] : memref<32x64xf32, #tpu.memory_space<vmem>>, vector<1x64xf32>
    %reduce_max3A_624 = arith.constant dense<0xFF800000> : vector<64xf32>
    %reduce_max3A_625 = vector.multi_reduction <maximumf>, %select_n3A_620, %reduce_max3A_624 [0] : vector<400x64xf32> to vector<64xf32>
    %broadcast_in_dim3A_626 = vector.shape_cast %reduce_max3A_625 : vector<64xf32> to vector<1x64xf32>
    %max3A_627 = arith.maximumf %get3A_623, %broadcast_in_dim3A_626 : vector<1x64xf32>
    %swap3A_628 = arith.constant 13 : index
    %swap3A_629 = arith.constant 0 : index
    %swap3A_630 = vector.load %arg8[%swap3A_628, %swap3A_629] : memref<32x64xf32, #tpu.memory_space<vmem>>, vector<1x64xf32>
    tpu.vector_store %arg8[%swap3A_628, %swap3A_629], %max3A_627 {strides = array<i32>} : memref<32x64xf32, #tpu.memory_space<vmem>>, vector<1x64xf32>,
    %get3A_631 = arith.constant 13 : index
    %get3A_632 = arith.constant 0 : index
    %get3A_633 = vector.load %arg9[%get3A_631, %get3A_632] : memref<32x64xf32, #tpu.memory_space<vmem>>, vector<1x64xf32>
    %jit3A_634 = arith.constant 0.000000e+00 : f32
    %broadcast_in_dim3A_635 = vector.shape_cast %eq3A_615 : vector<400x1xi1> to vector<400x1xi1>
    %broadcast_in_dim3A_636 = vector.broadcast %broadcast_in_dim3A_635 : vector<400x1xi1> to vector<400x64xi1>
    %broadcast_in_dim3A_637 = vector.broadcast %jit3A_634 : f32 to vector<400x64xf32>
    %select_n3A_638 = arith.select %broadcast_in_dim3A_636, %add3A_28, %broadcast_in_dim3A_637 : vector<400x64xi1>, vector<400x64xf32>
    %reduce_sum3A_639 = arith.constant dense<0.000000e+00> : vector<64xf32>
    %reduce_sum3A_640 = vector.multi_reduction <add>, %select_n3A_638, %reduce_sum3A_639 [0] : vector<400x64xf32> to vector<64xf32>
    %broadcast_in_dim3A_641 = vector.shape_cast %reduce_sum3A_640 : vector<64xf32> to vector<1x64xf32>
    %add3A_642 = arith.addf %get3A_633, %broadcast_in_dim3A_641 : vector<1x64xf32>
    %swap3A_643 = arith.constant 13 : index
    %swap3A_644 = arith.constant 0 : index
    %swap3A_645 = vector.load %arg9[%swap3A_643, %swap3A_644] : memref<32x64xf32, #tpu.memory_space<vmem>>, vector<1x64xf32>
    tpu.vector_store %arg9[%swap3A_643, %swap3A_644], %add3A_642 {strides = array<i32>} : memref<32x64xf32, #tpu.memory_space<vmem>>, vector<1x64xf32>,
    %get3A_646 = arith.constant 13 : index
    %get3A_647 = arith.constant 0 : index
    %get3A_648 = vector.load %arg10[%get3A_646, %get3A_647] : memref<32x1xf32, #tpu.memory_space<vmem>>, vector<1x1xf32>
    %convert_element_type3A_649 = arith.extui %eq3A_615 : vector<400x1xi1> to vector<400x1xi32>
    %convert_element_type3A_650 = arith.sitofp %convert_element_type3A_649 : vector<400x1xi32> to vector<400x1xf32>
    %reduce_sum3A_651 = arith.constant dense<0.000000e+00> : vector<1xf32>
    %reduce_sum3A_652 = vector.multi_reduction <add>, %convert_element_type3A_650, %reduce_sum3A_651 [0] : vector<400x1xf32> to vector<1xf32>
    %broadcast_in_dim3A_653 = vector.shape_cast %reduce_sum3A_652 : vector<1xf32> to vector<1x1xf32>
    %add3A_654 = arith.addf %get3A_648, %broadcast_in_dim3A_653 : vector<1x1xf32>
    %swap3A_655 = arith.constant 13 : index
    %swap3A_656 = arith.constant 0 : index
    %swap3A_657 = vector.load %arg10[%swap3A_655, %swap3A_656] : memref<32x1xf32, #tpu.memory_space<vmem>>, vector<1x1xf32>
    tpu.vector_store %arg10[%swap3A_655, %swap3A_656], %add3A_654 {strides = array<i32>} : memref<32x1xf32, #tpu.memory_space<vmem>>, vector<1x1xf32>,
    %eq3A_658 = arith.constant 1.400000e+01 : f32
    %eq3A_659 = vector.broadcast %eq3A_658 : f32 to vector<400x1xf32>
    %eq3A_660 = arith.cmpf oeq, %get3A_31, %eq3A_659 : vector<400x1xf32>
    %jit3A_661 = arith.constant 0xFF800000 : f32
    %broadcast_in_dim3A_662 = vector.shape_cast %eq3A_660 : vector<400x1xi1> to vector<400x1xi1>
    %broadcast_in_dim3A_663 = vector.broadcast %broadcast_in_dim3A_662 : vector<400x1xi1> to vector<400x64xi1>
    %broadcast_in_dim3A_664 = vector.broadcast %jit3A_661 : f32 to vector<400x64xf32>
    %select_n3A_665 = arith.select %broadcast_in_dim3A_663, %add3A_28, %broadcast_in_dim3A_664 : vector<400x64xi1>, vector<400x64xf32>
    %get3A_666 = arith.constant 14 : index
    %get3A_667 = arith.constant 0 : index
    %get3A_668 = vector.load %arg8[%get3A_666, %get3A_667] : memref<32x64xf32, #tpu.memory_space<vmem>>, vector<1x64xf32>
    %reduce_max3A_669 = arith.constant dense<0xFF800000> : vector<64xf32>
    %reduce_max3A_670 = vector.multi_reduction <maximumf>, %select_n3A_665, %reduce_max3A_669 [0] : vector<400x64xf32> to vector<64xf32>
    %broadcast_in_dim3A_671 = vector.shape_cast %reduce_max3A_670 : vector<64xf32> to vector<1x64xf32>
    %max3A_672 = arith.maximumf %get3A_668, %broadcast_in_dim3A_671 : vector<1x64xf32>
    %swap3A_673 = arith.constant 14 : index
    %swap3A_674 = arith.constant 0 : index
    %swap3A_675 = vector.load %arg8[%swap3A_673, %swap3A_674] : memref<32x64xf32, #tpu.memory_space<vmem>>, vector<1x64xf32>
    tpu.vector_store %arg8[%swap3A_673, %swap3A_674], %max3A_672 {strides = array<i32>} : memref<32x64xf32, #tpu.memory_space<vmem>>, vector<1x64xf32>,
    %get3A_676 = arith.constant 14 : index
    %get3A_677 = arith.constant 0 : index
    %get3A_678 = vector.load %arg9[%get3A_676, %get3A_677] : memref<32x64xf32, #tpu.memory_space<vmem>>, vector<1x64xf32>
    %jit3A_679 = arith.constant 0.000000e+00 : f32
    %broadcast_in_dim3A_680 = vector.shape_cast %eq3A_660 : vector<400x1xi1> to vector<400x1xi1>
    %broadcast_in_dim3A_681 = vector.broadcast %broadcast_in_dim3A_680 : vector<400x1xi1> to vector<400x64xi1>
    %broadcast_in_dim3A_682 = vector.broadcast %jit3A_679 : f32 to vector<400x64xf32>
    %select_n3A_683 = arith.select %broadcast_in_dim3A_681, %add3A_28, %broadcast_in_dim3A_682 : vector<400x64xi1>, vector<400x64xf32>
    %reduce_sum3A_684 = arith.constant dense<0.000000e+00> : vector<64xf32>
    %reduce_sum3A_685 = vector.multi_reduction <add>, %select_n3A_683, %reduce_sum3A_684 [0] : vector<400x64xf32> to vector<64xf32>
    %broadcast_in_dim3A_686 = vector.shape_cast %reduce_sum3A_685 : vector<64xf32> to vector<1x64xf32>
    %add3A_687 = arith.addf %get3A_678, %broadcast_in_dim3A_686 : vector<1x64xf32>
    %swap3A_688 = arith.constant 14 : index
    %swap3A_689 = arith.constant 0 : index
    %swap3A_690 = vector.load %arg9[%swap3A_688, %swap3A_689] : memref<32x64xf32, #tpu.memory_space<vmem>>, vector<1x64xf32>
    tpu.vector_store %arg9[%swap3A_688, %swap3A_689], %add3A_687 {strides = array<i32>} : memref<32x64xf32, #tpu.memory_space<vmem>>, vector<1x64xf32>,
    %get3A_691 = arith.constant 14 : index
    %get3A_692 = arith.constant 0 : index
    %get3A_693 = vector.load %arg10[%get3A_691, %get3A_692] : memref<32x1xf32, #tpu.memory_space<vmem>>, vector<1x1xf32>
    %convert_element_type3A_694 = arith.extui %eq3A_660 : vector<400x1xi1> to vector<400x1xi32>
    %convert_element_type3A_695 = arith.sitofp %convert_element_type3A_694 : vector<400x1xi32> to vector<400x1xf32>
    %reduce_sum3A_696 = arith.constant dense<0.000000e+00> : vector<1xf32>
    %reduce_sum3A_697 = vector.multi_reduction <add>, %convert_element_type3A_695, %reduce_sum3A_696 [0] : vector<400x1xf32> to vector<1xf32>
    %broadcast_in_dim3A_698 = vector.shape_cast %reduce_sum3A_697 : vector<1xf32> to vector<1x1xf32>
    %add3A_699 = arith.addf %get3A_693, %broadcast_in_dim3A_698 : vector<1x1xf32>
    %swap3A_700 = arith.constant 14 : index
    %swap3A_701 = arith.constant 0 : index
    %swap3A_702 = vector.load %arg10[%swap3A_700, %swap3A_701] : memref<32x1xf32, #tpu.memory_space<vmem>>, vector<1x1xf32>
    tpu.vector_store %arg10[%swap3A_700, %swap3A_701], %add3A_699 {strides = array<i32>} : memref<32x1xf32, #tpu.memory_space<vmem>>, vector<1x1xf32>,
    %eq3A_703 = arith.constant 1.500000e+01 : f32
    %eq3A_704 = vector.broadcast %eq3A_703 : f32 to vector<400x1xf32>
    %eq3A_705 = arith.cmpf oeq, %get3A_31, %eq3A_704 : vector<400x1xf32>
    %jit3A_706 = arith.constant 0xFF800000 : f32
    %broadcast_in_dim3A_707 = vector.shape_cast %eq3A_705 : vector<400x1xi1> to vector<400x1xi1>
    %broadcast_in_dim3A_708 = vector.broadcast %broadcast_in_dim3A_707 : vector<400x1xi1> to vector<400x64xi1>
    %broadcast_in_dim3A_709 = vector.broadcast %jit3A_706 : f32 to vector<400x64xf32>
    %select_n3A_710 = arith.select %broadcast_in_dim3A_708, %add3A_28, %broadcast_in_dim3A_709 : vector<400x64xi1>, vector<400x64xf32>
    %get3A_711 = arith.constant 15 : index
    %get3A_712 = arith.constant 0 : index
    %get3A_713 = vector.load %arg8[%get3A_711, %get3A_712] : memref<32x64xf32, #tpu.memory_space<vmem>>, vector<1x64xf32>
    %reduce_max3A_714 = arith.constant dense<0xFF800000> : vector<64xf32>
    %reduce_max3A_715 = vector.multi_reduction <maximumf>, %select_n3A_710, %reduce_max3A_714 [0] : vector<400x64xf32> to vector<64xf32>
    %broadcast_in_dim3A_716 = vector.shape_cast %reduce_max3A_715 : vector<64xf32> to vector<1x64xf32>
    %max3A_717 = arith.maximumf %get3A_713, %broadcast_in_dim3A_716 : vector<1x64xf32>
    %swap3A_718 = arith.constant 15 : index
    %swap3A_719 = arith.constant 0 : index
    %swap3A_720 = vector.load %arg8[%swap3A_718, %swap3A_719] : memref<32x64xf32, #tpu.memory_space<vmem>>, vector<1x64xf32>
    tpu.vector_store %arg8[%swap3A_718, %swap3A_719], %max3A_717 {strides = array<i32>} : memref<32x64xf32, #tpu.memory_space<vmem>>, vector<1x64xf32>,
    %get3A_721 = arith.constant 15 : index
    %get3A_722 = arith.constant 0 : index
    %get3A_723 = vector.load %arg9[%get3A_721, %get3A_722] : memref<32x64xf32, #tpu.memory_space<vmem>>, vector<1x64xf32>
    %jit3A_724 = arith.constant 0.000000e+00 : f32
    %broadcast_in_dim3A_725 = vector.shape_cast %eq3A_705 : vector<400x1xi1> to vector<400x1xi1>
    %broadcast_in_dim3A_726 = vector.broadcast %broadcast_in_dim3A_725 : vector<400x1xi1> to vector<400x64xi1>
    %broadcast_in_dim3A_727 = vector.broadcast %jit3A_724 : f32 to vector<400x64xf32>
    %select_n3A_728 = arith.select %broadcast_in_dim3A_726, %add3A_28, %broadcast_in_dim3A_727 : vector<400x64xi1>, vector<400x64xf32>
    %reduce_sum3A_729 = arith.constant dense<0.000000e+00> : vector<64xf32>
    %reduce_sum3A_730 = vector.multi_reduction <add>, %select_n3A_728, %reduce_sum3A_729 [0] : vector<400x64xf32> to vector<64xf32>
    %broadcast_in_dim3A_731 = vector.shape_cast %reduce_sum3A_730 : vector<64xf32> to vector<1x64xf32>
    %add3A_732 = arith.addf %get3A_723, %broadcast_in_dim3A_731 : vector<1x64xf32>
    %swap3A_733 = arith.constant 15 : index
    %swap3A_734 = arith.constant 0 : index
    %swap3A_735 = vector.load %arg9[%swap3A_733, %swap3A_734] : memref<32x64xf32, #tpu.memory_space<vmem>>, vector<1x64xf32>
    tpu.vector_store %arg9[%swap3A_733, %swap3A_734], %add3A_732 {strides = array<i32>} : memref<32x64xf32, #tpu.memory_space<vmem>>, vector<1x64xf32>,
    %get3A_736 = arith.constant 15 : index
    %get3A_737 = arith.constant 0 : index
    %get3A_738 = vector.load %arg10[%get3A_736, %get3A_737] : memref<32x1xf32, #tpu.memory_space<vmem>>, vector<1x1xf32>
    %convert_element_type3A_739 = arith.extui %eq3A_705 : vector<400x1xi1> to vector<400x1xi32>
    %convert_element_type3A_740 = arith.sitofp %convert_element_type3A_739 : vector<400x1xi32> to vector<400x1xf32>
    %reduce_sum3A_741 = arith.constant dense<0.000000e+00> : vector<1xf32>
    %reduce_sum3A_742 = vector.multi_reduction <add>, %convert_element_type3A_740, %reduce_sum3A_741 [0] : vector<400x1xf32> to vector<1xf32>
    %broadcast_in_dim3A_743 = vector.shape_cast %reduce_sum3A_742 : vector<1xf32> to vector<1x1xf32>
    %add3A_744 = arith.addf %get3A_738, %broadcast_in_dim3A_743 : vector<1x1xf32>
    %swap3A_745 = arith.constant 15 : index
    %swap3A_746 = arith.constant 0 : index
    %swap3A_747 = vector.load %arg10[%swap3A_745, %swap3A_746] : memref<32x1xf32, #tpu.memory_space<vmem>>, vector<1x1xf32>
    tpu.vector_store %arg10[%swap3A_745, %swap3A_746], %add3A_744 {strides = array<i32>} : memref<32x1xf32, #tpu.memory_space<vmem>>, vector<1x1xf32>,
    %eq3A_748 = arith.constant 1.600000e+01 : f32
    %eq3A_749 = vector.broadcast %eq3A_748 : f32 to vector<400x1xf32>
    %eq3A_750 = arith.cmpf oeq, %get3A_31, %eq3A_749 : vector<400x1xf32>
    %jit3A_751 = arith.constant 0xFF800000 : f32
    %broadcast_in_dim3A_752 = vector.shape_cast %eq3A_750 : vector<400x1xi1> to vector<400x1xi1>
    %broadcast_in_dim3A_753 = vector.broadcast %broadcast_in_dim3A_752 : vector<400x1xi1> to vector<400x64xi1>
    %broadcast_in_dim3A_754 = vector.broadcast %jit3A_751 : f32 to vector<400x64xf32>
    %select_n3A_755 = arith.select %broadcast_in_dim3A_753, %add3A_28, %broadcast_in_dim3A_754 : vector<400x64xi1>, vector<400x64xf32>
    %get3A_756 = arith.constant 16 : index
    %get3A_757 = arith.constant 0 : index
    %get3A_758 = vector.load %arg8[%get3A_756, %get3A_757] : memref<32x64xf32, #tpu.memory_space<vmem>>, vector<1x64xf32>
    %reduce_max3A_759 = arith.constant dense<0xFF800000> : vector<64xf32>
    %reduce_max3A_760 = vector.multi_reduction <maximumf>, %select_n3A_755, %reduce_max3A_759 [0] : vector<400x64xf32> to vector<64xf32>
    %broadcast_in_dim3A_761 = vector.shape_cast %reduce_max3A_760 : vector<64xf32> to vector<1x64xf32>
    %max3A_762 = arith.maximumf %get3A_758, %broadcast_in_dim3A_761 : vector<1x64xf32>
    %swap3A_763 = arith.constant 16 : index
    %swap3A_764 = arith.constant 0 : index
    %swap3A_765 = vector.load %arg8[%swap3A_763, %swap3A_764] : memref<32x64xf32, #tpu.memory_space<vmem>>, vector<1x64xf32>
    tpu.vector_store %arg8[%swap3A_763, %swap3A_764], %max3A_762 {strides = array<i32>} : memref<32x64xf32, #tpu.memory_space<vmem>>, vector<1x64xf32>,
    %get3A_766 = arith.constant 16 : index
    %get3A_767 = arith.constant 0 : index
    %get3A_768 = vector.load %arg9[%get3A_766, %get3A_767] : memref<32x64xf32, #tpu.memory_space<vmem>>, vector<1x64xf32>
    %jit3A_769 = arith.constant 0.000000e+00 : f32
    %broadcast_in_dim3A_770 = vector.shape_cast %eq3A_750 : vector<400x1xi1> to vector<400x1xi1>
    %broadcast_in_dim3A_771 = vector.broadcast %broadcast_in_dim3A_770 : vector<400x1xi1> to vector<400x64xi1>
    %broadcast_in_dim3A_772 = vector.broadcast %jit3A_769 : f32 to vector<400x64xf32>
    %select_n3A_773 = arith.select %broadcast_in_dim3A_771, %add3A_28, %broadcast_in_dim3A_772 : vector<400x64xi1>, vector<400x64xf32>
    %reduce_sum3A_774 = arith.constant dense<0.000000e+00> : vector<64xf32>
    %reduce_sum3A_775 = vector.multi_reduction <add>, %select_n3A_773, %reduce_sum3A_774 [0] : vector<400x64xf32> to vector<64xf32>
    %broadcast_in_dim3A_776 = vector.shape_cast %reduce_sum3A_775 : vector<64xf32> to vector<1x64xf32>
    %add3A_777 = arith.addf %get3A_768, %broadcast_in_dim3A_776 : vector<1x64xf32>
    %swap3A_778 = arith.constant 16 : index
    %swap3A_779 = arith.constant 0 : index
    %swap3A_780 = vector.load %arg9[%swap3A_778, %swap3A_779] : memref<32x64xf32, #tpu.memory_space<vmem>>, vector<1x64xf32>
    tpu.vector_store %arg9[%swap3A_778, %swap3A_779], %add3A_777 {strides = array<i32>} : memref<32x64xf32, #tpu.memory_space<vmem>>, vector<1x64xf32>,
    %get3A_781 = arith.constant 16 : index
    %get3A_782 = arith.constant 0 : index
    %get3A_783 = vector.load %arg10[%get3A_781, %get3A_782] : memref<32x1xf32, #tpu.memory_space<vmem>>, vector<1x1xf32>
    %convert_element_type3A_784 = arith.extui %eq3A_750 : vector<400x1xi1> to vector<400x1xi32>
    %convert_element_type3A_785 = arith.sitofp %convert_element_type3A_784 : vector<400x1xi32> to vector<400x1xf32>
    %reduce_sum3A_786 = arith.constant dense<0.000000e+00> : vector<1xf32>
    %reduce_sum3A_787 = vector.multi_reduction <add>, %convert_element_type3A_785, %reduce_sum3A_786 [0] : vector<400x1xf32> to vector<1xf32>
    %broadcast_in_dim3A_788 = vector.shape_cast %reduce_sum3A_787 : vector<1xf32> to vector<1x1xf32>
    %add3A_789 = arith.addf %get3A_783, %broadcast_in_dim3A_788 : vector<1x1xf32>
    %swap3A_790 = arith.constant 16 : index
    %swap3A_791 = arith.constant 0 : index
    %swap3A_792 = vector.load %arg10[%swap3A_790, %swap3A_791] : memref<32x1xf32, #tpu.memory_space<vmem>>, vector<1x1xf32>
    tpu.vector_store %arg10[%swap3A_790, %swap3A_791], %add3A_789 {strides = array<i32>} : memref<32x1xf32, #tpu.memory_space<vmem>>, vector<1x1xf32>,
    %eq3A_793 = arith.constant 1.700000e+01 : f32
    %eq3A_794 = vector.broadcast %eq3A_793 : f32 to vector<400x1xf32>
    %eq3A_795 = arith.cmpf oeq, %get3A_31, %eq3A_794 : vector<400x1xf32>
    %jit3A_796 = arith.constant 0xFF800000 : f32
    %broadcast_in_dim3A_797 = vector.shape_cast %eq3A_795 : vector<400x1xi1> to vector<400x1xi1>
    %broadcast_in_dim3A_798 = vector.broadcast %broadcast_in_dim3A_797 : vector<400x1xi1> to vector<400x64xi1>
    %broadcast_in_dim3A_799 = vector.broadcast %jit3A_796 : f32 to vector<400x64xf32>
    %select_n3A_800 = arith.select %broadcast_in_dim3A_798, %add3A_28, %broadcast_in_dim3A_799 : vector<400x64xi1>, vector<400x64xf32>
    %get3A_801 = arith.constant 17 : index
    %get3A_802 = arith.constant 0 : index
    %get3A_803 = vector.load %arg8[%get3A_801, %get3A_802] : memref<32x64xf32, #tpu.memory_space<vmem>>, vector<1x64xf32>
    %reduce_max3A_804 = arith.constant dense<0xFF800000> : vector<64xf32>
    %reduce_max3A_805 = vector.multi_reduction <maximumf>, %select_n3A_800, %reduce_max3A_804 [0] : vector<400x64xf32> to vector<64xf32>
    %broadcast_in_dim3A_806 = vector.shape_cast %reduce_max3A_805 : vector<64xf32> to vector<1x64xf32>
    %max3A_807 = arith.maximumf %get3A_803, %broadcast_in_dim3A_806 : vector<1x64xf32>
    %swap3A_808 = arith.constant 17 : index
    %swap3A_809 = arith.constant 0 : index
    %swap3A_810 = vector.load %arg8[%swap3A_808, %swap3A_809] : memref<32x64xf32, #tpu.memory_space<vmem>>, vector<1x64xf32>
    tpu.vector_store %arg8[%swap3A_808, %swap3A_809], %max3A_807 {strides = array<i32>} : memref<32x64xf32, #tpu.memory_space<vmem>>, vector<1x64xf32>,
    %get3A_811 = arith.constant 17 : index
    %get3A_812 = arith.constant 0 : index
    %get3A_813 = vector.load %arg9[%get3A_811, %get3A_812] : memref<32x64xf32, #tpu.memory_space<vmem>>, vector<1x64xf32>
    %jit3A_814 = arith.constant 0.000000e+00 : f32
    %broadcast_in_dim3A_815 = vector.shape_cast %eq3A_795 : vector<400x1xi1> to vector<400x1xi1>
    %broadcast_in_dim3A_816 = vector.broadcast %broadcast_in_dim3A_815 : vector<400x1xi1> to vector<400x64xi1>
    %broadcast_in_dim3A_817 = vector.broadcast %jit3A_814 : f32 to vector<400x64xf32>
    %select_n3A_818 = arith.select %broadcast_in_dim3A_816, %add3A_28, %broadcast_in_dim3A_817 : vector<400x64xi1>, vector<400x64xf32>
    %reduce_sum3A_819 = arith.constant dense<0.000000e+00> : vector<64xf32>
    %reduce_sum3A_820 = vector.multi_reduction <add>, %select_n3A_818, %reduce_sum3A_819 [0] : vector<400x64xf32> to vector<64xf32>
    %broadcast_in_dim3A_821 = vector.shape_cast %reduce_sum3A_820 : vector<64xf32> to vector<1x64xf32>
    %add3A_822 = arith.addf %get3A_813, %broadcast_in_dim3A_821 : vector<1x64xf32>
    %swap3A_823 = arith.constant 17 : index
    %swap3A_824 = arith.constant 0 : index
    %swap3A_825 = vector.load %arg9[%swap3A_823, %swap3A_824] : memref<32x64xf32, #tpu.memory_space<vmem>>, vector<1x64xf32>
    tpu.vector_store %arg9[%swap3A_823, %swap3A_824], %add3A_822 {strides = array<i32>} : memref<32x64xf32, #tpu.memory_space<vmem>>, vector<1x64xf32>,
    %get3A_826 = arith.constant 17 : index
    %get3A_827 = arith.constant 0 : index
    %get3A_828 = vector.load %arg10[%get3A_826, %get3A_827] : memref<32x1xf32, #tpu.memory_space<vmem>>, vector<1x1xf32>
    %convert_element_type3A_829 = arith.extui %eq3A_795 : vector<400x1xi1> to vector<400x1xi32>
    %convert_element_type3A_830 = arith.sitofp %convert_element_type3A_829 : vector<400x1xi32> to vector<400x1xf32>
    %reduce_sum3A_831 = arith.constant dense<0.000000e+00> : vector<1xf32>
    %reduce_sum3A_832 = vector.multi_reduction <add>, %convert_element_type3A_830, %reduce_sum3A_831 [0] : vector<400x1xf32> to vector<1xf32>
    %broadcast_in_dim3A_833 = vector.shape_cast %reduce_sum3A_832 : vector<1xf32> to vector<1x1xf32>
    %add3A_834 = arith.addf %get3A_828, %broadcast_in_dim3A_833 : vector<1x1xf32>
    %swap3A_835 = arith.constant 17 : index
    %swap3A_836 = arith.constant 0 : index
    %swap3A_837 = vector.load %arg10[%swap3A_835, %swap3A_836] : memref<32x1xf32, #tpu.memory_space<vmem>>, vector<1x1xf32>
    tpu.vector_store %arg10[%swap3A_835, %swap3A_836], %add3A_834 {strides = array<i32>} : memref<32x1xf32, #tpu.memory_space<vmem>>, vector<1x1xf32>,
    %eq3A_838 = arith.constant 1.800000e+01 : f32
    %eq3A_839 = vector.broadcast %eq3A_838 : f32 to vector<400x1xf32>
    %eq3A_840 = arith.cmpf oeq, %get3A_31, %eq3A_839 : vector<400x1xf32>
    %jit3A_841 = arith.constant 0xFF800000 : f32
    %broadcast_in_dim3A_842 = vector.shape_cast %eq3A_840 : vector<400x1xi1> to vector<400x1xi1>
    %broadcast_in_dim3A_843 = vector.broadcast %broadcast_in_dim3A_842 : vector<400x1xi1> to vector<400x64xi1>
    %broadcast_in_dim3A_844 = vector.broadcast %jit3A_841 : f32 to vector<400x64xf32>
    %select_n3A_845 = arith.select %broadcast_in_dim3A_843, %add3A_28, %broadcast_in_dim3A_844 : vector<400x64xi1>, vector<400x64xf32>
    %get3A_846 = arith.constant 18 : index
    %get3A_847 = arith.constant 0 : index
    %get3A_848 = vector.load %arg8[%get3A_846, %get3A_847] : memref<32x64xf32, #tpu.memory_space<vmem>>, vector<1x64xf32>
    %reduce_max3A_849 = arith.constant dense<0xFF800000> : vector<64xf32>
    %reduce_max3A_850 = vector.multi_reduction <maximumf>, %select_n3A_845, %reduce_max3A_849 [0] : vector<400x64xf32> to vector<64xf32>
    %broadcast_in_dim3A_851 = vector.shape_cast %reduce_max3A_850 : vector<64xf32> to vector<1x64xf32>
    %max3A_852 = arith.maximumf %get3A_848, %broadcast_in_dim3A_851 : vector<1x64xf32>
    %swap3A_853 = arith.constant 18 : index
    %swap3A_854 = arith.constant 0 : index
    %swap3A_855 = vector.load %arg8[%swap3A_853, %swap3A_854] : memref<32x64xf32, #tpu.memory_space<vmem>>, vector<1x64xf32>
    tpu.vector_store %arg8[%swap3A_853, %swap3A_854], %max3A_852 {strides = array<i32>} : memref<32x64xf32, #tpu.memory_space<vmem>>, vector<1x64xf32>,
    %get3A_856 = arith.constant 18 : index
    %get3A_857 = arith.constant 0 : index
    %get3A_858 = vector.load %arg9[%get3A_856, %get3A_857] : memref<32x64xf32, #tpu.memory_space<vmem>>, vector<1x64xf32>
    %jit3A_859 = arith.constant 0.000000e+00 : f32
    %broadcast_in_dim3A_860 = vector.shape_cast %eq3A_840 : vector<400x1xi1> to vector<400x1xi1>
    %broadcast_in_dim3A_861 = vector.broadcast %broadcast_in_dim3A_860 : vector<400x1xi1> to vector<400x64xi1>
    %broadcast_in_dim3A_862 = vector.broadcast %jit3A_859 : f32 to vector<400x64xf32>
    %select_n3A_863 = arith.select %broadcast_in_dim3A_861, %add3A_28, %broadcast_in_dim3A_862 : vector<400x64xi1>, vector<400x64xf32>
    %reduce_sum3A_864 = arith.constant dense<0.000000e+00> : vector<64xf32>
    %reduce_sum3A_865 = vector.multi_reduction <add>, %select_n3A_863, %reduce_sum3A_864 [0] : vector<400x64xf32> to vector<64xf32>
    %broadcast_in_dim3A_866 = vector.shape_cast %reduce_sum3A_865 : vector<64xf32> to vector<1x64xf32>
    %add3A_867 = arith.addf %get3A_858, %broadcast_in_dim3A_866 : vector<1x64xf32>
    %swap3A_868 = arith.constant 18 : index
    %swap3A_869 = arith.constant 0 : index
    %swap3A_870 = vector.load %arg9[%swap3A_868, %swap3A_869] : memref<32x64xf32, #tpu.memory_space<vmem>>, vector<1x64xf32>
    tpu.vector_store %arg9[%swap3A_868, %swap3A_869], %add3A_867 {strides = array<i32>} : memref<32x64xf32, #tpu.memory_space<vmem>>, vector<1x64xf32>,
    %get3A_871 = arith.constant 18 : index
    %get3A_872 = arith.constant 0 : index
    %get3A_873 = vector.load %arg10[%get3A_871, %get3A_872] : memref<32x1xf32, #tpu.memory_space<vmem>>, vector<1x1xf32>
    %convert_element_type3A_874 = arith.extui %eq3A_840 : vector<400x1xi1> to vector<400x1xi32>
    %convert_element_type3A_875 = arith.sitofp %convert_element_type3A_874 : vector<400x1xi32> to vector<400x1xf32>
    %reduce_sum3A_876 = arith.constant dense<0.000000e+00> : vector<1xf32>
    %reduce_sum3A_877 = vector.multi_reduction <add>, %convert_element_type3A_875, %reduce_sum3A_876 [0] : vector<400x1xf32> to vector<1xf32>
    %broadcast_in_dim3A_878 = vector.shape_cast %reduce_sum3A_877 : vector<1xf32> to vector<1x1xf32>
    %add3A_879 = arith.addf %get3A_873, %broadcast_in_dim3A_878 : vector<1x1xf32>
    %swap3A_880 = arith.constant 18 : index
    %swap3A_881 = arith.constant 0 : index
    %swap3A_882 = vector.load %arg10[%swap3A_880, %swap3A_881] : memref<32x1xf32, #tpu.memory_space<vmem>>, vector<1x1xf32>
    tpu.vector_store %arg10[%swap3A_880, %swap3A_881], %add3A_879 {strides = array<i32>} : memref<32x1xf32, #tpu.memory_space<vmem>>, vector<1x1xf32>,
    %eq3A_883 = arith.constant 1.900000e+01 : f32
    %eq3A_884 = vector.broadcast %eq3A_883 : f32 to vector<400x1xf32>
    %eq3A_885 = arith.cmpf oeq, %get3A_31, %eq3A_884 : vector<400x1xf32>
    %jit3A_886 = arith.constant 0xFF800000 : f32
    %broadcast_in_dim3A_887 = vector.shape_cast %eq3A_885 : vector<400x1xi1> to vector<400x1xi1>
    %broadcast_in_dim3A_888 = vector.broadcast %broadcast_in_dim3A_887 : vector<400x1xi1> to vector<400x64xi1>
    %broadcast_in_dim3A_889 = vector.broadcast %jit3A_886 : f32 to vector<400x64xf32>
    %select_n3A_890 = arith.select %broadcast_in_dim3A_888, %add3A_28, %broadcast_in_dim3A_889 : vector<400x64xi1>, vector<400x64xf32>
    %get3A_891 = arith.constant 19 : index
    %get3A_892 = arith.constant 0 : index
    %get3A_893 = vector.load %arg8[%get3A_891, %get3A_892] : memref<32x64xf32, #tpu.memory_space<vmem>>, vector<1x64xf32>
    %reduce_max3A_894 = arith.constant dense<0xFF800000> : vector<64xf32>
    %reduce_max3A_895 = vector.multi_reduction <maximumf>, %select_n3A_890, %reduce_max3A_894 [0] : vector<400x64xf32> to vector<64xf32>
    %broadcast_in_dim3A_896 = vector.shape_cast %reduce_max3A_895 : vector<64xf32> to vector<1x64xf32>
    %max3A_897 = arith.maximumf %get3A_893, %broadcast_in_dim3A_896 : vector<1x64xf32>
    %swap3A_898 = arith.constant 19 : index
    %swap3A_899 = arith.constant 0 : index
    %swap3A_900 = vector.load %arg8[%swap3A_898, %swap3A_899] : memref<32x64xf32, #tpu.memory_space<vmem>>, vector<1x64xf32>
    tpu.vector_store %arg8[%swap3A_898, %swap3A_899], %max3A_897 {strides = array<i32>} : memref<32x64xf32, #tpu.memory_space<vmem>>, vector<1x64xf32>,
    %get3A_901 = arith.constant 19 : index
    %get3A_902 = arith.constant 0 : index
    %get3A_903 = vector.load %arg9[%get3A_901, %get3A_902] : memref<32x64xf32, #tpu.memory_space<vmem>>, vector<1x64xf32>
    %jit3A_904 = arith.constant 0.000000e+00 : f32
    %broadcast_in_dim3A_905 = vector.shape_cast %eq3A_885 : vector<400x1xi1> to vector<400x1xi1>
    %broadcast_in_dim3A_906 = vector.broadcast %broadcast_in_dim3A_905 : vector<400x1xi1> to vector<400x64xi1>
    %broadcast_in_dim3A_907 = vector.broadcast %jit3A_904 : f32 to vector<400x64xf32>
    %select_n3A_908 = arith.select %broadcast_in_dim3A_906, %add3A_28, %broadcast_in_dim3A_907 : vector<400x64xi1>, vector<400x64xf32>
    %reduce_sum3A_909 = arith.constant dense<0.000000e+00> : vector<64xf32>
    %reduce_sum3A_910 = vector.multi_reduction <add>, %select_n3A_908, %reduce_sum3A_909 [0] : vector<400x64xf32> to vector<64xf32>
    %broadcast_in_dim3A_911 = vector.shape_cast %reduce_sum3A_910 : vector<64xf32> to vector<1x64xf32>
    %add3A_912 = arith.addf %get3A_903, %broadcast_in_dim3A_911 : vector<1x64xf32>
    %swap3A_913 = arith.constant 19 : index
    %swap3A_914 = arith.constant 0 : index
    %swap3A_915 = vector.load %arg9[%swap3A_913, %swap3A_914] : memref<32x64xf32, #tpu.memory_space<vmem>>, vector<1x64xf32>
    tpu.vector_store %arg9[%swap3A_913, %swap3A_914], %add3A_912 {strides = array<i32>} : memref<32x64xf32, #tpu.memory_space<vmem>>, vector<1x64xf32>,
    %get3A_916 = arith.constant 19 : index
    %get3A_917 = arith.constant 0 : index
    %get3A_918 = vector.load %arg10[%get3A_916, %get3A_917] : memref<32x1xf32, #tpu.memory_space<vmem>>, vector<1x1xf32>
    %convert_element_type3A_919 = arith.extui %eq3A_885 : vector<400x1xi1> to vector<400x1xi32>
    %convert_element_type3A_920 = arith.sitofp %convert_element_type3A_919 : vector<400x1xi32> to vector<400x1xf32>
    %reduce_sum3A_921 = arith.constant dense<0.000000e+00> : vector<1xf32>
    %reduce_sum3A_922 = vector.multi_reduction <add>, %convert_element_type3A_920, %reduce_sum3A_921 [0] : vector<400x1xf32> to vector<1xf32>
    %broadcast_in_dim3A_923 = vector.shape_cast %reduce_sum3A_922 : vector<1xf32> to vector<1x1xf32>
    %add3A_924 = arith.addf %get3A_918, %broadcast_in_dim3A_923 : vector<1x1xf32>
    %swap3A_925 = arith.constant 19 : index
    %swap3A_926 = arith.constant 0 : index
    %swap3A_927 = vector.load %arg10[%swap3A_925, %swap3A_926] : memref<32x1xf32, #tpu.memory_space<vmem>>, vector<1x1xf32>
    tpu.vector_store %arg10[%swap3A_925, %swap3A_926], %add3A_924 {strides = array<i32>} : memref<32x1xf32, #tpu.memory_space<vmem>>, vector<1x1xf32>,
    %eq3A_928 = arith.constant 2.000000e+01 : f32
    %eq3A_929 = vector.broadcast %eq3A_928 : f32 to vector<400x1xf32>
    %eq3A_930 = arith.cmpf oeq, %get3A_31, %eq3A_929 : vector<400x1xf32>
    %jit3A_931 = arith.constant 0xFF800000 : f32
    %broadcast_in_dim3A_932 = vector.shape_cast %eq3A_930 : vector<400x1xi1> to vector<400x1xi1>
    %broadcast_in_dim3A_933 = vector.broadcast %broadcast_in_dim3A_932 : vector<400x1xi1> to vector<400x64xi1>
    %broadcast_in_dim3A_934 = vector.broadcast %jit3A_931 : f32 to vector<400x64xf32>
    %select_n3A_935 = arith.select %broadcast_in_dim3A_933, %add3A_28, %broadcast_in_dim3A_934 : vector<400x64xi1>, vector<400x64xf32>
    %get3A_936 = arith.constant 20 : index
    %get3A_937 = arith.constant 0 : index
    %get3A_938 = vector.load %arg8[%get3A_936, %get3A_937] : memref<32x64xf32, #tpu.memory_space<vmem>>, vector<1x64xf32>
    %reduce_max3A_939 = arith.constant dense<0xFF800000> : vector<64xf32>
    %reduce_max3A_940 = vector.multi_reduction <maximumf>, %select_n3A_935, %reduce_max3A_939 [0] : vector<400x64xf32> to vector<64xf32>
    %broadcast_in_dim3A_941 = vector.shape_cast %reduce_max3A_940 : vector<64xf32> to vector<1x64xf32>
    %max3A_942 = arith.maximumf %get3A_938, %broadcast_in_dim3A_941 : vector<1x64xf32>
    %swap3A_943 = arith.constant 20 : index
    %swap3A_944 = arith.constant 0 : index
    %swap3A_945 = vector.load %arg8[%swap3A_943, %swap3A_944] : memref<32x64xf32, #tpu.memory_space<vmem>>, vector<1x64xf32>
    tpu.vector_store %arg8[%swap3A_943, %swap3A_944], %max3A_942 {strides = array<i32>} : memref<32x64xf32, #tpu.memory_space<vmem>>, vector<1x64xf32>,
    %get3A_946 = arith.constant 20 : index
    %get3A_947 = arith.constant 0 : index
    %get3A_948 = vector.load %arg9[%get3A_946, %get3A_947] : memref<32x64xf32, #tpu.memory_space<vmem>>, vector<1x64xf32>
    %jit3A_949 = arith.constant 0.000000e+00 : f32
    %broadcast_in_dim3A_950 = vector.shape_cast %eq3A_930 : vector<400x1xi1> to vector<400x1xi1>
    %broadcast_in_dim3A_951 = vector.broadcast %broadcast_in_dim3A_950 : vector<400x1xi1> to vector<400x64xi1>
    %broadcast_in_dim3A_952 = vector.broadcast %jit3A_949 : f32 to vector<400x64xf32>
    %select_n3A_953 = arith.select %broadcast_in_dim3A_951, %add3A_28, %broadcast_in_dim3A_952 : vector<400x64xi1>, vector<400x64xf32>
    %reduce_sum3A_954 = arith.constant dense<0.000000e+00> : vector<64xf32>
    %reduce_sum3A_955 = vector.multi_reduction <add>, %select_n3A_953, %reduce_sum3A_954 [0] : vector<400x64xf32> to vector<64xf32>
    %broadcast_in_dim3A_956 = vector.shape_cast %reduce_sum3A_955 : vector<64xf32> to vector<1x64xf32>
    %add3A_957 = arith.addf %get3A_948, %broadcast_in_dim3A_956 : vector<1x64xf32>
    %swap3A_958 = arith.constant 20 : index
    %swap3A_959 = arith.constant 0 : index
    %swap3A_960 = vector.load %arg9[%swap3A_958, %swap3A_959] : memref<32x64xf32, #tpu.memory_space<vmem>>, vector<1x64xf32>
    tpu.vector_store %arg9[%swap3A_958, %swap3A_959], %add3A_957 {strides = array<i32>} : memref<32x64xf32, #tpu.memory_space<vmem>>, vector<1x64xf32>,
    %get3A_961 = arith.constant 20 : index
    %get3A_962 = arith.constant 0 : index
    %get3A_963 = vector.load %arg10[%get3A_961, %get3A_962] : memref<32x1xf32, #tpu.memory_space<vmem>>, vector<1x1xf32>
    %convert_element_type3A_964 = arith.extui %eq3A_930 : vector<400x1xi1> to vector<400x1xi32>
    %convert_element_type3A_965 = arith.sitofp %convert_element_type3A_964 : vector<400x1xi32> to vector<400x1xf32>
    %reduce_sum3A_966 = arith.constant dense<0.000000e+00> : vector<1xf32>
    %reduce_sum3A_967 = vector.multi_reduction <add>, %convert_element_type3A_965, %reduce_sum3A_966 [0] : vector<400x1xf32> to vector<1xf32>
    %broadcast_in_dim3A_968 = vector.shape_cast %reduce_sum3A_967 : vector<1xf32> to vector<1x1xf32>
    %add3A_969 = arith.addf %get3A_963, %broadcast_in_dim3A_968 : vector<1x1xf32>
    %swap3A_970 = arith.constant 20 : index
    %swap3A_971 = arith.constant 0 : index
    %swap3A_972 = vector.load %arg10[%swap3A_970, %swap3A_971] : memref<32x1xf32, #tpu.memory_space<vmem>>, vector<1x1xf32>
    tpu.vector_store %arg10[%swap3A_970, %swap3A_971], %add3A_969 {strides = array<i32>} : memref<32x1xf32, #tpu.memory_space<vmem>>, vector<1x1xf32>,
    %eq3A_973 = arith.constant 2.100000e+01 : f32
    %eq3A_974 = vector.broadcast %eq3A_973 : f32 to vector<400x1xf32>
    %eq3A_975 = arith.cmpf oeq, %get3A_31, %eq3A_974 : vector<400x1xf32>
    %jit3A_976 = arith.constant 0xFF800000 : f32
    %broadcast_in_dim3A_977 = vector.shape_cast %eq3A_975 : vector<400x1xi1> to vector<400x1xi1>
    %broadcast_in_dim3A_978 = vector.broadcast %broadcast_in_dim3A_977 : vector<400x1xi1> to vector<400x64xi1>
    %broadcast_in_dim3A_979 = vector.broadcast %jit3A_976 : f32 to vector<400x64xf32>
    %select_n3A_980 = arith.select %broadcast_in_dim3A_978, %add3A_28, %broadcast_in_dim3A_979 : vector<400x64xi1>, vector<400x64xf32>
    %get3A_981 = arith.constant 21 : index
    %get3A_982 = arith.constant 0 : index
    %get3A_983 = vector.load %arg8[%get3A_981, %get3A_982] : memref<32x64xf32, #tpu.memory_space<vmem>>, vector<1x64xf32>
    %reduce_max3A_984 = arith.constant dense<0xFF800000> : vector<64xf32>
    %reduce_max3A_985 = vector.multi_reduction <maximumf>, %select_n3A_980, %reduce_max3A_984 [0] : vector<400x64xf32> to vector<64xf32>
    %broadcast_in_dim3A_986 = vector.shape_cast %reduce_max3A_985 : vector<64xf32> to vector<1x64xf32>
    %max3A_987 = arith.maximumf %get3A_983, %broadcast_in_dim3A_986 : vector<1x64xf32>
    %swap3A_988 = arith.constant 21 : index
    %swap3A_989 = arith.constant 0 : index
    %swap3A_990 = vector.load %arg8[%swap3A_988, %swap3A_989] : memref<32x64xf32, #tpu.memory_space<vmem>>, vector<1x64xf32>
    tpu.vector_store %arg8[%swap3A_988, %swap3A_989], %max3A_987 {strides = array<i32>} : memref<32x64xf32, #tpu.memory_space<vmem>>, vector<1x64xf32>,
    %get3A_991 = arith.constant 21 : index
    %get3A_992 = arith.constant 0 : index
    %get3A_993 = vector.load %arg9[%get3A_991, %get3A_992] : memref<32x64xf32, #tpu.memory_space<vmem>>, vector<1x64xf32>
    %jit3A_994 = arith.constant 0.000000e+00 : f32
    %broadcast_in_dim3A_995 = vector.shape_cast %eq3A_975 : vector<400x1xi1> to vector<400x1xi1>
    %broadcast_in_dim3A_996 = vector.broadcast %broadcast_in_dim3A_995 : vector<400x1xi1> to vector<400x64xi1>
    %broadcast_in_dim3A_997 = vector.broadcast %jit3A_994 : f32 to vector<400x64xf32>
    %select_n3A_998 = arith.select %broadcast_in_dim3A_996, %add3A_28, %broadcast_in_dim3A_997 : vector<400x64xi1>, vector<400x64xf32>
    %reduce_sum3A_999 = arith.constant dense<0.000000e+00> : vector<64xf32>
    %reduce_sum3A_1000 = vector.multi_reduction <add>, %select_n3A_998, %reduce_sum3A_999 [0] : vector<400x64xf32> to vector<64xf32>
    %broadcast_in_dim3A_1001 = vector.shape_cast %reduce_sum3A_1000 : vector<64xf32> to vector<1x64xf32>
    %add3A_1002 = arith.addf %get3A_993, %broadcast_in_dim3A_1001 : vector<1x64xf32>
    %swap3A_1003 = arith.constant 21 : index
    %swap3A_1004 = arith.constant 0 : index
    %swap3A_1005 = vector.load %arg9[%swap3A_1003, %swap3A_1004] : memref<32x64xf32, #tpu.memory_space<vmem>>, vector<1x64xf32>
    tpu.vector_store %arg9[%swap3A_1003, %swap3A_1004], %add3A_1002 {strides = array<i32>} : memref<32x64xf32, #tpu.memory_space<vmem>>, vector<1x64xf32>,
    %get3A_1006 = arith.constant 21 : index
    %get3A_1007 = arith.constant 0 : index
    %get3A_1008 = vector.load %arg10[%get3A_1006, %get3A_1007] : memref<32x1xf32, #tpu.memory_space<vmem>>, vector<1x1xf32>
    %convert_element_type3A_1009 = arith.extui %eq3A_975 : vector<400x1xi1> to vector<400x1xi32>
    %convert_element_type3A_1010 = arith.sitofp %convert_element_type3A_1009 : vector<400x1xi32> to vector<400x1xf32>
    %reduce_sum3A_1011 = arith.constant dense<0.000000e+00> : vector<1xf32>
    %reduce_sum3A_1012 = vector.multi_reduction <add>, %convert_element_type3A_1010, %reduce_sum3A_1011 [0] : vector<400x1xf32> to vector<1xf32>
    %broadcast_in_dim3A_1013 = vector.shape_cast %reduce_sum3A_1012 : vector<1xf32> to vector<1x1xf32>
    %add3A_1014 = arith.addf %get3A_1008, %broadcast_in_dim3A_1013 : vector<1x1xf32>
    %swap3A_1015 = arith.constant 21 : index
    %swap3A_1016 = arith.constant 0 : index
    %swap3A_1017 = vector.load %arg10[%swap3A_1015, %swap3A_1016] : memref<32x1xf32, #tpu.memory_space<vmem>>, vector<1x1xf32>
    tpu.vector_store %arg10[%swap3A_1015, %swap3A_1016], %add3A_1014 {strides = array<i32>} : memref<32x1xf32, #tpu.memory_space<vmem>>, vector<1x1xf32>,
    %eq3A_1018 = arith.constant 2.200000e+01 : f32
    %eq3A_1019 = vector.broadcast %eq3A_1018 : f32 to vector<400x1xf32>
    %eq3A_1020 = arith.cmpf oeq, %get3A_31, %eq3A_1019 : vector<400x1xf32>
    %jit3A_1021 = arith.constant 0xFF800000 : f32
    %broadcast_in_dim3A_1022 = vector.shape_cast %eq3A_1020 : vector<400x1xi1> to vector<400x1xi1>
    %broadcast_in_dim3A_1023 = vector.broadcast %broadcast_in_dim3A_1022 : vector<400x1xi1> to vector<400x64xi1>
    %broadcast_in_dim3A_1024 = vector.broadcast %jit3A_1021 : f32 to vector<400x64xf32>
    %select_n3A_1025 = arith.select %broadcast_in_dim3A_1023, %add3A_28, %broadcast_in_dim3A_1024 : vector<400x64xi1>, vector<400x64xf32>
    %get3A_1026 = arith.constant 22 : index
    %get3A_1027 = arith.constant 0 : index
    %get3A_1028 = vector.load %arg8[%get3A_1026, %get3A_1027] : memref<32x64xf32, #tpu.memory_space<vmem>>, vector<1x64xf32>
    %reduce_max3A_1029 = arith.constant dense<0xFF800000> : vector<64xf32>
    %reduce_max3A_1030 = vector.multi_reduction <maximumf>, %select_n3A_1025, %reduce_max3A_1029 [0] : vector<400x64xf32> to vector<64xf32>
    %broadcast_in_dim3A_1031 = vector.shape_cast %reduce_max3A_1030 : vector<64xf32> to vector<1x64xf32>
    %max3A_1032 = arith.maximumf %get3A_1028, %broadcast_in_dim3A_1031 : vector<1x64xf32>
    %swap3A_1033 = arith.constant 22 : index
    %swap3A_1034 = arith.constant 0 : index
    %swap3A_1035 = vector.load %arg8[%swap3A_1033, %swap3A_1034] : memref<32x64xf32, #tpu.memory_space<vmem>>, vector<1x64xf32>
    tpu.vector_store %arg8[%swap3A_1033, %swap3A_1034], %max3A_1032 {strides = array<i32>} : memref<32x64xf32, #tpu.memory_space<vmem>>, vector<1x64xf32>,
    %get3A_1036 = arith.constant 22 : index
    %get3A_1037 = arith.constant 0 : index
    %get3A_1038 = vector.load %arg9[%get3A_1036, %get3A_1037] : memref<32x64xf32, #tpu.memory_space<vmem>>, vector<1x64xf32>
    %jit3A_1039 = arith.constant 0.000000e+00 : f32
    %broadcast_in_dim3A_1040 = vector.shape_cast %eq3A_1020 : vector<400x1xi1> to vector<400x1xi1>
    %broadcast_in_dim3A_1041 = vector.broadcast %broadcast_in_dim3A_1040 : vector<400x1xi1> to vector<400x64xi1>
    %broadcast_in_dim3A_1042 = vector.broadcast %jit3A_1039 : f32 to vector<400x64xf32>
    %select_n3A_1043 = arith.select %broadcast_in_dim3A_1041, %add3A_28, %broadcast_in_dim3A_1042 : vector<400x64xi1>, vector<400x64xf32>
    %reduce_sum3A_1044 = arith.constant dense<0.000000e+00> : vector<64xf32>
    %reduce_sum3A_1045 = vector.multi_reduction <add>, %select_n3A_1043, %reduce_sum3A_1044 [0] : vector<400x64xf32> to vector<64xf32>
    %broadcast_in_dim3A_1046 = vector.shape_cast %reduce_sum3A_1045 : vector<64xf32> to vector<1x64xf32>
    %add3A_1047 = arith.addf %get3A_1038, %broadcast_in_dim3A_1046 : vector<1x64xf32>
    %swap3A_1048 = arith.constant 22 : index
    %swap3A_1049 = arith.constant 0 : index
    %swap3A_1050 = vector.load %arg9[%swap3A_1048, %swap3A_1049] : memref<32x64xf32, #tpu.memory_space<vmem>>, vector<1x64xf32>
    tpu.vector_store %arg9[%swap3A_1048, %swap3A_1049], %add3A_1047 {strides = array<i32>} : memref<32x64xf32, #tpu.memory_space<vmem>>, vector<1x64xf32>,
    %get3A_1051 = arith.constant 22 : index
    %get3A_1052 = arith.constant 0 : index
    %get3A_1053 = vector.load %arg10[%get3A_1051, %get3A_1052] : memref<32x1xf32, #tpu.memory_space<vmem>>, vector<1x1xf32>
    %convert_element_type3A_1054 = arith.extui %eq3A_1020 : vector<400x1xi1> to vector<400x1xi32>
    %convert_element_type3A_1055 = arith.sitofp %convert_element_type3A_1054 : vector<400x1xi32> to vector<400x1xf32>
    %reduce_sum3A_1056 = arith.constant dense<0.000000e+00> : vector<1xf32>
    %reduce_sum3A_1057 = vector.multi_reduction <add>, %convert_element_type3A_1055, %reduce_sum3A_1056 [0] : vector<400x1xf32> to vector<1xf32>
    %broadcast_in_dim3A_1058 = vector.shape_cast %reduce_sum3A_1057 : vector<1xf32> to vector<1x1xf32>
    %add3A_1059 = arith.addf %get3A_1053, %broadcast_in_dim3A_1058 : vector<1x1xf32>
    %swap3A_1060 = arith.constant 22 : index
    %swap3A_1061 = arith.constant 0 : index
    %swap3A_1062 = vector.load %arg10[%swap3A_1060, %swap3A_1061] : memref<32x1xf32, #tpu.memory_space<vmem>>, vector<1x1xf32>
    tpu.vector_store %arg10[%swap3A_1060, %swap3A_1061], %add3A_1059 {strides = array<i32>} : memref<32x1xf32, #tpu.memory_space<vmem>>, vector<1x1xf32>,
    %eq3A_1063 = arith.constant 2.300000e+01 : f32
    %eq3A_1064 = vector.broadcast %eq3A_1063 : f32 to vector<400x1xf32>
    %eq3A_1065 = arith.cmpf oeq, %get3A_31, %eq3A_1064 : vector<400x1xf32>
    %jit3A_1066 = arith.constant 0xFF800000 : f32
    %broadcast_in_dim3A_1067 = vector.shape_cast %eq3A_1065 : vector<400x1xi1> to vector<400x1xi1>
    %broadcast_in_dim3A_1068 = vector.broadcast %broadcast_in_dim3A_1067 : vector<400x1xi1> to vector<400x64xi1>
    %broadcast_in_dim3A_1069 = vector.broadcast %jit3A_1066 : f32 to vector<400x64xf32>
    %select_n3A_1070 = arith.select %broadcast_in_dim3A_1068, %add3A_28, %broadcast_in_dim3A_1069 : vector<400x64xi1>, vector<400x64xf32>
    %get3A_1071 = arith.constant 23 : index
    %get3A_1072 = arith.constant 0 : index
    %get3A_1073 = vector.load %arg8[%get3A_1071, %get3A_1072] : memref<32x64xf32, #tpu.memory_space<vmem>>, vector<1x64xf32>
    %reduce_max3A_1074 = arith.constant dense<0xFF800000> : vector<64xf32>
    %reduce_max3A_1075 = vector.multi_reduction <maximumf>, %select_n3A_1070, %reduce_max3A_1074 [0] : vector<400x64xf32> to vector<64xf32>
    %broadcast_in_dim3A_1076 = vector.shape_cast %reduce_max3A_1075 : vector<64xf32> to vector<1x64xf32>
    %max3A_1077 = arith.maximumf %get3A_1073, %broadcast_in_dim3A_1076 : vector<1x64xf32>
    %swap3A_1078 = arith.constant 23 : index
    %swap3A_1079 = arith.constant 0 : index
    %swap3A_1080 = vector.load %arg8[%swap3A_1078, %swap3A_1079] : memref<32x64xf32, #tpu.memory_space<vmem>>, vector<1x64xf32>
    tpu.vector_store %arg8[%swap3A_1078, %swap3A_1079], %max3A_1077 {strides = array<i32>} : memref<32x64xf32, #tpu.memory_space<vmem>>, vector<1x64xf32>,
    %get3A_1081 = arith.constant 23 : index
    %get3A_1082 = arith.constant 0 : index
    %get3A_1083 = vector.load %arg9[%get3A_1081, %get3A_1082] : memref<32x64xf32, #tpu.memory_space<vmem>>, vector<1x64xf32>
    %jit3A_1084 = arith.constant 0.000000e+00 : f32
    %broadcast_in_dim3A_1085 = vector.shape_cast %eq3A_1065 : vector<400x1xi1> to vector<400x1xi1>
    %broadcast_in_dim3A_1086 = vector.broadcast %broadcast_in_dim3A_1085 : vector<400x1xi1> to vector<400x64xi1>
    %broadcast_in_dim3A_1087 = vector.broadcast %jit3A_1084 : f32 to vector<400x64xf32>
    %select_n3A_1088 = arith.select %broadcast_in_dim3A_1086, %add3A_28, %broadcast_in_dim3A_1087 : vector<400x64xi1>, vector<400x64xf32>
    %reduce_sum3A_1089 = arith.constant dense<0.000000e+00> : vector<64xf32>
    %reduce_sum3A_1090 = vector.multi_reduction <add>, %select_n3A_1088, %reduce_sum3A_1089 [0] : vector<400x64xf32> to vector<64xf32>
    %broadcast_in_dim3A_1091 = vector.shape_cast %reduce_sum3A_1090 : vector<64xf32> to vector<1x64xf32>
    %add3A_1092 = arith.addf %get3A_1083, %broadcast_in_dim3A_1091 : vector<1x64xf32>
    %swap3A_1093 = arith.constant 23 : index
    %swap3A_1094 = arith.constant 0 : index
    %swap3A_1095 = vector.load %arg9[%swap3A_1093, %swap3A_1094] : memref<32x64xf32, #tpu.memory_space<vmem>>, vector<1x64xf32>
    tpu.vector_store %arg9[%swap3A_1093, %swap3A_1094], %add3A_1092 {strides = array<i32>} : memref<32x64xf32, #tpu.memory_space<vmem>>, vector<1x64xf32>,
    %get3A_1096 = arith.constant 23 : index
    %get3A_1097 = arith.constant 0 : index
    %get3A_1098 = vector.load %arg10[%get3A_1096, %get3A_1097] : memref<32x1xf32, #tpu.memory_space<vmem>>, vector<1x1xf32>
    %convert_element_type3A_1099 = arith.extui %eq3A_1065 : vector<400x1xi1> to vector<400x1xi32>
    %convert_element_type3A_1100 = arith.sitofp %convert_element_type3A_1099 : vector<400x1xi32> to vector<400x1xf32>
    %reduce_sum3A_1101 = arith.constant dense<0.000000e+00> : vector<1xf32>
    %reduce_sum3A_1102 = vector.multi_reduction <add>, %convert_element_type3A_1100, %reduce_sum3A_1101 [0] : vector<400x1xf32> to vector<1xf32>
    %broadcast_in_dim3A_1103 = vector.shape_cast %reduce_sum3A_1102 : vector<1xf32> to vector<1x1xf32>
    %add3A_1104 = arith.addf %get3A_1098, %broadcast_in_dim3A_1103 : vector<1x1xf32>
    %swap3A_1105 = arith.constant 23 : index
    %swap3A_1106 = arith.constant 0 : index
    %swap3A_1107 = vector.load %arg10[%swap3A_1105, %swap3A_1106] : memref<32x1xf32, #tpu.memory_space<vmem>>, vector<1x1xf32>
    tpu.vector_store %arg10[%swap3A_1105, %swap3A_1106], %add3A_1104 {strides = array<i32>} : memref<32x1xf32, #tpu.memory_space<vmem>>, vector<1x1xf32>,
    %eq3A_1108 = arith.constant 2.400000e+01 : f32
    %eq3A_1109 = vector.broadcast %eq3A_1108 : f32 to vector<400x1xf32>
    %eq3A_1110 = arith.cmpf oeq, %get3A_31, %eq3A_1109 : vector<400x1xf32>
    %jit3A_1111 = arith.constant 0xFF800000 : f32
    %broadcast_in_dim3A_1112 = vector.shape_cast %eq3A_1110 : vector<400x1xi1> to vector<400x1xi1>
    %broadcast_in_dim3A_1113 = vector.broadcast %broadcast_in_dim3A_1112 : vector<400x1xi1> to vector<400x64xi1>
    %broadcast_in_dim3A_1114 = vector.broadcast %jit3A_1111 : f32 to vector<400x64xf32>
    %select_n3A_1115 = arith.select %broadcast_in_dim3A_1113, %add3A_28, %broadcast_in_dim3A_1114 : vector<400x64xi1>, vector<400x64xf32>
    %get3A_1116 = arith.constant 24 : index
    %get3A_1117 = arith.constant 0 : index
    %get3A_1118 = vector.load %arg8[%get3A_1116, %get3A_1117] : memref<32x64xf32, #tpu.memory_space<vmem>>, vector<1x64xf32>
    %reduce_max3A_1119 = arith.constant dense<0xFF800000> : vector<64xf32>
    %reduce_max3A_1120 = vector.multi_reduction <maximumf>, %select_n3A_1115, %reduce_max3A_1119 [0] : vector<400x64xf32> to vector<64xf32>
    %broadcast_in_dim3A_1121 = vector.shape_cast %reduce_max3A_1120 : vector<64xf32> to vector<1x64xf32>
    %max3A_1122 = arith.maximumf %get3A_1118, %broadcast_in_dim3A_1121 : vector<1x64xf32>
    %swap3A_1123 = arith.constant 24 : index
    %swap3A_1124 = arith.constant 0 : index
    %swap3A_1125 = vector.load %arg8[%swap3A_1123, %swap3A_1124] : memref<32x64xf32, #tpu.memory_space<vmem>>, vector<1x64xf32>
    tpu.vector_store %arg8[%swap3A_1123, %swap3A_1124], %max3A_1122 {strides = array<i32>} : memref<32x64xf32, #tpu.memory_space<vmem>>, vector<1x64xf32>,
    %get3A_1126 = arith.constant 24 : index
    %get3A_1127 = arith.constant 0 : index
    %get3A_1128 = vector.load %arg9[%get3A_1126, %get3A_1127] : memref<32x64xf32, #tpu.memory_space<vmem>>, vector<1x64xf32>
    %jit3A_1129 = arith.constant 0.000000e+00 : f32
    %broadcast_in_dim3A_1130 = vector.shape_cast %eq3A_1110 : vector<400x1xi1> to vector<400x1xi1>
    %broadcast_in_dim3A_1131 = vector.broadcast %broadcast_in_dim3A_1130 : vector<400x1xi1> to vector<400x64xi1>
    %broadcast_in_dim3A_1132 = vector.broadcast %jit3A_1129 : f32 to vector<400x64xf32>
    %select_n3A_1133 = arith.select %broadcast_in_dim3A_1131, %add3A_28, %broadcast_in_dim3A_1132 : vector<400x64xi1>, vector<400x64xf32>
    %reduce_sum3A_1134 = arith.constant dense<0.000000e+00> : vector<64xf32>
    %reduce_sum3A_1135 = vector.multi_reduction <add>, %select_n3A_1133, %reduce_sum3A_1134 [0] : vector<400x64xf32> to vector<64xf32>
    %broadcast_in_dim3A_1136 = vector.shape_cast %reduce_sum3A_1135 : vector<64xf32> to vector<1x64xf32>
    %add3A_1137 = arith.addf %get3A_1128, %broadcast_in_dim3A_1136 : vector<1x64xf32>
    %swap3A_1138 = arith.constant 24 : index
    %swap3A_1139 = arith.constant 0 : index
    %swap3A_1140 = vector.load %arg9[%swap3A_1138, %swap3A_1139] : memref<32x64xf32, #tpu.memory_space<vmem>>, vector<1x64xf32>
    tpu.vector_store %arg9[%swap3A_1138, %swap3A_1139], %add3A_1137 {strides = array<i32>} : memref<32x64xf32, #tpu.memory_space<vmem>>, vector<1x64xf32>,
    %get3A_1141 = arith.constant 24 : index
    %get3A_1142 = arith.constant 0 : index
    %get3A_1143 = vector.load %arg10[%get3A_1141, %get3A_1142] : memref<32x1xf32, #tpu.memory_space<vmem>>, vector<1x1xf32>
    %convert_element_type3A_1144 = arith.extui %eq3A_1110 : vector<400x1xi1> to vector<400x1xi32>
    %convert_element_type3A_1145 = arith.sitofp %convert_element_type3A_1144 : vector<400x1xi32> to vector<400x1xf32>
    %reduce_sum3A_1146 = arith.constant dense<0.000000e+00> : vector<1xf32>
    %reduce_sum3A_1147 = vector.multi_reduction <add>, %convert_element_type3A_1145, %reduce_sum3A_1146 [0] : vector<400x1xf32> to vector<1xf32>
    %broadcast_in_dim3A_1148 = vector.shape_cast %reduce_sum3A_1147 : vector<1xf32> to vector<1x1xf32>
    %add3A_1149 = arith.addf %get3A_1143, %broadcast_in_dim3A_1148 : vector<1x1xf32>
    %swap3A_1150 = arith.constant 24 : index
    %swap3A_1151 = arith.constant 0 : index
    %swap3A_1152 = vector.load %arg10[%swap3A_1150, %swap3A_1151] : memref<32x1xf32, #tpu.memory_space<vmem>>, vector<1x1xf32>
    tpu.vector_store %arg10[%swap3A_1150, %swap3A_1151], %add3A_1149 {strides = array<i32>} : memref<32x1xf32, #tpu.memory_space<vmem>>, vector<1x1xf32>,
    %eq3A_1153 = arith.constant 2.500000e+01 : f32
    %eq3A_1154 = vector.broadcast %eq3A_1153 : f32 to vector<400x1xf32>
    %eq3A_1155 = arith.cmpf oeq, %get3A_31, %eq3A_1154 : vector<400x1xf32>
    %jit3A_1156 = arith.constant 0xFF800000 : f32
    %broadcast_in_dim3A_1157 = vector.shape_cast %eq3A_1155 : vector<400x1xi1> to vector<400x1xi1>
    %broadcast_in_dim3A_1158 = vector.broadcast %broadcast_in_dim3A_1157 : vector<400x1xi1> to vector<400x64xi1>
    %broadcast_in_dim3A_1159 = vector.broadcast %jit3A_1156 : f32 to vector<400x64xf32>
    %select_n3A_1160 = arith.select %broadcast_in_dim3A_1158, %add3A_28, %broadcast_in_dim3A_1159 : vector<400x64xi1>, vector<400x64xf32>
    %get3A_1161 = arith.constant 25 : index
    %get3A_1162 = arith.constant 0 : index
    %get3A_1163 = vector.load %arg8[%get3A_1161, %get3A_1162] : memref<32x64xf32, #tpu.memory_space<vmem>>, vector<1x64xf32>
    %reduce_max3A_1164 = arith.constant dense<0xFF800000> : vector<64xf32>
    %reduce_max3A_1165 = vector.multi_reduction <maximumf>, %select_n3A_1160, %reduce_max3A_1164 [0] : vector<400x64xf32> to vector<64xf32>
    %broadcast_in_dim3A_1166 = vector.shape_cast %reduce_max3A_1165 : vector<64xf32> to vector<1x64xf32>
    %max3A_1167 = arith.maximumf %get3A_1163, %broadcast_in_dim3A_1166 : vector<1x64xf32>
    %swap3A_1168 = arith.constant 25 : index
    %swap3A_1169 = arith.constant 0 : index
    %swap3A_1170 = vector.load %arg8[%swap3A_1168, %swap3A_1169] : memref<32x64xf32, #tpu.memory_space<vmem>>, vector<1x64xf32>
    tpu.vector_store %arg8[%swap3A_1168, %swap3A_1169], %max3A_1167 {strides = array<i32>} : memref<32x64xf32, #tpu.memory_space<vmem>>, vector<1x64xf32>,
    %get3A_1171 = arith.constant 25 : index
    %get3A_1172 = arith.constant 0 : index
    %get3A_1173 = vector.load %arg9[%get3A_1171, %get3A_1172] : memref<32x64xf32, #tpu.memory_space<vmem>>, vector<1x64xf32>
    %jit3A_1174 = arith.constant 0.000000e+00 : f32
    %broadcast_in_dim3A_1175 = vector.shape_cast %eq3A_1155 : vector<400x1xi1> to vector<400x1xi1>
    %broadcast_in_dim3A_1176 = vector.broadcast %broadcast_in_dim3A_1175 : vector<400x1xi1> to vector<400x64xi1>
    %broadcast_in_dim3A_1177 = vector.broadcast %jit3A_1174 : f32 to vector<400x64xf32>
    %select_n3A_1178 = arith.select %broadcast_in_dim3A_1176, %add3A_28, %broadcast_in_dim3A_1177 : vector<400x64xi1>, vector<400x64xf32>
    %reduce_sum3A_1179 = arith.constant dense<0.000000e+00> : vector<64xf32>
    %reduce_sum3A_1180 = vector.multi_reduction <add>, %select_n3A_1178, %reduce_sum3A_1179 [0] : vector<400x64xf32> to vector<64xf32>
    %broadcast_in_dim3A_1181 = vector.shape_cast %reduce_sum3A_1180 : vector<64xf32> to vector<1x64xf32>
    %add3A_1182 = arith.addf %get3A_1173, %broadcast_in_dim3A_1181 : vector<1x64xf32>
    %swap3A_1183 = arith.constant 25 : index
    %swap3A_1184 = arith.constant 0 : index
    %swap3A_1185 = vector.load %arg9[%swap3A_1183, %swap3A_1184] : memref<32x64xf32, #tpu.memory_space<vmem>>, vector<1x64xf32>
    tpu.vector_store %arg9[%swap3A_1183, %swap3A_1184], %add3A_1182 {strides = array<i32>} : memref<32x64xf32, #tpu.memory_space<vmem>>, vector<1x64xf32>,
    %get3A_1186 = arith.constant 25 : index
    %get3A_1187 = arith.constant 0 : index
    %get3A_1188 = vector.load %arg10[%get3A_1186, %get3A_1187] : memref<32x1xf32, #tpu.memory_space<vmem>>, vector<1x1xf32>
    %convert_element_type3A_1189 = arith.extui %eq3A_1155 : vector<400x1xi1> to vector<400x1xi32>
    %convert_element_type3A_1190 = arith.sitofp %convert_element_type3A_1189 : vector<400x1xi32> to vector<400x1xf32>
    %reduce_sum3A_1191 = arith.constant dense<0.000000e+00> : vector<1xf32>
    %reduce_sum3A_1192 = vector.multi_reduction <add>, %convert_element_type3A_1190, %reduce_sum3A_1191 [0] : vector<400x1xf32> to vector<1xf32>
    %broadcast_in_dim3A_1193 = vector.shape_cast %reduce_sum3A_1192 : vector<1xf32> to vector<1x1xf32>
    %add3A_1194 = arith.addf %get3A_1188, %broadcast_in_dim3A_1193 : vector<1x1xf32>
    %swap3A_1195 = arith.constant 25 : index
    %swap3A_1196 = arith.constant 0 : index
    %swap3A_1197 = vector.load %arg10[%swap3A_1195, %swap3A_1196] : memref<32x1xf32, #tpu.memory_space<vmem>>, vector<1x1xf32>
    tpu.vector_store %arg10[%swap3A_1195, %swap3A_1196], %add3A_1194 {strides = array<i32>} : memref<32x1xf32, #tpu.memory_space<vmem>>, vector<1x1xf32>,
    %eq3A_1198 = arith.constant 2.600000e+01 : f32
    %eq3A_1199 = vector.broadcast %eq3A_1198 : f32 to vector<400x1xf32>
    %eq3A_1200 = arith.cmpf oeq, %get3A_31, %eq3A_1199 : vector<400x1xf32>
    %jit3A_1201 = arith.constant 0xFF800000 : f32
    %broadcast_in_dim3A_1202 = vector.shape_cast %eq3A_1200 : vector<400x1xi1> to vector<400x1xi1>
    %broadcast_in_dim3A_1203 = vector.broadcast %broadcast_in_dim3A_1202 : vector<400x1xi1> to vector<400x64xi1>
    %broadcast_in_dim3A_1204 = vector.broadcast %jit3A_1201 : f32 to vector<400x64xf32>
    %select_n3A_1205 = arith.select %broadcast_in_dim3A_1203, %add3A_28, %broadcast_in_dim3A_1204 : vector<400x64xi1>, vector<400x64xf32>
    %get3A_1206 = arith.constant 26 : index
    %get3A_1207 = arith.constant 0 : index
    %get3A_1208 = vector.load %arg8[%get3A_1206, %get3A_1207] : memref<32x64xf32, #tpu.memory_space<vmem>>, vector<1x64xf32>
    %reduce_max3A_1209 = arith.constant dense<0xFF800000> : vector<64xf32>
    %reduce_max3A_1210 = vector.multi_reduction <maximumf>, %select_n3A_1205, %reduce_max3A_1209 [0] : vector<400x64xf32> to vector<64xf32>
    %broadcast_in_dim3A_1211 = vector.shape_cast %reduce_max3A_1210 : vector<64xf32> to vector<1x64xf32>
    %max3A_1212 = arith.maximumf %get3A_1208, %broadcast_in_dim3A_1211 : vector<1x64xf32>
    %swap3A_1213 = arith.constant 26 : index
    %swap3A_1214 = arith.constant 0 : index
    %swap3A_1215 = vector.load %arg8[%swap3A_1213, %swap3A_1214] : memref<32x64xf32, #tpu.memory_space<vmem>>, vector<1x64xf32>
    tpu.vector_store %arg8[%swap3A_1213, %swap3A_1214], %max3A_1212 {strides = array<i32>} : memref<32x64xf32, #tpu.memory_space<vmem>>, vector<1x64xf32>,
    %get3A_1216 = arith.constant 26 : index
    %get3A_1217 = arith.constant 0 : index
    %get3A_1218 = vector.load %arg9[%get3A_1216, %get3A_1217] : memref<32x64xf32, #tpu.memory_space<vmem>>, vector<1x64xf32>
    %jit3A_1219 = arith.constant 0.000000e+00 : f32
    %broadcast_in_dim3A_1220 = vector.shape_cast %eq3A_1200 : vector<400x1xi1> to vector<400x1xi1>
    %broadcast_in_dim3A_1221 = vector.broadcast %broadcast_in_dim3A_1220 : vector<400x1xi1> to vector<400x64xi1>
    %broadcast_in_dim3A_1222 = vector.broadcast %jit3A_1219 : f32 to vector<400x64xf32>
    %select_n3A_1223 = arith.select %broadcast_in_dim3A_1221, %add3A_28, %broadcast_in_dim3A_1222 : vector<400x64xi1>, vector<400x64xf32>
    %reduce_sum3A_1224 = arith.constant dense<0.000000e+00> : vector<64xf32>
    %reduce_sum3A_1225 = vector.multi_reduction <add>, %select_n3A_1223, %reduce_sum3A_1224 [0] : vector<400x64xf32> to vector<64xf32>
    %broadcast_in_dim3A_1226 = vector.shape_cast %reduce_sum3A_1225 : vector<64xf32> to vector<1x64xf32>
    %add3A_1227 = arith.addf %get3A_1218, %broadcast_in_dim3A_1226 : vector<1x64xf32>
    %swap3A_1228 = arith.constant 26 : index
    %swap3A_1229 = arith.constant 0 : index
    %swap3A_1230 = vector.load %arg9[%swap3A_1228, %swap3A_1229] : memref<32x64xf32, #tpu.memory_space<vmem>>, vector<1x64xf32>
    tpu.vector_store %arg9[%swap3A_1228, %swap3A_1229], %add3A_1227 {strides = array<i32>} : memref<32x64xf32, #tpu.memory_space<vmem>>, vector<1x64xf32>,
    %get3A_1231 = arith.constant 26 : index
    %get3A_1232 = arith.constant 0 : index
    %get3A_1233 = vector.load %arg10[%get3A_1231, %get3A_1232] : memref<32x1xf32, #tpu.memory_space<vmem>>, vector<1x1xf32>
    %convert_element_type3A_1234 = arith.extui %eq3A_1200 : vector<400x1xi1> to vector<400x1xi32>
    %convert_element_type3A_1235 = arith.sitofp %convert_element_type3A_1234 : vector<400x1xi32> to vector<400x1xf32>
    %reduce_sum3A_1236 = arith.constant dense<0.000000e+00> : vector<1xf32>
    %reduce_sum3A_1237 = vector.multi_reduction <add>, %convert_element_type3A_1235, %reduce_sum3A_1236 [0] : vector<400x1xf32> to vector<1xf32>
    %broadcast_in_dim3A_1238 = vector.shape_cast %reduce_sum3A_1237 : vector<1xf32> to vector<1x1xf32>
    %add3A_1239 = arith.addf %get3A_1233, %broadcast_in_dim3A_1238 : vector<1x1xf32>
    %swap3A_1240 = arith.constant 26 : index
    %swap3A_1241 = arith.constant 0 : index
    %swap3A_1242 = vector.load %arg10[%swap3A_1240, %swap3A_1241] : memref<32x1xf32, #tpu.memory_space<vmem>>, vector<1x1xf32>
    tpu.vector_store %arg10[%swap3A_1240, %swap3A_1241], %add3A_1239 {strides = array<i32>} : memref<32x1xf32, #tpu.memory_space<vmem>>, vector<1x1xf32>,
    %eq3A_1243 = arith.constant 2.700000e+01 : f32
    %eq3A_1244 = vector.broadcast %eq3A_1243 : f32 to vector<400x1xf32>
    %eq3A_1245 = arith.cmpf oeq, %get3A_31, %eq3A_1244 : vector<400x1xf32>
    %jit3A_1246 = arith.constant 0xFF800000 : f32
    %broadcast_in_dim3A_1247 = vector.shape_cast %eq3A_1245 : vector<400x1xi1> to vector<400x1xi1>
    %broadcast_in_dim3A_1248 = vector.broadcast %broadcast_in_dim3A_1247 : vector<400x1xi1> to vector<400x64xi1>
    %broadcast_in_dim3A_1249 = vector.broadcast %jit3A_1246 : f32 to vector<400x64xf32>
    %select_n3A_1250 = arith.select %broadcast_in_dim3A_1248, %add3A_28, %broadcast_in_dim3A_1249 : vector<400x64xi1>, vector<400x64xf32>
    %get3A_1251 = arith.constant 27 : index
    %get3A_1252 = arith.constant 0 : index
    %get3A_1253 = vector.load %arg8[%get3A_1251, %get3A_1252] : memref<32x64xf32, #tpu.memory_space<vmem>>, vector<1x64xf32>
    %reduce_max3A_1254 = arith.constant dense<0xFF800000> : vector<64xf32>
    %reduce_max3A_1255 = vector.multi_reduction <maximumf>, %select_n3A_1250, %reduce_max3A_1254 [0] : vector<400x64xf32> to vector<64xf32>
    %broadcast_in_dim3A_1256 = vector.shape_cast %reduce_max3A_1255 : vector<64xf32> to vector<1x64xf32>
    %max3A_1257 = arith.maximumf %get3A_1253, %broadcast_in_dim3A_1256 : vector<1x64xf32>
    %swap3A_1258 = arith.constant 27 : index
    %swap3A_1259 = arith.constant 0 : index
    %swap3A_1260 = vector.load %arg8[%swap3A_1258, %swap3A_1259] : memref<32x64xf32, #tpu.memory_space<vmem>>, vector<1x64xf32>
    tpu.vector_store %arg8[%swap3A_1258, %swap3A_1259], %max3A_1257 {strides = array<i32>} : memref<32x64xf32, #tpu.memory_space<vmem>>, vector<1x64xf32>,
    %get3A_1261 = arith.constant 27 : index
    %get3A_1262 = arith.constant 0 : index
    %get3A_1263 = vector.load %arg9[%get3A_1261, %get3A_1262] : memref<32x64xf32, #tpu.memory_space<vmem>>, vector<1x64xf32>
    %jit3A_1264 = arith.constant 0.000000e+00 : f32
    %broadcast_in_dim3A_1265 = vector.shape_cast %eq3A_1245 : vector<400x1xi1> to vector<400x1xi1>
    %broadcast_in_dim3A_1266 = vector.broadcast %broadcast_in_dim3A_1265 : vector<400x1xi1> to vector<400x64xi1>
    %broadcast_in_dim3A_1267 = vector.broadcast %jit3A_1264 : f32 to vector<400x64xf32>
    %select_n3A_1268 = arith.select %broadcast_in_dim3A_1266, %add3A_28, %broadcast_in_dim3A_1267 : vector<400x64xi1>, vector<400x64xf32>
    %reduce_sum3A_1269 = arith.constant dense<0.000000e+00> : vector<64xf32>
    %reduce_sum3A_1270 = vector.multi_reduction <add>, %select_n3A_1268, %reduce_sum3A_1269 [0] : vector<400x64xf32> to vector<64xf32>
    %broadcast_in_dim3A_1271 = vector.shape_cast %reduce_sum3A_1270 : vector<64xf32> to vector<1x64xf32>
    %add3A_1272 = arith.addf %get3A_1263, %broadcast_in_dim3A_1271 : vector<1x64xf32>
    %swap3A_1273 = arith.constant 27 : index
    %swap3A_1274 = arith.constant 0 : index
    %swap3A_1275 = vector.load %arg9[%swap3A_1273, %swap3A_1274] : memref<32x64xf32, #tpu.memory_space<vmem>>, vector<1x64xf32>
    tpu.vector_store %arg9[%swap3A_1273, %swap3A_1274], %add3A_1272 {strides = array<i32>} : memref<32x64xf32, #tpu.memory_space<vmem>>, vector<1x64xf32>,
    %get3A_1276 = arith.constant 27 : index
    %get3A_1277 = arith.constant 0 : index
    %get3A_1278 = vector.load %arg10[%get3A_1276, %get3A_1277] : memref<32x1xf32, #tpu.memory_space<vmem>>, vector<1x1xf32>
    %convert_element_type3A_1279 = arith.extui %eq3A_1245 : vector<400x1xi1> to vector<400x1xi32>
    %convert_element_type3A_1280 = arith.sitofp %convert_element_type3A_1279 : vector<400x1xi32> to vector<400x1xf32>
    %reduce_sum3A_1281 = arith.constant dense<0.000000e+00> : vector<1xf32>
    %reduce_sum3A_1282 = vector.multi_reduction <add>, %convert_element_type3A_1280, %reduce_sum3A_1281 [0] : vector<400x1xf32> to vector<1xf32>
    %broadcast_in_dim3A_1283 = vector.shape_cast %reduce_sum3A_1282 : vector<1xf32> to vector<1x1xf32>
    %add3A_1284 = arith.addf %get3A_1278, %broadcast_in_dim3A_1283 : vector<1x1xf32>
    %swap3A_1285 = arith.constant 27 : index
    %swap3A_1286 = arith.constant 0 : index
    %swap3A_1287 = vector.load %arg10[%swap3A_1285, %swap3A_1286] : memref<32x1xf32, #tpu.memory_space<vmem>>, vector<1x1xf32>
    tpu.vector_store %arg10[%swap3A_1285, %swap3A_1286], %add3A_1284 {strides = array<i32>} : memref<32x1xf32, #tpu.memory_space<vmem>>, vector<1x1xf32>,
    %eq3A_1288 = arith.constant 2.800000e+01 : f32
    %eq3A_1289 = vector.broadcast %eq3A_1288 : f32 to vector<400x1xf32>
    %eq3A_1290 = arith.cmpf oeq, %get3A_31, %eq3A_1289 : vector<400x1xf32>
    %jit3A_1291 = arith.constant 0xFF800000 : f32
    %broadcast_in_dim3A_1292 = vector.shape_cast %eq3A_1290 : vector<400x1xi1> to vector<400x1xi1>
    %broadcast_in_dim3A_1293 = vector.broadcast %broadcast_in_dim3A_1292 : vector<400x1xi1> to vector<400x64xi1>
    %broadcast_in_dim3A_1294 = vector.broadcast %jit3A_1291 : f32 to vector<400x64xf32>
    %select_n3A_1295 = arith.select %broadcast_in_dim3A_1293, %add3A_28, %broadcast_in_dim3A_1294 : vector<400x64xi1>, vector<400x64xf32>
    %get3A_1296 = arith.constant 28 : index
    %get3A_1297 = arith.constant 0 : index
    %get3A_1298 = vector.load %arg8[%get3A_1296, %get3A_1297] : memref<32x64xf32, #tpu.memory_space<vmem>>, vector<1x64xf32>
    %reduce_max3A_1299 = arith.constant dense<0xFF800000> : vector<64xf32>
    %reduce_max3A_1300 = vector.multi_reduction <maximumf>, %select_n3A_1295, %reduce_max3A_1299 [0] : vector<400x64xf32> to vector<64xf32>
    %broadcast_in_dim3A_1301 = vector.shape_cast %reduce_max3A_1300 : vector<64xf32> to vector<1x64xf32>
    %max3A_1302 = arith.maximumf %get3A_1298, %broadcast_in_dim3A_1301 : vector<1x64xf32>
    %swap3A_1303 = arith.constant 28 : index
    %swap3A_1304 = arith.constant 0 : index
    %swap3A_1305 = vector.load %arg8[%swap3A_1303, %swap3A_1304] : memref<32x64xf32, #tpu.memory_space<vmem>>, vector<1x64xf32>
    tpu.vector_store %arg8[%swap3A_1303, %swap3A_1304], %max3A_1302 {strides = array<i32>} : memref<32x64xf32, #tpu.memory_space<vmem>>, vector<1x64xf32>,
    %get3A_1306 = arith.constant 28 : index
    %get3A_1307 = arith.constant 0 : index
    %get3A_1308 = vector.load %arg9[%get3A_1306, %get3A_1307] : memref<32x64xf32, #tpu.memory_space<vmem>>, vector<1x64xf32>
    %jit3A_1309 = arith.constant 0.000000e+00 : f32
    %broadcast_in_dim3A_1310 = vector.shape_cast %eq3A_1290 : vector<400x1xi1> to vector<400x1xi1>
    %broadcast_in_dim3A_1311 = vector.broadcast %broadcast_in_dim3A_1310 : vector<400x1xi1> to vector<400x64xi1>
    %broadcast_in_dim3A_1312 = vector.broadcast %jit3A_1309 : f32 to vector<400x64xf32>
    %select_n3A_1313 = arith.select %broadcast_in_dim3A_1311, %add3A_28, %broadcast_in_dim3A_1312 : vector<400x64xi1>, vector<400x64xf32>
    %reduce_sum3A_1314 = arith.constant dense<0.000000e+00> : vector<64xf32>
    %reduce_sum3A_1315 = vector.multi_reduction <add>, %select_n3A_1313, %reduce_sum3A_1314 [0] : vector<400x64xf32> to vector<64xf32>
    %broadcast_in_dim3A_1316 = vector.shape_cast %reduce_sum3A_1315 : vector<64xf32> to vector<1x64xf32>
    %add3A_1317 = arith.addf %get3A_1308, %broadcast_in_dim3A_1316 : vector<1x64xf32>
    %swap3A_1318 = arith.constant 28 : index
    %swap3A_1319 = arith.constant 0 : index
    %swap3A_1320 = vector.load %arg9[%swap3A_1318, %swap3A_1319] : memref<32x64xf32, #tpu.memory_space<vmem>>, vector<1x64xf32>
    tpu.vector_store %arg9[%swap3A_1318, %swap3A_1319], %add3A_1317 {strides = array<i32>} : memref<32x64xf32, #tpu.memory_space<vmem>>, vector<1x64xf32>,
    %get3A_1321 = arith.constant 28 : index
    %get3A_1322 = arith.constant 0 : index
    %get3A_1323 = vector.load %arg10[%get3A_1321, %get3A_1322] : memref<32x1xf32, #tpu.memory_space<vmem>>, vector<1x1xf32>
    %convert_element_type3A_1324 = arith.extui %eq3A_1290 : vector<400x1xi1> to vector<400x1xi32>
    %convert_element_type3A_1325 = arith.sitofp %convert_element_type3A_1324 : vector<400x1xi32> to vector<400x1xf32>
    %reduce_sum3A_1326 = arith.constant dense<0.000000e+00> : vector<1xf32>
    %reduce_sum3A_1327 = vector.multi_reduction <add>, %convert_element_type3A_1325, %reduce_sum3A_1326 [0] : vector<400x1xf32> to vector<1xf32>
    %broadcast_in_dim3A_1328 = vector.shape_cast %reduce_sum3A_1327 : vector<1xf32> to vector<1x1xf32>
    %add3A_1329 = arith.addf %get3A_1323, %broadcast_in_dim3A_1328 : vector<1x1xf32>
    %swap3A_1330 = arith.constant 28 : index
    %swap3A_1331 = arith.constant 0 : index
    %swap3A_1332 = vector.load %arg10[%swap3A_1330, %swap3A_1331] : memref<32x1xf32, #tpu.memory_space<vmem>>, vector<1x1xf32>
    tpu.vector_store %arg10[%swap3A_1330, %swap3A_1331], %add3A_1329 {strides = array<i32>} : memref<32x1xf32, #tpu.memory_space<vmem>>, vector<1x1xf32>,
    %eq3A_1333 = arith.constant 2.900000e+01 : f32
    %eq3A_1334 = vector.broadcast %eq3A_1333 : f32 to vector<400x1xf32>
    %eq3A_1335 = arith.cmpf oeq, %get3A_31, %eq3A_1334 : vector<400x1xf32>
    %jit3A_1336 = arith.constant 0xFF800000 : f32
    %broadcast_in_dim3A_1337 = vector.shape_cast %eq3A_1335 : vector<400x1xi1> to vector<400x1xi1>
    %broadcast_in_dim3A_1338 = vector.broadcast %broadcast_in_dim3A_1337 : vector<400x1xi1> to vector<400x64xi1>
    %broadcast_in_dim3A_1339 = vector.broadcast %jit3A_1336 : f32 to vector<400x64xf32>
    %select_n3A_1340 = arith.select %broadcast_in_dim3A_1338, %add3A_28, %broadcast_in_dim3A_1339 : vector<400x64xi1>, vector<400x64xf32>
    %get3A_1341 = arith.constant 29 : index
    %get3A_1342 = arith.constant 0 : index
    %get3A_1343 = vector.load %arg8[%get3A_1341, %get3A_1342] : memref<32x64xf32, #tpu.memory_space<vmem>>, vector<1x64xf32>
    %reduce_max3A_1344 = arith.constant dense<0xFF800000> : vector<64xf32>
    %reduce_max3A_1345 = vector.multi_reduction <maximumf>, %select_n3A_1340, %reduce_max3A_1344 [0] : vector<400x64xf32> to vector<64xf32>
    %broadcast_in_dim3A_1346 = vector.shape_cast %reduce_max3A_1345 : vector<64xf32> to vector<1x64xf32>
    %max3A_1347 = arith.maximumf %get3A_1343, %broadcast_in_dim3A_1346 : vector<1x64xf32>
    %swap3A_1348 = arith.constant 29 : index
    %swap3A_1349 = arith.constant 0 : index
    %swap3A_1350 = vector.load %arg8[%swap3A_1348, %swap3A_1349] : memref<32x64xf32, #tpu.memory_space<vmem>>, vector<1x64xf32>
    tpu.vector_store %arg8[%swap3A_1348, %swap3A_1349], %max3A_1347 {strides = array<i32>} : memref<32x64xf32, #tpu.memory_space<vmem>>, vector<1x64xf32>,
    %get3A_1351 = arith.constant 29 : index
    %get3A_1352 = arith.constant 0 : index
    %get3A_1353 = vector.load %arg9[%get3A_1351, %get3A_1352] : memref<32x64xf32, #tpu.memory_space<vmem>>, vector<1x64xf32>
    %jit3A_1354 = arith.constant 0.000000e+00 : f32
    %broadcast_in_dim3A_1355 = vector.shape_cast %eq3A_1335 : vector<400x1xi1> to vector<400x1xi1>
    %broadcast_in_dim3A_1356 = vector.broadcast %broadcast_in_dim3A_1355 : vector<400x1xi1> to vector<400x64xi1>
    %broadcast_in_dim3A_1357 = vector.broadcast %jit3A_1354 : f32 to vector<400x64xf32>
    %select_n3A_1358 = arith.select %broadcast_in_dim3A_1356, %add3A_28, %broadcast_in_dim3A_1357 : vector<400x64xi1>, vector<400x64xf32>
    %reduce_sum3A_1359 = arith.constant dense<0.000000e+00> : vector<64xf32>
    %reduce_sum3A_1360 = vector.multi_reduction <add>, %select_n3A_1358, %reduce_sum3A_1359 [0] : vector<400x64xf32> to vector<64xf32>
    %broadcast_in_dim3A_1361 = vector.shape_cast %reduce_sum3A_1360 : vector<64xf32> to vector<1x64xf32>
    %add3A_1362 = arith.addf %get3A_1353, %broadcast_in_dim3A_1361 : vector<1x64xf32>
    %swap3A_1363 = arith.constant 29 : index
    %swap3A_1364 = arith.constant 0 : index
    %swap3A_1365 = vector.load %arg9[%swap3A_1363, %swap3A_1364] : memref<32x64xf32, #tpu.memory_space<vmem>>, vector<1x64xf32>
    tpu.vector_store %arg9[%swap3A_1363, %swap3A_1364], %add3A_1362 {strides = array<i32>} : memref<32x64xf32, #tpu.memory_space<vmem>>, vector<1x64xf32>,
    %get3A_1366 = arith.constant 29 : index
    %get3A_1367 = arith.constant 0 : index
    %get3A_1368 = vector.load %arg10[%get3A_1366, %get3A_1367] : memref<32x1xf32, #tpu.memory_space<vmem>>, vector<1x1xf32>
    %convert_element_type3A_1369 = arith.extui %eq3A_1335 : vector<400x1xi1> to vector<400x1xi32>
    %convert_element_type3A_1370 = arith.sitofp %convert_element_type3A_1369 : vector<400x1xi32> to vector<400x1xf32>
    %reduce_sum3A_1371 = arith.constant dense<0.000000e+00> : vector<1xf32>
    %reduce_sum3A_1372 = vector.multi_reduction <add>, %convert_element_type3A_1370, %reduce_sum3A_1371 [0] : vector<400x1xf32> to vector<1xf32>
    %broadcast_in_dim3A_1373 = vector.shape_cast %reduce_sum3A_1372 : vector<1xf32> to vector<1x1xf32>
    %add3A_1374 = arith.addf %get3A_1368, %broadcast_in_dim3A_1373 : vector<1x1xf32>
    %swap3A_1375 = arith.constant 29 : index
    %swap3A_1376 = arith.constant 0 : index
    %swap3A_1377 = vector.load %arg10[%swap3A_1375, %swap3A_1376] : memref<32x1xf32, #tpu.memory_space<vmem>>, vector<1x1xf32>
    tpu.vector_store %arg10[%swap3A_1375, %swap3A_1376], %add3A_1374 {strides = array<i32>} : memref<32x1xf32, #tpu.memory_space<vmem>>, vector<1x1xf32>,
    %eq3A_1378 = arith.constant 3.000000e+01 : f32
    %eq3A_1379 = vector.broadcast %eq3A_1378 : f32 to vector<400x1xf32>
    %eq3A_1380 = arith.cmpf oeq, %get3A_31, %eq3A_1379 : vector<400x1xf32>
    %jit3A_1381 = arith.constant 0xFF800000 : f32
    %broadcast_in_dim3A_1382 = vector.shape_cast %eq3A_1380 : vector<400x1xi1> to vector<400x1xi1>
    %broadcast_in_dim3A_1383 = vector.broadcast %broadcast_in_dim3A_1382 : vector<400x1xi1> to vector<400x64xi1>
    %broadcast_in_dim3A_1384 = vector.broadcast %jit3A_1381 : f32 to vector<400x64xf32>
    %select_n3A_1385 = arith.select %broadcast_in_dim3A_1383, %add3A_28, %broadcast_in_dim3A_1384 : vector<400x64xi1>, vector<400x64xf32>
    %get3A_1386 = arith.constant 30 : index
    %get3A_1387 = arith.constant 0 : index
    %get3A_1388 = vector.load %arg8[%get3A_1386, %get3A_1387] : memref<32x64xf32, #tpu.memory_space<vmem>>, vector<1x64xf32>
    %reduce_max3A_1389 = arith.constant dense<0xFF800000> : vector<64xf32>
    %reduce_max3A_1390 = vector.multi_reduction <maximumf>, %select_n3A_1385, %reduce_max3A_1389 [0] : vector<400x64xf32> to vector<64xf32>
    %broadcast_in_dim3A_1391 = vector.shape_cast %reduce_max3A_1390 : vector<64xf32> to vector<1x64xf32>
    %max3A_1392 = arith.maximumf %get3A_1388, %broadcast_in_dim3A_1391 : vector<1x64xf32>
    %swap3A_1393 = arith.constant 30 : index
    %swap3A_1394 = arith.constant 0 : index
    %swap3A_1395 = vector.load %arg8[%swap3A_1393, %swap3A_1394] : memref<32x64xf32, #tpu.memory_space<vmem>>, vector<1x64xf32>
    tpu.vector_store %arg8[%swap3A_1393, %swap3A_1394], %max3A_1392 {strides = array<i32>} : memref<32x64xf32, #tpu.memory_space<vmem>>, vector<1x64xf32>,
    %get3A_1396 = arith.constant 30 : index
    %get3A_1397 = arith.constant 0 : index
    %get3A_1398 = vector.load %arg9[%get3A_1396, %get3A_1397] : memref<32x64xf32, #tpu.memory_space<vmem>>, vector<1x64xf32>
    %jit3A_1399 = arith.constant 0.000000e+00 : f32
    %broadcast_in_dim3A_1400 = vector.shape_cast %eq3A_1380 : vector<400x1xi1> to vector<400x1xi1>
    %broadcast_in_dim3A_1401 = vector.broadcast %broadcast_in_dim3A_1400 : vector<400x1xi1> to vector<400x64xi1>
    %broadcast_in_dim3A_1402 = vector.broadcast %jit3A_1399 : f32 to vector<400x64xf32>
    %select_n3A_1403 = arith.select %broadcast_in_dim3A_1401, %add3A_28, %broadcast_in_dim3A_1402 : vector<400x64xi1>, vector<400x64xf32>
    %reduce_sum3A_1404 = arith.constant dense<0.000000e+00> : vector<64xf32>
    %reduce_sum3A_1405 = vector.multi_reduction <add>, %select_n3A_1403, %reduce_sum3A_1404 [0] : vector<400x64xf32> to vector<64xf32>
    %broadcast_in_dim3A_1406 = vector.shape_cast %reduce_sum3A_1405 : vector<64xf32> to vector<1x64xf32>
    %add3A_1407 = arith.addf %get3A_1398, %broadcast_in_dim3A_1406 : vector<1x64xf32>
    %swap3A_1408 = arith.constant 30 : index
    %swap3A_1409 = arith.constant 0 : index
    %swap3A_1410 = vector.load %arg9[%swap3A_1408, %swap3A_1409] : memref<32x64xf32, #tpu.memory_space<vmem>>, vector<1x64xf32>
    tpu.vector_store %arg9[%swap3A_1408, %swap3A_1409], %add3A_1407 {strides = array<i32>} : memref<32x64xf32, #tpu.memory_space<vmem>>, vector<1x64xf32>,
    %get3A_1411 = arith.constant 30 : index
    %get3A_1412 = arith.constant 0 : index
    %get3A_1413 = vector.load %arg10[%get3A_1411, %get3A_1412] : memref<32x1xf32, #tpu.memory_space<vmem>>, vector<1x1xf32>
    %convert_element_type3A_1414 = arith.extui %eq3A_1380 : vector<400x1xi1> to vector<400x1xi32>
    %convert_element_type3A_1415 = arith.sitofp %convert_element_type3A_1414 : vector<400x1xi32> to vector<400x1xf32>
    %reduce_sum3A_1416 = arith.constant dense<0.000000e+00> : vector<1xf32>
    %reduce_sum3A_1417 = vector.multi_reduction <add>, %convert_element_type3A_1415, %reduce_sum3A_1416 [0] : vector<400x1xf32> to vector<1xf32>
    %broadcast_in_dim3A_1418 = vector.shape_cast %reduce_sum3A_1417 : vector<1xf32> to vector<1x1xf32>
    %add3A_1419 = arith.addf %get3A_1413, %broadcast_in_dim3A_1418 : vector<1x1xf32>
    %swap3A_1420 = arith.constant 30 : index
    %swap3A_1421 = arith.constant 0 : index
    %swap3A_1422 = vector.load %arg10[%swap3A_1420, %swap3A_1421] : memref<32x1xf32, #tpu.memory_space<vmem>>, vector<1x1xf32>
    tpu.vector_store %arg10[%swap3A_1420, %swap3A_1421], %add3A_1419 {strides = array<i32>} : memref<32x1xf32, #tpu.memory_space<vmem>>, vector<1x1xf32>,
    %eq3A_1423 = arith.constant 3.100000e+01 : f32
    %eq3A_1424 = vector.broadcast %eq3A_1423 : f32 to vector<400x1xf32>
    %eq3A_1425 = arith.cmpf oeq, %get3A_31, %eq3A_1424 : vector<400x1xf32>
    %jit3A_1426 = arith.constant 0xFF800000 : f32
    %broadcast_in_dim3A_1427 = vector.shape_cast %eq3A_1425 : vector<400x1xi1> to vector<400x1xi1>
    %broadcast_in_dim3A_1428 = vector.broadcast %broadcast_in_dim3A_1427 : vector<400x1xi1> to vector<400x64xi1>
    %broadcast_in_dim3A_1429 = vector.broadcast %jit3A_1426 : f32 to vector<400x64xf32>
    %select_n3A_1430 = arith.select %broadcast_in_dim3A_1428, %add3A_28, %broadcast_in_dim3A_1429 : vector<400x64xi1>, vector<400x64xf32>
    %get3A_1431 = arith.constant 31 : index
    %get3A_1432 = arith.constant 0 : index
    %get3A_1433 = vector.load %arg8[%get3A_1431, %get3A_1432] : memref<32x64xf32, #tpu.memory_space<vmem>>, vector<1x64xf32>
    %reduce_max3A_1434 = arith.constant dense<0xFF800000> : vector<64xf32>
    %reduce_max3A_1435 = vector.multi_reduction <maximumf>, %select_n3A_1430, %reduce_max3A_1434 [0] : vector<400x64xf32> to vector<64xf32>
    %broadcast_in_dim3A_1436 = vector.shape_cast %reduce_max3A_1435 : vector<64xf32> to vector<1x64xf32>
    %max3A_1437 = arith.maximumf %get3A_1433, %broadcast_in_dim3A_1436 : vector<1x64xf32>
    %swap3A_1438 = arith.constant 31 : index
    %swap3A_1439 = arith.constant 0 : index
    %swap3A_1440 = vector.load %arg8[%swap3A_1438, %swap3A_1439] : memref<32x64xf32, #tpu.memory_space<vmem>>, vector<1x64xf32>
    tpu.vector_store %arg8[%swap3A_1438, %swap3A_1439], %max3A_1437 {strides = array<i32>} : memref<32x64xf32, #tpu.memory_space<vmem>>, vector<1x64xf32>,
    %get3A_1441 = arith.constant 31 : index
    %get3A_1442 = arith.constant 0 : index
    %get3A_1443 = vector.load %arg9[%get3A_1441, %get3A_1442] : memref<32x64xf32, #tpu.memory_space<vmem>>, vector<1x64xf32>
    %jit3A_1444 = arith.constant 0.000000e+00 : f32
    %broadcast_in_dim3A_1445 = vector.shape_cast %eq3A_1425 : vector<400x1xi1> to vector<400x1xi1>
    %broadcast_in_dim3A_1446 = vector.broadcast %broadcast_in_dim3A_1445 : vector<400x1xi1> to vector<400x64xi1>
    %broadcast_in_dim3A_1447 = vector.broadcast %jit3A_1444 : f32 to vector<400x64xf32>
    %select_n3A_1448 = arith.select %broadcast_in_dim3A_1446, %add3A_28, %broadcast_in_dim3A_1447 : vector<400x64xi1>, vector<400x64xf32>
    %reduce_sum3A_1449 = arith.constant dense<0.000000e+00> : vector<64xf32>
    %reduce_sum3A_1450 = vector.multi_reduction <add>, %select_n3A_1448, %reduce_sum3A_1449 [0] : vector<400x64xf32> to vector<64xf32>
    %broadcast_in_dim3A_1451 = vector.shape_cast %reduce_sum3A_1450 : vector<64xf32> to vector<1x64xf32>
    %add3A_1452 = arith.addf %get3A_1443, %broadcast_in_dim3A_1451 : vector<1x64xf32>
    %swap3A_1453 = arith.constant 31 : index
    %swap3A_1454 = arith.constant 0 : index
    %swap3A_1455 = vector.load %arg9[%swap3A_1453, %swap3A_1454] : memref<32x64xf32, #tpu.memory_space<vmem>>, vector<1x64xf32>
    tpu.vector_store %arg9[%swap3A_1453, %swap3A_1454], %add3A_1452 {strides = array<i32>} : memref<32x64xf32, #tpu.memory_space<vmem>>, vector<1x64xf32>,
    %get3A_1456 = arith.constant 31 : index
    %get3A_1457 = arith.constant 0 : index
    %get3A_1458 = vector.load %arg10[%get3A_1456, %get3A_1457] : memref<32x1xf32, #tpu.memory_space<vmem>>, vector<1x1xf32>
    %convert_element_type3A_1459 = arith.extui %eq3A_1425 : vector<400x1xi1> to vector<400x1xi32>
    %convert_element_type3A_1460 = arith.sitofp %convert_element_type3A_1459 : vector<400x1xi32> to vector<400x1xf32>
    %reduce_sum3A_1461 = arith.constant dense<0.000000e+00> : vector<1xf32>
    %reduce_sum3A_1462 = vector.multi_reduction <add>, %convert_element_type3A_1460, %reduce_sum3A_1461 [0] : vector<400x1xf32> to vector<1xf32>
    %broadcast_in_dim3A_1463 = vector.shape_cast %reduce_sum3A_1462 : vector<1xf32> to vector<1x1xf32>
    %add3A_1464 = arith.addf %get3A_1458, %broadcast_in_dim3A_1463 : vector<1x1xf32>
    %swap3A_1465 = arith.constant 31 : index
    %swap3A_1466 = arith.constant 0 : index
    %swap3A_1467 = vector.load %arg10[%swap3A_1465, %swap3A_1466] : memref<32x1xf32, #tpu.memory_space<vmem>>, vector<1x1xf32>
    tpu.vector_store %arg10[%swap3A_1465, %swap3A_1466], %add3A_1464 {strides = array<i32>} : memref<32x1xf32, #tpu.memory_space<vmem>>, vector<1x1xf32>,
    %eq3A_1468 = arith.constant 24 : i32
    %eq3A_1469 = arith.cmpi eq, %arg0, %eq3A_1468 : i32
    %convert_element_type3A_1470 = arith.extui %eq3A_1469 : i1 to i32
    %cond3A_1471 = arith.constant 0xFF800000 : f32
    %cond3A_1472 = arith.constant 0 : i32
    %cond3A_1473 = arith.cmpi ne, %convert_element_type3A_1470, %cond3A_1472 : i32
    scf.if %cond3A_1473 {
      %get3A_1474 = arith.constant 0 : index
      %get3A_1475 = arith.constant 0 : index
      %get3A_1476 = vector.load %arg9[%get3A_1474, %get3A_1475] : memref<32x64xf32, #tpu.memory_space<vmem>>, vector<32x64xf32>
      %get3A_1477 = arith.constant 0 : index
      %get3A_1478 = arith.constant 0 : index
      %get3A_1479 = vector.load %arg10[%get3A_1477, %get3A_1478] : memref<32x1xf32, #tpu.memory_space<vmem>>, vector<32x1xf32>
      %max3A_1480 = arith.constant 1.000000e+00 : f32
      %max3A_1481 = vector.broadcast %max3A_1480 : f32 to vector<32x1xf32>
      %max3A_1482 = arith.maximumf %get3A_1479, %max3A_1481 : vector<32x1xf32>
      %div3A = vector.broadcast %max3A_1482 : vector<32x1xf32> to vector<32x64xf32>
      %div3A_1483 = arith.divf %get3A_1476, %div3A : vector<32x64xf32>
      %get3A_1484 = arith.constant 0 : index
      %get3A_1485 = arith.constant 0 : index
      %get3A_1486 = vector.load %arg8[%get3A_1484, %get3A_1485] : memref<32x64xf32, #tpu.memory_space<vmem>>, vector<32x64xf32>
      %eq3A_1487 = vector.broadcast %cond3A_1471 : f32 to vector<32x64xf32>
      %eq3A_1488 = arith.cmpf oeq, %get3A_1486, %eq3A_1487 : vector<32x64xf32>
      %jit3A_1489 = arith.constant 0.000000e+00 : f32
      %broadcast_in_dim3A_1490 = vector.broadcast %jit3A_1489 : f32 to vector<32x64xf32>
      %select_n3A_1491 = arith.select %eq3A_1488, %broadcast_in_dim3A_1490, %get3A_1486 : vector<32x64xi1>, vector<32x64xf32>
      %concatenate3A = tpu.concatenate %select_n3A_1491, %div3A_1483 in 1 : vector<32x64xf32>, vector<32x64xf32> -> vector<32x128xf32>
      %get3A_1492 = arith.constant 0 : index
      %get3A_1493 = arith.constant 0 : index
      %get3A_1494 = vector.load %arg6[%get3A_1492, %get3A_1493] : memref<32x128xf32, #tpu.memory_space<vmem>>, vector<32x128xf32>
      %add3A_1495 = arith.addf %concatenate3A, %get3A_1494 : vector<32x128xf32>
      %swap3A_1496 = arith.constant 0 : index
      %swap3A_1497 = arith.constant 0 : index
      %swap3A_1498 = vector.load %arg7[%swap3A_1496, %swap3A_1497] : memref<32x128xf32, #tpu.memory_space<vmem>>, vector<32x128xf32>
      tpu.vector_store %arg7[%swap3A_1496, %swap3A_1497], %add3A_1495 {strides = array<i32>} : memref<32x128xf32, #tpu.memory_space<vmem>>, vector<32x128xf32>,
    } else {
    }
    return
  }
  func.func @transform_0(%arg0: i32) -> (i32, i32) {
    %c0_i32 = arith.constant 0 : i32
    %c0_i32_0 = arith.constant 0 : i32
    return %arg0, %c0_i32 : i32, i32
  }
  func.func @transform_1(%arg0: i32) -> (i32, i32) {
    %c0_i32 = arith.constant 0 : i32
    %c0_i32_0 = arith.constant 0 : i32
    %c0_i32_1 = arith.constant 0 : i32
    return %c0_i32, %c0_i32_0 : i32, i32
  }
  func.func @transform_2(%arg0: i32) -> (i32, i32) {
    %c0_i32 = arith.constant 0 : i32
    %c0_i32_0 = arith.constant 0 : i32
    %c0_i32_1 = arith.constant 0 : i32
    return %c0_i32, %c0_i32_0 : i32, i32
  }
  func.func @transform_3(%arg0: i32) -> (i32, i32) {
    %c0_i32 = arith.constant 0 : i32
    %c0_i32_0 = arith.constant 0 : i32
    %c0_i32_1 = arith.constant 0 : i32
    return %c0_i32, %c0_i32_0 : i32, i32
  }
  func.func @transform_4(%arg0: i32) -> (i32, i32) {
    %c0_i32 = arith.constant 0 : i32
    %c0_i32_0 = arith.constant 0 : i32
    return %arg0, %c0_i32 : i32, i32
  }
  func.func @transform_5(%arg0: i32) -> (i32, i32) {
    %c0_i32 = arith.constant 0 : i32
    %c0_i32_0 = arith.constant 0 : i32
    %c0_i32_1 = arith.constant 0 : i32
    return %c0_i32, %c0_i32_0 : i32, i32
  }
  func.func @transform_6(%arg0: i32) -> (i32, i32) {
    %c0_i32 = arith.constant 0 : i32
    %c0_i32_0 = arith.constant 0 : i32
    %c0_i32_1 = arith.constant 0 : i32
    return %c0_i32, %c0_i32_0 : i32, i32
  }
}

</mosaic_0001>

<sc_bundles>
// kernel: kernel.13.cloned.1.call-start
scs
__scs_entry_jumppad:
0x0: {  	(pc) =	sbr.rel $0x88, $3  }
0x1: {  	(tag) =	ssettag $0x0;
	lr =	simm.s32 $0x1  }
0x2: {  	[smem:$0x3F70] =	sst lr;
	_ =	strace $0xD0000000  }
0x3: {  	_ = 	snop  }
0x4: {  	_ = 	snop  }
0x5: {  	_ = 	snop  }
0x6: {  	_ = 	snop  }
0x7: {  	_ = 	snop  }
__scs_overlays_trampoline_lowered:
0x8: {  	[smem:$0x3F7F] =	sst s0  }
0x9: {  	[smem:$0x3F80] =	sst s1  }
0xa: {  	[smem:$0x3F81] =	sst s2  }
0xb: {  	[smem:$0x3F82] =	sst s3  }
0xc: {  	[smem:$0x3F83] =	sst s4  }
0xd: {  	[smem:$0x3F84] =	sst s5  }
0xe: {  	[smem:$0x3F85] =	sst s6  }
0xf: {  	[smem:$0x3F86] =	sst s7  }
0x10: {  	[smem:$0x3F87] =	sst s8  }
0x11: {  	[smem:$0x3F88] =	sst s9;
	s0 =	simm.s32 @!p0 $0x0  }
0x12: {  	s1 =	sld [smem:$0x3F6E];
	s0 =	simm.s32 @p0 $0x1  }
0x13: {  	[smem:$0x3F89] =	sst s0;
	s0 =	simm.s32 @!p1 $0x0  }
0x14: {  	s2 =	sld [smem:$0x3F6D];
	s0 =	simm.s32 @p1 $0x1  }
0x15: {  	[smem:$0x3F8A] =	sst s0;
	s0 =	simm.s32 @!p2 $0x0  }
0x16: {  	s3 =	sld [smem:$0x3FDB];
	s0 =	simm.s32 @p2 $0x1  }
0x17: {  	s4 =	simm.s32 $0x1BF5;
	[smem:$0x3F8C] =	sst s0  }
0x18: {  	s0 =	sld [smem:$0x3F6F];
	_ =	swait.ge [sflag:s4], $0x0  }
0x19: {  	s7 =	sld [smem:$0x3F70]  }
0x1a: {  	s8 =	sadd.s32 $0xFFFFE003, lr  }
0x1b: {  	s9 =	sadd.s32 $0xFFFFFEF7, lr;
	s5 =	simm.s32 $0xFFFFFFFF;
	p2 =	slt.u32 s8, $0xFFFFF086  }
0x1c: {  	p1 =	slt.u32 s9, $0xF7A;
	s5 =	simm.s32 @!p2 $0x0  }
0x1d: {  	s5 =	simm.s32 @p1 $0x1;
	p0 =	seq.s32 s7, s2  }
0x1e: {  	s7 =	smul.u32 @!p0 $0xF7A, s2;
	p2 =	seq.s32 @!p0 s5, $0x0  }
0x1f: {  	s9 =	smul.u32 $0xF7A, s1;
	s8 =	simm.s32 @!p0 $0x1BF5;
	p2 =	por !p2, p0  }
0x20: {  	[sflag:s8] =	ssyncset.s32 @!p0 $0xFFFFF086;
	s6 =	sadd.s32 @!p0 s3, s7;
	s7 =	simm.s32 @!p0 $0x108  }
0x21: {  	s3 =	sadd.s32 s3, s9;
	s6 =	sadd.s32 @!p0 $0x88, s6;
	s7 =	simm.s32 @p2 $0x1082  }
0x22: {  	[simem:s7], [sflag:s8] =	dma.local @!p0 [hbm:s6], $0xF7A  }
0x23: {  	s9 =	sor.u32 $0xD0000000, s2;
	s6 =	simm.s32 $0x108;
	_ =	swait.ge @!p0 [sflag:s8], $0x0  }
0x24: {  	s3 =	sadd.s32 $0x88, s3;
	s6 =	simm.s32 @!p1 $0x1082;
	[sflag:s4] =	ssyncset.s32 $0xFFFFF086  }
0x25: {  	[simem:s6], [sflag:s4] =	dma.local [hbm:s3], $0xF7A  }
0x26: {  	[smem:$0x3F70] =	sst s1;
	(tag) =	ssettag s2;
	_ =	strace s9  }
0x27: {  	s1 =	sld [smem:$0x3F80]  }
0x28: {  	s2 =	sld [smem:$0x3F81]  }
0x29: {  	s4 =	sld [smem:$0x3F83]  }
0x2a: {  	p0 =	seq.s32 s5, $0x0;
	s5 =	sld [smem:$0x3F84]  }
0x2b: {  	s6 =	sld [smem:$0x3F85]  }
0x2c: {  	s7 =	sld [smem:$0x3F86]  }
0x2d: {  	s3 =	simm.s32 $0x108;
	s8 =	sld [smem:$0x3F87]  }
0x2e: {  	s3 =	simm.s32 @!p0 $0x1082;
	s9 =	sld [smem:$0x3F88]  }
0x2f: {  	lr =	sadd.s32 s0, s3;
	s0 =	sld [smem:$0x3F7F]  }
0x30: {  	s3 =	sld [smem:$0x3F82]  }
0x31: {  	[smem:$0x3F8B] =	sst s10  }
0x32: {  	s10 =	sld [smem:$0x3F89];
	_ =	sdelay $0x3  }
0x33: {  	p0 =	seq.s32 s10, $0x1;
	s10 =	sld [smem:$0x3F8B];
	_ =	sdelay $0x3  }
0x34: {  	[smem:$0x3F8B] =	sst s10  }
0x35: {  	s10 =	sld [smem:$0x3F8A];
	_ =	sdelay $0x3  }
0x36: {  	p1 =	seq.s32 s10, $0x1;
	s10 =	sld [smem:$0x3F8B];
	_ =	sdelay $0x3  }
0x37: {  	[smem:$0x3F8B] =	sst s10  }
0x38: {  	s10 =	sld [smem:$0x3F8C]  }
0x39: {  	_ = 	snop;
	(pc) =	sbr.ind lr, $3  }
0x3a: {  	_ = 	snop  }
0x3b: {  	_ = 	snop  }
0x3c: {  	p2 =	seq.s32 s10, $0x1;
	s10 =	sld [smem:$0x3F8B]  }
0x3d: {  	_ =	shalt  }
0x3e: {  	_ =	shalt  }
0x3f: {  	_ =	shalt  }
0x40: {  	_ =	shalt  }
0x41: {  	_ =	shalt  }
0x42: {  	_ =	shalt  }
0x43: {  	_ =	shalt  }
0x44: {  	_ =	shalt  }
0x45: {  	_ =	shalt  }
0x46: {  	_ =	shalt  }
0x47: {  	_ =	shalt  }
0x48: {  	_ =	shalt  }
0x49: {  	_ =	shalt  }
0x4a: {  	_ =	shalt  }
0x4b: {  	_ =	shalt  }
0x4c: {  	_ =	shalt  }
0x4d: {  	_ =	shalt  }
0x4e: {  	_ =	shalt  }
0x4f: {  	_ =	shalt  }
0x50: {  	_ =	shalt  }
0x51: {  	_ =	shalt  }
0x52: {  	_ =	shalt  }
0x53: {  	_ =	shalt  }
0x54: {  	_ =	shalt  }
0x55: {  	_ =	shalt  }
0x56: {  	_ =	shalt  }
0x57: {  	_ =	shalt  }
0x58: {  	_ =	shalt  }
0x59: {  	_ =	shalt  }
0x5a: {  	_ =	shalt  }
0x5b: {  	_ =	shalt  }
0x5c: {  	_ =	shalt  }
0x5d: {  	_ =	shalt  }
0x5e: {  	_ =	shalt  }
0x5f: {  	_ =	shalt  }
0x60: {  	_ =	shalt  }
0x61: {  	_ =	shalt  }
0x62: {  	_ =	shalt  }
0x63: {  	_ =	shalt  }
0x64: {  	_ =	shalt  }
0x65: {  	_ =	shalt  }
0x66: {  	_ =	shalt  }
0x67: {  	_ =	shalt  }
0x68: {  	_ =	shalt  }
0x69: {  	_ =	shalt  }
0x6a: {  	_ =	shalt  }
0x6b: {  	_ =	shalt  }
0x6c: {  	_ =	shalt  }
0x6d: {  	_ =	shalt  }
0x6e: {  	_ =	shalt  }
0x6f: {  	_ =	shalt  }
0x70: {  	_ =	shalt  }
0x71: {  	_ =	shalt  }
0x72: {  	_ =	shalt  }
0x73: {  	_ =	shalt  }
0x74: {  	_ =	shalt  }
0x75: {  	_ =	shalt  }
0x76: {  	_ =	shalt  }
0x77: {  	_ =	shalt  }
0x78: {  	_ =	shalt  }
0x79: {  	_ =	shalt  }
0x7a: {  	_ =	shalt  }
0x7b: {  	_ =	shalt  }
0x7c: {  	_ =	shalt  }
0x7d: {  	_ =	shalt  }
0x7e: {  	_ =	shalt  }
0x7f: {  	_ =	shalt  }
0x80: {  	_ =	shalt  }
0x81: {  	_ =	shalt  }
0x82: {  	_ =	shalt  }
0x83: {  	_ =	shalt  }
0x84: {  	_ =	shalt  }
0x85: {  	_ =	shalt  }
0x86: {  	_ =	shalt  }
0x87: {  	_ =	shalt  }
.Lfunc_end0:
.L_simem_size_0:
called_computation_lowered:
.L_overlay_start_0:
0x88: {  	s2 =	sld [smem:$0x3FD9]  }
0x89: {  	s3 =	sld [smem:$0x3FFE];
	_ =	sdelay $0x1  }
0x8a: {  	s1 =	srdreg.scid  }
0x8b: {  	s0 =	sand.u32 $0x1, s1  }
0x8c: {  	s16 =	sshll.u32 s0, $0xA;
	s2 =	sadd.s32 s3, s2  }
0x8d: {  	s2 =	sadd.s32 s2, s16  }
0x8e: {  	[smem:$0x3F97] =	sst s2  }
0x8f: {  	_ = 	snop  }
0x90: {  	(tm) =	ssettm $0x1  }
0x91: {  	s17 =	sld [smem:$0x3FFB];
	_ =	sdelay $0x3  }
0x92: {  	_ =	strace s17  }
0x93: {  	s2 =	sld [smem:$0x3FFC];
	_ =	sdelay $0x3  }
0x94: {  	_ =	strace s2  }
0x95: {  	s2 =	sld [smem:$0x3FFD];
	_ =	sdelay $0x3  }
0x96: {  	_ =	strace s2  }
0x97: {  	_ =	strace $0x8FFFFFFF  }
0x98: {  	s18 =	sld [smem:$0x3FDB];
	_ =	sdelay $0x1  }
0x99: {  	s19 =	simm.s32 $_scs_section_size  }
0x9a: {  	s4 =	simm.s32 $_size__tile_overlayer_lowered;
	s5 =	simm.s32 $_tile_overlayer_lowered  }
0x9b: {  	s22 =	simm.s32 $0x1BFF;
	s21 =	sshll.u32 s5, $0x1;
	s2 =	sadd.s32 s19, s18  }
0x9c: {  	s6 =	simm.s32 $0x0;
	s20 =	sshll.u32 s4, $0x1;
	s4 =	sadd.s32 s21, s2  }
0x9d: {  	[timem:s6], [sflag:s22] =	dma.local [hbm:s4], s20  }
0x9e: {  	_ =	swait.ge [sflag:s22], s20  }
0x9f: {  	s3 =	ssub.s32 $0x0, s20;
	[sflag:s22] =	ssyncset.done $0x0  }
0xa0: {  	[sflag:s22] =	ssyncadd.s32 s3;
	_ =	sdelay $0x1  }
0xa1: {  	s23 =	simm.s32 $0x1B8B  }
0xa2: {  	_ =	swait.ge [sflag:s23], $0x1  }
0xa3: {  	[sflag:s23] =	ssyncset.done $0x0  }
0xa4: {  	s25 =	simm.s32 $0x1B8E;
	s24 =	sld [smem:$0x3FFE];
	[sflag:s23] =	ssyncadd.s32 $0xFFFFFFFF  }
0xa5: {  	s26 =	simm.s32 $execute0_lowered;
	[smem:$0x3FD2] =	sst s25  }
0xa6: {  	s4 =	sshll.u32 s26, $0x1;
	_ =	strace $0x80000046;
	[dreg:$0x1] =	wrdreg $0xFFFFFFFF  }
0xa7: {  	s28 =	simm.s32 $_size_execute0_lowered;
	s2 =	sadd.s32 s2, s4;
	[dreg:$0x0] =	wrdreg $0x0  }
0xa8: {  	s4 =	sshll.u32 s28, $0x1;
	[dreg:$0x2] =	wrdreg s2  }
0xa9: {  	[dreg:$0x3] =	wrdreg s4  }
0xaa: {  	[dreg:$0x4] =	wrdreg $0xC0  }
0xab: {  	_ =	task [dreg:s6], $0x5FFFF  }
0xac: {  	[dreg:$0x1] =	wrdreg $0xFFFFFFFF  }
0xad: {  	[dreg:$0x0] =	wrdreg $0x60  }
0xae: {  	[dreg:$0x2] =	wrdreg s24  }
0xaf: {  	[dreg:$0x3] =	wrdreg $0x0  }
0xb0: {  	[dreg:$0x4] =	wrdreg $0x9  }
0xb1: {  	_ =	task.clear_ibuf [dreg:s6], $0x5FFFF;
	_ =	strace $0x90000046  }
0xb2: {  	s29 =	simm.s32 $0x9;
	_ =	strace $0x80000048  }
0xb3: {  	_ =	swait.ge [sflag:s29], $0x1  }
0xb4: {  	[sflag:s29] =	ssyncadd.s32 $0xFFFFFFFF  }
0xb5: {  	_ =	strace $0x90000048  }
0xb6: {  	_ =	sfence  }
0xb7: {  	s30 =	sld [smem:$0x0];
	_ =	sdelay $0x2  }
0xb8: {  	s31 =	sshll.u32 s1, $0xD;
	s1 =	sshrl.u32 s1, $0x2  }
0xb9: {  	s3 =	sand.u32 $0x4000, s31;
	s1 =	sadd.s32 s1, s30  }
0xba: {  	s0 =	sor.u32 s3, s0;
	s1 =	sshll.u32 s1, $0x11  }
0xbb: {  	s0 =	sor.u32 s1, s0  }
0xbc: {  	s0 =	sadd.s32 $0x8F2B, s0  }
0xbd: {  	[sflag:s0] =	ssyncadd.remote.s32 $0x1  }
0xbe: {  	_ =	sfence.sel $0xFFFF  }
0xbf: {  	[dreg:$0x0] =	wrdreg $0xFFFFFFFF;
	(pc) =	sbr.abs _section_cstart, $3  }
0xc0: {  	[dreg:$0x1] =	wrdreg $0xFFFFFFFF  }
0xc1: {  	_ =	task.clear_ibuf [dreg:s6], $0x2FFFF;
	_ =	strace $0x9FFFFFFF  }
0xc2: {  	(tm) =	ssettm $0x7FFFFFFF  }
0xc3: {  	_ =	shalt  }
tec
execute0_lowered:
.L_overlay_start_1:
0x0: {  	(tag) =	ssettag $0x1  }
0x1: {  	s0 =	rddreg [dreg:$0x0]  }
0x2: {  	s1 =	rddreg [dreg:$0x1];
	s14 =	simm.s32 $0x0  }
0x3: {  	s2 =	srdreg.scid;
	s7 =	stileid.u32;
	s18 =	simm.s32 $0x4  }
0x4: {  	s22 =	simm.s32 $0x50;
	s28 =	simm.s32 $0x2;
	s29 =	simm.s32 $0x3  }
0x5: {  	s30 =	simm.s32 $0x1D000;
	s31 =	simm.s32 $0x0;
	[smem:$0x7FF] =	sst s14  }
0x6: {  	s2 =	sand.u32 $0x1, s2;
	s9 =	smul.u32 $0x14000, s7;
	s4 =	sadd.s32 $0x7E000, s0  }
0x7: {  	v0 =	vimm.s32 $0xEFCDAB89;
	s5 =	sadd.s32 $0x2FE00, s0;
	s6 =	sadd.s32 $0x280E00, s0;
	s8 =	sadd.s32 $0xFE00, s0  }
0x8: {  	v1 =	vimm.s32 $0x67452301;
	v2 =	vimm.s32 $0xDCFE98BA;
	s10 =	smul.u32 $0x50000, s7;
	s11 =	sadd.s32 $0xCC200, s0;
	s12 =	sshll.u32 s7, $0x6  }
0x9: {  	v3 =	vimm.s32 $0x54761032;
	s26 =	smul.u32 $0x2800, s7;
	_ =	strace $0x80000047;
	[dreg:$0x4] =	wrdreg s8  }
0xa: {  	v4 =	vimm.s32 $0xBA98FEDC;
	v5 =	vimm.s32 $0xFEDCBA98;
	s3 =	smul.u32 $0x140000, s2;
	s8 =	sadd.s32 $0x1FE00, s0;
	[dreg:$0x5] =	wrdreg s11  }
0xb: {  	v6 =	vimm.s32 $0x32107654;
	v7 =	vimm.s32 $0x76543210;
	v0 =	vunpack.c.l.s4.s8 v0;
	s23 =	ssub.s32 $0x2, s2;
	s11 =	sor.u32 $0x1C04, s12;
	s12 =	sshll.u32 s7, $0x7  }
0xc: {  	v1 =	vunpack.c.l.s4.s8 v1;
	v2 =	vunpack.c.l.s4.s8 v2;
	v3 =	vunpack.c.l.s4.s8 v3;
	s13 =	sshll.u32 s2, $0xF;
	s24 =	sshrl.u32 s23, $0x1;
	s10 =	sshrl.u32 s10, $0x2  }
0xd: {  	v5 =	vunpack.c.l.s4.s8 v5;
	v4 =	vunpack.c.l.s4.s8 v4;
	v6 =	vunpack.c.l.s4.s8 v6;
	[dreg:$0x9] =	wrdreg s26;
	s26 =	simm.s32 $0x1;
	s3 =	sadd.s32 s9, s3  }
0xe: {  	v7 =	vunpack.c.l.s4.s8 v7;
	v0 =	vunpack.c.0.s8.s32 v0;
	v1 =	vunpack.c.0.s8.s32 v1;
	[dreg:$0x6] =	wrdreg s11;
	s10 =	sadd.s32 s10, s1;
	s3 =	sshrl.u32 s3, $0x3  }
0xf: {  	v2 =	vunpack.c.0.s8.s32 v2;
	v3 =	vunpack.c.0.s8.s32 v3;
	v5 =	vunpack.c.0.s8.s32 v5;
	s9 =	sadd.s32 $0x7A00, s0;
	s2 =	sshrl.u32 s10, $0x3;
	s0 =	sadd.s32 s3, s0  }
0x10: {  	v4 =	vunpack.c.0.s8.s32 v4;
	v6 =	vunpack.c.0.s8.s32 v6;
	v7 =	vunpack.c.0.s8.s32 v7;
	s3 =	ssub.s32 s23, s24;
	[dreg:$0xa] =	wrdreg s2;
	s0 =	sadd.s32 $0xCEA00, s0  }
0x11: {  	v0 =	vcombine.low v1, v0;
	v1 =	vcombine.low v3, v2;
	v5 =	vand.u32 $0xF, v5;
	s23 =	simm.s32 $0x15800;
	s25 =	smax.u32 s3, $0x1;
	[dreg:$0x7] =	wrdreg s0  }
0x12: {  	v2 =	vcombine.low v6, v4;
	v3 =	vimm.f32 $0.0e+00;
	s24 =	simm.s32 $0x18000;
	v4 =	vcombine.low v5, v7;
	[dreg:$0x8] =	wrdreg s25;
	s25 =	simm.s32 $0x1A800  }
.LBB2_1:
0x13: {  	[dreg:$0x3] =	wrdreg s14  }
0x14: {  	s0 =	rddreg [dreg:$0x5]  }
0x15: {  	[spmem:s2], [sflag:s11] =	dma.local [hbm:s0], $0x2800  }
0x16: {  	_ =	swait.ge [sflag:s18], $0x2800  }
0x17: {  	[sflag:s18] =	ssyncset.done $0x0  }
0x18: {  	s0 =	simm.s32 $0x200;
	s2 =	simm.s32 $0x0;
	[sflag:s18] =	ssyncadd.s32 $0xFFFFD800  }
.LBB2_2:
0x19: {  	p0 =	sne.s32 s0, $0x9E00;
	[tilespmem:s2+$0x1D060] =	vst v3;
	s3 =	smov.u32 s0;
	s0 =	sadd.s32 $0x200, s0  }
.Ltmp0:
0x1a: {  	[tilespmem:s2+$0x1D070] =	vst v3;
	(pc) =	sbr.rel @p0 .LBB2_2-.Ltmp0, $2  }
0x1b: {  	_ =	sdelay $0x2  }
0x1c: {  	s2 =	sshra.s32 s3, $0x2  }
0x1d: {  	[tilespmem:s2+$0x1D060] =	vst v3  }
0x1e: {  	[tilespmem:s2+$0x1D070] =	vst v3  }
0x1f: {  	[bflag:$0x0] =	sbarrier.arrive $0xFFFF  }
0x20: {  	s2 =	simm.s32 $0x0;
	s20 =	rddreg [dreg:$0x9]  }
.LBB2_4:
0x21: {  	s0 =	sshll.u32 s2, $0x4  }
0x22: {  	s10 =	sadd.s32 s12, s0  }
0x23: {  	s0 =	sshll.u32 s10, $0x4  }
0x24: {  	s7 =	rddreg [dreg:$0x4];
	s3 =	sadd.s32 s13, s0  }
0x25: {  	s17 =	simm.s32 $0x14000;
	s11 =	sadd.s32 s7, s3  }
0x26: {  	[tilespmem:s17], [sflag:$0x4] =	stream.linear.gather [hbm4b:s11+s31], $0x800, $0x38;
	[tilespmem:$0x1F800] =	vst v63  }
0x27: {  	_ =	swait.ge [sflag:s18], $0x800  }
0x28: {  	[sflag:s18] =	ssyncset.done $0x0  }
0x29: {  	s19 =	simm.s32 $0x14800;
	s3 =	sadd.s32 s8, s3;
	[sflag:s18] =	ssyncadd.s32 $0xFFFFF800  }
0x2a: {  	[tilespmem:s19], [sflag:$0x4] =	stream.linear.gather [hbm4b:s3+s31], $0x800, $0x38;
	[tilespmem:$0x1F800] =	vst v63  }
0x2b: {  	_ =	swait.ge [sflag:s18], $0x800  }
0x2c: {  	[sflag:s18] =	ssyncset.done $0x0  }
0x2d: {  	s21 =	simm.s32 $0x15000;
	s0 =	sadd.s32 s9, s0;
	[sflag:s18] =	ssyncadd.s32 $0xFFFFF800  }
0x2e: {  	[tilespmem:s21], [sflag:$0x4] =	stream.linear.gather [hbm4b:s0+s31], $0x800, $0x38;
	[tilespmem:$0x1F800] =	vst v63  }
0x2f: {  	_ =	swait.ge [sflag:s18], $0x800  }
0x30: {  	[sflag:s18] =	ssyncset.done $0x0  }
0x31: {  	s15 =	simm.s32 $0x0;
	s0 =	smov.u32 s20;
	[sflag:s18] =	ssyncadd.s32 $0xFFFFF800  }
.LBB2_5:
0x32: {  	s14 =	sshll.u32 s15, $0x7  }
0x33: {  	s3 =	sor.u32 s10, s15;
	s11 =	sadd.s32 $0x14000, s14  }
0x34: {  	[tilespmem:s23], [sflag:$0x1] =	stream.indirect.gather [hbm4b:s4+s22], $0x80, s11, s22, $0xb8;
	[tilespmem:$0x1F800] =	vst v63  }
0x35: {  	s19 =	sadd.s32 $0x14800, s14;
	s3 =	smul.u32 $0x500, s3  }
0x36: {  	[tilespmem:s24], [sflag:$0x2] =	stream.indirect.gather [hbm4b:s5+s22], $0x80, s19, s22, $0xb8;
	[tilespmem:$0x1F800] =	vst v63  }
0x37: {  	s21 =	simm.s32 $0x0;
	s3 =	sadd.s32 s6, s3  }
0x38: {  	[tilespmem:s25], [sflag:$0x3] =	stream.linear.gather [hbm4b:s3+s21], $0x2800, $0x38;
	[tilespmem:$0x1F800] =	vst v63  }
0x39: {  	_ =	swait.ge [sflag:s26], $0x2800  }
0x3a: {  	[sflag:s26] =	ssyncset.done $0x0  }
0x3b: {  	[sflag:s26] =	ssyncadd.s32 $0xFFFFD800  }
0x3c: {  	_ =	swait.ge [sflag:s28], $0x2800  }
0x3d: {  	[sflag:s28] =	ssyncset.done $0x0  }
0x3e: {  	[sflag:s28] =	ssyncadd.s32 $0xFFFFD800  }
0x3f: {  	_ =	swait.ge [sflag:s29], $0x2800  }
0x40: {  	[sflag:s29] =	ssyncset.done $0x0  }
0x41: {  	s17 =	simm.s32 $0x0;
	[sflag:s29] =	ssyncadd.s32 $0xFFFFD800  }
0x42: {  	v6 =	vld [tilespmem:s17+$0x18000]  }
0x43: {  	v7 =	vld [tilespmem:s17+$0x15800]  }
0x44: {  	v10 =	vld [tilespmem:s17+$0x18010]  }
0x45: {  	v11 =	vld [tilespmem:s17+$0x15810]  }
0x46: {  	v12 =	vld [tilespmem:s17+$0x18020]  }
0x47: {  	v13 =	vld [tilespmem:s17+$0x15820]  }
0x48: {  	v14 =	vld [tilespmem:s17+$0x18030]  }
0x49: {  	v15 =	vld [tilespmem:s17+$0x15830]  }
0x4a: {  	v18 =	vld [tilespmem:s17+$0x1A800]  }
0x4b: {  	v16 =	vld [tilespmem:s17+$0x18040];
	v7 =	vmul.f32 v7, v6;
	v10 =	vmul.f32 v11, v10  }
0x4c: {  	s11 =	simm.s32 $0x80;
	v17 =	vld [tilespmem:s17+$0x18050]  }
0x4d: {  	v11 =	vld [tilespmem:s11+$0x18000];
	v7 =	vadd.f32 v10, v7;
	v10 =	vmul.f32 v13, v12  }
0x4e: {  	v12 =	vld [tilespmem:s11+$0x15800]  }
0x4f: {  	v13 =	vld [tilespmem:s11+$0x18010];
	v7 =	vadd.f32 v10, v7;
	v10 =	vmul.f32 v15, v14  }
0x50: {  	v14 =	vld [tilespmem:s11+$0x15810]  }
0x51: {  	v15 =	vld [tilespmem:s11+$0x18020];
	v7 =	vadd.f32 v10, v7;
	v10 =	vmul.f32 v16, v18  }
0x52: {  	v16 =	vld [tilespmem:s11+$0x15820]  }
0x53: {  	v19 =	vld [tilespmem:s11+$0x18030];
	v17 =	vmul.f32 $6.250000000e-02, v17;
	v10 =	vadd.f32 v7, v10  }
0x54: {  	v20 =	vld [tilespmem:s11+$0x15830]  }
0x55: {  	v11 =	vmul.f32 v12, v11;
	v7 =	vld [tilespmem:s11+$0x1A800];
	v12 =	vmul.f32 v14, v13;
	v10 =	vadd.f32 v10, v17  }
0x56: {  	v13 =	vld [tilespmem:s11+$0x18040]  }
0x57: {  	v12 =	vadd.f32 v12, v11;
	v14 =	vmul.f32 v16, v15;
	v15 =	vperm.xlane v10, v0  }
0x58: {  	v16 =	vld [tilespmem:s11+$0x18050]  }
0x59: {  	v8 =	vld [tilespmem:s17+$0x15840];
	v17 =	vmul.f32 v20, v19;
	v14 =	vadd.f32 v14, v12;
	v15 =	vadd.f32 v10, v15  }
0x5a: {  	v9 =	vld [tilespmem:s17+$0x15850]  }
0x5b: {  	s3 =	simm.s32 $0x100;
	v5 =	vld [tilespmem:s17+$0x15860];
	v14 =	vadd.f32 v17, v14;
	v17 =	vmul.f32 v13, v7;
	v19 =	vperm.xlane v15, v1  }
0x5c: {  	v21 =	vld [tilespmem:s3+$0x15800]  }
0x5d: {  	v20 =	vld [tilespmem:s3+$0x18000];
	v16 =	vmul.f32 $6.250000000e-02, v16;
	v14 =	vadd.f32 v14, v17;
	v15 =	vadd.f32 v15, v19  }
0x5e: {  	v17 =	vld [tilespmem:s3+$0x18010]  }
0x5f: {  	v19 =	vld [tilespmem:s3+$0x15810];
	v14 =	vadd.f32 v14, v16;
	v16 =	vperm.xlane v15, v2  }
0x60: {  	v22 =	vld [tilespmem:s3+$0x18020]  }
0x61: {  	v23 =	vld [tilespmem:s3+$0x15820];
	v24 =	vperm.xlane v14, v0;
	v15 =	vadd.f32 v15, v16  }
0x62: {  	v25 =	vld [tilespmem:s3+$0x18030]  }
0x63: {  	v26 =	vld [tilespmem:s3+$0x15830];
	v24 =	vadd.f32 v14, v24;
	v16 =	vperm.xlane v15, v4  }
0x64: {  	v6 =	vld [tilespmem:s17+$0x15870];
	v20 =	vmul.f32 v21, v20;
	v17 =	vmul.f32 v19, v17  }
0x65: {  	v11 =	vld [tilespmem:s11+$0x15840];
	v19 =	vperm.xlane v24, v1;
	v15 =	vadd.f32 v15, v16  }
0x66: {  	v12 =	vld [tilespmem:s11+$0x15850];
	v17 =	vadd.f32 v17, v20  }
0x67: {  	v10 =	vld [tilespmem:s11+$0x15860];
	v20 =	vmul.f32 v23, v22;
	v23 =	vadd.f32 v24, v19;
	v24 =	vmul.f32 $1.250000000e-01, v15  }
0x68: {  	v13 =	vld [tilespmem:s11+$0x15870]  }
0x69: {  	v21 =	vld [tilespmem:s3+$0x18040];
	v24 =	vmul.f32 $1.442695020e+00, v24  }
0x6a: {  	v14 =	vld [tilespmem:s3+$0x1A800]  }
0x6b: {  	v22 =	vld [tilespmem:s3+$0x18050];
	(erf) = vpow2.f32 v24  }
0x6c: {  	v16 =	vld [tilespmem:s3+$0x15840]  }
0x6d: {  	v25 =	vmul.f32 v26, v25;
	v19 =	vld [tilespmem:s3+$0x15850];
	v20 =	vadd.f32 v20, v17  }
0x6e: {  	v17 =	vld [tilespmem:s3+$0x15870];
	v26 =	vperm.xlane v23, v2  }
0x6f: {  	s19 =	simm.s32 $0x180;
	v15 =	vld [tilespmem:s3+$0x15860];
	v27 =	vmul.f32 v21, v14;
	v25 =	vadd.f32 v25, v20  }
0x70: {  	v21 =	vld [tilespmem:s19+$0x18000];
	v20 =	vadd.f32 v23, v26  }
0x71: {  	v23 =	vld [tilespmem:s19+$0x15800];
	v25 =	vadd.f32 v25, v27;
	v26 =	vmul.f32 $6.250000000e-02, v22  }
0x72: {  	s16 =	smov.u32 s0;
	s21 =	simm.s32 $0x800;
	v22 =	vld [tilespmem:s19+$0x18010];
	v24 =	vperm.xlane v20, v4  }
.LBB2_6:
0x73: {  	p0 =	sne.s32 s21, $0x9E00;
	v27 =	vld [tilespmem:s19+$0x15810];
	v25 =	vadd.f32 v25, v26;
	p1 =	slt.u32 s16, $0x27100;
	s7 =	simm.f32 $1.000000000e+00  }
0x74: {  	v26 =	vld [tilespmem:s19+$0x18020];
	v20 =	vadd.f32 v20, v24;
	s7 =	simm.s32 @!p1 $0x0;
	v24 =	vpop (erf)  }
0x75: {  	v28 =	vld [tilespmem:s19+$0x15820];
	v29 =	vperm.xlane v25, v0;
	v24 =	vmul.f32 s7, v24  }
0x76: {  	v30 =	vld [tilespmem:s19+$0x18030];
	v20 =	vmul.f32 $1.250000000e-01, v20  }
0x77: {  	v21 =	vmul.f32 v23, v21;
	v23 =	vld [tilespmem:s19+$0x15830];
	v25 =	vadd.f32 v25, v29;
	[tilespmem:s17+$0x1D040] =	vst v24;
	v29 =	vmul.f32 v24, v18  }
0x78: {  	v18 =	vmovc v7;
	v7 =	vmov v14;
	v22 =	vmul.f32 v27, v22;
	v20 =	vmul.f32 $1.442695020e+00, v20;
	v14 =	vld [tilespmem:s19+$0x1A800]  }
0x79: {  	v32 =	vmul.f32 v24, v8;
	v8 =	vmovc v11;
	v11 =	vmov v16;
	v27 =	vld [tilespmem:s19+$0x18040];
	v31 =	vperm.xlane v25, v1;
	[tilespmem:s17+$0x1D050] =	vst v29  }
0x7a: {  	v21 =	vadd.f32 v22, v21;
	v22 =	vmul.f32 v28, v26;
	v16 =	vld [tilespmem:s19+$0x15840];
	(erf) = vpow2.f32 v20  }
0x7b: {  	v28 =	vmul.f32 v24, v5;
	v26 =	vld [tilespmem:s19+$0x18050];
	v20 =	vadd.f32 v25, v31;
	[tilespmem:s17+$0x1D000] =	vst v32;
	v25 =	vmul.f32 v24, v9  }
0x7c: {  	v9 =	vmovc v12;
	v21 =	vadd.f32 v22, v21;
	v22 =	vmul.f32 v23, v30;
	v29 =	vld [tilespmem:s19+$0x15850];
	v23 =	vmul.f32 v24, v6  }
.Ltmp1:
0x7d: {  	v5 =	vmovc v10;
	v10 =	vmovc v15;
	v12 =	vmov v19;
	v6 =	vmov v13;
	v24 =	vperm.xlane v20, v2;
	[tilespmem:s17+$0x1D010] =	vst v25;
	v15 =	vld [tilespmem:s19+$0x15860];
	(pc) =	sbr.rel @p0 .LBB2_6-.Ltmp1, $4  }
0x7e: {  	s7 =	sshra.s32 s21, $0x2;
	v13 =	vmov v17;
	v30 =	vadd.f32 v22, v21;
	v22 =	vmul.f32 v27, v14;
	[tilespmem:s17+$0x1D020] =	vst v28;
	v17 =	vld [tilespmem:s19+$0x15870]  }
0x7f: {  	v21 =	vld [tilespmem:s7+$0x18000];
	v20 =	vadd.f32 v20, v24;
	[tilespmem:s17+$0x1D030] =	vst v23;
	s17 =	smov.u32 s11;
	s11 =	smov.u32 s3;
	s3 =	smov.u32 s19  }
0x80: {  	s19 =	smov.u32 s7;
	v23 =	vld [tilespmem:s7+$0x15800];
	v25 =	vadd.f32 v30, v22;
	v26 =	vmul.f32 $6.250000000e-02, v26  }
0x81: {  	s16 =	sadd.s32 $0x1, s16;
	s21 =	sadd.s32 $0x200, s21;
	v22 =	vld [tilespmem:s19+$0x18010];
	v24 =	vperm.xlane v20, v4;
	v19 =	vmov v29  }
0x82: {  	v27 =	vld [tilespmem:s19+$0x15810];
	p0 =	slt.u32 s16, $0x27100;
	s7 =	simm.f32 $1.000000000e+00  }
0x83: {  	v28 =	vld [tilespmem:s19+$0x18020];
	s7 =	simm.s32 @!p0 $0x0;
	v29 =	vpop (erf)  }
0x84: {  	v30 =	vld [tilespmem:s19+$0x15820];
	v29 =	vmul.f32 s7, v29  }
0x85: {  	v31 =	vld [tilespmem:s19+$0x18030]  }
0x86: {  	v32 =	vld [tilespmem:s19+$0x15830];
	v21 =	vmul.f32 v23, v21;
	[tilespmem:s17+$0x1D040] =	vst v29  }
0x87: {  	v18 =	vmul.f32 v29, v18;
	v42 =	vld [tilespmem:s19+$0x1A800];
	v22 =	vmul.f32 v27, v22  }
0x88: {  	v43 =	vld [tilespmem:s19+$0x18040]  }
0x89: {  	v45 =	vmul.f32 v30, v28;
	[tilespmem:s17+$0x1D050] =	vst v18;
	v44 =	vadd.f32 v22, v21  }
0x8a: {  	v46 =	vld [tilespmem:s19+$0x18050]  }
0x8b: {  	v25 =	vadd.f32 v25, v26;
	v47 =	vmul.f32 v32, v31;
	v18 =	vadd.f32 v45, v44;
	_ =	sdelay $0x1  }
0x8c: {  	v26 =	vperm.xlane v25, v0;
	v48 =	vmul.f32 v43, v42;
	v18 =	vadd.f32 v47, v18;
	_ =	sdelay $0x1  }
0x8d: {  	v25 =	vadd.f32 v25, v26;
	v49 =	vmul.f32 $6.250000000e-02, v46;
	v18 =	vadd.f32 v18, v48;
	_ =	sdelay $0x1  }
0x8e: {  	v50 =	vperm.xlane v25, v1;
	v18 =	vadd.f32 v18, v49;
	_ =	sdelay $0x1  }
0x8f: {  	v51 =	vadd.f32 v25, v50;
	v52 =	vperm.xlane v18, v0;
	_ =	sdelay $0x1  }
0x90: {  	v20 =	vadd.f32 v20, v24;
	v53 =	vperm.xlane v51, v2;
	v18 =	vadd.f32 v18, v52;
	_ =	sdelay $0x1  }
0x91: {  	v20 =	vmul.f32 $1.250000000e-01, v20;
	v21 =	vadd.f32 v51, v53;
	v22 =	vperm.xlane v18, v1;
	_ =	sdelay $0x1  }
0x92: {  	v20 =	vmul.f32 $1.442695020e+00, v20;
	v24 =	vperm.xlane v21, v4;
	v18 =	vadd.f32 v18, v22;
	_ =	sdelay $0x1  }
0x93: {  	(erf) = vpow2.f32 v20;
	v54 =	vadd.f32 v21, v24;
	v55 =	vperm.xlane v18, v2;
	_ =	sdelay $0x1  }
0x94: {  	v20 =	vmul.f32 $1.250000000e-01, v54;
	v18 =	vadd.f32 v18, v55;
	_ =	sdelay $0x1  }
0x95: {  	v20 =	vmul.f32 $1.442695020e+00, v20;
	v21 =	vperm.xlane v18, v4;
	_ =	sdelay $0x1  }
0x96: {  	v8 =	vmul.f32 v29, v8;
	(erf) = vpow2.f32 v20;
	v57 =	vadd.f32 v18, v21  }
0x97: {  	s21 =	sadd.s32 $0x1, s16  }
0x98: {  	s16 =	simm.f32 $1.000000000e+00;
	p0 =	slt.u32 s21, $0x27100;
	v9 =	vmul.f32 v29, v9;
	v56 =	vld [tilespmem:s19+$0x15840];
	[tilespmem:s17+$0x1D000] =	vst v8;
	v8 =	vmul.f32 $1.250000000e-01, v57  }
0x99: {  	s16 =	simm.s32 @!p0 $0x0;
	v5 =	vmul.f32 v29, v5;
	v6 =	vmul.f32 v29, v6;
	v58 =	vld [tilespmem:s19+$0x15850];
	v60 =	vpop (erf)  }
0x9a: {  	v59 =	vld [tilespmem:s19+$0x15860];
	[tilespmem:s17+$0x1D010] =	vst v9;
	v9 =	vmul.f32 s16, v60;
	v8 =	vmul.f32 $1.442695020e+00, v8  }
0x9b: {  	v61 =	vld [tilespmem:s19+$0x15870];
	[tilespmem:s17+$0x1D020] =	vst v5  }
0x9c: {  	[tilespmem:s17+$0x1D030] =	vst v6;
	v5 =	vmul.f32 v9, v7;
	(erf) = vpow2.f32 v8  }
0x9d: {  	s7 =	sadd.s32 $0x1, s21;
	[tilespmem:s11+$0x1D040] =	vst v9;
	v6 =	vmul.f32 v9, v11  }
0x9e: {  	p0 =	slt.u32 s7, $0x27100;
	s16 =	simm.f32 $1.000000000e+00;
	[tilespmem:s11+$0x1D050] =	vst v5;
	v5 =	vmul.f32 v9, v12  }
0x9f: {  	s16 =	simm.s32 @!p0 $0x0;
	v62 =	vmul.f32 v9, v13;
	[tilespmem:s11+$0x1D000] =	vst v6;
	v7 =	vpop (erf)  }
0xa0: {  	v6 =	vmul.f32 v9, v10;
	[tilespmem:s11+$0x1D010] =	vst v5;
	v5 =	vmul.f32 s16, v7  }
0xa1: {  	[tilespmem:s11+$0x1D030] =	vst v62  }
0xa2: {  	[tilespmem:s11+$0x1D020] =	vst v6;
	v6 =	vmul.f32 v5, v14  }
0xa3: {  	s7 =	sadd.s32 $0x1, s7;
	[tilespmem:s3+$0x1D040] =	vst v5;
	v7 =	vmul.f32 v5, v16  }
0xa4: {  	p0 =	slt.u32 s7, $0x27100;
	s7 =	simm.f32 $1.000000000e+00;
	[tilespmem:s3+$0x1D050] =	vst v6;
	v6 =	vmul.f32 v5, v19  }
0xa5: {  	s7 =	simm.s32 @!p0 $0x0;
	[tilespmem:s3+$0x1D000] =	vst v7;
	v7 =	vmul.f32 v5, v15;
	v63 =	vpop (erf)  }
0xa6: {  	v5 =	vmul.f32 v5, v17;
	[tilespmem:s3+$0x1D010] =	vst v6;
	v6 =	vmul.f32 s7, v63  }
0xa7: {  	[tilespmem:s3+$0x1D020] =	vst v7  }
0xa8: {  	[tilespmem:s3+$0x1D030] =	vst v5;
	v5 =	vmul.f32 v6, v42  }
0xa9: {  	[tilespmem:s19+$0x1D040] =	vst v6;
	v7 =	vmul.f32 v6, v56  }
0xaa: {  	[tilespmem:s19+$0x1D050] =	vst v5;
	v5 =	vmul.f32 v6, v58  }
0xab: {  	[tilespmem:s19+$0x1D000] =	vst v7;
	v7 =	vmul.f32 v6, v59  }
0xac: {  	s15 =	sadd.s32 $0x1, s15;
	v6 =	vmul.f32 v6, v61;
	[tilespmem:s19+$0x1D010] =	vst v5  }
0xad: {  	p0 =	sne.s32 s15, $0x10;
	[tilespmem:s19+$0x1D020] =	vst v7  }
.Ltmp2:
0xae: {  	s21 =	sadd.s32 $0x15000, s14;
	[tilespmem:s19+$0x1D030] =	vst v6;
	(pc) =	sbr.rel @p0 .LBB2_5-.Ltmp2, $4  }
0xaf: {  	[spmem:s1] =	stream.indirect.scatter.add.f32 [tilespmem:s30], [sflag:$0x4], $0x80, s21, s22, $0xb8;
	[tilespmem:$0x1F800] =	vst v63  }
0xb0: {  	_ =	swait.ge [sflag:s18], $0x2800  }
0xb1: {  	[sflag:s18] =	ssyncset.done $0x0  }
0xb2: {  	s0 =	sadd.s32 $0x50, s0;
	[sflag:s18] =	ssyncadd.s32 $0xFFFFD800  }
0xb3: {  	s2 =	sadd.s32 $0x1, s2  }
0xb4: {  	p0 =	sne.s32 s2, $0x8  }
.Ltmp3:
0xb5: {  	_ = 	snop;
	(pc) =	sbr.rel @p0 .LBB2_4-.Ltmp3, $2  }
0xb6: {  	_ =	sdelay $0x2  }
0xb7: {  	s20 =	sadd.s32 $0x500, s20  }
0xb8: {  	[bflag:$0x0] =	sbarrier.arrive $0xFFFF  }
0xb9: {  	s11 =	rddreg [dreg:$0x6]  }
0xba: {  	s0 =	rddreg [dreg:$0x7]  }
0xbb: {  	s2 =	rddreg [dreg:$0xa]  }
0xbc: {  	[hbm:s0], [sflag:s11] =	dma.local [spmem:s2], $0x2800  }
0xbd: {  	_ =	swait.ge [sflag:s18], $0x2800  }
0xbe: {  	s14 =	rddreg [dreg:$0x3]  }
0xbf: {  	s21 =	rddreg [dreg:$0x8];
	s14 =	sadd.s32 $0x1, s14  }
0xc0: {  	p0 =	sne.s32 s14, s21  }
.Ltmp4:
0xc1: {  	_ = 	snop;
	(pc) =	sbr.rel @p0 .LBB2_1-.Ltmp4, $3  }
0xc2: {  	_ =	sdelay $0x1  }
0xc3: {  	[sflag:s18] =	ssyncset.done $0x0  }
0xc4: {  	[sflag:s18] =	ssyncadd.s32 $0xFFFFD800  }
0xc5: {  	_ =	sfence.sel $0x180000  }
0xc6: {  	[bflag:$0x0] =	sbarrier.arrive $0xFFFF  }
0xc7: {  	_ =	strace $0x90000047  }
0xc8: {  	s0 =	stileid.u32;
	[bflag:$0x2] =	sbarrier.arrive $0xFFFF  }
0xc9: {  	p0 =	sne.s32 s0, $0x0;
	s0 =	rddreg [dreg:$0x2]  }
0xca: {  	s0 =	sadd.s32 @!p0 $0x100000, s0  }
0xcb: {  	[sflag:s0] =	ssyncadd.tile.s32 @!p0 $0x1;
	_ =	shalt  }
.Lfunc_end2:
_tile_overlayer_lowered:
.L_overlay_start_2:
0xcc: {  	(tag) =	ssettag $0x2  }
0xcd: {  	s0 =	rddreg [dreg:$0x0];
	s2 =	stileid.u32  }
0xce: {  	s1 =	rddreg [dreg:$0x1];
	p0 =	sne.s32 s2, $0x0  }
0xcf: {  	s3 =	rddreg [dreg:$0x2];
	[bflag:$0x3] =	sbarrier.arrive $0xFFFF;
	s2 =	simm.s32 @!p0 $0x1C04  }
0xd0: {  	[timem:s3], [sflag:s2] =	dma.local @!p0 [hbm:s0], s1  }
0xd1: {  	s0 =	simm.s32 @!p0 $0x4  }
0xd2: {  	_ =	swait.ge @!p0 [sflag:s0], s1  }
0xd3: {  	s1 =	ssub.s32 @!p0 $0x0, s1;
	[sflag:s0] =	ssyncset.done @!p0 $0x0  }
0xd4: {  	[sflag:s0] =	ssyncadd.s32 @!p0 s1  }
0xd5: {  	[bflag:$0x3] =	sbarrier.arrive $0xFFFF  }
0xd6: {  	_ =	shalt  }

// kernel: kernel.16.cloned.1.call-start
scs
__scs_entry_jumppad:
0x0: {  	(pc) =	sbr.rel $0x88, $3  }
0x1: {  	(tag) =	ssettag $0x0;
	lr =	simm.s32 $0x1  }
0x2: {  	[smem:$0x3F70] =	sst lr;
	_ =	strace $0xD0000000  }
0x3: {  	_ = 	snop  }
0x4: {  	_ = 	snop  }
0x5: {  	_ = 	snop  }
0x6: {  	_ = 	snop  }
0x7: {  	_ = 	snop  }
__scs_overlays_trampoline_lowered:
0x8: {  	[smem:$0x3F7F] =	sst s0  }
0x9: {  	[smem:$0x3F80] =	sst s1  }
0xa: {  	[smem:$0x3F81] =	sst s2  }
0xb: {  	[smem:$0x3F82] =	sst s3  }
0xc: {  	[smem:$0x3F83] =	sst s4  }
0xd: {  	[smem:$0x3F84] =	sst s5  }
0xe: {  	[smem:$0x3F85] =	sst s6  }
0xf: {  	[smem:$0x3F86] =	sst s7  }
0x10: {  	[smem:$0x3F87] =	sst s8  }
0x11: {  	[smem:$0x3F88] =	sst s9;
	s0 =	simm.s32 @!p0 $0x0  }
0x12: {  	s1 =	sld [smem:$0x3F6E];
	s0 =	simm.s32 @p0 $0x1  }
0x13: {  	[smem:$0x3F89] =	sst s0;
	s0 =	simm.s32 @!p1 $0x0  }
0x14: {  	s2 =	sld [smem:$0x3F6D];
	s0 =	simm.s32 @p1 $0x1  }
0x15: {  	[smem:$0x3F8A] =	sst s0;
	s0 =	simm.s32 @!p2 $0x0  }
0x16: {  	s3 =	sld [smem:$0x3FDB];
	s0 =	simm.s32 @p2 $0x1  }
0x17: {  	s4 =	simm.s32 $0x1BF5;
	[smem:$0x3F8C] =	sst s0  }
0x18: {  	s0 =	sld [smem:$0x3F6F];
	_ =	swait.ge [sflag:s4], $0x0  }
0x19: {  	s7 =	sld [smem:$0x3F70]  }
0x1a: {  	s8 =	sadd.s32 $0xFFFFE003, lr  }
0x1b: {  	s9 =	sadd.s32 $0xFFFFFEF7, lr;
	s5 =	simm.s32 $0xFFFFFFFF;
	p2 =	slt.u32 s8, $0xFFFFF086  }
0x1c: {  	p1 =	slt.u32 s9, $0xF7A;
	s5 =	simm.s32 @!p2 $0x0  }
0x1d: {  	s5 =	simm.s32 @p1 $0x1;
	p0 =	seq.s32 s7, s2  }
0x1e: {  	s7 =	smul.u32 @!p0 $0xF7A, s2;
	p2 =	seq.s32 @!p0 s5, $0x0  }
0x1f: {  	s9 =	smul.u32 $0xF7A, s1;
	s8 =	simm.s32 @!p0 $0x1BF5;
	p2 =	por !p2, p0  }
0x20: {  	[sflag:s8] =	ssyncset.s32 @!p0 $0xFFFFF086;
	s6 =	sadd.s32 @!p0 s3, s7;
	s7 =	simm.s32 @!p0 $0x108  }
0x21: {  	s3 =	sadd.s32 s3, s9;
	s6 =	sadd.s32 @!p0 $0x88, s6;
	s7 =	simm.s32 @p2 $0x1082  }
0x22: {  	[simem:s7], [sflag:s8] =	dma.local @!p0 [hbm:s6], $0xF7A  }
0x23: {  	s9 =	sor.u32 $0xD0000000, s2;
	s6 =	simm.s32 $0x108;
	_ =	swait.ge @!p0 [sflag:s8], $0x0  }
0x24: {  	s3 =	sadd.s32 $0x88, s3;
	s6 =	simm.s32 @!p1 $0x1082;
	[sflag:s4] =	ssyncset.s32 $0xFFFFF086  }
0x25: {  	[simem:s6], [sflag:s4] =	dma.local [hbm:s3], $0xF7A  }
0x26: {  	[smem:$0x3F70] =	sst s1;
	(tag) =	ssettag s2;
	_ =	strace s9  }
0x27: {  	s1 =	sld [smem:$0x3F80]  }
0x28: {  	s2 =	sld [smem:$0x3F81]  }
0x29: {  	s4 =	sld [smem:$0x3F83]  }
0x2a: {  	p0 =	seq.s32 s5, $0x0;
	s5 =	sld [smem:$0x3F84]  }
0x2b: {  	s6 =	sld [smem:$0x3F85]  }
0x2c: {  	s7 =	sld [smem:$0x3F86]  }
0x2d: {  	s3 =	simm.s32 $0x108;
	s8 =	sld [smem:$0x3F87]  }
0x2e: {  	s3 =	simm.s32 @!p0 $0x1082;
	s9 =	sld [smem:$0x3F88]  }
0x2f: {  	lr =	sadd.s32 s0, s3;
	s0 =	sld [smem:$0x3F7F]  }
0x30: {  	s3 =	sld [smem:$0x3F82]  }
0x31: {  	[smem:$0x3F8B] =	sst s10  }
0x32: {  	s10 =	sld [smem:$0x3F89];
	_ =	sdelay $0x3  }
0x33: {  	p0 =	seq.s32 s10, $0x1;
	s10 =	sld [smem:$0x3F8B];
	_ =	sdelay $0x3  }
0x34: {  	[smem:$0x3F8B] =	sst s10  }
0x35: {  	s10 =	sld [smem:$0x3F8A];
	_ =	sdelay $0x3  }
0x36: {  	p1 =	seq.s32 s10, $0x1;
	s10 =	sld [smem:$0x3F8B];
	_ =	sdelay $0x3  }
0x37: {  	[smem:$0x3F8B] =	sst s10  }
0x38: {  	s10 =	sld [smem:$0x3F8C]  }
0x39: {  	_ = 	snop;
	(pc) =	sbr.ind lr, $3  }
0x3a: {  	_ = 	snop  }
0x3b: {  	_ = 	snop  }
0x3c: {  	p2 =	seq.s32 s10, $0x1;
	s10 =	sld [smem:$0x3F8B]  }
0x3d: {  	_ =	shalt  }
0x3e: {  	_ =	shalt  }
0x3f: {  	_ =	shalt  }
0x40: {  	_ =	shalt  }
0x41: {  	_ =	shalt  }
0x42: {  	_ =	shalt  }
0x43: {  	_ =	shalt  }
0x44: {  	_ =	shalt  }
0x45: {  	_ =	shalt  }
0x46: {  	_ =	shalt  }
0x47: {  	_ =	shalt  }
0x48: {  	_ =	shalt  }
0x49: {  	_ =	shalt  }
0x4a: {  	_ =	shalt  }
0x4b: {  	_ =	shalt  }
0x4c: {  	_ =	shalt  }
0x4d: {  	_ =	shalt  }
0x4e: {  	_ =	shalt  }
0x4f: {  	_ =	shalt  }
0x50: {  	_ =	shalt  }
0x51: {  	_ =	shalt  }
0x52: {  	_ =	shalt  }
0x53: {  	_ =	shalt  }
0x54: {  	_ =	shalt  }
0x55: {  	_ =	shalt  }
0x56: {  	_ =	shalt  }
0x57: {  	_ =	shalt  }
0x58: {  	_ =	shalt  }
0x59: {  	_ =	shalt  }
0x5a: {  	_ =	shalt  }
0x5b: {  	_ =	shalt  }
0x5c: {  	_ =	shalt  }
0x5d: {  	_ =	shalt  }
0x5e: {  	_ =	shalt  }
0x5f: {  	_ =	shalt  }
0x60: {  	_ =	shalt  }
0x61: {  	_ =	shalt  }
0x62: {  	_ =	shalt  }
0x63: {  	_ =	shalt  }
0x64: {  	_ =	shalt  }
0x65: {  	_ =	shalt  }
0x66: {  	_ =	shalt  }
0x67: {  	_ =	shalt  }
0x68: {  	_ =	shalt  }
0x69: {  	_ =	shalt  }
0x6a: {  	_ =	shalt  }
0x6b: {  	_ =	shalt  }
0x6c: {  	_ =	shalt  }
0x6d: {  	_ =	shalt  }
0x6e: {  	_ =	shalt  }
0x6f: {  	_ =	shalt  }
0x70: {  	_ =	shalt  }
0x71: {  	_ =	shalt  }
0x72: {  	_ =	shalt  }
0x73: {  	_ =	shalt  }
0x74: {  	_ =	shalt  }
0x75: {  	_ =	shalt  }
0x76: {  	_ =	shalt  }
0x77: {  	_ =	shalt  }
0x78: {  	_ =	shalt  }
0x79: {  	_ =	shalt  }
0x7a: {  	_ =	shalt  }
0x7b: {  	_ =	shalt  }
0x7c: {  	_ =	shalt  }
0x7d: {  	_ =	shalt  }
0x7e: {  	_ =	shalt  }
0x7f: {  	_ =	shalt  }
0x80: {  	_ =	shalt  }
0x81: {  	_ =	shalt  }
0x82: {  	_ =	shalt  }
0x83: {  	_ =	shalt  }
0x84: {  	_ =	shalt  }
0x85: {  	_ =	shalt  }
0x86: {  	_ =	shalt  }
0x87: {  	_ =	shalt  }
.Lfunc_end0:
.L_simem_size_0:
called_computation.1_lowered:
.L_overlay_start_0:
0x88: {  	s2 =	sld [smem:$0x3FD9]  }
0x89: {  	s3 =	sld [smem:$0x3FFE];
	_ =	sdelay $0x1  }
0x8a: {  	s1 =	srdreg.scid  }
0x8b: {  	s0 =	sand.u32 $0x1, s1  }
0x8c: {  	s16 =	sshll.u32 s0, $0xA;
	s2 =	sadd.s32 s3, s2  }
0x8d: {  	s2 =	sadd.s32 s2, s16  }
0x8e: {  	[smem:$0x3F97] =	sst s2  }
0x8f: {  	_ = 	snop  }
0x90: {  	(tm) =	ssettm $0x1  }
0x91: {  	s17 =	sld [smem:$0x3FFB];
	_ =	sdelay $0x3  }
0x92: {  	_ =	strace s17  }
0x93: {  	s2 =	sld [smem:$0x3FFC];
	_ =	sdelay $0x3  }
0x94: {  	_ =	strace s2  }
0x95: {  	s2 =	sld [smem:$0x3FFD];
	_ =	sdelay $0x3  }
0x96: {  	_ =	strace s2  }
0x97: {  	_ =	strace $0x8FFFFFFF  }
0x98: {  	s18 =	sld [smem:$0x3FDB];
	_ =	sdelay $0x1  }
0x99: {  	s19 =	simm.s32 $_scs_section_size  }
0x9a: {  	s4 =	simm.s32 $_size__tile_overlayer_lowered;
	s5 =	simm.s32 $_tile_overlayer_lowered  }
0x9b: {  	s22 =	simm.s32 $0x1BFF;
	s21 =	sshll.u32 s5, $0x1;
	s2 =	sadd.s32 s19, s18  }
0x9c: {  	s6 =	simm.s32 $0x0;
	s20 =	sshll.u32 s4, $0x1;
	s4 =	sadd.s32 s21, s2  }
0x9d: {  	[timem:s6], [sflag:s22] =	dma.local [hbm:s4], s20  }
0x9e: {  	_ =	swait.ge [sflag:s22], s20  }
0x9f: {  	s3 =	ssub.s32 $0x0, s20;
	[sflag:s22] =	ssyncset.done $0x0  }
0xa0: {  	[sflag:s22] =	ssyncadd.s32 s3;
	_ =	sdelay $0x1  }
0xa1: {  	s23 =	simm.s32 $0x1B8B  }
0xa2: {  	_ =	swait.ge [sflag:s23], $0x1  }
0xa3: {  	[sflag:s23] =	ssyncset.done $0x0  }
0xa4: {  	s25 =	simm.s32 $0x1B8E;
	s24 =	sld [smem:$0x3FFE];
	[sflag:s23] =	ssyncadd.s32 $0xFFFFFFFF  }
0xa5: {  	s26 =	simm.s32 $execute0_lowered;
	[smem:$0x3FD2] =	sst s25  }
0xa6: {  	s4 =	sshll.u32 s26, $0x1;
	_ =	strace $0x80000049;
	[dreg:$0x1] =	wrdreg $0xFFFFFFFF  }
0xa7: {  	s28 =	simm.s32 $_size_execute0_lowered;
	s2 =	sadd.s32 s2, s4;
	[dreg:$0x0] =	wrdreg $0x0  }
0xa8: {  	s4 =	sshll.u32 s28, $0x1;
	[dreg:$0x2] =	wrdreg s2  }
0xa9: {  	[dreg:$0x3] =	wrdreg s4  }
0xaa: {  	[dreg:$0x4] =	wrdreg $0xC0  }
0xab: {  	_ =	task [dreg:s6], $0x5FFFF  }
0xac: {  	[dreg:$0x1] =	wrdreg $0xFFFFFFFF  }
0xad: {  	[dreg:$0x0] =	wrdreg $0x60  }
0xae: {  	[dreg:$0x2] =	wrdreg s24  }
0xaf: {  	[dreg:$0x3] =	wrdreg $0x0  }
0xb0: {  	[dreg:$0x4] =	wrdreg $0x9  }
0xb1: {  	_ =	task.clear_ibuf [dreg:s6], $0x5FFFF;
	_ =	strace $0x90000049  }
0xb2: {  	s29 =	simm.s32 $0x9;
	_ =	strace $0x8000004B  }
0xb3: {  	_ =	swait.ge [sflag:s29], $0x1  }
0xb4: {  	[sflag:s29] =	ssyncadd.s32 $0xFFFFFFFF  }
0xb5: {  	_ =	strace $0x9000004B  }
0xb6: {  	_ =	sfence  }
0xb7: {  	s30 =	sld [smem:$0x0];
	_ =	sdelay $0x2  }
0xb8: {  	s31 =	sshll.u32 s1, $0xD;
	s1 =	sshrl.u32 s1, $0x2  }
0xb9: {  	s3 =	sand.u32 $0x4000, s31;
	s1 =	sadd.s32 s1, s30  }
0xba: {  	s0 =	sor.u32 s3, s0;
	s1 =	sshll.u32 s1, $0x11  }
0xbb: {  	s0 =	sor.u32 s1, s0  }
0xbc: {  	s0 =	sadd.s32 $0x8F2B, s0  }
0xbd: {  	[sflag:s0] =	ssyncadd.remote.s32 $0x1  }
0xbe: {  	_ =	sfence.sel $0xFFFF  }
0xbf: {  	[dreg:$0x0] =	wrdreg $0xFFFFFFFF;
	(pc) =	sbr.abs _section_cstart, $3  }
0xc0: {  	[dreg:$0x1] =	wrdreg $0xFFFFFFFF  }
0xc1: {  	_ =	task.clear_ibuf [dreg:s6], $0x2FFFF;
	_ =	strace $0x9FFFFFFF  }
0xc2: {  	(tm) =	ssettm $0x7FFFFFFF  }
0xc3: {  	_ =	shalt  }
tec
execute0_lowered:
.L_overlay_start_1:
0x0: {  	(tag) =	ssettag $0x1  }
0x1: {  	s0 =	rddreg [dreg:$0x0]  }
0x2: {  	s1 =	rddreg [dreg:$0x1];
	s14 =	simm.s32 $0x0  }
0x3: {  	s2 =	srdreg.scid;
	s7 =	stileid.u32;
	s18 =	simm.s32 $0x4  }
0x4: {  	s22 =	simm.s32 $0x50;
	s28 =	simm.s32 $0x2;
	s29 =	simm.s32 $0x3  }
0x5: {  	s30 =	simm.s32 $0x1D000;
	s31 =	simm.s32 $0x0;
	[smem:$0x7FF] =	sst s14  }
0x6: {  	s2 =	sand.u32 $0x1, s2;
	s9 =	smul.u32 $0x14000, s7;
	s4 =	sadd.s32 $0x7E000, s0  }
0x7: {  	v0 =	vimm.s32 $0xEFCDAB89;
	s5 =	sadd.s32 $0x2FE00, s0;
	s6 =	sadd.s32 $0x280E00, s0;
	s8 =	sadd.s32 $0xFE00, s0  }
0x8: {  	v1 =	vimm.s32 $0x67452301;
	v2 =	vimm.s32 $0xDCFE98BA;
	s10 =	smul.u32 $0x50000, s7;
	s11 =	sadd.s32 $0xCC200, s0;
	s12 =	sshll.u32 s7, $0x6  }
0x9: {  	v3 =	vimm.s32 $0x54761032;
	s26 =	smul.u32 $0x2800, s7;
	_ =	strace $0x8000004A;
	[dreg:$0x4] =	wrdreg s8  }
0xa: {  	v4 =	vimm.s32 $0xBA98FEDC;
	v5 =	vimm.s32 $0xFEDCBA98;
	s3 =	smul.u32 $0x140000, s2;
	s8 =	sadd.s32 $0x1FE00, s0;
	[dreg:$0x5] =	wrdreg s11  }
0xb: {  	v6 =	vimm.s32 $0x32107654;
	v7 =	vimm.s32 $0x76543210;
	v0 =	vunpack.c.l.s4.s8 v0;
	s23 =	ssub.s32 $0x2, s2;
	s11 =	sor.u32 $0x1C04, s12;
	s12 =	sshll.u32 s7, $0x7  }
0xc: {  	v1 =	vunpack.c.l.s4.s8 v1;
	v2 =	vunpack.c.l.s4.s8 v2;
	v3 =	vunpack.c.l.s4.s8 v3;
	s13 =	sshll.u32 s2, $0xF;
	s24 =	sshrl.u32 s23, $0x1;
	s10 =	sshrl.u32 s10, $0x2  }
0xd: {  	v5 =	vunpack.c.l.s4.s8 v5;
	v4 =	vunpack.c.l.s4.s8 v4;
	v6 =	vunpack.c.l.s4.s8 v6;
	[dreg:$0x9] =	wrdreg s26;
	s26 =	simm.s32 $0x1;
	s3 =	sadd.s32 s9, s3  }
0xe: {  	v7 =	vunpack.c.l.s4.s8 v7;
	v0 =	vunpack.c.0.s8.s32 v0;
	v1 =	vunpack.c.0.s8.s32 v1;
	[dreg:$0x6] =	wrdreg s11;
	s10 =	sadd.s32 s10, s1;
	s3 =	sshrl.u32 s3, $0x3  }
0xf: {  	v2 =	vunpack.c.0.s8.s32 v2;
	v3 =	vunpack.c.0.s8.s32 v3;
	v5 =	vunpack.c.0.s8.s32 v5;
	s9 =	sadd.s32 $0x7A00, s0;
	s2 =	sshrl.u32 s10, $0x3;
	s0 =	sadd.s32 s3, s0  }
0x10: {  	v4 =	vunpack.c.0.s8.s32 v4;
	v6 =	vunpack.c.0.s8.s32 v6;
	v7 =	vunpack.c.0.s8.s32 v7;
	s3 =	ssub.s32 s23, s24;
	[dreg:$0xa] =	wrdreg s2;
	s0 =	sadd.s32 $0xCEA00, s0  }
0x11: {  	v0 =	vcombine.low v1, v0;
	v1 =	vcombine.low v3, v2;
	v5 =	vand.u32 $0xF, v5;
	s23 =	simm.s32 $0x15800;
	s25 =	smax.u32 s3, $0x1;
	[dreg:$0x7] =	wrdreg s0  }
0x12: {  	v2 =	vcombine.low v6, v4;
	v3 =	vimm.f32 $0.0e+00;
	s24 =	simm.s32 $0x18000;
	v4 =	vcombine.low v5, v7;
	[dreg:$0x8] =	wrdreg s25;
	s25 =	simm.s32 $0x1A800  }
.LBB2_1:
0x13: {  	[dreg:$0x3] =	wrdreg s14  }
0x14: {  	s0 =	rddreg [dreg:$0x5]  }
0x15: {  	[spmem:s2], [sflag:s11] =	dma.local [hbm:s0], $0x2800  }
0x16: {  	_ =	swait.ge [sflag:s18], $0x2800  }
0x17: {  	[sflag:s18] =	ssyncset.done $0x0  }
0x18: {  	s0 =	simm.s32 $0x200;
	s2 =	simm.s32 $0x0;
	[sflag:s18] =	ssyncadd.s32 $0xFFFFD800  }
.LBB2_2:
0x19: {  	p0 =	sne.s32 s0, $0x9E00;
	[tilespmem:s2+$0x1D060] =	vst v3;
	s3 =	smov.u32 s0;
	s0 =	sadd.s32 $0x200, s0  }
.Ltmp0:
0x1a: {  	[tilespmem:s2+$0x1D070] =	vst v3;
	(pc) =	sbr.rel @p0 .LBB2_2-.Ltmp0, $2  }
0x1b: {  	_ =	sdelay $0x2  }
0x1c: {  	s2 =	sshra.s32 s3, $0x2  }
0x1d: {  	[tilespmem:s2+$0x1D060] =	vst v3  }
0x1e: {  	[tilespmem:s2+$0x1D070] =	vst v3  }
0x1f: {  	[bflag:$0x0] =	sbarrier.arrive $0xFFFF  }
0x20: {  	s2 =	simm.s32 $0x0;
	s20 =	rddreg [dreg:$0x9]  }
.LBB2_4:
0x21: {  	s0 =	sshll.u32 s2, $0x4  }
0x22: {  	s10 =	sadd.s32 s12, s0  }
0x23: {  	s0 =	sshll.u32 s10, $0x4  }
0x24: {  	s7 =	rddreg [dreg:$0x4];
	s3 =	sadd.s32 s13, s0  }
0x25: {  	s17 =	simm.s32 $0x14000;
	s11 =	sadd.s32 s7, s3  }
0x26: {  	[tilespmem:s17], [sflag:$0x4] =	stream.linear.gather [hbm4b:s11+s31], $0x800, $0x38;
	[tilespmem:$0x1F800] =	vst v63  }
0x27: {  	_ =	swait.ge [sflag:s18], $0x800  }
0x28: {  	[sflag:s18] =	ssyncset.done $0x0  }
0x29: {  	s19 =	simm.s32 $0x14800;
	s3 =	sadd.s32 s8, s3;
	[sflag:s18] =	ssyncadd.s32 $0xFFFFF800  }
0x2a: {  	[tilespmem:s19], [sflag:$0x4] =	stream.linear.gather [hbm4b:s3+s31], $0x800, $0x38;
	[tilespmem:$0x1F800] =	vst v63  }
0x2b: {  	_ =	swait.ge [sflag:s18], $0x800  }
0x2c: {  	[sflag:s18] =	ssyncset.done $0x0  }
0x2d: {  	s21 =	simm.s32 $0x15000;
	s0 =	sadd.s32 s9, s0;
	[sflag:s18] =	ssyncadd.s32 $0xFFFFF800  }
0x2e: {  	[tilespmem:s21], [sflag:$0x4] =	stream.linear.gather [hbm4b:s0+s31], $0x800, $0x38;
	[tilespmem:$0x1F800] =	vst v63  }
0x2f: {  	_ =	swait.ge [sflag:s18], $0x800  }
0x30: {  	[sflag:s18] =	ssyncset.done $0x0  }
0x31: {  	s15 =	simm.s32 $0x0;
	s0 =	smov.u32 s20;
	[sflag:s18] =	ssyncadd.s32 $0xFFFFF800  }
.LBB2_5:
0x32: {  	s14 =	sshll.u32 s15, $0x7  }
0x33: {  	s3 =	sor.u32 s10, s15;
	s11 =	sadd.s32 $0x14000, s14  }
0x34: {  	[tilespmem:s23], [sflag:$0x1] =	stream.indirect.gather [hbm4b:s4+s22], $0x80, s11, s22, $0xb8;
	[tilespmem:$0x1F800] =	vst v63  }
0x35: {  	s19 =	sadd.s32 $0x14800, s14;
	s3 =	smul.u32 $0x500, s3  }
0x36: {  	[tilespmem:s24], [sflag:$0x2] =	stream.indirect.gather [hbm4b:s5+s22], $0x80, s19, s22, $0xb8;
	[tilespmem:$0x1F800] =	vst v63  }
0x37: {  	s21 =	simm.s32 $0x0;
	s3 =	sadd.s32 s6, s3  }
0x38: {  	[tilespmem:s25], [sflag:$0x3] =	stream.linear.gather [hbm4b:s3+s21], $0x2800, $0x38;
	[tilespmem:$0x1F800] =	vst v63  }
0x39: {  	_ =	swait.ge [sflag:s26], $0x2800  }
0x3a: {  	[sflag:s26] =	ssyncset.done $0x0  }
0x3b: {  	[sflag:s26] =	ssyncadd.s32 $0xFFFFD800  }
0x3c: {  	_ =	swait.ge [sflag:s28], $0x2800  }
0x3d: {  	[sflag:s28] =	ssyncset.done $0x0  }
0x3e: {  	[sflag:s28] =	ssyncadd.s32 $0xFFFFD800  }
0x3f: {  	_ =	swait.ge [sflag:s29], $0x2800  }
0x40: {  	[sflag:s29] =	ssyncset.done $0x0  }
0x41: {  	s17 =	simm.s32 $0x0;
	[sflag:s29] =	ssyncadd.s32 $0xFFFFD800  }
0x42: {  	v6 =	vld [tilespmem:s17+$0x18000]  }
0x43: {  	v7 =	vld [tilespmem:s17+$0x15800]  }
0x44: {  	v10 =	vld [tilespmem:s17+$0x18010]  }
0x45: {  	v11 =	vld [tilespmem:s17+$0x15810]  }
0x46: {  	v12 =	vld [tilespmem:s17+$0x18020]  }
0x47: {  	v13 =	vld [tilespmem:s17+$0x15820]  }
0x48: {  	v14 =	vld [tilespmem:s17+$0x18030]  }
0x49: {  	v15 =	vld [tilespmem:s17+$0x15830]  }
0x4a: {  	v18 =	vld [tilespmem:s17+$0x1A800]  }
0x4b: {  	v16 =	vld [tilespmem:s17+$0x18040];
	v7 =	vmul.f32 v7, v6;
	v10 =	vmul.f32 v11, v10  }
0x4c: {  	s11 =	simm.s32 $0x80;
	v17 =	vld [tilespmem:s17+$0x18050]  }
0x4d: {  	v11 =	vld [tilespmem:s11+$0x18000];
	v7 =	vadd.f32 v10, v7;
	v10 =	vmul.f32 v13, v12  }
0x4e: {  	v12 =	vld [tilespmem:s11+$0x15800]  }
0x4f: {  	v13 =	vld [tilespmem:s11+$0x18010];
	v7 =	vadd.f32 v10, v7;
	v10 =	vmul.f32 v15, v14  }
0x50: {  	v14 =	vld [tilespmem:s11+$0x15810]  }
0x51: {  	v15 =	vld [tilespmem:s11+$0x18020];
	v7 =	vadd.f32 v10, v7;
	v10 =	vmul.f32 v16, v18  }
0x52: {  	v16 =	vld [tilespmem:s11+$0x15820]  }
0x53: {  	v19 =	vld [tilespmem:s11+$0x18030];
	v17 =	vmul.f32 $6.250000000e-02, v17;
	v10 =	vadd.f32 v7, v10  }
0x54: {  	v20 =	vld [tilespmem:s11+$0x15830]  }
0x55: {  	v11 =	vmul.f32 v12, v11;
	v7 =	vld [tilespmem:s11+$0x1A800];
	v12 =	vmul.f32 v14, v13;
	v10 =	vadd.f32 v10, v17  }
0x56: {  	v13 =	vld [tilespmem:s11+$0x18040]  }
0x57: {  	v12 =	vadd.f32 v12, v11;
	v14 =	vmul.f32 v16, v15;
	v15 =	vperm.xlane v10, v0  }
0x58: {  	v16 =	vld [tilespmem:s11+$0x18050]  }
0x59: {  	v8 =	vld [tilespmem:s17+$0x15840];
	v17 =	vmul.f32 v20, v19;
	v14 =	vadd.f32 v14, v12;
	v15 =	vadd.f32 v10, v15  }
0x5a: {  	v9 =	vld [tilespmem:s17+$0x15850]  }
0x5b: {  	s3 =	simm.s32 $0x100;
	v5 =	vld [tilespmem:s17+$0x15860];
	v14 =	vadd.f32 v17, v14;
	v17 =	vmul.f32 v13, v7;
	v19 =	vperm.xlane v15, v1  }
0x5c: {  	v21 =	vld [tilespmem:s3+$0x15800]  }
0x5d: {  	v20 =	vld [tilespmem:s3+$0x18000];
	v16 =	vmul.f32 $6.250000000e-02, v16;
	v14 =	vadd.f32 v14, v17;
	v15 =	vadd.f32 v15, v19  }
0x5e: {  	v17 =	vld [tilespmem:s3+$0x18010]  }
0x5f: {  	v19 =	vld [tilespmem:s3+$0x15810];
	v14 =	vadd.f32 v14, v16;
	v16 =	vperm.xlane v15, v2  }
0x60: {  	v22 =	vld [tilespmem:s3+$0x18020]  }
0x61: {  	v23 =	vld [tilespmem:s3+$0x15820];
	v24 =	vperm.xlane v14, v0;
	v15 =	vadd.f32 v15, v16  }
0x62: {  	v25 =	vld [tilespmem:s3+$0x18030]  }
0x63: {  	v26 =	vld [tilespmem:s3+$0x15830];
	v24 =	vadd.f32 v14, v24;
	v16 =	vperm.xlane v15, v4  }
0x64: {  	v6 =	vld [tilespmem:s17+$0x15870];
	v20 =	vmul.f32 v21, v20;
	v17 =	vmul.f32 v19, v17  }
0x65: {  	v11 =	vld [tilespmem:s11+$0x15840];
	v19 =	vperm.xlane v24, v1;
	v15 =	vadd.f32 v15, v16  }
0x66: {  	v12 =	vld [tilespmem:s11+$0x15850];
	v17 =	vadd.f32 v17, v20  }
0x67: {  	v10 =	vld [tilespmem:s11+$0x15860];
	v20 =	vmul.f32 v23, v22;
	v23 =	vadd.f32 v24, v19;
	v24 =	vmul.f32 $1.250000000e-01, v15  }
0x68: {  	v13 =	vld [tilespmem:s11+$0x15870]  }
0x69: {  	v21 =	vld [tilespmem:s3+$0x18040];
	v24 =	vmul.f32 $1.442695020e+00, v24  }
0x6a: {  	v14 =	vld [tilespmem:s3+$0x1A800]  }
0x6b: {  	v22 =	vld [tilespmem:s3+$0x18050];
	(erf) = vpow2.f32 v24  }
0x6c: {  	v16 =	vld [tilespmem:s3+$0x15840]  }
0x6d: {  	v25 =	vmul.f32 v26, v25;
	v19 =	vld [tilespmem:s3+$0x15850];
	v20 =	vadd.f32 v20, v17  }
0x6e: {  	v17 =	vld [tilespmem:s3+$0x15870];
	v26 =	vperm.xlane v23, v2  }
0x6f: {  	s19 =	simm.s32 $0x180;
	v15 =	vld [tilespmem:s3+$0x15860];
	v27 =	vmul.f32 v21, v14;
	v25 =	vadd.f32 v25, v20  }
0x70: {  	v21 =	vld [tilespmem:s19+$0x18000];
	v20 =	vadd.f32 v23, v26  }
0x71: {  	v23 =	vld [tilespmem:s19+$0x15800];
	v25 =	vadd.f32 v25, v27;
	v26 =	vmul.f32 $6.250000000e-02, v22  }
0x72: {  	s16 =	smov.u32 s0;
	s21 =	simm.s32 $0x800;
	v22 =	vld [tilespmem:s19+$0x18010];
	v24 =	vperm.xlane v20, v4  }
.LBB2_6:
0x73: {  	p0 =	sne.s32 s21, $0x9E00;
	v27 =	vld [tilespmem:s19+$0x15810];
	v25 =	vadd.f32 v25, v26;
	p1 =	slt.u32 s16, $0x27100;
	s7 =	simm.f32 $1.000000000e+00  }
0x74: {  	v26 =	vld [tilespmem:s19+$0x18020];
	v20 =	vadd.f32 v20, v24;
	s7 =	simm.s32 @!p1 $0x0;
	v24 =	vpop (erf)  }
0x75: {  	v28 =	vld [tilespmem:s19+$0x15820];
	v29 =	vperm.xlane v25, v0;
	v24 =	vmul.f32 s7, v24  }
0x76: {  	v30 =	vld [tilespmem:s19+$0x18030];
	v20 =	vmul.f32 $1.250000000e-01, v20  }
0x77: {  	v21 =	vmul.f32 v23, v21;
	v23 =	vld [tilespmem:s19+$0x15830];
	v25 =	vadd.f32 v25, v29;
	[tilespmem:s17+$0x1D040] =	vst v24;
	v29 =	vmul.f32 v24, v18  }
0x78: {  	v18 =	vmovc v7;
	v7 =	vmov v14;
	v22 =	vmul.f32 v27, v22;
	v20 =	vmul.f32 $1.442695020e+00, v20;
	v14 =	vld [tilespmem:s19+$0x1A800]  }
0x79: {  	v32 =	vmul.f32 v24, v8;
	v8 =	vmovc v11;
	v11 =	vmov v16;
	v27 =	vld [tilespmem:s19+$0x18040];
	v31 =	vperm.xlane v25, v1;
	[tilespmem:s17+$0x1D050] =	vst v29  }
0x7a: {  	v21 =	vadd.f32 v22, v21;
	v22 =	vmul.f32 v28, v26;
	v16 =	vld [tilespmem:s19+$0x15840];
	(erf) = vpow2.f32 v20  }
0x7b: {  	v28 =	vmul.f32 v24, v5;
	v26 =	vld [tilespmem:s19+$0x18050];
	v20 =	vadd.f32 v25, v31;
	[tilespmem:s17+$0x1D000] =	vst v32;
	v25 =	vmul.f32 v24, v9  }
0x7c: {  	v9 =	vmovc v12;
	v21 =	vadd.f32 v22, v21;
	v22 =	vmul.f32 v23, v30;
	v29 =	vld [tilespmem:s19+$0x15850];
	v23 =	vmul.f32 v24, v6  }
.Ltmp1:
0x7d: {  	v5 =	vmovc v10;
	v10 =	vmovc v15;
	v12 =	vmov v19;
	v6 =	vmov v13;
	v24 =	vperm.xlane v20, v2;
	[tilespmem:s17+$0x1D010] =	vst v25;
	v15 =	vld [tilespmem:s19+$0x15860];
	(pc) =	sbr.rel @p0 .LBB2_6-.Ltmp1, $4  }
0x7e: {  	s7 =	sshra.s32 s21, $0x2;
	v13 =	vmov v17;
	v30 =	vadd.f32 v22, v21;
	v22 =	vmul.f32 v27, v14;
	[tilespmem:s17+$0x1D020] =	vst v28;
	v17 =	vld [tilespmem:s19+$0x15870]  }
0x7f: {  	v21 =	vld [tilespmem:s7+$0x18000];
	v20 =	vadd.f32 v20, v24;
	[tilespmem:s17+$0x1D030] =	vst v23;
	s17 =	smov.u32 s11;
	s11 =	smov.u32 s3;
	s3 =	smov.u32 s19  }
0x80: {  	s19 =	smov.u32 s7;
	v23 =	vld [tilespmem:s7+$0x15800];
	v25 =	vadd.f32 v30, v22;
	v26 =	vmul.f32 $6.250000000e-02, v26  }
0x81: {  	s16 =	sadd.s32 $0x1, s16;
	s21 =	sadd.s32 $0x200, s21;
	v22 =	vld [tilespmem:s19+$0x18010];
	v24 =	vperm.xlane v20, v4;
	v19 =	vmov v29  }
0x82: {  	v27 =	vld [tilespmem:s19+$0x15810];
	p0 =	slt.u32 s16, $0x27100;
	s7 =	simm.f32 $1.000000000e+00  }
0x83: {  	v28 =	vld [tilespmem:s19+$0x18020];
	s7 =	simm.s32 @!p0 $0x0;
	v29 =	vpop (erf)  }
0x84: {  	v30 =	vld [tilespmem:s19+$0x15820];
	v29 =	vmul.f32 s7, v29  }
0x85: {  	v31 =	vld [tilespmem:s19+$0x18030]  }
0x86: {  	v32 =	vld [tilespmem:s19+$0x15830];
	v21 =	vmul.f32 v23, v21;
	[tilespmem:s17+$0x1D040] =	vst v29  }
0x87: {  	v18 =	vmul.f32 v29, v18;
	v42 =	vld [tilespmem:s19+$0x1A800];
	v22 =	vmul.f32 v27, v22  }
0x88: {  	v43 =	vld [tilespmem:s19+$0x18040]  }
0x89: {  	v45 =	vmul.f32 v30, v28;
	[tilespmem:s17+$0x1D050] =	vst v18;
	v44 =	vadd.f32 v22, v21  }
0x8a: {  	v46 =	vld [tilespmem:s19+$0x18050]  }
0x8b: {  	v25 =	vadd.f32 v25, v26;
	v47 =	vmul.f32 v32, v31;
	v18 =	vadd.f32 v45, v44;
	_ =	sdelay $0x1  }
0x8c: {  	v26 =	vperm.xlane v25, v0;
	v48 =	vmul.f32 v43, v42;
	v18 =	vadd.f32 v47, v18;
	_ =	sdelay $0x1  }
0x8d: {  	v25 =	vadd.f32 v25, v26;
	v49 =	vmul.f32 $6.250000000e-02, v46;
	v18 =	vadd.f32 v18, v48;
	_ =	sdelay $0x1  }
0x8e: {  	v50 =	vperm.xlane v25, v1;
	v18 =	vadd.f32 v18, v49;
	_ =	sdelay $0x1  }
0x8f: {  	v51 =	vadd.f32 v25, v50;
	v52 =	vperm.xlane v18, v0;
	_ =	sdelay $0x1  }
0x90: {  	v20 =	vadd.f32 v20, v24;
	v53 =	vperm.xlane v51, v2;
	v18 =	vadd.f32 v18, v52;
	_ =	sdelay $0x1  }
0x91: {  	v20 =	vmul.f32 $1.250000000e-01, v20;
	v21 =	vadd.f32 v51, v53;
	v22 =	vperm.xlane v18, v1;
	_ =	sdelay $0x1  }
0x92: {  	v20 =	vmul.f32 $1.442695020e+00, v20;
	v24 =	vperm.xlane v21, v4;
	v18 =	vadd.f32 v18, v22;
	_ =	sdelay $0x1  }
0x93: {  	(erf) = vpow2.f32 v20;
	v54 =	vadd.f32 v21, v24;
	v55 =	vperm.xlane v18, v2;
	_ =	sdelay $0x1  }
0x94: {  	v20 =	vmul.f32 $1.250000000e-01, v54;
	v18 =	vadd.f32 v18, v55;
	_ =	sdelay $0x1  }
0x95: {  	v20 =	vmul.f32 $1.442695020e+00, v20;
	v21 =	vperm.xlane v18, v4;
	_ =	sdelay $0x1  }
0x96: {  	v8 =	vmul.f32 v29, v8;
	(erf) = vpow2.f32 v20;
	v57 =	vadd.f32 v18, v21  }
0x97: {  	s21 =	sadd.s32 $0x1, s16  }
0x98: {  	s16 =	simm.f32 $1.000000000e+00;
	p0 =	slt.u32 s21, $0x27100;
	v9 =	vmul.f32 v29, v9;
	v56 =	vld [tilespmem:s19+$0x15840];
	[tilespmem:s17+$0x1D000] =	vst v8;
	v8 =	vmul.f32 $1.250000000e-01, v57  }
0x99: {  	s16 =	simm.s32 @!p0 $0x0;
	v5 =	vmul.f32 v29, v5;
	v6 =	vmul.f32 v29, v6;
	v58 =	vld [tilespmem:s19+$0x15850];
	v60 =	vpop (erf)  }
0x9a: {  	v59 =	vld [tilespmem:s19+$0x15860];
	[tilespmem:s17+$0x1D010] =	vst v9;
	v9 =	vmul.f32 s16, v60;
	v8 =	vmul.f32 $1.442695020e+00, v8  }
0x9b: {  	v61 =	vld [tilespmem:s19+$0x15870];
	[tilespmem:s17+$0x1D020] =	vst v5  }
0x9c: {  	[tilespmem:s17+$0x1D030] =	vst v6;
	v5 =	vmul.f32 v9, v7;
	(erf) = vpow2.f32 v8  }
0x9d: {  	s7 =	sadd.s32 $0x1, s21;
	[tilespmem:s11+$0x1D040] =	vst v9;
	v6 =	vmul.f32 v9, v11  }
0x9e: {  	p0 =	slt.u32 s7, $0x27100;
	s16 =	simm.f32 $1.000000000e+00;
	[tilespmem:s11+$0x1D050] =	vst v5;
	v5 =	vmul.f32 v9, v12  }
0x9f: {  	s16 =	simm.s32 @!p0 $0x0;
	v62 =	vmul.f32 v9, v13;
	[tilespmem:s11+$0x1D000] =	vst v6;
	v7 =	vpop (erf)  }
0xa0: {  	v6 =	vmul.f32 v9, v10;
	[tilespmem:s11+$0x1D010] =	vst v5;
	v5 =	vmul.f32 s16, v7  }
0xa1: {  	[tilespmem:s11+$0x1D030] =	vst v62  }
0xa2: {  	[tilespmem:s11+$0x1D020] =	vst v6;
	v6 =	vmul.f32 v5, v14  }
0xa3: {  	s7 =	sadd.s32 $0x1, s7;
	[tilespmem:s3+$0x1D040] =	vst v5;
	v7 =	vmul.f32 v5, v16  }
0xa4: {  	p0 =	slt.u32 s7, $0x27100;
	s7 =	simm.f32 $1.000000000e+00;
	[tilespmem:s3+$0x1D050] =	vst v6;
	v6 =	vmul.f32 v5, v19  }
0xa5: {  	s7 =	simm.s32 @!p0 $0x0;
	[tilespmem:s3+$0x1D000] =	vst v7;
	v7 =	vmul.f32 v5, v15;
	v63 =	vpop (erf)  }
0xa6: {  	v5 =	vmul.f32 v5, v17;
	[tilespmem:s3+$0x1D010] =	vst v6;
	v6 =	vmul.f32 s7, v63  }
0xa7: {  	[tilespmem:s3+$0x1D020] =	vst v7  }
0xa8: {  	[tilespmem:s3+$0x1D030] =	vst v5;
	v5 =	vmul.f32 v6, v42  }
0xa9: {  	[tilespmem:s19+$0x1D040] =	vst v6;
	v7 =	vmul.f32 v6, v56  }
0xaa: {  	[tilespmem:s19+$0x1D050] =	vst v5;
	v5 =	vmul.f32 v6, v58  }
0xab: {  	[tilespmem:s19+$0x1D000] =	vst v7;
	v7 =	vmul.f32 v6, v59  }
0xac: {  	s15 =	sadd.s32 $0x1, s15;
	v6 =	vmul.f32 v6, v61;
	[tilespmem:s19+$0x1D010] =	vst v5  }
0xad: {  	p0 =	sne.s32 s15, $0x10;
	[tilespmem:s19+$0x1D020] =	vst v7  }
.Ltmp2:
0xae: {  	s21 =	sadd.s32 $0x15000, s14;
	[tilespmem:s19+$0x1D030] =	vst v6;
	(pc) =	sbr.rel @p0 .LBB2_5-.Ltmp2, $4  }
0xaf: {  	[spmem:s1] =	stream.indirect.scatter.add.f32 [tilespmem:s30], [sflag:$0x4], $0x80, s21, s22, $0xb8;
	[tilespmem:$0x1F800] =	vst v63  }
0xb0: {  	_ =	swait.ge [sflag:s18], $0x2800  }
0xb1: {  	[sflag:s18] =	ssyncset.done $0x0  }
0xb2: {  	s0 =	sadd.s32 $0x50, s0;
	[sflag:s18] =	ssyncadd.s32 $0xFFFFD800  }
0xb3: {  	s2 =	sadd.s32 $0x1, s2  }
0xb4: {  	p0 =	sne.s32 s2, $0x8  }
.Ltmp3:
0xb5: {  	_ = 	snop;
	(pc) =	sbr.rel @p0 .LBB2_4-.Ltmp3, $2  }
0xb6: {  	_ =	sdelay $0x2  }
0xb7: {  	s20 =	sadd.s32 $0x500, s20  }
0xb8: {  	[bflag:$0x0] =	sbarrier.arrive $0xFFFF  }
0xb9: {  	s11 =	rddreg [dreg:$0x6]  }
0xba: {  	s0 =	rddreg [dreg:$0x7]  }
0xbb: {  	s2 =	rddreg [dreg:$0xa]  }
0xbc: {  	[hbm:s0], [sflag:s11] =	dma.local [spmem:s2], $0x2800  }
0xbd: {  	_ =	swait.ge [sflag:s18], $0x2800  }
0xbe: {  	s14 =	rddreg [dreg:$0x3]  }
0xbf: {  	s21 =	rddreg [dreg:$0x8];
	s14 =	sadd.s32 $0x1, s14  }
0xc0: {  	p0 =	sne.s32 s14, s21  }
.Ltmp4:
0xc1: {  	_ = 	snop;
	(pc) =	sbr.rel @p0 .LBB2_1-.Ltmp4, $3  }
0xc2: {  	_ =	sdelay $0x1  }
0xc3: {  	[sflag:s18] =	ssyncset.done $0x0  }
0xc4: {  	[sflag:s18] =	ssyncadd.s32 $0xFFFFD800  }
0xc5: {  	_ =	sfence.sel $0x180000  }
0xc6: {  	[bflag:$0x0] =	sbarrier.arrive $0xFFFF  }
0xc7: {  	_ =	strace $0x9000004A  }
0xc8: {  	s0 =	stileid.u32;
	[bflag:$0x2] =	sbarrier.arrive $0xFFFF  }
0xc9: {  	p0 =	sne.s32 s0, $0x0;
	s0 =	rddreg [dreg:$0x2]  }
0xca: {  	s0 =	sadd.s32 @!p0 $0x100000, s0  }
0xcb: {  	[sflag:s0] =	ssyncadd.tile.s32 @!p0 $0x1;
	_ =	shalt  }
.Lfunc_end2:
_tile_overlayer_lowered:
.L_overlay_start_2:
0xcc: {  	(tag) =	ssettag $0x2  }
0xcd: {  	s0 =	rddreg [dreg:$0x0];
	s2 =	stileid.u32  }
0xce: {  	s1 =	rddreg [dreg:$0x1];
	p0 =	sne.s32 s2, $0x0  }
0xcf: {  	s3 =	rddreg [dreg:$0x2];
	[bflag:$0x3] =	sbarrier.arrive $0xFFFF;
	s2 =	simm.s32 @!p0 $0x1C04  }
0xd0: {  	[timem:s3], [sflag:s2] =	dma.local @!p0 [hbm:s0], s1  }
0xd1: {  	s0 =	simm.s32 @!p0 $0x4  }
0xd2: {  	_ =	swait.ge @!p0 [sflag:s0], s1  }
0xd3: {  	s1 =	ssub.s32 @!p0 $0x0, s1;
	[sflag:s0] =	ssyncset.done @!p0 $0x0  }
0xd4: {  	[sflag:s0] =	ssyncadd.s32 @!p0 s1  }
0xd5: {  	[bflag:$0x3] =	sbarrier.arrive $0xFFFF  }
0xd6: {  	_ =	shalt  }

// kernel: kernel.19.cloned.1.call-start
scs
__scs_entry_jumppad:
0x0: {  	(pc) =	sbr.rel $0x88, $3  }
0x1: {  	(tag) =	ssettag $0x0;
	lr =	simm.s32 $0x1  }
0x2: {  	[smem:$0x3F70] =	sst lr;
	_ =	strace $0xD0000000  }
0x3: {  	_ = 	snop  }
0x4: {  	_ = 	snop  }
0x5: {  	_ = 	snop  }
0x6: {  	_ = 	snop  }
0x7: {  	_ = 	snop  }
__scs_overlays_trampoline_lowered:
0x8: {  	[smem:$0x3F7F] =	sst s0  }
0x9: {  	[smem:$0x3F80] =	sst s1  }
0xa: {  	[smem:$0x3F81] =	sst s2  }
0xb: {  	[smem:$0x3F82] =	sst s3  }
0xc: {  	[smem:$0x3F83] =	sst s4  }
0xd: {  	[smem:$0x3F84] =	sst s5  }
0xe: {  	[smem:$0x3F85] =	sst s6  }
0xf: {  	[smem:$0x3F86] =	sst s7  }
0x10: {  	[smem:$0x3F87] =	sst s8  }
0x11: {  	[smem:$0x3F88] =	sst s9;
	s0 =	simm.s32 @!p0 $0x0  }
0x12: {  	s1 =	sld [smem:$0x3F6E];
	s0 =	simm.s32 @p0 $0x1  }
0x13: {  	[smem:$0x3F89] =	sst s0;
	s0 =	simm.s32 @!p1 $0x0  }
0x14: {  	s2 =	sld [smem:$0x3F6D];
	s0 =	simm.s32 @p1 $0x1  }
0x15: {  	[smem:$0x3F8A] =	sst s0;
	s0 =	simm.s32 @!p2 $0x0  }
0x16: {  	s3 =	sld [smem:$0x3FDB];
	s0 =	simm.s32 @p2 $0x1  }
0x17: {  	s4 =	simm.s32 $0x1BF5;
	[smem:$0x3F8C] =	sst s0  }
0x18: {  	s0 =	sld [smem:$0x3F6F];
	_ =	swait.ge [sflag:s4], $0x0  }
0x19: {  	s7 =	sld [smem:$0x3F70]  }
0x1a: {  	s8 =	sadd.s32 $0xFFFFE003, lr  }
0x1b: {  	s9 =	sadd.s32 $0xFFFFFEF7, lr;
	s5 =	simm.s32 $0xFFFFFFFF;
	p2 =	slt.u32 s8, $0xFFFFF086  }
0x1c: {  	p1 =	slt.u32 s9, $0xF7A;
	s5 =	simm.s32 @!p2 $0x0  }
0x1d: {  	s5 =	simm.s32 @p1 $0x1;
	p0 =	seq.s32 s7, s2  }
0x1e: {  	s7 =	smul.u32 @!p0 $0xF7A, s2;
	p2 =	seq.s32 @!p0 s5, $0x0  }
0x1f: {  	s9 =	smul.u32 $0xF7A, s1;
	s8 =	simm.s32 @!p0 $0x1BF5;
	p2 =	por !p2, p0  }
0x20: {  	[sflag:s8] =	ssyncset.s32 @!p0 $0xFFFFF086;
	s6 =	sadd.s32 @!p0 s3, s7;
	s7 =	simm.s32 @!p0 $0x108  }
0x21: {  	s3 =	sadd.s32 s3, s9;
	s6 =	sadd.s32 @!p0 $0x88, s6;
	s7 =	simm.s32 @p2 $0x1082  }
0x22: {  	[simem:s7], [sflag:s8] =	dma.local @!p0 [hbm:s6], $0xF7A  }
0x23: {  	s9 =	sor.u32 $0xD0000000, s2;
	s6 =	simm.s32 $0x108;
	_ =	swait.ge @!p0 [sflag:s8], $0x0  }
0x24: {  	s3 =	sadd.s32 $0x88, s3;
	s6 =	simm.s32 @!p1 $0x1082;
	[sflag:s4] =	ssyncset.s32 $0xFFFFF086  }
0x25: {  	[simem:s6], [sflag:s4] =	dma.local [hbm:s3], $0xF7A  }
0x26: {  	[smem:$0x3F70] =	sst s1;
	(tag) =	ssettag s2;
	_ =	strace s9  }
0x27: {  	s1 =	sld [smem:$0x3F80]  }
0x28: {  	s2 =	sld [smem:$0x3F81]  }
0x29: {  	s4 =	sld [smem:$0x3F83]  }
0x2a: {  	p0 =	seq.s32 s5, $0x0;
	s5 =	sld [smem:$0x3F84]  }
0x2b: {  	s6 =	sld [smem:$0x3F85]  }
0x2c: {  	s7 =	sld [smem:$0x3F86]  }
0x2d: {  	s3 =	simm.s32 $0x108;
	s8 =	sld [smem:$0x3F87]  }
0x2e: {  	s3 =	simm.s32 @!p0 $0x1082;
	s9 =	sld [smem:$0x3F88]  }
0x2f: {  	lr =	sadd.s32 s0, s3;
	s0 =	sld [smem:$0x3F7F]  }
0x30: {  	s3 =	sld [smem:$0x3F82]  }
0x31: {  	[smem:$0x3F8B] =	sst s10  }
0x32: {  	s10 =	sld [smem:$0x3F89];
	_ =	sdelay $0x3  }
0x33: {  	p0 =	seq.s32 s10, $0x1;
	s10 =	sld [smem:$0x3F8B];
	_ =	sdelay $0x3  }
0x34: {  	[smem:$0x3F8B] =	sst s10  }
0x35: {  	s10 =	sld [smem:$0x3F8A];
	_ =	sdelay $0x3  }
0x36: {  	p1 =	seq.s32 s10, $0x1;
	s10 =	sld [smem:$0x3F8B];
	_ =	sdelay $0x3  }
0x37: {  	[smem:$0x3F8B] =	sst s10  }
0x38: {  	s10 =	sld [smem:$0x3F8C]  }
0x39: {  	_ = 	snop;
	(pc) =	sbr.ind lr, $3  }
0x3a: {  	_ = 	snop  }
0x3b: {  	_ = 	snop  }
0x3c: {  	p2 =	seq.s32 s10, $0x1;
	s10 =	sld [smem:$0x3F8B]  }
0x3d: {  	_ =	shalt  }
0x3e: {  	_ =	shalt  }
0x3f: {  	_ =	shalt  }
0x40: {  	_ =	shalt  }
0x41: {  	_ =	shalt  }
0x42: {  	_ =	shalt  }
0x43: {  	_ =	shalt  }
0x44: {  	_ =	shalt  }
0x45: {  	_ =	shalt  }
0x46: {  	_ =	shalt  }
0x47: {  	_ =	shalt  }
0x48: {  	_ =	shalt  }
0x49: {  	_ =	shalt  }
0x4a: {  	_ =	shalt  }
0x4b: {  	_ =	shalt  }
0x4c: {  	_ =	shalt  }
0x4d: {  	_ =	shalt  }
0x4e: {  	_ =	shalt  }
0x4f: {  	_ =	shalt  }
0x50: {  	_ =	shalt  }
0x51: {  	_ =	shalt  }
0x52: {  	_ =	shalt  }
0x53: {  	_ =	shalt  }
0x54: {  	_ =	shalt  }
0x55: {  	_ =	shalt  }
0x56: {  	_ =	shalt  }
0x57: {  	_ =	shalt  }
0x58: {  	_ =	shalt  }
0x59: {  	_ =	shalt  }
0x5a: {  	_ =	shalt  }
0x5b: {  	_ =	shalt  }
0x5c: {  	_ =	shalt  }
0x5d: {  	_ =	shalt  }
0x5e: {  	_ =	shalt  }
0x5f: {  	_ =	shalt  }
0x60: {  	_ =	shalt  }
0x61: {  	_ =	shalt  }
0x62: {  	_ =	shalt  }
0x63: {  	_ =	shalt  }
0x64: {  	_ =	shalt  }
0x65: {  	_ =	shalt  }
0x66: {  	_ =	shalt  }
0x67: {  	_ =	shalt  }
0x68: {  	_ =	shalt  }
0x69: {  	_ =	shalt  }
0x6a: {  	_ =	shalt  }
0x6b: {  	_ =	shalt  }
0x6c: {  	_ =	shalt  }
0x6d: {  	_ =	shalt  }
0x6e: {  	_ =	shalt  }
0x6f: {  	_ =	shalt  }
0x70: {  	_ =	shalt  }
0x71: {  	_ =	shalt  }
0x72: {  	_ =	shalt  }
0x73: {  	_ =	shalt  }
0x74: {  	_ =	shalt  }
0x75: {  	_ =	shalt  }
0x76: {  	_ =	shalt  }
0x77: {  	_ =	shalt  }
0x78: {  	_ =	shalt  }
0x79: {  	_ =	shalt  }
0x7a: {  	_ =	shalt  }
0x7b: {  	_ =	shalt  }
0x7c: {  	_ =	shalt  }
0x7d: {  	_ =	shalt  }
0x7e: {  	_ =	shalt  }
0x7f: {  	_ =	shalt  }
0x80: {  	_ =	shalt  }
0x81: {  	_ =	shalt  }
0x82: {  	_ =	shalt  }
0x83: {  	_ =	shalt  }
0x84: {  	_ =	shalt  }
0x85: {  	_ =	shalt  }
0x86: {  	_ =	shalt  }
0x87: {  	_ =	shalt  }
.Lfunc_end0:
.L_simem_size_0:
called_computation.2_lowered:
.L_overlay_start_0:
0x88: {  	s2 =	sld [smem:$0x3FD9]  }
0x89: {  	s3 =	sld [smem:$0x3FFE];
	_ =	sdelay $0x1  }
0x8a: {  	s1 =	srdreg.scid  }
0x8b: {  	s0 =	sand.u32 $0x1, s1  }
0x8c: {  	s16 =	sshll.u32 s0, $0xA;
	s2 =	sadd.s32 s3, s2  }
0x8d: {  	s2 =	sadd.s32 s2, s16  }
0x8e: {  	[smem:$0x3F97] =	sst s2  }
0x8f: {  	_ = 	snop  }
0x90: {  	(tm) =	ssettm $0x1  }
0x91: {  	s17 =	sld [smem:$0x3FFB];
	_ =	sdelay $0x3  }
0x92: {  	_ =	strace s17  }
0x93: {  	s2 =	sld [smem:$0x3FFC];
	_ =	sdelay $0x3  }
0x94: {  	_ =	strace s2  }
0x95: {  	s2 =	sld [smem:$0x3FFD];
	_ =	sdelay $0x3  }
0x96: {  	_ =	strace s2  }
0x97: {  	_ =	strace $0x8FFFFFFF  }
0x98: {  	s18 =	sld [smem:$0x3FDB];
	_ =	sdelay $0x1  }
0x99: {  	s19 =	simm.s32 $_scs_section_size  }
0x9a: {  	s4 =	simm.s32 $_size__tile_overlayer_lowered;
	s5 =	simm.s32 $_tile_overlayer_lowered  }
0x9b: {  	s22 =	simm.s32 $0x1BFF;
	s21 =	sshll.u32 s5, $0x1;
	s2 =	sadd.s32 s19, s18  }
0x9c: {  	s6 =	simm.s32 $0x0;
	s20 =	sshll.u32 s4, $0x1;
	s4 =	sadd.s32 s21, s2  }
0x9d: {  	[timem:s6], [sflag:s22] =	dma.local [hbm:s4], s20  }
0x9e: {  	_ =	swait.ge [sflag:s22], s20  }
0x9f: {  	s3 =	ssub.s32 $0x0, s20;
	[sflag:s22] =	ssyncset.done $0x0  }
0xa0: {  	[sflag:s22] =	ssyncadd.s32 s3;
	_ =	sdelay $0x1  }
0xa1: {  	s23 =	simm.s32 $0x1B8B  }
0xa2: {  	_ =	swait.ge [sflag:s23], $0x1  }
0xa3: {  	[sflag:s23] =	ssyncset.done $0x0  }
0xa4: {  	s25 =	simm.s32 $0x1B8E;
	s24 =	sld [smem:$0x3FFE];
	[sflag:s23] =	ssyncadd.s32 $0xFFFFFFFF  }
0xa5: {  	s26 =	simm.s32 $execute0_lowered;
	[smem:$0x3FD2] =	sst s25  }
0xa6: {  	s4 =	sshll.u32 s26, $0x1;
	_ =	strace $0x8000004C;
	[dreg:$0x1] =	wrdreg $0xFFFFFFFF  }
0xa7: {  	s28 =	simm.s32 $_size_execute0_lowered;
	s2 =	sadd.s32 s2, s4;
	[dreg:$0x0] =	wrdreg $0x0  }
0xa8: {  	s4 =	sshll.u32 s28, $0x1;
	[dreg:$0x2] =	wrdreg s2  }
0xa9: {  	[dreg:$0x3] =	wrdreg s4  }
0xaa: {  	[dreg:$0x4] =	wrdreg $0xC0  }
0xab: {  	_ =	task [dreg:s6], $0x5FFFF  }
0xac: {  	[dreg:$0x1] =	wrdreg $0xFFFFFFFF  }
0xad: {  	[dreg:$0x0] =	wrdreg $0x60  }
0xae: {  	[dreg:$0x2] =	wrdreg s24  }
0xaf: {  	[dreg:$0x3] =	wrdreg $0x0  }
0xb0: {  	[dreg:$0x4] =	wrdreg $0x9  }
0xb1: {  	_ =	task.clear_ibuf [dreg:s6], $0x5FFFF;
	_ =	strace $0x9000004C  }
0xb2: {  	s29 =	simm.s32 $0x9;
	_ =	strace $0x8000004E  }
0xb3: {  	_ =	swait.ge [sflag:s29], $0x1  }
0xb4: {  	[sflag:s29] =	ssyncadd.s32 $0xFFFFFFFF  }
0xb5: {  	_ =	strace $0x9000004E  }
0xb6: {  	_ =	sfence  }
0xb7: {  	s30 =	sld [smem:$0x0];
	_ =	sdelay $0x2  }
0xb8: {  	s31 =	sshll.u32 s1, $0xD;
	s1 =	sshrl.u32 s1, $0x2  }
0xb9: {  	s3 =	sand.u32 $0x4000, s31;
	s1 =	sadd.s32 s1, s30  }
0xba: {  	s0 =	sor.u32 s3, s0;
	s1 =	sshll.u32 s1, $0x11  }
0xbb: {  	s0 =	sor.u32 s1, s0  }
0xbc: {  	s0 =	sadd.s32 $0x8F2B, s0  }
0xbd: {  	[sflag:s0] =	ssyncadd.remote.s32 $0x1  }
0xbe: {  	_ =	sfence.sel $0xFFFF  }
0xbf: {  	[dreg:$0x0] =	wrdreg $0xFFFFFFFF;
	(pc) =	sbr.abs _section_cstart, $3  }
0xc0: {  	[dreg:$0x1] =	wrdreg $0xFFFFFFFF  }
0xc1: {  	_ =	task.clear_ibuf [dreg:s6], $0x2FFFF;
	_ =	strace $0x9FFFFFFF  }
0xc2: {  	(tm) =	ssettm $0x7FFFFFFF  }
0xc3: {  	_ =	shalt  }
tec
execute0_lowered:
.L_overlay_start_1:
0x0: {  	(tag) =	ssettag $0x1  }
0x1: {  	s0 =	rddreg [dreg:$0x0]  }
0x2: {  	s1 =	rddreg [dreg:$0x1];
	s14 =	simm.s32 $0x0  }
0x3: {  	s2 =	srdreg.scid;
	s7 =	stileid.u32;
	s18 =	simm.s32 $0x4  }
0x4: {  	s22 =	simm.s32 $0x50;
	s28 =	simm.s32 $0x2;
	s29 =	simm.s32 $0x3  }
0x5: {  	s30 =	simm.s32 $0x1D000;
	s31 =	simm.s32 $0x0;
	[smem:$0x7FF] =	sst s14  }
0x6: {  	s2 =	sand.u32 $0x1, s2;
	s9 =	smul.u32 $0x14000, s7;
	s4 =	sadd.s32 $0x7E000, s0  }
0x7: {  	v0 =	vimm.s32 $0xEFCDAB89;
	s5 =	sadd.s32 $0x2FE00, s0;
	s6 =	sadd.s32 $0x280E00, s0;
	s8 =	sadd.s32 $0xFE00, s0  }
0x8: {  	v1 =	vimm.s32 $0x67452301;
	v2 =	vimm.s32 $0xDCFE98BA;
	s10 =	smul.u32 $0x50000, s7;
	s11 =	sadd.s32 $0xCC200, s0;
	s12 =	sshll.u32 s7, $0x6  }
0x9: {  	v3 =	vimm.s32 $0x54761032;
	s26 =	smul.u32 $0x2800, s7;
	_ =	strace $0x8000004D;
	[dreg:$0x4] =	wrdreg s8  }
0xa: {  	v4 =	vimm.s32 $0xBA98FEDC;
	v5 =	vimm.s32 $0xFEDCBA98;
	s3 =	smul.u32 $0x140000, s2;
	s8 =	sadd.s32 $0x1FE00, s0;
	[dreg:$0x5] =	wrdreg s11  }
0xb: {  	v6 =	vimm.s32 $0x32107654;
	v7 =	vimm.s32 $0x76543210;
	v0 =	vunpack.c.l.s4.s8 v0;
	s23 =	ssub.s32 $0x2, s2;
	s11 =	sor.u32 $0x1C04, s12;
	s12 =	sshll.u32 s7, $0x7  }
0xc: {  	v1 =	vunpack.c.l.s4.s8 v1;
	v2 =	vunpack.c.l.s4.s8 v2;
	v3 =	vunpack.c.l.s4.s8 v3;
	s13 =	sshll.u32 s2, $0xF;
	s24 =	sshrl.u32 s23, $0x1;
	s10 =	sshrl.u32 s10, $0x2  }
0xd: {  	v5 =	vunpack.c.l.s4.s8 v5;
	v4 =	vunpack.c.l.s4.s8 v4;
	v6 =	vunpack.c.l.s4.s8 v6;
	[dreg:$0x9] =	wrdreg s26;
	s26 =	simm.s32 $0x1;
	s3 =	sadd.s32 s9, s3  }
0xe: {  	v7 =	vunpack.c.l.s4.s8 v7;
	v0 =	vunpack.c.0.s8.s32 v0;
	v1 =	vunpack.c.0.s8.s32 v1;
	[dreg:$0x6] =	wrdreg s11;
	s10 =	sadd.s32 s10, s1;
	s3 =	sshrl.u32 s3, $0x3  }
0xf: {  	v2 =	vunpack.c.0.s8.s32 v2;
	v3 =	vunpack.c.0.s8.s32 v3;
	v5 =	vunpack.c.0.s8.s32 v5;
	s9 =	sadd.s32 $0x7A00, s0;
	s2 =	sshrl.u32 s10, $0x3;
	s0 =	sadd.s32 s3, s0  }
0x10: {  	v4 =	vunpack.c.0.s8.s32 v4;
	v6 =	vunpack.c.0.s8.s32 v6;
	v7 =	vunpack.c.0.s8.s32 v7;
	s3 =	ssub.s32 s23, s24;
	[dreg:$0xa] =	wrdreg s2;
	s0 =	sadd.s32 $0xF5C00, s0  }
0x11: {  	v0 =	vcombine.low v1, v0;
	v1 =	vcombine.low v3, v2;
	v5 =	vand.u32 $0xF, v5;
	s23 =	simm.s32 $0x15800;
	s25 =	smax.u32 s3, $0x1;
	[dreg:$0x7] =	wrdreg s0  }
0x12: {  	v2 =	vcombine.low v6, v4;
	v3 =	vimm.f32 $0.0e+00;
	s24 =	simm.s32 $0x18000;
	v4 =	vcombine.low v5, v7;
	[dreg:$0x8] =	wrdreg s25;
	s25 =	simm.s32 $0x1A800  }
.LBB2_1:
0x13: {  	[dreg:$0x3] =	wrdreg s14  }
0x14: {  	s0 =	rddreg [dreg:$0x5]  }
0x15: {  	[spmem:s2], [sflag:s11] =	dma.local [hbm:s0], $0x2800  }
0x16: {  	_ =	swait.ge [sflag:s18], $0x2800  }
0x17: {  	[sflag:s18] =	ssyncset.done $0x0  }
0x18: {  	s0 =	simm.s32 $0x200;
	s2 =	simm.s32 $0x0;
	[sflag:s18] =	ssyncadd.s32 $0xFFFFD800  }
.LBB2_2:
0x19: {  	p0 =	sne.s32 s0, $0x9E00;
	[tilespmem:s2+$0x1D060] =	vst v3;
	s3 =	smov.u32 s0;
	s0 =	sadd.s32 $0x200, s0  }
.Ltmp0:
0x1a: {  	[tilespmem:s2+$0x1D070] =	vst v3;
	(pc) =	sbr.rel @p0 .LBB2_2-.Ltmp0, $2  }
0x1b: {  	_ =	sdelay $0x2  }
0x1c: {  	s2 =	sshra.s32 s3, $0x2  }
0x1d: {  	[tilespmem:s2+$0x1D060] =	vst v3  }
0x1e: {  	[tilespmem:s2+$0x1D070] =	vst v3  }
0x1f: {  	[bflag:$0x0] =	sbarrier.arrive $0xFFFF  }
0x20: {  	s2 =	simm.s32 $0x0;
	s20 =	rddreg [dreg:$0x9]  }
.LBB2_4:
0x21: {  	s0 =	sshll.u32 s2, $0x4  }
0x22: {  	s10 =	sadd.s32 s12, s0  }
0x23: {  	s0 =	sshll.u32 s10, $0x4  }
0x24: {  	s7 =	rddreg [dreg:$0x4];
	s3 =	sadd.s32 s13, s0  }
0x25: {  	s17 =	simm.s32 $0x14000;
	s11 =	sadd.s32 s7, s3  }
0x26: {  	[tilespmem:s17], [sflag:$0x4] =	stream.linear.gather [hbm4b:s11+s31], $0x800, $0x38;
	[tilespmem:$0x1F800] =	vst v63  }
0x27: {  	_ =	swait.ge [sflag:s18], $0x800  }
0x28: {  	[sflag:s18] =	ssyncset.done $0x0  }
0x29: {  	s19 =	simm.s32 $0x14800;
	s3 =	sadd.s32 s8, s3;
	[sflag:s18] =	ssyncadd.s32 $0xFFFFF800  }
0x2a: {  	[tilespmem:s19], [sflag:$0x4] =	stream.linear.gather [hbm4b:s3+s31], $0x800, $0x38;
	[tilespmem:$0x1F800] =	vst v63  }
0x2b: {  	_ =	swait.ge [sflag:s18], $0x800  }
0x2c: {  	[sflag:s18] =	ssyncset.done $0x0  }
0x2d: {  	s21 =	simm.s32 $0x15000;
	s0 =	sadd.s32 s9, s0;
	[sflag:s18] =	ssyncadd.s32 $0xFFFFF800  }
0x2e: {  	[tilespmem:s21], [sflag:$0x4] =	stream.linear.gather [hbm4b:s0+s31], $0x800, $0x38;
	[tilespmem:$0x1F800] =	vst v63  }
0x2f: {  	_ =	swait.ge [sflag:s18], $0x800  }
0x30: {  	[sflag:s18] =	ssyncset.done $0x0  }
0x31: {  	s15 =	simm.s32 $0x0;
	s0 =	smov.u32 s20;
	[sflag:s18] =	ssyncadd.s32 $0xFFFFF800  }
.LBB2_5:
0x32: {  	s14 =	sshll.u32 s15, $0x7  }
0x33: {  	s3 =	sor.u32 s10, s15;
	s11 =	sadd.s32 $0x14000, s14  }
0x34: {  	[tilespmem:s23], [sflag:$0x1] =	stream.indirect.gather [hbm4b:s4+s22], $0x80, s11, s22, $0xb8;
	[tilespmem:$0x1F800] =	vst v63  }
0x35: {  	s19 =	sadd.s32 $0x14800, s14;
	s3 =	smul.u32 $0x500, s3  }
0x36: {  	[tilespmem:s24], [sflag:$0x2] =	stream.indirect.gather [hbm4b:s5+s22], $0x80, s19, s22, $0xb8;
	[tilespmem:$0x1F800] =	vst v63  }
0x37: {  	s21 =	simm.s32 $0x0;
	s3 =	sadd.s32 s6, s3  }
0x38: {  	[tilespmem:s25], [sflag:$0x3] =	stream.linear.gather [hbm4b:s3+s21], $0x2800, $0x38;
	[tilespmem:$0x1F800] =	vst v63  }
0x39: {  	_ =	swait.ge [sflag:s26], $0x2800  }
0x3a: {  	[sflag:s26] =	ssyncset.done $0x0  }
0x3b: {  	[sflag:s26] =	ssyncadd.s32 $0xFFFFD800  }
0x3c: {  	_ =	swait.ge [sflag:s28], $0x2800  }
0x3d: {  	[sflag:s28] =	ssyncset.done $0x0  }
0x3e: {  	[sflag:s28] =	ssyncadd.s32 $0xFFFFD800  }
0x3f: {  	_ =	swait.ge [sflag:s29], $0x2800  }
0x40: {  	[sflag:s29] =	ssyncset.done $0x0  }
0x41: {  	s17 =	simm.s32 $0x0;
	[sflag:s29] =	ssyncadd.s32 $0xFFFFD800  }
0x42: {  	v6 =	vld [tilespmem:s17+$0x18000]  }
0x43: {  	v7 =	vld [tilespmem:s17+$0x15800]  }
0x44: {  	v10 =	vld [tilespmem:s17+$0x18010]  }
0x45: {  	v11 =	vld [tilespmem:s17+$0x15810]  }
0x46: {  	v12 =	vld [tilespmem:s17+$0x18020]  }
0x47: {  	v13 =	vld [tilespmem:s17+$0x15820]  }
0x48: {  	v14 =	vld [tilespmem:s17+$0x18030]  }
0x49: {  	v15 =	vld [tilespmem:s17+$0x15830]  }
0x4a: {  	v18 =	vld [tilespmem:s17+$0x1A800]  }
0x4b: {  	v16 =	vld [tilespmem:s17+$0x18040];
	v7 =	vmul.f32 v7, v6;
	v10 =	vmul.f32 v11, v10  }
0x4c: {  	s11 =	simm.s32 $0x80;
	v17 =	vld [tilespmem:s17+$0x18050]  }
0x4d: {  	v11 =	vld [tilespmem:s11+$0x18000];
	v7 =	vadd.f32 v10, v7;
	v10 =	vmul.f32 v13, v12  }
0x4e: {  	v12 =	vld [tilespmem:s11+$0x15800]  }
0x4f: {  	v13 =	vld [tilespmem:s11+$0x18010];
	v7 =	vadd.f32 v10, v7;
	v10 =	vmul.f32 v15, v14  }
0x50: {  	v14 =	vld [tilespmem:s11+$0x15810]  }
0x51: {  	v15 =	vld [tilespmem:s11+$0x18020];
	v7 =	vadd.f32 v10, v7;
	v10 =	vmul.f32 v16, v18  }
0x52: {  	v16 =	vld [tilespmem:s11+$0x15820]  }
0x53: {  	v19 =	vld [tilespmem:s11+$0x18030];
	v17 =	vmul.f32 $6.250000000e-02, v17;
	v10 =	vadd.f32 v7, v10  }
0x54: {  	v20 =	vld [tilespmem:s11+$0x15830]  }
0x55: {  	v11 =	vmul.f32 v12, v11;
	v7 =	vld [tilespmem:s11+$0x1A800];
	v12 =	vmul.f32 v14, v13;
	v10 =	vadd.f32 v10, v17  }
0x56: {  	v13 =	vld [tilespmem:s11+$0x18040]  }
0x57: {  	v12 =	vadd.f32 v12, v11;
	v14 =	vmul.f32 v16, v15;
	v15 =	vperm.xlane v10, v0  }
0x58: {  	v16 =	vld [tilespmem:s11+$0x18050]  }
0x59: {  	v8 =	vld [tilespmem:s17+$0x15840];
	v17 =	vmul.f32 v20, v19;
	v14 =	vadd.f32 v14, v12;
	v15 =	vadd.f32 v10, v15  }
0x5a: {  	v9 =	vld [tilespmem:s17+$0x15850]  }
0x5b: {  	s3 =	simm.s32 $0x100;
	v5 =	vld [tilespmem:s17+$0x15860];
	v14 =	vadd.f32 v17, v14;
	v17 =	vmul.f32 v13, v7;
	v19 =	vperm.xlane v15, v1  }
0x5c: {  	v21 =	vld [tilespmem:s3+$0x15800]  }
0x5d: {  	v20 =	vld [tilespmem:s3+$0x18000];
	v16 =	vmul.f32 $6.250000000e-02, v16;
	v14 =	vadd.f32 v14, v17;
	v15 =	vadd.f32 v15, v19  }
0x5e: {  	v17 =	vld [tilespmem:s3+$0x18010]  }
0x5f: {  	v19 =	vld [tilespmem:s3+$0x15810];
	v14 =	vadd.f32 v14, v16;
	v16 =	vperm.xlane v15, v2  }
0x60: {  	v22 =	vld [tilespmem:s3+$0x18020]  }
0x61: {  	v23 =	vld [tilespmem:s3+$0x15820];
	v24 =	vperm.xlane v14, v0;
	v15 =	vadd.f32 v15, v16  }
0x62: {  	v25 =	vld [tilespmem:s3+$0x18030]  }
0x63: {  	v26 =	vld [tilespmem:s3+$0x15830];
	v24 =	vadd.f32 v14, v24;
	v16 =	vperm.xlane v15, v4  }
0x64: {  	v6 =	vld [tilespmem:s17+$0x15870];
	v20 =	vmul.f32 v21, v20;
	v17 =	vmul.f32 v19, v17  }
0x65: {  	v11 =	vld [tilespmem:s11+$0x15840];
	v19 =	vperm.xlane v24, v1;
	v15 =	vadd.f32 v15, v16  }
0x66: {  	v12 =	vld [tilespmem:s11+$0x15850];
	v17 =	vadd.f32 v17, v20  }
0x67: {  	v10 =	vld [tilespmem:s11+$0x15860];
	v20 =	vmul.f32 v23, v22;
	v23 =	vadd.f32 v24, v19;
	v24 =	vmul.f32 $1.250000000e-01, v15  }
0x68: {  	v13 =	vld [tilespmem:s11+$0x15870]  }
0x69: {  	v21 =	vld [tilespmem:s3+$0x18040];
	v24 =	vmul.f32 $1.442695020e+00, v24  }
0x6a: {  	v14 =	vld [tilespmem:s3+$0x1A800]  }
0x6b: {  	v22 =	vld [tilespmem:s3+$0x18050];
	(erf) = vpow2.f32 v24  }
0x6c: {  	v16 =	vld [tilespmem:s3+$0x15840]  }
0x6d: {  	v25 =	vmul.f32 v26, v25;
	v19 =	vld [tilespmem:s3+$0x15850];
	v20 =	vadd.f32 v20, v17  }
0x6e: {  	v17 =	vld [tilespmem:s3+$0x15870];
	v26 =	vperm.xlane v23, v2  }
0x6f: {  	s19 =	simm.s32 $0x180;
	v15 =	vld [tilespmem:s3+$0x15860];
	v27 =	vmul.f32 v21, v14;
	v25 =	vadd.f32 v25, v20  }
0x70: {  	v21 =	vld [tilespmem:s19+$0x18000];
	v20 =	vadd.f32 v23, v26  }
0x71: {  	v23 =	vld [tilespmem:s19+$0x15800];
	v25 =	vadd.f32 v25, v27;
	v26 =	vmul.f32 $6.250000000e-02, v22  }
0x72: {  	s16 =	smov.u32 s0;
	s21 =	simm.s32 $0x800;
	v22 =	vld [tilespmem:s19+$0x18010];
	v24 =	vperm.xlane v20, v4  }
.LBB2_6:
0x73: {  	p0 =	sne.s32 s21, $0x9E00;
	v27 =	vld [tilespmem:s19+$0x15810];
	v25 =	vadd.f32 v25, v26;
	p1 =	slt.u32 s16, $0x27100;
	s7 =	simm.f32 $1.000000000e+00  }
0x74: {  	v26 =	vld [tilespmem:s19+$0x18020];
	v20 =	vadd.f32 v20, v24;
	s7 =	simm.s32 @!p1 $0x0;
	v24 =	vpop (erf)  }
0x75: {  	v28 =	vld [tilespmem:s19+$0x15820];
	v29 =	vperm.xlane v25, v0;
	v24 =	vmul.f32 s7, v24  }
0x76: {  	v30 =	vld [tilespmem:s19+$0x18030];
	v20 =	vmul.f32 $1.250000000e-01, v20  }
0x77: {  	v21 =	vmul.f32 v23, v21;
	v23 =	vld [tilespmem:s19+$0x15830];
	v25 =	vadd.f32 v25, v29;
	[tilespmem:s17+$0x1D040] =	vst v24;
	v29 =	vmul.f32 v24, v18  }
0x78: {  	v18 =	vmovc v7;
	v7 =	vmov v14;
	v22 =	vmul.f32 v27, v22;
	v20 =	vmul.f32 $1.442695020e+00, v20;
	v14 =	vld [tilespmem:s19+$0x1A800]  }
0x79: {  	v32 =	vmul.f32 v24, v8;
	v8 =	vmovc v11;
	v11 =	vmov v16;
	v27 =	vld [tilespmem:s19+$0x18040];
	v31 =	vperm.xlane v25, v1;
	[tilespmem:s17+$0x1D050] =	vst v29  }
0x7a: {  	v21 =	vadd.f32 v22, v21;
	v22 =	vmul.f32 v28, v26;
	v16 =	vld [tilespmem:s19+$0x15840];
	(erf) = vpow2.f32 v20  }
0x7b: {  	v28 =	vmul.f32 v24, v5;
	v26 =	vld [tilespmem:s19+$0x18050];
	v20 =	vadd.f32 v25, v31;
	[tilespmem:s17+$0x1D000] =	vst v32;
	v25 =	vmul.f32 v24, v9  }
0x7c: {  	v9 =	vmovc v12;
	v21 =	vadd.f32 v22, v21;
	v22 =	vmul.f32 v23, v30;
	v29 =	vld [tilespmem:s19+$0x15850];
	v23 =	vmul.f32 v24, v6  }
.Ltmp1:
0x7d: {  	v5 =	vmovc v10;
	v10 =	vmovc v15;
	v12 =	vmov v19;
	v6 =	vmov v13;
	v24 =	vperm.xlane v20, v2;
	[tilespmem:s17+$0x1D010] =	vst v25;
	v15 =	vld [tilespmem:s19+$0x15860];
	(pc) =	sbr.rel @p0 .LBB2_6-.Ltmp1, $4  }
0x7e: {  	s7 =	sshra.s32 s21, $0x2;
	v13 =	vmov v17;
	v30 =	vadd.f32 v22, v21;
	v22 =	vmul.f32 v27, v14;
	[tilespmem:s17+$0x1D020] =	vst v28;
	v17 =	vld [tilespmem:s19+$0x15870]  }
0x7f: {  	v21 =	vld [tilespmem:s7+$0x18000];
	v20 =	vadd.f32 v20, v24;
	[tilespmem:s17+$0x1D030] =	vst v23;
	s17 =	smov.u32 s11;
	s11 =	smov.u32 s3;
	s3 =	smov.u32 s19  }
0x80: {  	s19 =	smov.u32 s7;
	v23 =	vld [tilespmem:s7+$0x15800];
	v25 =	vadd.f32 v30, v22;
	v26 =	vmul.f32 $6.250000000e-02, v26  }
0x81: {  	s16 =	sadd.s32 $0x1, s16;
	s21 =	sadd.s32 $0x200, s21;
	v22 =	vld [tilespmem:s19+$0x18010];
	v24 =	vperm.xlane v20, v4;
	v19 =	vmov v29  }
0x82: {  	v27 =	vld [tilespmem:s19+$0x15810];
	p0 =	slt.u32 s16, $0x27100;
	s7 =	simm.f32 $1.000000000e+00  }
0x83: {  	v28 =	vld [tilespmem:s19+$0x18020];
	s7 =	simm.s32 @!p0 $0x0;
	v29 =	vpop (erf)  }
0x84: {  	v30 =	vld [tilespmem:s19+$0x15820];
	v29 =	vmul.f32 s7, v29  }
0x85: {  	v31 =	vld [tilespmem:s19+$0x18030]  }
0x86: {  	v32 =	vld [tilespmem:s19+$0x15830];
	v21 =	vmul.f32 v23, v21;
	[tilespmem:s17+$0x1D040] =	vst v29  }
0x87: {  	v18 =	vmul.f32 v29, v18;
	v42 =	vld [tilespmem:s19+$0x1A800];
	v22 =	vmul.f32 v27, v22  }
0x88: {  	v43 =	vld [tilespmem:s19+$0x18040]  }
0x89: {  	v45 =	vmul.f32 v30, v28;
	[tilespmem:s17+$0x1D050] =	vst v18;
	v44 =	vadd.f32 v22, v21  }
0x8a: {  	v46 =	vld [tilespmem:s19+$0x18050]  }
0x8b: {  	v25 =	vadd.f32 v25, v26;
	v47 =	vmul.f32 v32, v31;
	v18 =	vadd.f32 v45, v44;
	_ =	sdelay $0x1  }
0x8c: {  	v26 =	vperm.xlane v25, v0;
	v48 =	vmul.f32 v43, v42;
	v18 =	vadd.f32 v47, v18;
	_ =	sdelay $0x1  }
0x8d: {  	v25 =	vadd.f32 v25, v26;
	v49 =	vmul.f32 $6.250000000e-02, v46;
	v18 =	vadd.f32 v18, v48;
	_ =	sdelay $0x1  }
0x8e: {  	v50 =	vperm.xlane v25, v1;
	v18 =	vadd.f32 v18, v49;
	_ =	sdelay $0x1  }
0x8f: {  	v51 =	vadd.f32 v25, v50;
	v52 =	vperm.xlane v18, v0;
	_ =	sdelay $0x1  }
0x90: {  	v20 =	vadd.f32 v20, v24;
	v53 =	vperm.xlane v51, v2;
	v18 =	vadd.f32 v18, v52;
	_ =	sdelay $0x1  }
0x91: {  	v20 =	vmul.f32 $1.250000000e-01, v20;
	v21 =	vadd.f32 v51, v53;
	v22 =	vperm.xlane v18, v1;
	_ =	sdelay $0x1  }
0x92: {  	v20 =	vmul.f32 $1.442695020e+00, v20;
	v24 =	vperm.xlane v21, v4;
	v18 =	vadd.f32 v18, v22;
	_ =	sdelay $0x1  }
0x93: {  	(erf) = vpow2.f32 v20;
	v54 =	vadd.f32 v21, v24;
	v55 =	vperm.xlane v18, v2;
	_ =	sdelay $0x1  }
0x94: {  	v20 =	vmul.f32 $1.250000000e-01, v54;
	v18 =	vadd.f32 v18, v55;
	_ =	sdelay $0x1  }
0x95: {  	v20 =	vmul.f32 $1.442695020e+00, v20;
	v21 =	vperm.xlane v18, v4;
	_ =	sdelay $0x1  }
0x96: {  	v8 =	vmul.f32 v29, v8;
	(erf) = vpow2.f32 v20;
	v57 =	vadd.f32 v18, v21  }
0x97: {  	s21 =	sadd.s32 $0x1, s16  }
0x98: {  	s16 =	simm.f32 $1.000000000e+00;
	p0 =	slt.u32 s21, $0x27100;
	v9 =	vmul.f32 v29, v9;
	v56 =	vld [tilespmem:s19+$0x15840];
	[tilespmem:s17+$0x1D000] =	vst v8;
	v8 =	vmul.f32 $1.250000000e-01, v57  }
0x99: {  	s16 =	simm.s32 @!p0 $0x0;
	v5 =	vmul.f32 v29, v5;
	v6 =	vmul.f32 v29, v6;
	v58 =	vld [tilespmem:s19+$0x15850];
	v60 =	vpop (erf)  }
0x9a: {  	v59 =	vld [tilespmem:s19+$0x15860];
	[tilespmem:s17+$0x1D010] =	vst v9;
	v9 =	vmul.f32 s16, v60;
	v8 =	vmul.f32 $1.442695020e+00, v8  }
0x9b: {  	v61 =	vld [tilespmem:s19+$0x15870];
	[tilespmem:s17+$0x1D020] =	vst v5  }
0x9c: {  	[tilespmem:s17+$0x1D030] =	vst v6;
	v5 =	vmul.f32 v9, v7;
	(erf) = vpow2.f32 v8  }
0x9d: {  	s7 =	sadd.s32 $0x1, s21;
	[tilespmem:s11+$0x1D040] =	vst v9;
	v6 =	vmul.f32 v9, v11  }
0x9e: {  	p0 =	slt.u32 s7, $0x27100;
	s16 =	simm.f32 $1.000000000e+00;
	[tilespmem:s11+$0x1D050] =	vst v5;
	v5 =	vmul.f32 v9, v12  }
0x9f: {  	s16 =	simm.s32 @!p0 $0x0;
	v62 =	vmul.f32 v9, v13;
	[tilespmem:s11+$0x1D000] =	vst v6;
	v7 =	vpop (erf)  }
0xa0: {  	v6 =	vmul.f32 v9, v10;
	[tilespmem:s11+$0x1D010] =	vst v5;
	v5 =	vmul.f32 s16, v7  }
0xa1: {  	[tilespmem:s11+$0x1D030] =	vst v62  }
0xa2: {  	[tilespmem:s11+$0x1D020] =	vst v6;
	v6 =	vmul.f32 v5, v14  }
0xa3: {  	s7 =	sadd.s32 $0x1, s7;
	[tilespmem:s3+$0x1D040] =	vst v5;
	v7 =	vmul.f32 v5, v16  }
0xa4: {  	p0 =	slt.u32 s7, $0x27100;
	s7 =	simm.f32 $1.000000000e+00;
	[tilespmem:s3+$0x1D050] =	vst v6;
	v6 =	vmul.f32 v5, v19  }
0xa5: {  	s7 =	simm.s32 @!p0 $0x0;
	[tilespmem:s3+$0x1D000] =	vst v7;
	v7 =	vmul.f32 v5, v15;
	v63 =	vpop (erf)  }
0xa6: {  	v5 =	vmul.f32 v5, v17;
	[tilespmem:s3+$0x1D010] =	vst v6;
	v6 =	vmul.f32 s7, v63  }
0xa7: {  	[tilespmem:s3+$0x1D020] =	vst v7  }
0xa8: {  	[tilespmem:s3+$0x1D030] =	vst v5;
	v5 =	vmul.f32 v6, v42  }
0xa9: {  	[tilespmem:s19+$0x1D040] =	vst v6;
	v7 =	vmul.f32 v6, v56  }
0xaa: {  	[tilespmem:s19+$0x1D050] =	vst v5;
	v5 =	vmul.f32 v6, v58  }
0xab: {  	[tilespmem:s19+$0x1D000] =	vst v7;
	v7 =	vmul.f32 v6, v59  }
0xac: {  	s15 =	sadd.s32 $0x1, s15;
	v6 =	vmul.f32 v6, v61;
	[tilespmem:s19+$0x1D010] =	vst v5  }
0xad: {  	p0 =	sne.s32 s15, $0x10;
	[tilespmem:s19+$0x1D020] =	vst v7  }
.Ltmp2:
0xae: {  	s21 =	sadd.s32 $0x15000, s14;
	[tilespmem:s19+$0x1D030] =	vst v6;
	(pc) =	sbr.rel @p0 .LBB2_5-.Ltmp2, $4  }
0xaf: {  	[spmem:s1] =	stream.indirect.scatter.add.f32 [tilespmem:s30], [sflag:$0x4], $0x80, s21, s22, $0xb8;
	[tilespmem:$0x1F800] =	vst v63  }
0xb0: {  	_ =	swait.ge [sflag:s18], $0x2800  }
0xb1: {  	[sflag:s18] =	ssyncset.done $0x0  }
0xb2: {  	s0 =	sadd.s32 $0x50, s0;
	[sflag:s18] =	ssyncadd.s32 $0xFFFFD800  }
0xb3: {  	s2 =	sadd.s32 $0x1, s2  }
0xb4: {  	p0 =	sne.s32 s2, $0x8  }
.Ltmp3:
0xb5: {  	_ = 	snop;
	(pc) =	sbr.rel @p0 .LBB2_4-.Ltmp3, $2  }
0xb6: {  	_ =	sdelay $0x2  }
0xb7: {  	s20 =	sadd.s32 $0x500, s20  }
0xb8: {  	[bflag:$0x0] =	sbarrier.arrive $0xFFFF  }
0xb9: {  	s11 =	rddreg [dreg:$0x6]  }
0xba: {  	s0 =	rddreg [dreg:$0x7]  }
0xbb: {  	s2 =	rddreg [dreg:$0xa]  }
0xbc: {  	[hbm:s0], [sflag:s11] =	dma.local [spmem:s2], $0x2800  }
0xbd: {  	_ =	swait.ge [sflag:s18], $0x2800  }
0xbe: {  	s14 =	rddreg [dreg:$0x3]  }
0xbf: {  	s21 =	rddreg [dreg:$0x8];
	s14 =	sadd.s32 $0x1, s14  }
0xc0: {  	p0 =	sne.s32 s14, s21  }
.Ltmp4:
0xc1: {  	_ = 	snop;
	(pc) =	sbr.rel @p0 .LBB2_1-.Ltmp4, $3  }
0xc2: {  	_ =	sdelay $0x1  }
0xc3: {  	[sflag:s18] =	ssyncset.done $0x0  }
0xc4: {  	[sflag:s18] =	ssyncadd.s32 $0xFFFFD800  }
0xc5: {  	_ =	sfence.sel $0x180000  }
0xc6: {  	[bflag:$0x0] =	sbarrier.arrive $0xFFFF  }
0xc7: {  	_ =	strace $0x9000004D  }
0xc8: {  	s0 =	stileid.u32;
	[bflag:$0x2] =	sbarrier.arrive $0xFFFF  }
0xc9: {  	p0 =	sne.s32 s0, $0x0;
	s0 =	rddreg [dreg:$0x2]  }
0xca: {  	s0 =	sadd.s32 @!p0 $0x100000, s0  }
0xcb: {  	[sflag:s0] =	ssyncadd.tile.s32 @!p0 $0x1;
	_ =	shalt  }
.Lfunc_end2:
_tile_overlayer_lowered:
.L_overlay_start_2:
0xcc: {  	(tag) =	ssettag $0x2  }
0xcd: {  	s0 =	rddreg [dreg:$0x0];
	s2 =	stileid.u32  }
0xce: {  	s1 =	rddreg [dreg:$0x1];
	p0 =	sne.s32 s2, $0x0  }
0xcf: {  	s3 =	rddreg [dreg:$0x2];
	[bflag:$0x3] =	sbarrier.arrive $0xFFFF;
	s2 =	simm.s32 @!p0 $0x1C04  }
0xd0: {  	[timem:s3], [sflag:s2] =	dma.local @!p0 [hbm:s0], s1  }
0xd1: {  	s0 =	simm.s32 @!p0 $0x4  }
0xd2: {  	_ =	swait.ge @!p0 [sflag:s0], s1  }
0xd3: {  	s1 =	ssub.s32 @!p0 $0x0, s1;
	[sflag:s0] =	ssyncset.done @!p0 $0x0  }
0xd4: {  	[sflag:s0] =	ssyncadd.s32 @!p0 s1  }
0xd5: {  	[bflag:$0x3] =	sbarrier.arrive $0xFFFF  }
0xd6: {  	_ =	shalt  }

</sc_bundles>
